<compile_context>
chip_gen: v7x
topology: tpu7x:2x2x1
jax: 0.10.2.dev20260603
libtpu: 0.0.44.dev20260713+nightly
codegen_flags: <defaults>
</compile_context>

<pallas_src>
import functools

import jax
import jax.numpy as jnp
from jax import lax
from jax.experimental import pallas as pl
from jax.experimental.pallas import tpu as pltpu
from jax.experimental.pallas import tpu_sc as plsc

NC = 2
NS = 16
NW = NC * NS
K = 40
PAD = 16
F32 = jnp.float32


def _sc_mesh():
    return plsc.VectorSubcoreMesh(core_axis_name="c", subcore_axis_name="s")


SR = K


def _rpt(n):
    return ((n // NS) + SR - 1) // SR * SR


def _for_tile_rows(s, n, fn):
    rpt = _rpt(n)
    for t in range(rpt // SR):
        fn(s * rpt + t * SR)


def _npad(n):
    return NS * _rpt(n)


def _sc_segsum_deg(x, src, dst, zrow, zdeg, ones):
    n, d = x.shape
    e = src.shape[0]
    epw = e // NW
    nck = epw // K
    assert e % NW == 0 and epw % K == 0

    @functools.partial(
        pl.kernel,
        out_type=(jax.ShapeDtypeStruct((NC * _npad(n), d), F32),
                  jax.ShapeDtypeStruct((NC * _npad(n), PAD), F32)),
        mesh=_sc_mesh(),
        scratch_types=(
            pltpu.VMEM((K,), jnp.int32),
            pltpu.VMEM((K,), jnp.int32),
            pltpu.VMEM((K, d), F32),
            pltpu.VMEM((SR, PAD), F32),
            pltpu.VMEM_SHARED((_npad(n), d), F32),
            pltpu.VMEM_SHARED((_npad(n), PAD), F32),
            pltpu.SemaphoreType.DMA,
        ),
    )
    def k(x_h, src_h, dst_h, zr_h, zd_h, on_h, acc_o, deg_o,
          sidx, didx, rows, stgd, acc_s, deg_s, sem):
        c = lax.axis_index("c")
        s = lax.axis_index("s")
        stg = rows
        pltpu.sync_copy(zr_h, stg)
        pltpu.sync_copy(zd_h, stgd)

        def zero(r0):
            pltpu.sync_copy(stg, acc_s.at[pl.ds(r0, SR)])
            pltpu.sync_copy(stgd, deg_s.at[pl.ds(r0, SR)])

        _for_tile_rows(s, n, zero)
        ones_v = stgd
        pltpu.sync_copy(on_h, ones_v)
        plsc.subcore_barrier()
        base = (c * NS + s) * epw

        def body(i, carry):
            off = base + i * K
            pltpu.sync_copy(src_h.at[pl.ds(off, K)], sidx)
            pltpu.sync_copy(dst_h.at[pl.ds(off, K)], didx)
            pltpu.async_copy(x_h.at[sidx], rows, sem).wait()
            pltpu.sync_copy(rows, acc_s.at[didx], add=True)
            pltpu.sync_copy(ones_v, deg_s.at[didx], add=True)
            return carry

        lax.fori_loop(0, nck, body, 0)
        plsc.subcore_barrier()

        def readback(r0):
            pltpu.sync_copy(acc_s.at[pl.ds(r0, SR)], stg)
            pltpu.sync_copy(stg, acc_o.at[pl.ds(c * _npad(n) + r0, SR)])
            pltpu.sync_copy(deg_s.at[pl.ds(r0, SR)], stgd)
            pltpu.sync_copy(stgd, deg_o.at[pl.ds(c * _npad(n) + r0, SR)])

        _for_tile_rows(s, n, readback)

    return k(x, src, dst, zrow, zdeg, ones)


def _sc_segsum_split(tab2, src, dst, zrow):
    n2, d = tab2.shape
    n = n2 // 2
    e = src.shape[0]
    ept = e // NS
    nck = ept // K
    assert e % NS == 0 and ept % K == 0

    @functools.partial(
        pl.kernel,
        out_type=jax.ShapeDtypeStruct((NC * _npad(n), d), F32),
        mesh=_sc_mesh(),
        scratch_types=(
            pltpu.VMEM((K,), jnp.int32),
            pltpu.VMEM((K,), jnp.int32),
            pltpu.VMEM((K, d), F32),
            pltpu.VMEM_SHARED((_npad(n), d), F32),
            pltpu.SemaphoreType.DMA,
        ),
    )
    def k(tab_h, src_h, dst_h, zr_h, acc_o, sidx, didx, rows, acc_s,
          sem):
        c = lax.axis_index("c")
        s = lax.axis_index("s")
        stg = rows
        pltpu.sync_copy(zr_h, stg)

        def zero(r0):
            pltpu.sync_copy(stg, acc_s.at[pl.ds(r0, SR)])

        _for_tile_rows(s, n, zero)
        plsc.subcore_barrier()
        base = s * ept
        roff = c * n

        def body(i, carry):
            off = base + i * K
            pltpu.sync_copy(src_h.at[pl.ds(off, K)], sidx)
            pltpu.sync_copy(dst_h.at[pl.ds(off, K)], didx)
            for j in range(K // 16):
                sidx[pl.ds(j * 16, 16)] = sidx[pl.ds(j * 16, 16)] + roff
            pltpu.async_copy(tab_h.at[sidx], rows, sem).wait()
            pltpu.sync_copy(rows, acc_s.at[didx], add=True)
            return carry

        lax.fori_loop(0, nck, body, 0)
        plsc.subcore_barrier()

        def readback(r0):
            pltpu.sync_copy(acc_s.at[pl.ds(r0, SR)], stg)
            pltpu.sync_copy(stg, acc_o.at[pl.ds(c * _npad(n) + r0, SR)])

        _for_tile_rows(s, n, readback)

    return k(tab2, src, dst, zrow)


def _sc_edge_scores(as_wide, ad_wide, src, dst):
    n, p = as_wide.shape
    e = src.shape[0]
    epw = e // NW
    nck = epw // K

    @functools.partial(
        pl.kernel,
        out_type=jax.ShapeDtypeStruct((e, PAD), F32),
        mesh=_sc_mesh(),
        scratch_types=(
            pltpu.VMEM((K,), jnp.int32),
            pltpu.VMEM((K,), jnp.int32),
            pltpu.VMEM((K, p), F32),
            pltpu.VMEM((K, p), F32),
            pltpu.VMEM((K, PAD), F32),
            pltpu.SemaphoreType.DMA,
        ),
    )
    def k(as_h, ad_h, src_h, dst_h, e_o, sidx, didx, sv, dv, ev, sem):
        c = lax.axis_index("c")
        s = lax.axis_index("s")
        base = (c * NS + s) * epw

        def body(i, carry):
            off = base + i * K
            pltpu.sync_copy(src_h.at[pl.ds(off, K)], sidx)
            pltpu.sync_copy(dst_h.at[pl.ds(off, K)], didx)
            pltpu.async_copy(as_h.at[sidx], sv, sem).wait()
            pltpu.async_copy(ad_h.at[didx], dv, sem).wait()

            def inner(kk, carry2):
                v = sv[kk, pl.ds(0, PAD)] + dv[kk, pl.ds(0, PAD)]
                ev[kk, :] = jnp.where(v >= 0.0, v, 0.2 * v)
                return carry2

            lax.fori_loop(0, K, inner, 0)
            pltpu.sync_copy(ev, e_o.at[pl.ds(off, K)])
            return carry

        lax.fori_loop(0, nck, body, 0)

    return k(as_wide, ad_wide, src, dst)


def _sc_gat_aggregate(hw2, w, src, dst, zrow, zden):
    n2, d = hw2.shape
    n = n2 // 2
    e = src.shape[0]
    ept = e // NS
    nck = ept // K
    nblk = d // 16

    @functools.partial(
        pl.kernel,
        out_type=(jax.ShapeDtypeStruct((NC * _npad(n), d), F32),
                  jax.ShapeDtypeStruct((NC * _npad(n), PAD), F32)),
        mesh=_sc_mesh(),
        scratch_types=(
            pltpu.VMEM((K,), jnp.int32),
            pltpu.VMEM((K,), jnp.int32),
            pltpu.VMEM((K, d), F32),
            pltpu.VMEM((SR, PAD), F32),
            pltpu.VMEM_SHARED((_npad(n), d), F32),
            pltpu.VMEM_SHARED((_npad(n), PAD), F32),
            pltpu.SemaphoreType.DMA,
        ),
    )
    def k(hw_h, w_h, src_h, dst_h, zr_h, zd_h, acc_o, den_o,
          sidx, didx, rows, stgd, acc_s, den_s, sem):
        c = lax.axis_index("c")
        s = lax.axis_index("s")
        stg = rows
        pltpu.sync_copy(zr_h, stg)
        pltpu.sync_copy(zd_h, stgd)

        def zero(r0):
            pltpu.sync_copy(stg, acc_s.at[pl.ds(r0, SR)])
            pltpu.sync_copy(stgd, den_s.at[pl.ds(r0, SR)])

        _for_tile_rows(s, n, zero)
        plsc.subcore_barrier()
        base = s * ept
        roff = c * n
        wv = stgd

        def body(i, carry):
            off = base + i * K
            pltpu.sync_copy(src_h.at[pl.ds(off, K)], sidx)
            pltpu.sync_copy(dst_h.at[pl.ds(off, K)], didx)
            pltpu.sync_copy(w_h.at[pl.ds(off, K)], wv)
            for j in range(K // 16):
                sidx[pl.ds(j * 16, 16)] = sidx[pl.ds(j * 16, 16)] + roff
            pltpu.async_copy(hw_h.at[sidx], rows, sem).wait()

            def inner(kk, carry2):
                wrow = wv[kk, :]
                w0 = jnp.where(c == 0, wrow[0], wrow[2])
                w1 = jnp.where(c == 0, wrow[1], wrow[3])
                for b in range(nblk):
                    ws = w0 if b < nblk // 2 else w1
                    blk = rows[kk, pl.ds(b * 16, 16)]
                    rows[kk, pl.ds(b * 16, 16)] = blk * ws
                return carry2

            lax.fori_loop(0, K, inner, 0)
            pltpu.sync_copy(rows, acc_s.at[didx], add=True)
            pltpu.sync_copy(wv, den_s.at[didx], add=True)
            return carry

        lax.fori_loop(0, nck, body, 0)
        plsc.subcore_barrier()

        def readback(r0):
            pltpu.sync_copy(acc_s.at[pl.ds(r0, SR)], stg)
            pltpu.sync_copy(stg, acc_o.at[pl.ds(c * _npad(n) + r0, SR)])
            pltpu.sync_copy(den_s.at[pl.ds(r0, SR)], stgd)
            pltpu.sync_copy(stgd, den_o.at[pl.ds(c * _npad(n) + r0, SR)])

        _for_tile_rows(s, n, readback)

    return k(hw2, w, src, dst, zrow, zden)


_TC_R = 1000


def _tc_sage1(acc, deg, x, w_l, w_r, b):
    n, din = x.shape
    h = w_l.shape[1]
    r = _TC_R
    grid = n // r

    def body(a_ref, d_ref, x_ref, wl_ref, wr_ref, b_ref, o_ref):
        dg = d_ref[0] + d_ref[1]
        degc = jnp.maximum(dg[:, 0:1], 1.0)
        agg = (a_ref[0] + a_ref[1]) / degc
        hv = (jnp.dot(agg, wl_ref[...], preferred_element_type=F32)
              + jnp.dot(x_ref[...], wr_ref[...], preferred_element_type=F32)
              + b_ref[...])
        hv = jnp.maximum(hv, 0.0)
        o_ref[0] = hv[:, :din]
        o_ref[1] = hv[:, din:]

    return pl.pallas_call(
        body,
        grid=(grid,),
        in_specs=[
            pl.BlockSpec((NC, r, din), lambda i: (0, i, 0)),
            pl.BlockSpec((NC, r, PAD), lambda i: (0, i, 0)),
            pl.BlockSpec((r, din), lambda i: (i, 0)),
            pl.BlockSpec((din, h), lambda i: (0, 0)),
            pl.BlockSpec((din, h), lambda i: (0, 0)),
            pl.BlockSpec((1, h), lambda i: (0, 0)),
        ],
        out_specs=pl.BlockSpec((NC, r, h // 2), lambda i: (0, i, 0)),
        out_shape=jax.ShapeDtypeStruct((NC, n, h // 2), F32),
    )(acc, deg, x, w_l, w_r, b)


def _tc_sage2_gat_prep(acc2, deg, h1, w_l, w_r, b, w_g, a_s_m, a_d_m):
    nc, n, hh = h1.shape
    h = 2 * hh
    r = _TC_R
    grid = n // r

    def body(a_ref, d_ref, h1_ref, wl_ref, wr_ref, b_ref, wg_ref,
             as_ref, ad_ref, hw_ref, sa_ref, da_ref):
        dg = d_ref[0] + d_ref[1]
        degc = jnp.maximum(dg[:, 0:1], 1.0)
        hs = (jnp.dot(a_ref[0] / degc, wl_ref[:hh, :],
                      preferred_element_type=F32)
              + jnp.dot(a_ref[1] / degc, wl_ref[hh:, :],
                        preferred_element_type=F32)
              + jnp.dot(h1_ref[0], wr_ref[:hh, :],
                        preferred_element_type=F32)
              + jnp.dot(h1_ref[1], wr_ref[hh:, :],
                        preferred_element_type=F32)
              + b_ref[...])
        hs = jnp.maximum(hs, 0.0)
        hw = jnp.dot(hs, wg_ref[...], preferred_element_type=F32)
        hw_ref[0] = hw[:, :hh]
        hw_ref[1] = hw[:, hh:]
        sa_ref[...] = jnp.dot(hw, as_ref[...], preferred_element_type=F32)
        da_ref[...] = jnp.dot(hw, ad_ref[...], preferred_element_type=F32)

    return pl.pallas_call(
        body,
        grid=(grid,),
        in_specs=[
            pl.BlockSpec((NC, r, hh), lambda i: (0, i, 0)),
            pl.BlockSpec((NC, r, PAD), lambda i: (0, i, 0)),
            pl.BlockSpec((NC, r, hh), lambda i: (0, i, 0)),
            pl.BlockSpec((h, h), lambda i: (0, 0)),
            pl.BlockSpec((h, h), lambda i: (0, 0)),
            pl.BlockSpec((1, h), lambda i: (0, 0)),
            pl.BlockSpec((h, h), lambda i: (0, 0)),
            pl.BlockSpec((h, hh), lambda i: (0, 0)),
            pl.BlockSpec((h, hh), lambda i: (0, 0)),
        ],
        out_specs=[
            pl.BlockSpec((NC, r, hh), lambda i: (0, i, 0)),
            pl.BlockSpec((r, hh), lambda i: (i, 0)),
            pl.BlockSpec((r, hh), lambda i: (i, 0)),
        ],
        out_shape=[
            jax.ShapeDtypeStruct((NC, n, hh), F32),
            jax.ShapeDtypeStruct((n, hh), F32),
            jax.ShapeDtypeStruct((n, hh), F32),
        ],
    )(acc2, deg, h1, w_l, w_r, b, w_g, a_s_m, a_d_m)


_TC_EB = 4000


def _tc_edge_max(ev):
    e, p = ev.shape
    grid = e // _TC_EB

    def body(e_ref, o_ref):
        i = pl.program_id(0)
        bm = jnp.max(e_ref[...], axis=0, keepdims=True)
        bm8 = jnp.broadcast_to(bm, (8, p))

        @pl.when(i == 0)
        def _():
            o_ref[...] = bm8

        @pl.when(i > 0)
        def _():
            o_ref[...] = jnp.maximum(o_ref[...], bm8)

    return pl.pallas_call(
        body,
        grid=(grid,),
        in_specs=[pl.BlockSpec((_TC_EB, p), lambda i: (i, 0))],
        out_specs=pl.BlockSpec((8, p), lambda i: (0, 0)),
        out_shape=jax.ShapeDtypeStruct((8, p), F32),
    )(ev)


def _tc_edge_exp(ev, m8, nheads):
    e, p = ev.shape
    grid = e // _TC_EB

    def body(e_ref, m_ref, o_ref):
        m = jnp.max(m_ref[...], axis=0, keepdims=True)
        col = lax.broadcasted_iota(jnp.int32, (_TC_EB, p), 1)
        w = jnp.exp(e_ref[...] - m)
        o_ref[...] = jnp.where(col < nheads, w, 0.0)

    return pl.pallas_call(
        body,
        grid=(grid,),
        in_specs=[pl.BlockSpec((_TC_EB, p), lambda i: (i, 0)),
                  pl.BlockSpec((8, p), lambda i: (0, 0))],
        out_specs=pl.BlockSpec((_TC_EB, p), lambda i: (i, 0)),
        out_shape=jax.ShapeDtypeStruct((e, p), F32),
    )(ev, m8)


def _tc_final(acc, den, b_g, w_f, b_f, nheads):
    nc, n, hh = acc.shape
    h = 2 * hh
    gh = h // nheads
    dout = w_f.shape[1]
    r = _TC_R
    grid = n // r

    def body(a_ref, d_ref, bg_ref, wf_ref, bf_ref, o_ref):
        den4 = d_ref[...][:, :nheads] + 1e-16
        g = jnp.concatenate([a_ref[0], a_ref[1]], axis=1)
        g = (g.reshape(r, nheads, gh) / den4[:, :, None]).reshape(r, h)
        g = g + bg_ref[...]
        g = jnp.where(g > 0.0, g, jnp.exp(g) - 1.0)
        o_ref[...] = jnp.dot(g, wf_ref[...], preferred_element_type=F32) \
            + bf_ref[...]

    return pl.pallas_call(
        body,
        grid=(grid,),
        in_specs=[
            pl.BlockSpec((NC, r, hh), lambda i: (0, i, 0)),
            pl.BlockSpec((r, PAD), lambda i: (i, 0)),
            pl.BlockSpec((1, h), lambda i: (0, 0)),
            pl.BlockSpec((h, dout), lambda i: (0, 0)),
            pl.BlockSpec((1, dout), lambda i: (0, 0)),
        ],
        out_specs=pl.BlockSpec((r, dout), lambda i: (i, 0)),
        out_shape=jax.ShapeDtypeStruct((n, dout), F32),
    )(acc, den, b_g, w_f, b_f)


def _sc_gather_rows(tab, idx):
    v, d = tab.shape
    e = idx.shape[0]
    epw = e // NW
    nck = epw // K
    assert e % NW == 0 and epw % K == 0 and d % 128 == 0

    @functools.partial(
        pl.kernel,
        out_type=jax.ShapeDtypeStruct((e, d), F32),
        mesh=_sc_mesh(),
        scratch_types=(
            pltpu.VMEM((K,), jnp.int32),
            pltpu.VMEM((K, d), F32),
            pltpu.SemaphoreType.DMA,
        ),
    )
    def k(tab_h, idx_h, out_o, sidx, rows, sem):
        c = lax.axis_index("c")
        s = lax.axis_index("s")
        base = (s * NC + c) * epw

        def body(i, carry):
            off = base + i * K
            pltpu.sync_copy(idx_h.at[pl.ds(off, K)], sidx)
            pltpu.async_copy(tab_h.at[sidx], rows, sem).wait()
            pltpu.sync_copy(rows, out_o.at[pl.ds(off, K)])
            return carry

        lax.fori_loop(0, nck, body, 0)

    return k(tab, idx)


def kernel(x, edge_index_mp, W_l1, W_r1, b1, W_l2, W_r2, b2,
           W_g, a_src, a_dst, b_g, W_f, b_f):
    n, din = x.shape
    e = edge_index_mp.shape[1]
    heads, gh = a_src.shape
    src = edge_index_mp[0].astype(jnp.int32)
    dst = edge_index_mp[1].astype(jnp.int32)

    zrow = jnp.zeros((SR, din), F32)
    zdeg = jnp.zeros((SR, PAD), F32)
    ones = jnp.ones((K, PAD), F32)

    eye = jnp.eye(heads, dtype=F32)
    a_s_m = jnp.pad((a_src[:, :, None] * eye[:, None, :])
                    .reshape(heads * gh, heads), ((0, 0), (0, din - heads)))
    a_d_m = jnp.pad((a_dst[:, :, None] * eye[:, None, :])
                    .reshape(heads * gh, heads), ((0, 0), (0, din - heads)))

    gx = _sc_gather_rows(x, src)
    degc = jnp.maximum(jax.ops.segment_sum(
        jnp.ones((e,), F32), dst, num_segments=n), 1.0)[:, None]
    agg1 = jax.ops.segment_sum(gx, dst, num_segments=n) / degc
    h1f = jax.nn.relu(agg1 @ W_l1 + b1 + x @ W_r1)

    g2 = _sc_gather_rows(h1f, src)
    agg2 = jax.ops.segment_sum(g2, dst, num_segments=n) / degc
    hs = jax.nn.relu(agg2 @ W_l2 + b2 + h1f @ W_r2)
    hwm = hs @ W_g

    sa4 = (hwm @ a_s_m)[:, :heads]
    da4 = (hwm @ a_d_m)[:, :heads]
    ev = jax.nn.leaky_relu(sa4[src] + da4[dst], negative_slope=0.2)
    mh = jnp.max(ev, axis=0)
    w = jnp.exp(ev - mh)

    ghw = _sc_gather_rows(hwm, src)
    num = jax.ops.segment_sum(
        w[:, :, None] * ghw.reshape(e, heads, gh), dst, num_segments=n)
    den0 = jax.ops.segment_sum(w, dst, num_segments=n)

    g = (num / (den0[:, :, None] + 1e-16)).reshape(n, heads * gh)
    g = g + b_g
    g = jnp.where(g > 0.0, g, jnp.exp(g) - 1.0)
    return g @ W_f + b_f

# --- scband reference (transcript-rebuilt; emitter-appended) ---
"""Pipeline reference for scband-graph-sagegathybrid-2516850835927 (READ-ONLY COPY).

The authoritative reference and input builder live on the scoring server;
editing this copy changes nothing except your own understanding.
"""

import jax, jax.numpy as jnp
import numpy as np

N = 10000
E = 320000
D_IN = 128
SAGE_H = 256
GAT_H = 64
HEADS = 4
D_OUT = 64


def setup_inputs(seed: int = 0) -> dict:
    key = jax.random.key(seed)
    ks = jax.random.split(key, 16)
    x = jax.random.normal(ks[0], (N, D_IN), dtype=jnp.float32)
    edge_index_mp = jax.random.randint(ks[1], (2, E), 0, N)
    s = 0.1
    W_l1 = s * jax.random.normal(ks[2], (D_IN, SAGE_H), dtype=jnp.float32)
    W_r1 = s * jax.random.normal(ks[3], (D_IN, SAGE_H), dtype=jnp.float32)
    b1 = jnp.zeros((SAGE_H,), dtype=jnp.float32)
    W_l2 = s * jax.random.normal(ks[4], (SAGE_H, SAGE_H), dtype=jnp.float32)
    W_r2 = s * jax.random.normal(ks[5], (SAGE_H, SAGE_H), dtype=jnp.float32)
    b2 = jnp.zeros((SAGE_H,), dtype=jnp.float32)
    W_g = s * jax.random.normal(ks[6], (SAGE_H, HEADS * GAT_H), dtype=jnp.float32)
    a_src = s * jax.random.normal(ks[7], (HEADS, GAT_H), dtype=jnp.float32)
    a_dst = s * jax.random.normal(ks[8], (HEADS, GAT_H), dtype=jnp.float32)
    b_g = jnp.zeros((HEADS * GAT_H,), dtype=jnp.float32)
    W_f = s * jax.random.normal(ks[9], (HEADS * GAT_H, D_OUT), dtype=jnp.float32)
    b_f = jnp.zeros((D_OUT,), dtype=jnp.float32)
    return {
        'x': x, 'edge_index_mp': edge_index_mp,
        'W_l1': W_l1, 'W_r1': W_r1, 'b1': b1,
        'W_l2': W_l2, 'W_r2': W_r2, 'b2': b2,
        'W_g': W_g, 'a_src': a_src, 'a_dst': a_dst, 'b_g': b_g,
        'W_f': W_f, 'b_f': b_f,
    }


def _sage_conv(h, src, dst, W_l, W_r, b):
    # PyG SAGEConv with mean aggregation: lin_l(mean_{j->i} x_j) + lin_r(x_i)
    msg = h[src]
    agg = jax.ops.segment_sum(msg, dst, num_segments=N)
    deg = jax.ops.segment_sum(jnp.ones((src.shape[0],), h.dtype), dst, num_segments=N)
    agg = agg / jnp.maximum(deg, 1.0)[:, None]
    return agg @ W_l + b + h @ W_r


def _gat_conv(h, src, dst, W, a_src, a_dst, b):
    # PyG GATConv, concat=True, negative_slope=0.2; dropout inactive in eval
    hW = (h @ W).reshape(N, HEADS, GAT_H)
    alpha_s = jnp.sum(hW * a_src[None, :, :], axis=-1)  # [N, H]
    alpha_d = jnp.sum(hW * a_dst[None, :, :], axis=-1)  # [N, H]
    e = alpha_s[src] + alpha_d[dst]  # [E, H]
    e = jax.nn.leaky_relu(e, negative_slope=0.2)
    m = jax.ops.segment_max(e, dst, num_segments=N)
    e_exp = jnp.exp(e - m[dst])
    denom = jax.ops.segment_sum(e_exp, dst, num_segments=N)
    alpha = e_exp / (denom[dst] + 1e-16)
    out = jax.ops.segment_sum(alpha[:, :, None] * hW[src], dst, num_segments=N)
    return out.reshape(N, HEADS * GAT_H) + b


def reference(x, edge_index_mp, W_l1, W_r1, b1, W_l2, W_r2, b2, W_g, a_src, a_dst, b_g, W_f, b_f):
    src = edge_index_mp[0]
    dst = edge_index_mp[1]
    # GraphSAGE block (eval mode: dropout is identity)
    h = _sage_conv(x, src, dst, W_l1, W_r1, b1)
    h = jax.nn.relu(h)
    h = _sage_conv(h, src, dst, W_l2, W_r2, b2)
    h_sage = jax.nn.relu(h)
    # GAT refinement block
    h = _gat_conv(h_sage, src, dst, W_g, a_src, a_dst, b_g)
    h_gat = jax.nn.elu(h)
    # Final projection
    z = h_gat @ W_f + b_f
    return z

if __name__ == "__main__":
    import jax
    _d = setup_inputs()
    print(jax.jit(kernel)(*tuple(_d.values())))

</pallas_src>

<mosaic_0001>
#map = affine_map<(d0, d1) -> (0, 0)>
#map1 = affine_map<(d0, d1) -> (0)>
module attributes {stable_mosaic.version = 14 : i64} {
  func.func @k(%arg0: i32, %arg1: i32, %arg2: memref<10000x128xf32, #tpu.memory_space<hbm>>, %arg3: memref<320000xi32, #tpu.memory_space<hbm>>, %arg4: memref<320000x128xf32, #tpu.memory_space<hbm>>, %arg5: memref<40xi32, #tpu.memory_space<vmem>>, %arg6: memref<40x128xf32, #tpu.memory_space<vmem>>, %arg7: memref<!tpu.dma_semaphore, #tpu.memory_space<semaphore_mem>>) attributes {dimension_semantics = [#tpu.dimension_semantics<core_parallel>, #tpu.dimension_semantics<subcore_parallel>], iteration_bounds = array<i64: 2, 16>, scalar_prefetch = 0 : i64, scratch_operands = 3 : i64, tpu.core_type = #tpu.core_type<sc_vector_subcore>, window_params = [{transform_indices = #map}, {transform_indices = #map1}, {transform_indices = #map}]} {
    %mul3A = arith.constant 2 : i32
    %mul3A_0 = arith.muli %arg1, %mul3A : i32
    %add3A = arith.addi %mul3A_0, %arg0 : i32
    %mul3A_1 = arith.constant 10000 : i32
    %mul3A_2 = arith.muli %add3A, %mul3A_1 : i32
    %scan3A = arith.constant 0 : i32
    %scan3A_3 = arith.constant 0 : i32
    %scan3A_4 = arith.constant 250 : i32
    %scan3A_5 = arith.addi %scan3A_3, %scan3A_4 : i32
    %scan3A_6 = arith.constant 1 : i32
    scf.for %scan3A_8 = %scan3A_3 to %scan3A_5 step %scan3A_6  : i32 {
      %mul3A_9 = arith.constant 40 : i32
      %mul3A_10 = arith.muli %scan3A_8, %mul3A_9 : i32
      %add3A_11 = arith.addi %mul3A_2, %mul3A_10 : i32
      "tpu.region"() ({
        %run_scoped3A = tpu.sem_alloc : memref<!tpu.dma_semaphore, #tpu.memory_space<semaphore_mem>>
        %dma_start3A_16 = tpu.memref_slice %arg3[%add3A_11] : memref<320000xi32, #tpu.memory_space<hbm>> -> memref<40xi32, #tpu.memory_space<hbm>>
        %dma_start3A_17 = tpu.memref_slice %arg3[%add3A_11] : memref<320000xi32, #tpu.memory_space<hbm>> -> memref<40xi32, #tpu.memory_space<hbm>>
        tpu.enqueue_dma source(%dma_start3A_17 : memref<40xi32, #tpu.memory_space<hbm>>) target(%arg5 : memref<40xi32, #tpu.memory_space<vmem>>) target_semaphore(%run_scoped3A : memref<!tpu.dma_semaphore, #tpu.memory_space<semaphore_mem>>)
        %dma_wait3A_18 = tpu.memref_slice %arg3[%add3A_11] : memref<320000xi32, #tpu.memory_space<hbm>> -> memref<40xi32, #tpu.memory_space<hbm>>
        %dma_wait3A_19 = tpu.memref_slice %arg3[%add3A_11] : memref<320000xi32, #tpu.memory_space<hbm>> -> memref<40xi32, #tpu.memory_space<hbm>>
        tpu.wait_dma2 semaphore(%run_scoped3A : memref<!tpu.dma_semaphore, #tpu.memory_space<semaphore_mem>>) src(%dma_wait3A_19 : memref<40xi32, #tpu.memory_space<hbm>>) dst(%arg5 : memref<40xi32, #tpu.memory_space<vmem>>)
        tpu.yield
      }) : () -> ()
      %dma_start3A = arith.constant 0 : i32
      %dma_start3A_12 = arith.constant 0 : i32
      %dma_start3A_13 = tpu.memref_slice %arg2[%dma_start3A, %dma_start3A_12] : memref<10000x128xf32, #tpu.memory_space<hbm>> -> memref<10000x128xf32, #tpu.memory_space<hbm>>
      tpu.enqueue_indirect_dma source(%dma_start3A_13 : memref<10000x128xf32, #tpu.memory_space<hbm>>) target(%arg6 : memref<40x128xf32, #tpu.memory_space<vmem>>) offsets(%arg5 : memref<40xi32, #tpu.memory_space<vmem>>) semaphore(%arg7 : memref<!tpu.dma_semaphore, #tpu.memory_space<semaphore_mem>>)
      %dma_wait3A = arith.constant 0 : i32
      %dma_wait3A_14 = arith.constant 0 : i32
      %dma_wait3A_15 = tpu.memref_slice %arg2[%dma_wait3A, %dma_wait3A_14] : memref<10000x128xf32, #tpu.memory_space<hbm>> -> memref<10000x128xf32, #tpu.memory_space<hbm>>
      tpu.wait_indirect_dma semaphore(%arg7 : memref<!tpu.dma_semaphore, #tpu.memory_space<semaphore_mem>>) src(%dma_wait3A_15 : memref<10000x128xf32, #tpu.memory_space<hbm>>) dst(%arg6 : memref<40x128xf32, #tpu.memory_space<vmem>>)
      "tpu.region"() ({
        %run_scoped3A = tpu.sem_alloc : memref<!tpu.dma_semaphore, #tpu.memory_space<semaphore_mem>>
        %dma_start3A_16 = arith.constant 0 : i32
        %dma_start3A_17 = tpu.memref_slice %arg4[%add3A_11, %dma_start3A_16] : memref<320000x128xf32, #tpu.memory_space<hbm>> -> memref<40x128xf32, #tpu.memory_space<hbm>>
        %dma_start3A_18 = arith.constant 0 : i32
        %dma_start3A_19 = tpu.memref_slice %arg4[%add3A_11, %dma_start3A_18] : memref<320000x128xf32, #tpu.memory_space<hbm>> -> memref<40x128xf32, #tpu.memory_space<hbm>>
        tpu.enqueue_dma source(%arg6 : memref<40x128xf32, #tpu.memory_space<vmem>>) target(%dma_start3A_19 : memref<40x128xf32, #tpu.memory_space<hbm>>) target_semaphore(%run_scoped3A : memref<!tpu.dma_semaphore, #tpu.memory_space<semaphore_mem>>)
        %dma_wait3A_20 = arith.constant 0 : i32
        %dma_wait3A_21 = tpu.memref_slice %arg4[%add3A_11, %dma_wait3A_20] : memref<320000x128xf32, #tpu.memory_space<hbm>> -> memref<40x128xf32, #tpu.memory_space<hbm>>
        %dma_wait3A_22 = arith.constant 0 : i32
        %dma_wait3A_23 = tpu.memref_slice %arg4[%add3A_11, %dma_wait3A_22] : memref<320000x128xf32, #tpu.memory_space<hbm>> -> memref<40x128xf32, #tpu.memory_space<hbm>>
        tpu.wait_dma2 semaphore(%run_scoped3A : memref<!tpu.dma_semaphore, #tpu.memory_space<semaphore_mem>>) src(%arg6 : memref<40x128xf32, #tpu.memory_space<vmem>>) dst(%dma_wait3A_23 : memref<40x128xf32, #tpu.memory_space<hbm>>)
        tpu.yield
      }) : () -> ()
    }
    %scan3A_7 = arith.constant 250 : i32
    return
  }
}

#map = affine_map<(d0, d1) -> (0, 0)>
#map1 = affine_map<(d0, d1) -> (0)>
module attributes {stable_mosaic.version = 14 : i64} {
  func.func @k(%arg0: i32, %arg1: i32, %arg2: memref<10000x256xf32, #tpu.memory_space<hbm>>, %arg3: memref<320000xi32, #tpu.memory_space<hbm>>, %arg4: memref<320000x256xf32, #tpu.memory_space<hbm>>, %arg5: memref<40xi32, #tpu.memory_space<vmem>>, %arg6: memref<40x256xf32, #tpu.memory_space<vmem>>, %arg7: memref<!tpu.dma_semaphore, #tpu.memory_space<semaphore_mem>>) attributes {dimension_semantics = [#tpu.dimension_semantics<core_parallel>, #tpu.dimension_semantics<subcore_parallel>], iteration_bounds = array<i64: 2, 16>, scalar_prefetch = 0 : i64, scratch_operands = 3 : i64, tpu.core_type = #tpu.core_type<sc_vector_subcore>, window_params = [{transform_indices = #map}, {transform_indices = #map1}, {transform_indices = #map}]} {
    %mul3A = arith.constant 2 : i32
    %mul3A_0 = arith.muli %arg1, %mul3A : i32
    %add3A = arith.addi %mul3A_0, %arg0 : i32
    %mul3A_1 = arith.constant 10000 : i32
    %mul3A_2 = arith.muli %add3A, %mul3A_1 : i32
    %scan3A = arith.constant 0 : i32
    %scan3A_3 = arith.constant 0 : i32
    %scan3A_4 = arith.constant 250 : i32
    %scan3A_5 = arith.addi %scan3A_3, %scan3A_4 : i32
    %scan3A_6 = arith.constant 1 : i32
    scf.for %scan3A_8 = %scan3A_3 to %scan3A_5 step %scan3A_6  : i32 {
      %mul3A_9 = arith.constant 40 : i32
      %mul3A_10 = arith.muli %scan3A_8, %mul3A_9 : i32
      %add3A_11 = arith.addi %mul3A_2, %mul3A_10 : i32
      "tpu.region"() ({
        %run_scoped3A = tpu.sem_alloc : memref<!tpu.dma_semaphore, #tpu.memory_space<semaphore_mem>>
        %dma_start3A_16 = tpu.memref_slice %arg3[%add3A_11] : memref<320000xi32, #tpu.memory_space<hbm>> -> memref<40xi32, #tpu.memory_space<hbm>>
        %dma_start3A_17 = tpu.memref_slice %arg3[%add3A_11] : memref<320000xi32, #tpu.memory_space<hbm>> -> memref<40xi32, #tpu.memory_space<hbm>>
        tpu.enqueue_dma source(%dma_start3A_17 : memref<40xi32, #tpu.memory_space<hbm>>) target(%arg5 : memref<40xi32, #tpu.memory_space<vmem>>) target_semaphore(%run_scoped3A : memref<!tpu.dma_semaphore, #tpu.memory_space<semaphore_mem>>)
        %dma_wait3A_18 = tpu.memref_slice %arg3[%add3A_11] : memref<320000xi32, #tpu.memory_space<hbm>> -> memref<40xi32, #tpu.memory_space<hbm>>
        %dma_wait3A_19 = tpu.memref_slice %arg3[%add3A_11] : memref<320000xi32, #tpu.memory_space<hbm>> -> memref<40xi32, #tpu.memory_space<hbm>>
        tpu.wait_dma2 semaphore(%run_scoped3A : memref<!tpu.dma_semaphore, #tpu.memory_space<semaphore_mem>>) src(%dma_wait3A_19 : memref<40xi32, #tpu.memory_space<hbm>>) dst(%arg5 : memref<40xi32, #tpu.memory_space<vmem>>)
        tpu.yield
      }) : () -> ()
      %dma_start3A = arith.constant 0 : i32
      %dma_start3A_12 = arith.constant 0 : i32
      %dma_start3A_13 = tpu.memref_slice %arg2[%dma_start3A, %dma_start3A_12] : memref<10000x256xf32, #tpu.memory_space<hbm>> -> memref<10000x256xf32, #tpu.memory_space<hbm>>
      tpu.enqueue_indirect_dma source(%dma_start3A_13 : memref<10000x256xf32, #tpu.memory_space<hbm>>) target(%arg6 : memref<40x256xf32, #tpu.memory_space<vmem>>) offsets(%arg5 : memref<40xi32, #tpu.memory_space<vmem>>) semaphore(%arg7 : memref<!tpu.dma_semaphore, #tpu.memory_space<semaphore_mem>>)
      %dma_wait3A = arith.constant 0 : i32
      %dma_wait3A_14 = arith.constant 0 : i32
      %dma_wait3A_15 = tpu.memref_slice %arg2[%dma_wait3A, %dma_wait3A_14] : memref<10000x256xf32, #tpu.memory_space<hbm>> -> memref<10000x256xf32, #tpu.memory_space<hbm>>
      tpu.wait_indirect_dma semaphore(%arg7 : memref<!tpu.dma_semaphore, #tpu.memory_space<semaphore_mem>>) src(%dma_wait3A_15 : memref<10000x256xf32, #tpu.memory_space<hbm>>) dst(%arg6 : memref<40x256xf32, #tpu.memory_space<vmem>>)
      "tpu.region"() ({
        %run_scoped3A = tpu.sem_alloc : memref<!tpu.dma_semaphore, #tpu.memory_space<semaphore_mem>>
        %dma_start3A_16 = arith.constant 0 : i32
        %dma_start3A_17 = tpu.memref_slice %arg4[%add3A_11, %dma_start3A_16] : memref<320000x256xf32, #tpu.memory_space<hbm>> -> memref<40x256xf32, #tpu.memory_space<hbm>>
        %dma_start3A_18 = arith.constant 0 : i32
        %dma_start3A_19 = tpu.memref_slice %arg4[%add3A_11, %dma_start3A_18] : memref<320000x256xf32, #tpu.memory_space<hbm>> -> memref<40x256xf32, #tpu.memory_space<hbm>>
        tpu.enqueue_dma source(%arg6 : memref<40x256xf32, #tpu.memory_space<vmem>>) target(%dma_start3A_19 : memref<40x256xf32, #tpu.memory_space<hbm>>) target_semaphore(%run_scoped3A : memref<!tpu.dma_semaphore, #tpu.memory_space<semaphore_mem>>)
        %dma_wait3A_20 = arith.constant 0 : i32
        %dma_wait3A_21 = tpu.memref_slice %arg4[%add3A_11, %dma_wait3A_20] : memref<320000x256xf32, #tpu.memory_space<hbm>> -> memref<40x256xf32, #tpu.memory_space<hbm>>
        %dma_wait3A_22 = arith.constant 0 : i32
        %dma_wait3A_23 = tpu.memref_slice %arg4[%add3A_11, %dma_wait3A_22] : memref<320000x256xf32, #tpu.memory_space<hbm>> -> memref<40x256xf32, #tpu.memory_space<hbm>>
        tpu.wait_dma2 semaphore(%run_scoped3A : memref<!tpu.dma_semaphore, #tpu.memory_space<semaphore_mem>>) src(%arg6 : memref<40x256xf32, #tpu.memory_space<vmem>>) dst(%dma_wait3A_23 : memref<40x256xf32, #tpu.memory_space<hbm>>)
        tpu.yield
      }) : () -> ()
    }
    %scan3A_7 = arith.constant 250 : i32
    return
  }
}

#map = affine_map<(d0, d1) -> (0, 0)>
#map1 = affine_map<(d0, d1) -> (0)>
module attributes {stable_mosaic.version = 14 : i64} {
  func.func @k(%arg0: i32, %arg1: i32, %arg2: memref<10000x256xf32, #tpu.memory_space<hbm>>, %arg3: memref<320000xi32, #tpu.memory_space<hbm>>, %arg4: memref<320000x256xf32, #tpu.memory_space<hbm>>, %arg5: memref<40xi32, #tpu.memory_space<vmem>>, %arg6: memref<40x256xf32, #tpu.memory_space<vmem>>, %arg7: memref<!tpu.dma_semaphore, #tpu.memory_space<semaphore_mem>>) attributes {dimension_semantics = [#tpu.dimension_semantics<core_parallel>, #tpu.dimension_semantics<subcore_parallel>], iteration_bounds = array<i64: 2, 16>, scalar_prefetch = 0 : i64, scratch_operands = 3 : i64, tpu.core_type = #tpu.core_type<sc_vector_subcore>, window_params = [{transform_indices = #map}, {transform_indices = #map1}, {transform_indices = #map}]} {
    %mul3A = arith.constant 2 : i32
    %mul3A_0 = arith.muli %arg1, %mul3A : i32
    %add3A = arith.addi %mul3A_0, %arg0 : i32
    %mul3A_1 = arith.constant 10000 : i32
    %mul3A_2 = arith.muli %add3A, %mul3A_1 : i32
    %scan3A = arith.constant 0 : i32
    %scan3A_3 = arith.constant 0 : i32
    %scan3A_4 = arith.constant 250 : i32
    %scan3A_5 = arith.addi %scan3A_3, %scan3A_4 : i32
    %scan3A_6 = arith.constant 1 : i32
    scf.for %scan3A_8 = %scan3A_3 to %scan3A_5 step %scan3A_6  : i32 {
      %mul3A_9 = arith.constant 40 : i32
      %mul3A_10 = arith.muli %scan3A_8, %mul3A_9 : i32
      %add3A_11 = arith.addi %mul3A_2, %mul3A_10 : i32
      "tpu.region"() ({
        %run_scoped3A = tpu.sem_alloc : memref<!tpu.dma_semaphore, #tpu.memory_space<semaphore_mem>>
        %dma_start3A_16 = tpu.memref_slice %arg3[%add3A_11] : memref<320000xi32, #tpu.memory_space<hbm>> -> memref<40xi32, #tpu.memory_space<hbm>>
        %dma_start3A_17 = tpu.memref_slice %arg3[%add3A_11] : memref<320000xi32, #tpu.memory_space<hbm>> -> memref<40xi32, #tpu.memory_space<hbm>>
        tpu.enqueue_dma source(%dma_start3A_17 : memref<40xi32, #tpu.memory_space<hbm>>) target(%arg5 : memref<40xi32, #tpu.memory_space<vmem>>) target_semaphore(%run_scoped3A : memref<!tpu.dma_semaphore, #tpu.memory_space<semaphore_mem>>)
        %dma_wait3A_18 = tpu.memref_slice %arg3[%add3A_11] : memref<320000xi32, #tpu.memory_space<hbm>> -> memref<40xi32, #tpu.memory_space<hbm>>
        %dma_wait3A_19 = tpu.memref_slice %arg3[%add3A_11] : memref<320000xi32, #tpu.memory_space<hbm>> -> memref<40xi32, #tpu.memory_space<hbm>>
        tpu.wait_dma2 semaphore(%run_scoped3A : memref<!tpu.dma_semaphore, #tpu.memory_space<semaphore_mem>>) src(%dma_wait3A_19 : memref<40xi32, #tpu.memory_space<hbm>>) dst(%arg5 : memref<40xi32, #tpu.memory_space<vmem>>)
        tpu.yield
      }) : () -> ()
      %dma_start3A = arith.constant 0 : i32
      %dma_start3A_12 = arith.constant 0 : i32
      %dma_start3A_13 = tpu.memref_slice %arg2[%dma_start3A, %dma_start3A_12] : memref<10000x256xf32, #tpu.memory_space<hbm>> -> memref<10000x256xf32, #tpu.memory_space<hbm>>
      tpu.enqueue_indirect_dma source(%dma_start3A_13 : memref<10000x256xf32, #tpu.memory_space<hbm>>) target(%arg6 : memref<40x256xf32, #tpu.memory_space<vmem>>) offsets(%arg5 : memref<40xi32, #tpu.memory_space<vmem>>) semaphore(%arg7 : memref<!tpu.dma_semaphore, #tpu.memory_space<semaphore_mem>>)
      %dma_wait3A = arith.constant 0 : i32
      %dma_wait3A_14 = arith.constant 0 : i32
      %dma_wait3A_15 = tpu.memref_slice %arg2[%dma_wait3A, %dma_wait3A_14] : memref<10000x256xf32, #tpu.memory_space<hbm>> -> memref<10000x256xf32, #tpu.memory_space<hbm>>
      tpu.wait_indirect_dma semaphore(%arg7 : memref<!tpu.dma_semaphore, #tpu.memory_space<semaphore_mem>>) src(%dma_wait3A_15 : memref<10000x256xf32, #tpu.memory_space<hbm>>) dst(%arg6 : memref<40x256xf32, #tpu.memory_space<vmem>>)
      "tpu.region"() ({
        %run_scoped3A = tpu.sem_alloc : memref<!tpu.dma_semaphore, #tpu.memory_space<semaphore_mem>>
        %dma_start3A_16 = arith.constant 0 : i32
        %dma_start3A_17 = tpu.memref_slice %arg4[%add3A_11, %dma_start3A_16] : memref<320000x256xf32, #tpu.memory_space<hbm>> -> memref<40x256xf32, #tpu.memory_space<hbm>>
        %dma_start3A_18 = arith.constant 0 : i32
        %dma_start3A_19 = tpu.memref_slice %arg4[%add3A_11, %dma_start3A_18] : memref<320000x256xf32, #tpu.memory_space<hbm>> -> memref<40x256xf32, #tpu.memory_space<hbm>>
        tpu.enqueue_dma source(%arg6 : memref<40x256xf32, #tpu.memory_space<vmem>>) target(%dma_start3A_19 : memref<40x256xf32, #tpu.memory_space<hbm>>) target_semaphore(%run_scoped3A : memref<!tpu.dma_semaphore, #tpu.memory_space<semaphore_mem>>)
        %dma_wait3A_20 = arith.constant 0 : i32
        %dma_wait3A_21 = tpu.memref_slice %arg4[%add3A_11, %dma_wait3A_20] : memref<320000x256xf32, #tpu.memory_space<hbm>> -> memref<40x256xf32, #tpu.memory_space<hbm>>
        %dma_wait3A_22 = arith.constant 0 : i32
        %dma_wait3A_23 = tpu.memref_slice %arg4[%add3A_11, %dma_wait3A_22] : memref<320000x256xf32, #tpu.memory_space<hbm>> -> memref<40x256xf32, #tpu.memory_space<hbm>>
        tpu.wait_dma2 semaphore(%run_scoped3A : memref<!tpu.dma_semaphore, #tpu.memory_space<semaphore_mem>>) src(%arg6 : memref<40x256xf32, #tpu.memory_space<vmem>>) dst(%dma_wait3A_23 : memref<40x256xf32, #tpu.memory_space<hbm>>)
        tpu.yield
      }) : () -> ()
    }
    %scan3A_7 = arith.constant 250 : i32
    return
  }
}

</mosaic_0001>

<sc_bundles>
// kernel: kernel.11.cloned.1.call-start
scs
__scs_entry_jumppad:
0x0: {  	(pc) =	sbr.rel $0x88, $3  }
0x1: {  	(tag) =	ssettag $0x0;
	lr =	simm.s32 $0x1  }
0x2: {  	[smem:$0x3F93] =	sst lr;
	_ =	strace $0xD0000000  }
0x3: {  	_ = 	snop  }
0x4: {  	_ = 	snop  }
0x5: {  	_ = 	snop  }
0x6: {  	_ = 	snop  }
0x7: {  	_ = 	snop  }
__scs_overlays_trampoline_lowered:
0x8: {  	[smem:$0x3FA2] =	sst s0  }
0x9: {  	[smem:$0x3FA3] =	sst s1  }
0xa: {  	[smem:$0x3FA4] =	sst s2  }
0xb: {  	[smem:$0x3FA5] =	sst s3  }
0xc: {  	[smem:$0x3FA6] =	sst s4  }
0xd: {  	[smem:$0x3FA7] =	sst s5  }
0xe: {  	[smem:$0x3FA8] =	sst s6  }
0xf: {  	[smem:$0x3FA9] =	sst s7  }
0x10: {  	[smem:$0x3FAA] =	sst s8  }
0x11: {  	[smem:$0x3FAB] =	sst s9;
	s0 =	simm.s32 @!p0 $0x0  }
0x12: {  	s1 =	sld [smem:$0x3F91];
	s0 =	simm.s32 @p0 $0x1  }
0x13: {  	[smem:$0x3FAC] =	sst s0;
	s0 =	simm.s32 @!p1 $0x0  }
0x14: {  	s2 =	sld [smem:$0x3F90];
	s0 =	simm.s32 @p1 $0x1  }
0x15: {  	[smem:$0x3FAD] =	sst s0;
	s0 =	simm.s32 @!p2 $0x0  }
0x16: {  	s3 =	sld [smem:$0x3FDB];
	s0 =	simm.s32 @p2 $0x1  }
0x17: {  	s4 =	simm.s32 $0x1BF5;
	[smem:$0x3FAF] =	sst s0  }
0x18: {  	s0 =	sld [smem:$0x3F92];
	_ =	swait.ge [sflag:s4], $0x0  }
0x19: {  	s7 =	sld [smem:$0x3F93]  }
0x1a: {  	s8 =	sadd.s32 $0xFFFFE003, lr  }
0x1b: {  	s9 =	sadd.s32 $0xFFFFFEF7, lr;
	s5 =	simm.s32 $0xFFFFFFFF;
	p2 =	slt.u32 s8, $0xFFFFF086  }
0x1c: {  	p1 =	slt.u32 s9, $0xF7A;
	s5 =	simm.s32 @!p2 $0x0  }
0x1d: {  	s5 =	simm.s32 @p1 $0x1;
	p0 =	seq.s32 s7, s2  }
0x1e: {  	s7 =	smul.u32 @!p0 $0xF7A, s2;
	p2 =	seq.s32 @!p0 s5, $0x0  }
0x1f: {  	s9 =	smul.u32 $0xF7A, s1;
	s8 =	simm.s32 @!p0 $0x1BF5;
	p2 =	por !p2, p0  }
0x20: {  	[sflag:s8] =	ssyncset.s32 @!p0 $0xFFFFF086;
	s6 =	sadd.s32 @!p0 s3, s7;
	s7 =	simm.s32 @!p0 $0x108  }
0x21: {  	s3 =	sadd.s32 s3, s9;
	s6 =	sadd.s32 @!p0 $0x88, s6;
	s7 =	simm.s32 @p2 $0x1082  }
0x22: {  	[simem:s7], [sflag:s8] =	dma.local @!p0 [hbm:s6], $0xF7A  }
0x23: {  	s9 =	sor.u32 $0xD0000000, s2;
	s6 =	simm.s32 $0x108;
	_ =	swait.ge @!p0 [sflag:s8], $0x0  }
0x24: {  	s3 =	sadd.s32 $0x88, s3;
	s6 =	simm.s32 @!p1 $0x1082;
	[sflag:s4] =	ssyncset.s32 $0xFFFFF086  }
0x25: {  	[simem:s6], [sflag:s4] =	dma.local [hbm:s3], $0xF7A  }
0x26: {  	[smem:$0x3F93] =	sst s1;
	(tag) =	ssettag s2;
	_ =	strace s9  }
0x27: {  	s1 =	sld [smem:$0x3FA3]  }
0x28: {  	s2 =	sld [smem:$0x3FA4]  }
0x29: {  	s4 =	sld [smem:$0x3FA6]  }
0x2a: {  	p0 =	seq.s32 s5, $0x0;
	s5 =	sld [smem:$0x3FA7]  }
0x2b: {  	s6 =	sld [smem:$0x3FA8]  }
0x2c: {  	s7 =	sld [smem:$0x3FA9]  }
0x2d: {  	s3 =	simm.s32 $0x108;
	s8 =	sld [smem:$0x3FAA]  }
0x2e: {  	s3 =	simm.s32 @!p0 $0x1082;
	s9 =	sld [smem:$0x3FAB]  }
0x2f: {  	lr =	sadd.s32 s0, s3;
	s0 =	sld [smem:$0x3FA2]  }
0x30: {  	s3 =	sld [smem:$0x3FA5]  }
0x31: {  	[smem:$0x3FAE] =	sst s10  }
0x32: {  	s10 =	sld [smem:$0x3FAC];
	_ =	sdelay $0x3  }
0x33: {  	p0 =	seq.s32 s10, $0x1;
	s10 =	sld [smem:$0x3FAE];
	_ =	sdelay $0x3  }
0x34: {  	[smem:$0x3FAE] =	sst s10  }
0x35: {  	s10 =	sld [smem:$0x3FAD];
	_ =	sdelay $0x3  }
0x36: {  	p1 =	seq.s32 s10, $0x1;
	s10 =	sld [smem:$0x3FAE];
	_ =	sdelay $0x3  }
0x37: {  	[smem:$0x3FAE] =	sst s10  }
0x38: {  	s10 =	sld [smem:$0x3FAF]  }
0x39: {  	_ = 	snop;
	(pc) =	sbr.ind lr, $3  }
0x3a: {  	_ = 	snop  }
0x3b: {  	_ = 	snop  }
0x3c: {  	p2 =	seq.s32 s10, $0x1;
	s10 =	sld [smem:$0x3FAE]  }
0x3d: {  	_ =	shalt  }
0x3e: {  	_ =	shalt  }
0x3f: {  	_ =	shalt  }
0x40: {  	_ =	shalt  }
0x41: {  	_ =	shalt  }
0x42: {  	_ =	shalt  }
0x43: {  	_ =	shalt  }
0x44: {  	_ =	shalt  }
0x45: {  	_ =	shalt  }
0x46: {  	_ =	shalt  }
0x47: {  	_ =	shalt  }
0x48: {  	_ =	shalt  }
0x49: {  	_ =	shalt  }
0x4a: {  	_ =	shalt  }
0x4b: {  	_ =	shalt  }
0x4c: {  	_ =	shalt  }
0x4d: {  	_ =	shalt  }
0x4e: {  	_ =	shalt  }
0x4f: {  	_ =	shalt  }
0x50: {  	_ =	shalt  }
0x51: {  	_ =	shalt  }
0x52: {  	_ =	shalt  }
0x53: {  	_ =	shalt  }
0x54: {  	_ =	shalt  }
0x55: {  	_ =	shalt  }
0x56: {  	_ =	shalt  }
0x57: {  	_ =	shalt  }
0x58: {  	_ =	shalt  }
0x59: {  	_ =	shalt  }
0x5a: {  	_ =	shalt  }
0x5b: {  	_ =	shalt  }
0x5c: {  	_ =	shalt  }
0x5d: {  	_ =	shalt  }
0x5e: {  	_ =	shalt  }
0x5f: {  	_ =	shalt  }
0x60: {  	_ =	shalt  }
0x61: {  	_ =	shalt  }
0x62: {  	_ =	shalt  }
0x63: {  	_ =	shalt  }
0x64: {  	_ =	shalt  }
0x65: {  	_ =	shalt  }
0x66: {  	_ =	shalt  }
0x67: {  	_ =	shalt  }
0x68: {  	_ =	shalt  }
0x69: {  	_ =	shalt  }
0x6a: {  	_ =	shalt  }
0x6b: {  	_ =	shalt  }
0x6c: {  	_ =	shalt  }
0x6d: {  	_ =	shalt  }
0x6e: {  	_ =	shalt  }
0x6f: {  	_ =	shalt  }
0x70: {  	_ =	shalt  }
0x71: {  	_ =	shalt  }
0x72: {  	_ =	shalt  }
0x73: {  	_ =	shalt  }
0x74: {  	_ =	shalt  }
0x75: {  	_ =	shalt  }
0x76: {  	_ =	shalt  }
0x77: {  	_ =	shalt  }
0x78: {  	_ =	shalt  }
0x79: {  	_ =	shalt  }
0x7a: {  	_ =	shalt  }
0x7b: {  	_ =	shalt  }
0x7c: {  	_ =	shalt  }
0x7d: {  	_ =	shalt  }
0x7e: {  	_ =	shalt  }
0x7f: {  	_ =	shalt  }
0x80: {  	_ =	shalt  }
0x81: {  	_ =	shalt  }
0x82: {  	_ =	shalt  }
0x83: {  	_ =	shalt  }
0x84: {  	_ =	shalt  }
0x85: {  	_ =	shalt  }
0x86: {  	_ =	shalt  }
0x87: {  	_ =	shalt  }
.Lfunc_end0:
.L_simem_size_0:
called_computation.7_lowered:
.L_overlay_start_0:
0x88: {  	s2 =	sld [smem:$0x3FD9]  }
0x89: {  	s3 =	sld [smem:$0x3FFE];
	_ =	sdelay $0x1  }
0x8a: {  	s1 =	srdreg.scid  }
0x8b: {  	s0 =	sand.u32 $0x1, s1  }
0x8c: {  	s17 =	sshll.u32 s0, $0xA;
	s2 =	sadd.s32 s3, s2  }
0x8d: {  	s2 =	sadd.s32 s2, s17  }
0x8e: {  	[smem:$0x3FBA] =	sst s2  }
0x8f: {  	_ = 	snop  }
0x90: {  	s2 =	sld [smem:$0x3FD0];
	(tm) =	ssettm $0x1  }
0x91: {  	s18 =	sld [smem:$0x3FFB];
	_ =	sdelay $0x3  }
0x92: {  	_ =	strace s18  }
0x93: {  	s3 =	sld [smem:$0x3FFC];
	_ =	sdelay $0x3  }
0x94: {  	_ =	strace s3  }
0x95: {  	s3 =	sld [smem:$0x3FFD];
	_ =	sdelay $0x3  }
0x96: {  	_ =	strace s3  }
0x97: {  	_ =	strace $0x8FFFFFFF  }
0x98: {  	s19 =	sld [smem:$0x3FDB];
	_ =	sdelay $0x1  }
0x99: {  	s4 =	simm.s32 $_scs_section_size  }
0x9a: {  	s5 =	simm.s32 $_size__tile_overlayer_lowered;
	s6 =	simm.s32 $_tile_overlayer_lowered  }
0x9b: {  	s22 =	simm.s32 $0x1BFF;
	s21 =	sshll.u32 s6, $0x1;
	s3 =	sadd.s32 s4, s19  }
0x9c: {  	s7 =	simm.s32 $0x0;
	s20 =	sshll.u32 s5, $0x1;
	s5 =	sadd.s32 s21, s3  }
0x9d: {  	[timem:s7], [sflag:s22] =	dma.local [hbm:s5], s20  }
0x9e: {  	_ =	swait.ge [sflag:s22], s20  }
0x9f: {  	s4 =	ssub.s32 $0x0, s20;
	[sflag:s22] =	ssyncset.done $0x0  }
0xa0: {  	[sflag:s22] =	ssyncadd.s32 s4;
	_ =	sdelay $0x1  }
0xa1: {  	s23 =	simm.s32 $0x1B8B  }
0xa2: {  	_ =	swait.ge [sflag:s23], $0x1  }
0xa3: {  	[sflag:s23] =	ssyncset.done $0x0  }
0xa4: {  	s25 =	simm.s32 $0x1B8E;
	s24 =	sld [smem:$0x3FFE];
	[sflag:s23] =	ssyncadd.s32 $0xFFFFFFFF  }
0xa5: {  	s26 =	simm.s32 $execute0_lowered;
	[smem:$0x3FD2] =	sst s25  }
0xa6: {  	s5 =	sshll.u32 s26, $0x1;
	_ =	strace $0x80000055;
	[dreg:$0x1] =	wrdreg $0xFFFFFFFF  }
0xa7: {  	s28 =	simm.s32 $_size_execute0_lowered;
	s3 =	sadd.s32 s3, s5;
	[dreg:$0x0] =	wrdreg $0x0  }
0xa8: {  	s5 =	sshll.u32 s28, $0x1;
	[dreg:$0x2] =	wrdreg s3  }
0xa9: {  	[dreg:$0x3] =	wrdreg s5  }
0xaa: {  	[dreg:$0x4] =	wrdreg $0xC0  }
0xab: {  	_ =	task [dreg:s7], $0x5FFFF  }
0xac: {  	[dreg:$0x1] =	wrdreg $0xFFFFFFFF  }
0xad: {  	[dreg:$0x0] =	wrdreg $0x60  }
0xae: {  	[dreg:$0x2] =	wrdreg s24  }
0xaf: {  	[dreg:$0x3] =	wrdreg s2  }
0xb0: {  	[dreg:$0x4] =	wrdreg $0x9  }
0xb1: {  	_ =	task.clear_ibuf [dreg:s7], $0x5FFFF;
	_ =	strace $0x90000055  }
0xb2: {  	s29 =	simm.s32 $0x9;
	_ =	strace $0x80000057  }
0xb3: {  	_ =	swait.ge [sflag:s29], $0x1  }
0xb4: {  	[sflag:s29] =	ssyncadd.s32 $0xFFFFFFFF  }
0xb5: {  	_ =	strace $0x90000057  }
0xb6: {  	_ =	sfence  }
0xb7: {  	s30 =	sld [smem:$0x0];
	_ =	sdelay $0x2  }
0xb8: {  	s31 =	sshll.u32 s1, $0xD;
	s1 =	sshrl.u32 s1, $0x2  }
0xb9: {  	s3 =	sand.u32 $0x4000, s31;
	s1 =	sadd.s32 s1, s30  }
0xba: {  	s0 =	sor.u32 s3, s0;
	s1 =	sshll.u32 s1, $0x11  }
0xbb: {  	s0 =	sor.u32 s1, s0  }
0xbc: {  	s0 =	sadd.s32 $0x8F2B, s0  }
0xbd: {  	[sflag:s0] =	ssyncadd.remote.s32 $0x1  }
0xbe: {  	_ =	sfence.sel $0xFFFF  }
0xbf: {  	[dreg:$0x0] =	wrdreg $0xFFFFFFFF;
	(pc) =	sbr.abs _section_cstart, $3  }
0xc0: {  	[dreg:$0x1] =	wrdreg $0xFFFFFFFF  }
0xc1: {  	_ =	task.clear_ibuf [dreg:s7], $0x2FFFF;
	_ =	strace $0x9FFFFFFF  }
0xc2: {  	(tm) =	ssettm $0x7FFFFFFF  }
0xc3: {  	_ =	shalt  }
tec
execute0_lowered:
.L_overlay_start_1:
0x0: {  	(tag) =	ssettag $0x1  }
0x1: {  	s4 =	rddreg [dreg:$0x0];
	s0 =	stileid.u32  }
0x2: {  	s1 =	srdreg.scid;
	s6 =	rddreg [dreg:$0x1];
	s2 =	simm.s32 $0x0  }
0x3: {  	s11 =	simm.s32 $0x1880;
	s12 =	simm.s32 $0x2080;
	s5 =	smul.u32 $0x9C400, s0  }
0x4: {  	s13 =	simm.s32 $0x1;
	s3 =	sand.u32 $0x1, s1;
	s8 =	smul.u32 $0x4E20, s0  }
0x5: {  	s14 =	simm.s32 $0x0;
	s1 =	rddreg [dreg:$0x2];
	s7 =	smul.u32 $0x4E200, s3  }
0x6: {  	[smem:$0x7FF] =	sst s2;
	s9 =	ssub.s32 $0x2, s3;
	s10 =	smul.u32 $0x2710, s3  }
0x7: {  	s3 =	sadd.s32 $0xAE00, s4;
	s4 =	sadd.s32 s5, s4;
	s30 =	sshrl.u32 s9, $0x1  }
0x8: {  	_ =	strace $0x80000056;
	s5 =	ssub.s32 s9, s30;
	s7 =	sadd.s32 s7, s4  }
0x9: {  	v2 =	vlaneseq.u32;
	s8 =	sadd.s32 s10, s8;
	s9 =	simm.s32 $0x880;
	s10 =	simm.s32 $0x1080  }
0xa: {  	vm0 =	vmmov $0xffff;
	v1 =	vshrl.u32 v2, $0x3;
	s4 =	smax.u32 s5, $0x1;
	s5 =	sadd.s32 $0x500A00, s7;
	s31 =	sshrl.u32 s8, $0x3  }
0xb: {  	v0 =	vand.u32 $0x7, v2;
	v2 =	vor.u32 $0x8, v2;
	v1 =	vmul.u32 $0x8, v1;
	s7 =	simm.s32 $0x2;
	s8 =	simm.s32 $0x80;
	s6 =	sadd.s32 s31, s6  }
.LBB2_1:
0xc: {  	s15 =	smov.u32 s5;
	s16 =	simm.s32 $0x0  }
.LBB2_2:
0xd: {  	s17 =	sadd.s32 s16, s6  }
0xe: {  	[tilespmem:s2], [sflag:$0x2] =	stream.linear.gather [hbm4b:s17+s2], $0x28, $0x38;
	[tilespmem:$0x2880] =	vst v63  }
0xf: {  	_ =	swait.ge [sflag:s7], $0x28  }
0x10: {  	[sflag:s7] =	ssyncset.done $0x0  }
0x11: {  	[sflag:s7] =	ssyncadd.s32 $0xFFFFFFD8  }
0x12: {  	v3 =	vld [tilespmem:$0x0];
	_ =	sdelay $0x4  }
0x13: {  	v4 =	vshll.u32 v3, $0x1  }
0x14: {  	v3 =	vand.u32 $0x7, v3;
	v4 =	vand.u32 $0xFFFFFFF0, v4  }
0x15: {  	v3 =	vor.u32 v3, v4  }
0x16: {  	v4 =	vperm.xlane v3, v0;
	_ =	sdelay $0x1  }
0x17: {  	v3 =	vperm.xlane v3, v2;
	v4 =	vadd.s32 v1, v4;
	_ =	sdelay $0x1  }
0x18: {  	v3 =	vadd.s32 v1, v3;
	_ =	sdelay $0x2  }
0x19: {  	[tilespmem:s8], [sflag:$0x1] =	stream.indirect_vreg.gather [hbm4b:s3+s2], $0x80, v4, vm0, $0xb8;
	[tilespmem:$0x2880] =	vst v63  }
0x1a: {  	_ = 	snop  }
0x1b: {  	[tilespmem:s9], [sflag:$0x1] =	stream.indirect_vreg.gather [hbm4b:s3+s2], $0x80, v3, vm0, $0xb8;
	[tilespmem:$0x2880] =	vst v63  }
0x1c: {  	v3 =	vld [tilespmem:$0x10];
	_ =	sdelay $0x4  }
0x1d: {  	v62 =	vshll.u32 v3, $0x1  }
0x1e: {  	v3 =	vand.u32 $0x7, v3;
	v4 =	vand.u32 $0xFFFFFFF0, v62  }
0x1f: {  	v3 =	vor.u32 v3, v4  }
0x20: {  	v4 =	vperm.xlane v3, v0;
	_ =	sdelay $0x1  }
0x21: {  	v3 =	vperm.xlane v3, v2;
	v4 =	vadd.s32 v1, v4;
	_ =	sdelay $0x1  }
0x22: {  	v3 =	vadd.s32 v1, v3;
	_ =	sdelay $0x2  }
0x23: {  	[tilespmem:s10], [sflag:$0x1] =	stream.indirect_vreg.gather [hbm4b:s3+s2], $0x80, v4, vm0, $0xb8;
	[tilespmem:$0x2880] =	vst v63  }
0x24: {  	_ = 	snop  }
0x25: {  	[tilespmem:s11], [sflag:$0x1] =	stream.indirect_vreg.gather [hbm4b:s3+s2], $0x80, v3, vm0, $0xb8;
	[tilespmem:$0x2880] =	vst v63  }
0x26: {  	v3 =	vld.msk [tilespmem:$0x20], $0xff;
	_ =	sdelay $0x4  }
0x27: {  	v63 =	vshll.u32 v3, $0x1  }
0x28: {  	v3 =	vand.u32 $0x7, v3;
	v4 =	vand.u32 $0xFFFFFFF0, v63  }
0x29: {  	v3 =	vor.u32 v3, v4  }
0x2a: {  	v3 =	vperm.xlane v3, v0;
	_ =	sdelay $0x1  }
0x2b: {  	v3 =	vadd.s32 v1, v3;
	_ =	sdelay $0x4  }
0x2c: {  	[tilespmem:s12], [sflag:$0x1] =	stream.indirect_vreg.gather [hbm4b:s3+s2], $0x80, v3, vm0, $0xb8;
	[tilespmem:$0x2880] =	vst v63  }
0x2d: {  	_ =	swait.ge [sflag:s13], $0x2800  }
0x2e: {  	p0 =	sne.s32 s16, $0x4DD;
	[sflag:s13] =	ssyncset.done $0x0  }
.Ltmp0:
0x2f: {  	[sflag:s13] =	ssyncadd.s32 $0xFFFFD800;
	(pc) =	sbr.rel @p0 .LBB2_2-.Ltmp0, $4  }
0x30: {  	[hbm4b:s15+s2] =	stream.linear.scatter [tilespmem:s8], [sflag:$0x2], $0x2800, $0x38;
	[tilespmem:$0x2880] =	vst v63  }
0x31: {  	_ =	swait.ge [sflag:s7], $0x2800  }
0x32: {  	[sflag:s7] =	ssyncset.done $0x0  }
0x33: {  	s16 =	sadd.s32 $0x5, s16;
	s15 =	sadd.s32 $0x500, s15;
	[sflag:s7] =	ssyncadd.s32 $0xFFFFD800  }
0x34: {  	s14 =	sadd.s32 $0x1, s14  }
0x35: {  	p0 =	sne.s32 s14, s4  }
.Ltmp1:
0x36: {  	_ = 	snop;
	(pc) =	sbr.rel @p0 .LBB2_1-.Ltmp1, $1  }
0x37: {  	_ =	sdelay $0x3  }
0x38: {  	_ =	sfence.sel $0x180000  }
0x39: {  	[bflag:$0x0] =	sbarrier.arrive $0xFFFF  }
0x3a: {  	p0 =	sne.s32 s0, $0x0;
	_ =	strace $0x90000056  }
0x3b: {  	s0 =	sadd.s32 @!p0 $0x100000, s1;
	[bflag:$0x2] =	sbarrier.arrive $0xFFFF  }
0x3c: {  	[sflag:s0] =	ssyncadd.tile.s32 @!p0 $0x1;
	_ =	shalt  }
.Lfunc_end2:
_tile_overlayer_lowered:
.L_overlay_start_2:
0x3d: {  	(tag) =	ssettag $0x2  }
0x3e: {  	s0 =	rddreg [dreg:$0x0];
	s2 =	stileid.u32  }
0x3f: {  	s1 =	rddreg [dreg:$0x1];
	p0 =	sne.s32 s2, $0x0  }
0x40: {  	s3 =	rddreg [dreg:$0x2];
	[bflag:$0x3] =	sbarrier.arrive $0xFFFF;
	s2 =	simm.s32 @!p0 $0x1C02  }
0x41: {  	[timem:s3], [sflag:s2] =	dma.local @!p0 [hbm:s0], s1  }
0x42: {  	s0 =	simm.s32 @!p0 $0x2  }
0x43: {  	_ =	swait.ge @!p0 [sflag:s0], s1  }
0x44: {  	s1 =	ssub.s32 @!p0 $0x0, s1;
	[sflag:s0] =	ssyncset.done @!p0 $0x0  }
0x45: {  	[sflag:s0] =	ssyncadd.s32 @!p0 s1  }
0x46: {  	[bflag:$0x3] =	sbarrier.arrive $0xFFFF  }
0x47: {  	_ =	shalt  }

// kernel: kernel.5.cloned.1.call-start
scs
__scs_entry_jumppad:
0x0: {  	(pc) =	sbr.rel $0x88, $3  }
0x1: {  	(tag) =	ssettag $0x0;
	lr =	simm.s32 $0x1  }
0x2: {  	[smem:$0x3F93] =	sst lr;
	_ =	strace $0xD0000000  }
0x3: {  	_ = 	snop  }
0x4: {  	_ = 	snop  }
0x5: {  	_ = 	snop  }
0x6: {  	_ = 	snop  }
0x7: {  	_ = 	snop  }
__scs_overlays_trampoline_lowered:
0x8: {  	[smem:$0x3FA2] =	sst s0  }
0x9: {  	[smem:$0x3FA3] =	sst s1  }
0xa: {  	[smem:$0x3FA4] =	sst s2  }
0xb: {  	[smem:$0x3FA5] =	sst s3  }
0xc: {  	[smem:$0x3FA6] =	sst s4  }
0xd: {  	[smem:$0x3FA7] =	sst s5  }
0xe: {  	[smem:$0x3FA8] =	sst s6  }
0xf: {  	[smem:$0x3FA9] =	sst s7  }
0x10: {  	[smem:$0x3FAA] =	sst s8  }
0x11: {  	[smem:$0x3FAB] =	sst s9;
	s0 =	simm.s32 @!p0 $0x0  }
0x12: {  	s1 =	sld [smem:$0x3F91];
	s0 =	simm.s32 @p0 $0x1  }
0x13: {  	[smem:$0x3FAC] =	sst s0;
	s0 =	simm.s32 @!p1 $0x0  }
0x14: {  	s2 =	sld [smem:$0x3F90];
	s0 =	simm.s32 @p1 $0x1  }
0x15: {  	[smem:$0x3FAD] =	sst s0;
	s0 =	simm.s32 @!p2 $0x0  }
0x16: {  	s3 =	sld [smem:$0x3FDB];
	s0 =	simm.s32 @p2 $0x1  }
0x17: {  	s4 =	simm.s32 $0x1BF5;
	[smem:$0x3FAF] =	sst s0  }
0x18: {  	s0 =	sld [smem:$0x3F92];
	_ =	swait.ge [sflag:s4], $0x0  }
0x19: {  	s7 =	sld [smem:$0x3F93]  }
0x1a: {  	s8 =	sadd.s32 $0xFFFFE003, lr  }
0x1b: {  	s9 =	sadd.s32 $0xFFFFFEF7, lr;
	s5 =	simm.s32 $0xFFFFFFFF;
	p2 =	slt.u32 s8, $0xFFFFF086  }
0x1c: {  	p1 =	slt.u32 s9, $0xF7A;
	s5 =	simm.s32 @!p2 $0x0  }
0x1d: {  	s5 =	simm.s32 @p1 $0x1;
	p0 =	seq.s32 s7, s2  }
0x1e: {  	s7 =	smul.u32 @!p0 $0xF7A, s2;
	p2 =	seq.s32 @!p0 s5, $0x0  }
0x1f: {  	s9 =	smul.u32 $0xF7A, s1;
	s8 =	simm.s32 @!p0 $0x1BF5;
	p2 =	por !p2, p0  }
0x20: {  	[sflag:s8] =	ssyncset.s32 @!p0 $0xFFFFF086;
	s6 =	sadd.s32 @!p0 s3, s7;
	s7 =	simm.s32 @!p0 $0x108  }
0x21: {  	s3 =	sadd.s32 s3, s9;
	s6 =	sadd.s32 @!p0 $0x88, s6;
	s7 =	simm.s32 @p2 $0x1082  }
0x22: {  	[simem:s7], [sflag:s8] =	dma.local @!p0 [hbm:s6], $0xF7A  }
0x23: {  	s9 =	sor.u32 $0xD0000000, s2;
	s6 =	simm.s32 $0x108;
	_ =	swait.ge @!p0 [sflag:s8], $0x0  }
0x24: {  	s3 =	sadd.s32 $0x88, s3;
	s6 =	simm.s32 @!p1 $0x1082;
	[sflag:s4] =	ssyncset.s32 $0xFFFFF086  }
0x25: {  	[simem:s6], [sflag:s4] =	dma.local [hbm:s3], $0xF7A  }
0x26: {  	[smem:$0x3F93] =	sst s1;
	(tag) =	ssettag s2;
	_ =	strace s9  }
0x27: {  	s1 =	sld [smem:$0x3FA3]  }
0x28: {  	s2 =	sld [smem:$0x3FA4]  }
0x29: {  	s4 =	sld [smem:$0x3FA6]  }
0x2a: {  	p0 =	seq.s32 s5, $0x0;
	s5 =	sld [smem:$0x3FA7]  }
0x2b: {  	s6 =	sld [smem:$0x3FA8]  }
0x2c: {  	s7 =	sld [smem:$0x3FA9]  }
0x2d: {  	s3 =	simm.s32 $0x108;
	s8 =	sld [smem:$0x3FAA]  }
0x2e: {  	s3 =	simm.s32 @!p0 $0x1082;
	s9 =	sld [smem:$0x3FAB]  }
0x2f: {  	lr =	sadd.s32 s0, s3;
	s0 =	sld [smem:$0x3FA2]  }
0x30: {  	s3 =	sld [smem:$0x3FA5]  }
0x31: {  	[smem:$0x3FAE] =	sst s10  }
0x32: {  	s10 =	sld [smem:$0x3FAC];
	_ =	sdelay $0x3  }
0x33: {  	p0 =	seq.s32 s10, $0x1;
	s10 =	sld [smem:$0x3FAE];
	_ =	sdelay $0x3  }
0x34: {  	[smem:$0x3FAE] =	sst s10  }
0x35: {  	s10 =	sld [smem:$0x3FAD];
	_ =	sdelay $0x3  }
0x36: {  	p1 =	seq.s32 s10, $0x1;
	s10 =	sld [smem:$0x3FAE];
	_ =	sdelay $0x3  }
0x37: {  	[smem:$0x3FAE] =	sst s10  }
0x38: {  	s10 =	sld [smem:$0x3FAF]  }
0x39: {  	_ = 	snop;
	(pc) =	sbr.ind lr, $3  }
0x3a: {  	_ = 	snop  }
0x3b: {  	_ = 	snop  }
0x3c: {  	p2 =	seq.s32 s10, $0x1;
	s10 =	sld [smem:$0x3FAE]  }
0x3d: {  	_ =	shalt  }
0x3e: {  	_ =	shalt  }
0x3f: {  	_ =	shalt  }
0x40: {  	_ =	shalt  }
0x41: {  	_ =	shalt  }
0x42: {  	_ =	shalt  }
0x43: {  	_ =	shalt  }
0x44: {  	_ =	shalt  }
0x45: {  	_ =	shalt  }
0x46: {  	_ =	shalt  }
0x47: {  	_ =	shalt  }
0x48: {  	_ =	shalt  }
0x49: {  	_ =	shalt  }
0x4a: {  	_ =	shalt  }
0x4b: {  	_ =	shalt  }
0x4c: {  	_ =	shalt  }
0x4d: {  	_ =	shalt  }
0x4e: {  	_ =	shalt  }
0x4f: {  	_ =	shalt  }
0x50: {  	_ =	shalt  }
0x51: {  	_ =	shalt  }
0x52: {  	_ =	shalt  }
0x53: {  	_ =	shalt  }
0x54: {  	_ =	shalt  }
0x55: {  	_ =	shalt  }
0x56: {  	_ =	shalt  }
0x57: {  	_ =	shalt  }
0x58: {  	_ =	shalt  }
0x59: {  	_ =	shalt  }
0x5a: {  	_ =	shalt  }
0x5b: {  	_ =	shalt  }
0x5c: {  	_ =	shalt  }
0x5d: {  	_ =	shalt  }
0x5e: {  	_ =	shalt  }
0x5f: {  	_ =	shalt  }
0x60: {  	_ =	shalt  }
0x61: {  	_ =	shalt  }
0x62: {  	_ =	shalt  }
0x63: {  	_ =	shalt  }
0x64: {  	_ =	shalt  }
0x65: {  	_ =	shalt  }
0x66: {  	_ =	shalt  }
0x67: {  	_ =	shalt  }
0x68: {  	_ =	shalt  }
0x69: {  	_ =	shalt  }
0x6a: {  	_ =	shalt  }
0x6b: {  	_ =	shalt  }
0x6c: {  	_ =	shalt  }
0x6d: {  	_ =	shalt  }
0x6e: {  	_ =	shalt  }
0x6f: {  	_ =	shalt  }
0x70: {  	_ =	shalt  }
0x71: {  	_ =	shalt  }
0x72: {  	_ =	shalt  }
0x73: {  	_ =	shalt  }
0x74: {  	_ =	shalt  }
0x75: {  	_ =	shalt  }
0x76: {  	_ =	shalt  }
0x77: {  	_ =	shalt  }
0x78: {  	_ =	shalt  }
0x79: {  	_ =	shalt  }
0x7a: {  	_ =	shalt  }
0x7b: {  	_ =	shalt  }
0x7c: {  	_ =	shalt  }
0x7d: {  	_ =	shalt  }
0x7e: {  	_ =	shalt  }
0x7f: {  	_ =	shalt  }
0x80: {  	_ =	shalt  }
0x81: {  	_ =	shalt  }
0x82: {  	_ =	shalt  }
0x83: {  	_ =	shalt  }
0x84: {  	_ =	shalt  }
0x85: {  	_ =	shalt  }
0x86: {  	_ =	shalt  }
0x87: {  	_ =	shalt  }
.Lfunc_end0:
.L_simem_size_0:
called_computation.5_lowered:
.L_overlay_start_0:
0x88: {  	s2 =	sld [smem:$0x3FD9]  }
0x89: {  	s3 =	sld [smem:$0x3FFE];
	_ =	sdelay $0x1  }
0x8a: {  	s1 =	srdreg.scid  }
0x8b: {  	s0 =	sand.u32 $0x1, s1  }
0x8c: {  	s17 =	sshll.u32 s0, $0xA;
	s2 =	sadd.s32 s3, s2  }
0x8d: {  	s2 =	sadd.s32 s2, s17  }
0x8e: {  	[smem:$0x3FBA] =	sst s2  }
0x8f: {  	_ = 	snop  }
0x90: {  	s2 =	sld [smem:$0x3FC9]  }
0x91: {  	s18 =	sld [smem:$0x3FD0];
	(tm) =	ssettm $0x1  }
0x92: {  	s4 =	sld [smem:$0x3FFB];
	_ =	sdelay $0x3  }
0x93: {  	_ =	strace s4  }
0x94: {  	s4 =	sld [smem:$0x3FFC];
	_ =	sdelay $0x3  }
0x95: {  	_ =	strace s4  }
0x96: {  	s4 =	sld [smem:$0x3FFD];
	_ =	sdelay $0x3  }
0x97: {  	_ =	strace s4  }
0x98: {  	_ =	strace $0x8FFFFFFF  }
0x99: {  	s19 =	sld [smem:$0x3FDB];
	_ =	sdelay $0x1  }
0x9a: {  	s5 =	simm.s32 $_scs_section_size  }
0x9b: {  	s6 =	simm.s32 $_size__tile_overlayer_lowered;
	s7 =	simm.s32 $_tile_overlayer_lowered  }
0x9c: {  	s22 =	simm.s32 $0x1BFF;
	s21 =	sshll.u32 s7, $0x1;
	s4 =	sadd.s32 s5, s19  }
0x9d: {  	s8 =	simm.s32 $0x0;
	s20 =	sshll.u32 s6, $0x1;
	s6 =	sadd.s32 s21, s4  }
0x9e: {  	[timem:s8], [sflag:s22] =	dma.local [hbm:s6], s20  }
0x9f: {  	_ =	swait.ge [sflag:s22], s20  }
0xa0: {  	s5 =	ssub.s32 $0x0, s20;
	[sflag:s22] =	ssyncset.done $0x0  }
0xa1: {  	[sflag:s22] =	ssyncadd.s32 s5;
	_ =	sdelay $0x1  }
0xa2: {  	s23 =	simm.s32 $0x1B8B  }
0xa3: {  	_ =	swait.ge [sflag:s23], $0x1  }
0xa4: {  	[sflag:s23] =	ssyncset.done $0x0  }
0xa5: {  	s25 =	simm.s32 $0x1B8E;
	s24 =	sld [smem:$0x3FFE];
	[sflag:s23] =	ssyncadd.s32 $0xFFFFFFFF  }
0xa6: {  	s26 =	simm.s32 $execute0_lowered;
	[smem:$0x3FD2] =	sst s25  }
0xa7: {  	s6 =	sshll.u32 s26, $0x1;
	_ =	strace $0x80000046;
	[dreg:$0x1] =	wrdreg $0xFFFFFFFF  }
0xa8: {  	s28 =	simm.s32 $_size_execute0_lowered;
	s4 =	sadd.s32 s4, s6;
	[dreg:$0x0] =	wrdreg $0x0  }
0xa9: {  	s6 =	sshll.u32 s28, $0x1;
	[dreg:$0x2] =	wrdreg s4  }
0xaa: {  	[dreg:$0x3] =	wrdreg s6  }
0xab: {  	[dreg:$0x4] =	wrdreg $0xC0  }
0xac: {  	_ =	task [dreg:s8], $0x5FFFF  }
0xad: {  	[dreg:$0x1] =	wrdreg $0xFFFFFFFF  }
0xae: {  	[dreg:$0x0] =	wrdreg $0x60  }
0xaf: {  	[dreg:$0x2] =	wrdreg s2  }
0xb0: {  	[dreg:$0x3] =	wrdreg s18  }
0xb1: {  	[dreg:$0x4] =	wrdreg s24  }
0xb2: {  	[dreg:$0x5] =	wrdreg $0xA  }
0xb3: {  	_ =	task.clear_ibuf [dreg:s8], $0x6FFFF;
	_ =	strace $0x90000046  }
0xb4: {  	s29 =	simm.s32 $0xA;
	_ =	strace $0x80000048  }
0xb5: {  	_ =	swait.ge [sflag:s29], $0x1  }
0xb6: {  	[sflag:s29] =	ssyncadd.s32 $0xFFFFFFFF  }
0xb7: {  	_ =	strace $0x90000048  }
0xb8: {  	_ =	sfence  }
0xb9: {  	s30 =	sld [smem:$0x0];
	_ =	sdelay $0x2  }
0xba: {  	s31 =	sshll.u32 s1, $0xD;
	s1 =	sshrl.u32 s1, $0x2  }
0xbb: {  	s3 =	sand.u32 $0x4000, s31;
	s1 =	sadd.s32 s1, s30  }
0xbc: {  	s0 =	sor.u32 s3, s0;
	s1 =	sshll.u32 s1, $0x11  }
0xbd: {  	s0 =	sor.u32 s1, s0  }
0xbe: {  	s0 =	sadd.s32 $0x8F2B, s0  }
0xbf: {  	[sflag:s0] =	ssyncadd.remote.s32 $0x1  }
0xc0: {  	_ =	sfence.sel $0xFFFF  }
0xc1: {  	[dreg:$0x0] =	wrdreg $0xFFFFFFFF;
	(pc) =	sbr.abs _section_cstart, $3  }
0xc2: {  	[dreg:$0x1] =	wrdreg $0xFFFFFFFF  }
0xc3: {  	_ =	task.clear_ibuf [dreg:s8], $0x2FFFF;
	_ =	strace $0x9FFFFFFF  }
0xc4: {  	(tm) =	ssettm $0x7FFFFFFF  }
0xc5: {  	_ =	shalt  }
tec
execute0_lowered:
.L_overlay_start_1:
0x0: {  	(tag) =	ssettag $0x1  }
0x1: {  	s1 =	rddreg [dreg:$0x0]  }
0x2: {  	s0 =	stileid.u32;
	s6 =	rddreg [dreg:$0x1]  }
0x3: {  	s2 =	srdreg.scid;
	s7 =	rddreg [dreg:$0x2]  }
0x4: {  	s3 =	simm.s32 $0x0;
	s11 =	simm.s32 $0x0;
	s4 =	smul.u32 $0x4E200, s0  }
0x5: {  	s5 =	sand.u32 $0x1, s2;
	s2 =	rddreg [dreg:$0x3];
	s9 =	smul.u32 $0x4E20, s0  }
0x6: {  	[smem:$0x7FF] =	sst s3;
	s8 =	smul.u32 $0x27100, s5;
	s10 =	ssub.s32 $0x2, s5  }
0x7: {  	s5 =	smul.u32 $0x2710, s5;
	s4 =	sadd.s32 s4, s7;
	s30 =	sshrl.u32 s10, $0x1  }
0x8: {  	_ =	strace $0x80000047;
	s7 =	ssub.s32 s10, s30;
	s8 =	sadd.s32 s8, s4  }
0x9: {  	s9 =	sadd.s32 s5, s9;
	s10 =	simm.s32 $0x1;
	s4 =	smax.u32 s7, $0x1  }
0xa: {  	s5 =	sadd.s32 $0xAE00, s8;
	s31 =	sshrl.u32 s9, $0x3;
	s7 =	simm.s32 $0x2  }
0xb: {  	s8 =	simm.s32 $0x28;
	s9 =	simm.s32 $0x80;
	s6 =	sadd.s32 s31, s6  }
.LBB2_1:
0xc: {  	s12 =	sadd.s32 $0x0, s6  }
0xd: {  	[tilespmem:s3], [sflag:$0x2] =	stream.linear.gather [hbm4b:s12+s3], $0x28, $0x38;
	[tilespmem:$0x1480] =	vst v63  }
0xe: {  	_ =	swait.ge [sflag:s7], $0x28  }
0xf: {  	[sflag:s7] =	ssyncset.done $0x0  }
0x10: {  	[sflag:s7] =	ssyncadd.s32 $0xFFFFFFD8  }
0x11: {  	[tilespmem:s9], [sflag:$0x1] =	stream.indirect.gather [hbm4b:s1+s8], $0x80, s3, s8, $0xb8;
	[tilespmem:$0x1480] =	vst v63  }
0x12: {  	_ =	swait.ge [sflag:s10], $0x1400  }
0x13: {  	[sflag:s10] =	ssyncset.done $0x0  }
0x14: {  	[sflag:s10] =	ssyncadd.s32 $0xFFFFEC00  }
0x15: {  	[hbm4b:s5+s3] =	stream.linear.scatter [tilespmem:s9], [sflag:$0x2], $0x1400, $0x38;
	[tilespmem:$0x1480] =	vst v63  }
0x16: {  	s13 =	simm.s32 $0x5;
	_ =	swait.ge [sflag:s7], $0x1400  }
0x17: {  	s14 =	simm.s32 $0xA;
	s12 =	sadd.s32 $0x280, s5;
	[sflag:s7] =	ssyncset.done $0x0  }
.LBB2_2:
0x18: {  	s15 =	sadd.s32 s13, s6  }
0x19: {  	[sflag:s7] =	ssyncadd.s32 $0xFFFFEC00;
	s13 =	smov.u32 s14;
	s16 =	sadd.s32 $0x5, s14  }
0x1a: {  	[tilespmem:s3], [sflag:$0x2] =	stream.linear.gather [hbm4b:s15+s3], $0x28, $0x38;
	[tilespmem:$0x1480] =	vst v63  }
0x1b: {  	p0 =	sne.s32 s14, $0x4DD;
	_ =	swait.ge [sflag:s7], $0x28  }
0x1c: {  	[sflag:s7] =	ssyncset.done $0x0  }
0x1d: {  	[sflag:s7] =	ssyncadd.s32 $0xFFFFFFD8  }
0x1e: {  	[tilespmem:s9], [sflag:$0x1] =	stream.indirect.gather [hbm4b:s1+s8], $0x80, s3, s8, $0xb8;
	[tilespmem:$0x1480] =	vst v63  }
0x1f: {  	_ =	swait.ge [sflag:s10], $0x1400  }
.Ltmp0:
0x20: {  	[sflag:s10] =	ssyncset.done $0x0;
	(pc) =	sbr.rel @p0 .LBB2_2-.Ltmp0, $4  }
0x21: {  	[sflag:s10] =	ssyncadd.s32 $0xFFFFEC00  }
0x22: {  	[hbm4b:s12+s3] =	stream.linear.scatter [tilespmem:s9], [sflag:$0x2], $0x1400, $0x38;
	[tilespmem:$0x1480] =	vst v63  }
0x23: {  	_ =	swait.ge [sflag:s7], $0x1400  }
0x24: {  	s14 =	smov.u32 s16;
	s12 =	sadd.s32 $0x280, s12;
	[sflag:s7] =	ssyncset.done $0x0  }
0x25: {  	s13 =	sadd.s32 s13, s6;
	[sflag:s7] =	ssyncadd.s32 $0xFFFFEC00  }
0x26: {  	[tilespmem:s3], [sflag:$0x2] =	stream.linear.gather [hbm4b:s13+s3], $0x28, $0x38;
	[tilespmem:$0x1480] =	vst v63  }
0x27: {  	_ =	swait.ge [sflag:s7], $0x28  }
0x28: {  	[sflag:s7] =	ssyncset.done $0x0  }
0x29: {  	[sflag:s7] =	ssyncadd.s32 $0xFFFFFFD8  }
0x2a: {  	[tilespmem:s9], [sflag:$0x1] =	stream.indirect.gather [hbm4b:s1+s8], $0x80, s3, s8, $0xb8;
	[tilespmem:$0x1480] =	vst v63  }
0x2b: {  	s11 =	sadd.s32 $0x1, s11;
	_ =	swait.ge [sflag:s10], $0x1400  }
0x2c: {  	p0 =	sne.s32 s11, s4;
	[sflag:s10] =	ssyncset.done $0x0  }
.Ltmp1:
0x2d: {  	[sflag:s10] =	ssyncadd.s32 $0xFFFFEC00;
	(pc) =	sbr.rel @p0 .LBB2_1-.Ltmp1, $4  }
0x2e: {  	[hbm4b:s12+s3] =	stream.linear.scatter [tilespmem:s9], [sflag:$0x2], $0x1400, $0x38;
	[tilespmem:$0x1480] =	vst v63  }
0x2f: {  	_ =	swait.ge [sflag:s7], $0x1400  }
0x30: {  	[sflag:s7] =	ssyncset.done $0x0  }
0x31: {  	[sflag:s7] =	ssyncadd.s32 $0xFFFFEC00  }
0x32: {  	_ =	sfence.sel $0x180000  }
0x33: {  	[bflag:$0x0] =	sbarrier.arrive $0xFFFF  }
0x34: {  	p0 =	sne.s32 s0, $0x0;
	_ =	strace $0x90000047  }
0x35: {  	s0 =	sadd.s32 @!p0 $0x100000, s2;
	[bflag:$0x2] =	sbarrier.arrive $0xFFFF  }
0x36: {  	[sflag:s0] =	ssyncadd.tile.s32 @!p0 $0x1;
	_ =	shalt  }
.Lfunc_end2:
_tile_overlayer_lowered:
.L_overlay_start_2:
0x37: {  	(tag) =	ssettag $0x2  }
0x38: {  	s0 =	rddreg [dreg:$0x0];
	s2 =	stileid.u32  }
0x39: {  	s1 =	rddreg [dreg:$0x1];
	p0 =	sne.s32 s2, $0x0  }
0x3a: {  	s3 =	rddreg [dreg:$0x2];
	[bflag:$0x3] =	sbarrier.arrive $0xFFFF;
	s2 =	simm.s32 @!p0 $0x1C02  }
0x3b: {  	[timem:s3], [sflag:s2] =	dma.local @!p0 [hbm:s0], s1  }
0x3c: {  	s0 =	simm.s32 @!p0 $0x2  }
0x3d: {  	_ =	swait.ge @!p0 [sflag:s0], s1  }
0x3e: {  	s1 =	ssub.s32 @!p0 $0x0, s1;
	[sflag:s0] =	ssyncset.done @!p0 $0x0  }
0x3f: {  	[sflag:s0] =	ssyncadd.s32 @!p0 s1  }
0x40: {  	[bflag:$0x3] =	sbarrier.arrive $0xFFFF  }
0x41: {  	_ =	shalt  }

// kernel: kernel.8.cloned.1.call-start
scs
__scs_entry_jumppad:
0x0: {  	(pc) =	sbr.rel $0x88, $3  }
0x1: {  	(tag) =	ssettag $0x0;
	lr =	simm.s32 $0x1  }
0x2: {  	[smem:$0x3F93] =	sst lr;
	_ =	strace $0xD0000000  }
0x3: {  	_ = 	snop  }
0x4: {  	_ = 	snop  }
0x5: {  	_ = 	snop  }
0x6: {  	_ = 	snop  }
0x7: {  	_ = 	snop  }
__scs_overlays_trampoline_lowered:
0x8: {  	[smem:$0x3FA2] =	sst s0  }
0x9: {  	[smem:$0x3FA3] =	sst s1  }
0xa: {  	[smem:$0x3FA4] =	sst s2  }
0xb: {  	[smem:$0x3FA5] =	sst s3  }
0xc: {  	[smem:$0x3FA6] =	sst s4  }
0xd: {  	[smem:$0x3FA7] =	sst s5  }
0xe: {  	[smem:$0x3FA8] =	sst s6  }
0xf: {  	[smem:$0x3FA9] =	sst s7  }
0x10: {  	[smem:$0x3FAA] =	sst s8  }
0x11: {  	[smem:$0x3FAB] =	sst s9;
	s0 =	simm.s32 @!p0 $0x0  }
0x12: {  	s1 =	sld [smem:$0x3F91];
	s0 =	simm.s32 @p0 $0x1  }
0x13: {  	[smem:$0x3FAC] =	sst s0;
	s0 =	simm.s32 @!p1 $0x0  }
0x14: {  	s2 =	sld [smem:$0x3F90];
	s0 =	simm.s32 @p1 $0x1  }
0x15: {  	[smem:$0x3FAD] =	sst s0;
	s0 =	simm.s32 @!p2 $0x0  }
0x16: {  	s3 =	sld [smem:$0x3FDB];
	s0 =	simm.s32 @p2 $0x1  }
0x17: {  	s4 =	simm.s32 $0x1BF5;
	[smem:$0x3FAF] =	sst s0  }
0x18: {  	s0 =	sld [smem:$0x3F92];
	_ =	swait.ge [sflag:s4], $0x0  }
0x19: {  	s7 =	sld [smem:$0x3F93]  }
0x1a: {  	s8 =	sadd.s32 $0xFFFFE003, lr  }
0x1b: {  	s9 =	sadd.s32 $0xFFFFFEF7, lr;
	s5 =	simm.s32 $0xFFFFFFFF;
	p2 =	slt.u32 s8, $0xFFFFF086  }
0x1c: {  	p1 =	slt.u32 s9, $0xF7A;
	s5 =	simm.s32 @!p2 $0x0  }
0x1d: {  	s5 =	simm.s32 @p1 $0x1;
	p0 =	seq.s32 s7, s2  }
0x1e: {  	s7 =	smul.u32 @!p0 $0xF7A, s2;
	p2 =	seq.s32 @!p0 s5, $0x0  }
0x1f: {  	s9 =	smul.u32 $0xF7A, s1;
	s8 =	simm.s32 @!p0 $0x1BF5;
	p2 =	por !p2, p0  }
0x20: {  	[sflag:s8] =	ssyncset.s32 @!p0 $0xFFFFF086;
	s6 =	sadd.s32 @!p0 s3, s7;
	s7 =	simm.s32 @!p0 $0x108  }
0x21: {  	s3 =	sadd.s32 s3, s9;
	s6 =	sadd.s32 @!p0 $0x88, s6;
	s7 =	simm.s32 @p2 $0x1082  }
0x22: {  	[simem:s7], [sflag:s8] =	dma.local @!p0 [hbm:s6], $0xF7A  }
0x23: {  	s9 =	sor.u32 $0xD0000000, s2;
	s6 =	simm.s32 $0x108;
	_ =	swait.ge @!p0 [sflag:s8], $0x0  }
0x24: {  	s3 =	sadd.s32 $0x88, s3;
	s6 =	simm.s32 @!p1 $0x1082;
	[sflag:s4] =	ssyncset.s32 $0xFFFFF086  }
0x25: {  	[simem:s6], [sflag:s4] =	dma.local [hbm:s3], $0xF7A  }
0x26: {  	[smem:$0x3F93] =	sst s1;
	(tag) =	ssettag s2;
	_ =	strace s9  }
0x27: {  	s1 =	sld [smem:$0x3FA3]  }
0x28: {  	s2 =	sld [smem:$0x3FA4]  }
0x29: {  	s4 =	sld [smem:$0x3FA6]  }
0x2a: {  	p0 =	seq.s32 s5, $0x0;
	s5 =	sld [smem:$0x3FA7]  }
0x2b: {  	s6 =	sld [smem:$0x3FA8]  }
0x2c: {  	s7 =	sld [smem:$0x3FA9]  }
0x2d: {  	s3 =	simm.s32 $0x108;
	s8 =	sld [smem:$0x3FAA]  }
0x2e: {  	s3 =	simm.s32 @!p0 $0x1082;
	s9 =	sld [smem:$0x3FAB]  }
0x2f: {  	lr =	sadd.s32 s0, s3;
	s0 =	sld [smem:$0x3FA2]  }
0x30: {  	s3 =	sld [smem:$0x3FA5]  }
0x31: {  	[smem:$0x3FAE] =	sst s10  }
0x32: {  	s10 =	sld [smem:$0x3FAC];
	_ =	sdelay $0x3  }
0x33: {  	p0 =	seq.s32 s10, $0x1;
	s10 =	sld [smem:$0x3FAE];
	_ =	sdelay $0x3  }
0x34: {  	[smem:$0x3FAE] =	sst s10  }
0x35: {  	s10 =	sld [smem:$0x3FAD];
	_ =	sdelay $0x3  }
0x36: {  	p1 =	seq.s32 s10, $0x1;
	s10 =	sld [smem:$0x3FAE];
	_ =	sdelay $0x3  }
0x37: {  	[smem:$0x3FAE] =	sst s10  }
0x38: {  	s10 =	sld [smem:$0x3FAF]  }
0x39: {  	_ = 	snop;
	(pc) =	sbr.ind lr, $3  }
0x3a: {  	_ = 	snop  }
0x3b: {  	_ = 	snop  }
0x3c: {  	p2 =	seq.s32 s10, $0x1;
	s10 =	sld [smem:$0x3FAE]  }
0x3d: {  	_ =	shalt  }
0x3e: {  	_ =	shalt  }
0x3f: {  	_ =	shalt  }
0x40: {  	_ =	shalt  }
0x41: {  	_ =	shalt  }
0x42: {  	_ =	shalt  }
0x43: {  	_ =	shalt  }
0x44: {  	_ =	shalt  }
0x45: {  	_ =	shalt  }
0x46: {  	_ =	shalt  }
0x47: {  	_ =	shalt  }
0x48: {  	_ =	shalt  }
0x49: {  	_ =	shalt  }
0x4a: {  	_ =	shalt  }
0x4b: {  	_ =	shalt  }
0x4c: {  	_ =	shalt  }
0x4d: {  	_ =	shalt  }
0x4e: {  	_ =	shalt  }
0x4f: {  	_ =	shalt  }
0x50: {  	_ =	shalt  }
0x51: {  	_ =	shalt  }
0x52: {  	_ =	shalt  }
0x53: {  	_ =	shalt  }
0x54: {  	_ =	shalt  }
0x55: {  	_ =	shalt  }
0x56: {  	_ =	shalt  }
0x57: {  	_ =	shalt  }
0x58: {  	_ =	shalt  }
0x59: {  	_ =	shalt  }
0x5a: {  	_ =	shalt  }
0x5b: {  	_ =	shalt  }
0x5c: {  	_ =	shalt  }
0x5d: {  	_ =	shalt  }
0x5e: {  	_ =	shalt  }
0x5f: {  	_ =	shalt  }
0x60: {  	_ =	shalt  }
0x61: {  	_ =	shalt  }
0x62: {  	_ =	shalt  }
0x63: {  	_ =	shalt  }
0x64: {  	_ =	shalt  }
0x65: {  	_ =	shalt  }
0x66: {  	_ =	shalt  }
0x67: {  	_ =	shalt  }
0x68: {  	_ =	shalt  }
0x69: {  	_ =	shalt  }
0x6a: {  	_ =	shalt  }
0x6b: {  	_ =	shalt  }
0x6c: {  	_ =	shalt  }
0x6d: {  	_ =	shalt  }
0x6e: {  	_ =	shalt  }
0x6f: {  	_ =	shalt  }
0x70: {  	_ =	shalt  }
0x71: {  	_ =	shalt  }
0x72: {  	_ =	shalt  }
0x73: {  	_ =	shalt  }
0x74: {  	_ =	shalt  }
0x75: {  	_ =	shalt  }
0x76: {  	_ =	shalt  }
0x77: {  	_ =	shalt  }
0x78: {  	_ =	shalt  }
0x79: {  	_ =	shalt  }
0x7a: {  	_ =	shalt  }
0x7b: {  	_ =	shalt  }
0x7c: {  	_ =	shalt  }
0x7d: {  	_ =	shalt  }
0x7e: {  	_ =	shalt  }
0x7f: {  	_ =	shalt  }
0x80: {  	_ =	shalt  }
0x81: {  	_ =	shalt  }
0x82: {  	_ =	shalt  }
0x83: {  	_ =	shalt  }
0x84: {  	_ =	shalt  }
0x85: {  	_ =	shalt  }
0x86: {  	_ =	shalt  }
0x87: {  	_ =	shalt  }
.Lfunc_end0:
.L_simem_size_0:
called_computation.6_lowered:
.L_overlay_start_0:
0x88: {  	s2 =	sld [smem:$0x3FD9]  }
0x89: {  	s3 =	sld [smem:$0x3FFE];
	_ =	sdelay $0x1  }
0x8a: {  	s1 =	srdreg.scid  }
0x8b: {  	s0 =	sand.u32 $0x1, s1  }
0x8c: {  	s17 =	sshll.u32 s0, $0xA;
	s2 =	sadd.s32 s3, s2  }
0x8d: {  	s2 =	sadd.s32 s2, s17  }
0x8e: {  	[smem:$0x3FBA] =	sst s2  }
0x8f: {  	_ = 	snop  }
0x90: {  	s2 =	sld [smem:$0x3FD0];
	(tm) =	ssettm $0x1  }
0x91: {  	s18 =	sld [smem:$0x3FFB];
	_ =	sdelay $0x3  }
0x92: {  	_ =	strace s18  }
0x93: {  	s3 =	sld [smem:$0x3FFC];
	_ =	sdelay $0x3  }
0x94: {  	_ =	strace s3  }
0x95: {  	s3 =	sld [smem:$0x3FFD];
	_ =	sdelay $0x3  }
0x96: {  	_ =	strace s3  }
0x97: {  	_ =	strace $0x8FFFFFFF  }
0x98: {  	s19 =	sld [smem:$0x3FDB];
	_ =	sdelay $0x1  }
0x99: {  	s4 =	simm.s32 $_scs_section_size  }
0x9a: {  	s5 =	simm.s32 $_size__tile_overlayer_lowered;
	s6 =	simm.s32 $_tile_overlayer_lowered  }
0x9b: {  	s22 =	simm.s32 $0x1BFF;
	s21 =	sshll.u32 s6, $0x1;
	s3 =	sadd.s32 s4, s19  }
0x9c: {  	s7 =	simm.s32 $0x0;
	s20 =	sshll.u32 s5, $0x1;
	s5 =	sadd.s32 s21, s3  }
0x9d: {  	[timem:s7], [sflag:s22] =	dma.local [hbm:s5], s20  }
0x9e: {  	_ =	swait.ge [sflag:s22], s20  }
0x9f: {  	s4 =	ssub.s32 $0x0, s20;
	[sflag:s22] =	ssyncset.done $0x0  }
0xa0: {  	[sflag:s22] =	ssyncadd.s32 s4;
	_ =	sdelay $0x1  }
0xa1: {  	s23 =	simm.s32 $0x1B8B  }
0xa2: {  	_ =	swait.ge [sflag:s23], $0x1  }
0xa3: {  	[sflag:s23] =	ssyncset.done $0x0  }
0xa4: {  	s25 =	simm.s32 $0x1B8E;
	s24 =	sld [smem:$0x3FFE];
	[sflag:s23] =	ssyncadd.s32 $0xFFFFFFFF  }
0xa5: {  	s26 =	simm.s32 $execute0_lowered;
	[smem:$0x3FD2] =	sst s25  }
0xa6: {  	s5 =	sshll.u32 s26, $0x1;
	_ =	strace $0x8000004F;
	[dreg:$0x1] =	wrdreg $0xFFFFFFFF  }
0xa7: {  	s28 =	simm.s32 $_size_execute0_lowered;
	s3 =	sadd.s32 s3, s5;
	[dreg:$0x0] =	wrdreg $0x0  }
0xa8: {  	s5 =	sshll.u32 s28, $0x1;
	[dreg:$0x2] =	wrdreg s3  }
0xa9: {  	[dreg:$0x3] =	wrdreg s5  }
0xaa: {  	[dreg:$0x4] =	wrdreg $0xC0  }
0xab: {  	_ =	task [dreg:s7], $0x5FFFF  }
0xac: {  	[dreg:$0x1] =	wrdreg $0xFFFFFFFF  }
0xad: {  	[dreg:$0x0] =	wrdreg $0x60  }
0xae: {  	[dreg:$0x2] =	wrdreg s24  }
0xaf: {  	[dreg:$0x3] =	wrdreg s2  }
0xb0: {  	[dreg:$0x4] =	wrdreg $0x9  }
0xb1: {  	_ =	task.clear_ibuf [dreg:s7], $0x5FFFF;
	_ =	strace $0x9000004F  }
0xb2: {  	s29 =	simm.s32 $0x9;
	_ =	strace $0x80000051  }
0xb3: {  	_ =	swait.ge [sflag:s29], $0x1  }
0xb4: {  	[sflag:s29] =	ssyncadd.s32 $0xFFFFFFFF  }
0xb5: {  	_ =	strace $0x90000051  }
0xb6: {  	_ =	sfence  }
0xb7: {  	s30 =	sld [smem:$0x0];
	_ =	sdelay $0x2  }
0xb8: {  	s31 =	sshll.u32 s1, $0xD;
	s1 =	sshrl.u32 s1, $0x2  }
0xb9: {  	s3 =	sand.u32 $0x4000, s31;
	s1 =	sadd.s32 s1, s30  }
0xba: {  	s0 =	sor.u32 s3, s0;
	s1 =	sshll.u32 s1, $0x11  }
0xbb: {  	s0 =	sor.u32 s1, s0  }
0xbc: {  	s0 =	sadd.s32 $0x8F2B, s0  }
0xbd: {  	[sflag:s0] =	ssyncadd.remote.s32 $0x1  }
0xbe: {  	_ =	sfence.sel $0xFFFF  }
0xbf: {  	[dreg:$0x0] =	wrdreg $0xFFFFFFFF;
	(pc) =	sbr.abs _section_cstart, $3  }
0xc0: {  	[dreg:$0x1] =	wrdreg $0xFFFFFFFF  }
0xc1: {  	_ =	task.clear_ibuf [dreg:s7], $0x2FFFF;
	_ =	strace $0x9FFFFFFF  }
0xc2: {  	(tm) =	ssettm $0x7FFFFFFF  }
0xc3: {  	_ =	shalt  }
tec
execute0_lowered:
.L_overlay_start_1:
0x0: {  	(tag) =	ssettag $0x1  }
0x1: {  	s4 =	rddreg [dreg:$0x0];
	s0 =	stileid.u32  }
0x2: {  	s1 =	srdreg.scid;
	s6 =	rddreg [dreg:$0x1];
	s2 =	simm.s32 $0x0  }
0x3: {  	s11 =	simm.s32 $0x1880;
	s12 =	simm.s32 $0x2080;
	s5 =	smul.u32 $0x9C400, s0  }
0x4: {  	s13 =	simm.s32 $0x1;
	s3 =	sand.u32 $0x1, s1;
	s8 =	smul.u32 $0x4E20, s0  }
0x5: {  	s14 =	simm.s32 $0x0;
	s1 =	rddreg [dreg:$0x2];
	s7 =	smul.u32 $0x4E200, s3  }
0x6: {  	[smem:$0x7FF] =	sst s2;
	s9 =	ssub.s32 $0x2, s3;
	s10 =	smul.u32 $0x2710, s3  }
0x7: {  	s3 =	sadd.s32 $0xAE00, s4;
	s4 =	sadd.s32 s5, s4;
	s30 =	sshrl.u32 s9, $0x1  }
0x8: {  	_ =	strace $0x80000050;
	s5 =	ssub.s32 s9, s30;
	s7 =	sadd.s32 s7, s4  }
0x9: {  	v2 =	vlaneseq.u32;
	s8 =	sadd.s32 s10, s8;
	s9 =	simm.s32 $0x880;
	s10 =	simm.s32 $0x1080  }
0xa: {  	vm0 =	vmmov $0xffff;
	v1 =	vshrl.u32 v2, $0x3;
	s4 =	smax.u32 s5, $0x1;
	s5 =	sadd.s32 $0x501000, s7;
	s31 =	sshrl.u32 s8, $0x3  }
0xb: {  	v0 =	vand.u32 $0x7, v2;
	v2 =	vor.u32 $0x8, v2;
	v1 =	vmul.u32 $0x8, v1;
	s7 =	simm.s32 $0x2;
	s8 =	simm.s32 $0x80;
	s6 =	sadd.s32 s31, s6  }
.LBB2_1:
0xc: {  	s15 =	smov.u32 s5;
	s16 =	simm.s32 $0x0  }
.LBB2_2:
0xd: {  	s17 =	sadd.s32 s16, s6  }
0xe: {  	[tilespmem:s2], [sflag:$0x2] =	stream.linear.gather [hbm4b:s17+s2], $0x28, $0x38;
	[tilespmem:$0x2880] =	vst v63  }
0xf: {  	_ =	swait.ge [sflag:s7], $0x28  }
0x10: {  	[sflag:s7] =	ssyncset.done $0x0  }
0x11: {  	[sflag:s7] =	ssyncadd.s32 $0xFFFFFFD8  }
0x12: {  	v3 =	vld [tilespmem:$0x0];
	_ =	sdelay $0x4  }
0x13: {  	v4 =	vshll.u32 v3, $0x1  }
0x14: {  	v3 =	vand.u32 $0x7, v3;
	v4 =	vand.u32 $0xFFFFFFF0, v4  }
0x15: {  	v3 =	vor.u32 v3, v4  }
0x16: {  	v4 =	vperm.xlane v3, v0;
	_ =	sdelay $0x1  }
0x17: {  	v3 =	vperm.xlane v3, v2;
	v4 =	vadd.s32 v1, v4;
	_ =	sdelay $0x1  }
0x18: {  	v3 =	vadd.s32 v1, v3;
	_ =	sdelay $0x2  }
0x19: {  	[tilespmem:s8], [sflag:$0x1] =	stream.indirect_vreg.gather [hbm4b:s3+s2], $0x80, v4, vm0, $0xb8;
	[tilespmem:$0x2880] =	vst v63  }
0x1a: {  	_ = 	snop  }
0x1b: {  	[tilespmem:s9], [sflag:$0x1] =	stream.indirect_vreg.gather [hbm4b:s3+s2], $0x80, v3, vm0, $0xb8;
	[tilespmem:$0x2880] =	vst v63  }
0x1c: {  	v3 =	vld [tilespmem:$0x10];
	_ =	sdelay $0x4  }
0x1d: {  	v62 =	vshll.u32 v3, $0x1  }
0x1e: {  	v3 =	vand.u32 $0x7, v3;
	v4 =	vand.u32 $0xFFFFFFF0, v62  }
0x1f: {  	v3 =	vor.u32 v3, v4  }
0x20: {  	v4 =	vperm.xlane v3, v0;
	_ =	sdelay $0x1  }
0x21: {  	v3 =	vperm.xlane v3, v2;
	v4 =	vadd.s32 v1, v4;
	_ =	sdelay $0x1  }
0x22: {  	v3 =	vadd.s32 v1, v3;
	_ =	sdelay $0x2  }
0x23: {  	[tilespmem:s10], [sflag:$0x1] =	stream.indirect_vreg.gather [hbm4b:s3+s2], $0x80, v4, vm0, $0xb8;
	[tilespmem:$0x2880] =	vst v63  }
0x24: {  	_ = 	snop  }
0x25: {  	[tilespmem:s11], [sflag:$0x1] =	stream.indirect_vreg.gather [hbm4b:s3+s2], $0x80, v3, vm0, $0xb8;
	[tilespmem:$0x2880] =	vst v63  }
0x26: {  	v3 =	vld.msk [tilespmem:$0x20], $0xff;
	_ =	sdelay $0x4  }
0x27: {  	v63 =	vshll.u32 v3, $0x1  }
0x28: {  	v3 =	vand.u32 $0x7, v3;
	v4 =	vand.u32 $0xFFFFFFF0, v63  }
0x29: {  	v3 =	vor.u32 v3, v4  }
0x2a: {  	v3 =	vperm.xlane v3, v0;
	_ =	sdelay $0x1  }
0x2b: {  	v3 =	vadd.s32 v1, v3;
	_ =	sdelay $0x4  }
0x2c: {  	[tilespmem:s12], [sflag:$0x1] =	stream.indirect_vreg.gather [hbm4b:s3+s2], $0x80, v3, vm0, $0xb8;
	[tilespmem:$0x2880] =	vst v63  }
0x2d: {  	_ =	swait.ge [sflag:s13], $0x2800  }
0x2e: {  	p0 =	sne.s32 s16, $0x4DD;
	[sflag:s13] =	ssyncset.done $0x0  }
.Ltmp0:
0x2f: {  	[sflag:s13] =	ssyncadd.s32 $0xFFFFD800;
	(pc) =	sbr.rel @p0 .LBB2_2-.Ltmp0, $4  }
0x30: {  	[hbm4b:s15+s2] =	stream.linear.scatter [tilespmem:s8], [sflag:$0x2], $0x2800, $0x38;
	[tilespmem:$0x2880] =	vst v63  }
0x31: {  	_ =	swait.ge [sflag:s7], $0x2800  }
0x32: {  	[sflag:s7] =	ssyncset.done $0x0  }
0x33: {  	s16 =	sadd.s32 $0x5, s16;
	s15 =	sadd.s32 $0x500, s15;
	[sflag:s7] =	ssyncadd.s32 $0xFFFFD800  }
0x34: {  	s14 =	sadd.s32 $0x1, s14  }
0x35: {  	p0 =	sne.s32 s14, s4  }
.Ltmp1:
0x36: {  	_ = 	snop;
	(pc) =	sbr.rel @p0 .LBB2_1-.Ltmp1, $1  }
0x37: {  	_ =	sdelay $0x3  }
0x38: {  	_ =	sfence.sel $0x180000  }
0x39: {  	[bflag:$0x0] =	sbarrier.arrive $0xFFFF  }
0x3a: {  	p0 =	sne.s32 s0, $0x0;
	_ =	strace $0x90000050  }
0x3b: {  	s0 =	sadd.s32 @!p0 $0x100000, s1;
	[bflag:$0x2] =	sbarrier.arrive $0xFFFF  }
0x3c: {  	[sflag:s0] =	ssyncadd.tile.s32 @!p0 $0x1;
	_ =	shalt  }
.Lfunc_end2:
_tile_overlayer_lowered:
.L_overlay_start_2:
0x3d: {  	(tag) =	ssettag $0x2  }
0x3e: {  	s0 =	rddreg [dreg:$0x0];
	s2 =	stileid.u32  }
0x3f: {  	s1 =	rddreg [dreg:$0x1];
	p0 =	sne.s32 s2, $0x0  }
0x40: {  	s3 =	rddreg [dreg:$0x2];
	[bflag:$0x3] =	sbarrier.arrive $0xFFFF;
	s2 =	simm.s32 @!p0 $0x1C02  }
0x41: {  	[timem:s3], [sflag:s2] =	dma.local @!p0 [hbm:s0], s1  }
0x42: {  	s0 =	simm.s32 @!p0 $0x2  }
0x43: {  	_ =	swait.ge @!p0 [sflag:s0], s1  }
0x44: {  	s1 =	ssub.s32 @!p0 $0x0, s1;
	[sflag:s0] =	ssyncset.done @!p0 $0x0  }
0x45: {  	[sflag:s0] =	ssyncadd.s32 @!p0 s1  }
0x46: {  	[bflag:$0x3] =	sbarrier.arrive $0xFFFF  }
0x47: {  	_ =	shalt  }

// kernel: scatter_offload_async_start.1
scs
__scs_entry_jumppad:
0x0: {  	(pc) =	sbr.rel $0x88, $3  }
0x1: {  	(tag) =	ssettag $0x0;
	lr =	simm.s32 $0x1  }
0x2: {  	[smem:$0x3F93] =	sst lr;
	_ =	strace $0xD0000000  }
0x3: {  	_ = 	snop  }
0x4: {  	_ = 	snop  }
0x5: {  	_ = 	snop  }
0x6: {  	_ = 	snop  }
0x7: {  	_ = 	snop  }
__scs_overlays_trampoline_lowered:
0x8: {  	[smem:$0x3FA2] =	sst s0  }
0x9: {  	[smem:$0x3FA3] =	sst s1  }
0xa: {  	[smem:$0x3FA4] =	sst s2  }
0xb: {  	[smem:$0x3FA5] =	sst s3  }
0xc: {  	[smem:$0x3FA6] =	sst s4  }
0xd: {  	[smem:$0x3FA7] =	sst s5  }
0xe: {  	[smem:$0x3FA8] =	sst s6  }
0xf: {  	[smem:$0x3FA9] =	sst s7  }
0x10: {  	[smem:$0x3FAA] =	sst s8  }
0x11: {  	[smem:$0x3FAB] =	sst s9;
	s0 =	simm.s32 @!p0 $0x0  }
0x12: {  	s1 =	sld [smem:$0x3F91];
	s0 =	simm.s32 @p0 $0x1  }
0x13: {  	[smem:$0x3FAC] =	sst s0;
	s0 =	simm.s32 @!p1 $0x0  }
0x14: {  	s2 =	sld [smem:$0x3F90];
	s0 =	simm.s32 @p1 $0x1  }
0x15: {  	[smem:$0x3FAD] =	sst s0;
	s0 =	simm.s32 @!p2 $0x0  }
0x16: {  	s3 =	sld [smem:$0x3FDB];
	s0 =	simm.s32 @p2 $0x1  }
0x17: {  	s4 =	simm.s32 $0x1BF5;
	[smem:$0x3FAF] =	sst s0  }
0x18: {  	s0 =	sld [smem:$0x3F92];
	_ =	swait.ge [sflag:s4], $0x0  }
0x19: {  	s7 =	sld [smem:$0x3F93]  }
0x1a: {  	s8 =	sadd.s32 $0xFFFFE003, lr  }
0x1b: {  	s9 =	sadd.s32 $0xFFFFFEF7, lr;
	s5 =	simm.s32 $0xFFFFFFFF;
	p2 =	slt.u32 s8, $0xFFFFF086  }
0x1c: {  	p1 =	slt.u32 s9, $0xF7A;
	s5 =	simm.s32 @!p2 $0x0  }
0x1d: {  	s5 =	simm.s32 @p1 $0x1;
	p0 =	seq.s32 s7, s2  }
0x1e: {  	s7 =	smul.u32 @!p0 $0xF7A, s2;
	p2 =	seq.s32 @!p0 s5, $0x0  }
0x1f: {  	s9 =	smul.u32 $0xF7A, s1;
	s8 =	simm.s32 @!p0 $0x1BF5;
	p2 =	por !p2, p0  }
0x20: {  	[sflag:s8] =	ssyncset.s32 @!p0 $0xFFFFF086;
	s6 =	sadd.s32 @!p0 s3, s7;
	s7 =	simm.s32 @!p0 $0x108  }
0x21: {  	s3 =	sadd.s32 s3, s9;
	s6 =	sadd.s32 @!p0 $0x88, s6;
	s7 =	simm.s32 @p2 $0x1082  }
0x22: {  	[simem:s7], [sflag:s8] =	dma.local @!p0 [hbm:s6], $0xF7A  }
0x23: {  	s9 =	sor.u32 $0xD0000000, s2;
	s6 =	simm.s32 $0x108;
	_ =	swait.ge @!p0 [sflag:s8], $0x0  }
0x24: {  	s3 =	sadd.s32 $0x88, s3;
	s6 =	simm.s32 @!p1 $0x1082;
	[sflag:s4] =	ssyncset.s32 $0xFFFFF086  }
0x25: {  	[simem:s6], [sflag:s4] =	dma.local [hbm:s3], $0xF7A  }
0x26: {  	[smem:$0x3F93] =	sst s1;
	(tag) =	ssettag s2;
	_ =	strace s9  }
0x27: {  	s1 =	sld [smem:$0x3FA3]  }
0x28: {  	s2 =	sld [smem:$0x3FA4]  }
0x29: {  	s4 =	sld [smem:$0x3FA6]  }
0x2a: {  	p0 =	seq.s32 s5, $0x0;
	s5 =	sld [smem:$0x3FA7]  }
0x2b: {  	s6 =	sld [smem:$0x3FA8]  }
0x2c: {  	s7 =	sld [smem:$0x3FA9]  }
0x2d: {  	s3 =	simm.s32 $0x108;
	s8 =	sld [smem:$0x3FAA]  }
0x2e: {  	s3 =	simm.s32 @!p0 $0x1082;
	s9 =	sld [smem:$0x3FAB]  }
0x2f: {  	lr =	sadd.s32 s0, s3;
	s0 =	sld [smem:$0x3FA2]  }
0x30: {  	s3 =	sld [smem:$0x3FA5]  }
0x31: {  	[smem:$0x3FAE] =	sst s10  }
0x32: {  	s10 =	sld [smem:$0x3FAC];
	_ =	sdelay $0x3  }
0x33: {  	p0 =	seq.s32 s10, $0x1;
	s10 =	sld [smem:$0x3FAE];
	_ =	sdelay $0x3  }
0x34: {  	[smem:$0x3FAE] =	sst s10  }
0x35: {  	s10 =	sld [smem:$0x3FAD];
	_ =	sdelay $0x3  }
0x36: {  	p1 =	seq.s32 s10, $0x1;
	s10 =	sld [smem:$0x3FAE];
	_ =	sdelay $0x3  }
0x37: {  	[smem:$0x3FAE] =	sst s10  }
0x38: {  	s10 =	sld [smem:$0x3FAF]  }
0x39: {  	_ = 	snop;
	(pc) =	sbr.ind lr, $3  }
0x3a: {  	_ = 	snop  }
0x3b: {  	_ = 	snop  }
0x3c: {  	p2 =	seq.s32 s10, $0x1;
	s10 =	sld [smem:$0x3FAE]  }
0x3d: {  	_ =	shalt  }
0x3e: {  	_ =	shalt  }
0x3f: {  	_ =	shalt  }
0x40: {  	_ =	shalt  }
0x41: {  	_ =	shalt  }
0x42: {  	_ =	shalt  }
0x43: {  	_ =	shalt  }
0x44: {  	_ =	shalt  }
0x45: {  	_ =	shalt  }
0x46: {  	_ =	shalt  }
0x47: {  	_ =	shalt  }
0x48: {  	_ =	shalt  }
0x49: {  	_ =	shalt  }
0x4a: {  	_ =	shalt  }
0x4b: {  	_ =	shalt  }
0x4c: {  	_ =	shalt  }
0x4d: {  	_ =	shalt  }
0x4e: {  	_ =	shalt  }
0x4f: {  	_ =	shalt  }
0x50: {  	_ =	shalt  }
0x51: {  	_ =	shalt  }
0x52: {  	_ =	shalt  }
0x53: {  	_ =	shalt  }
0x54: {  	_ =	shalt  }
0x55: {  	_ =	shalt  }
0x56: {  	_ =	shalt  }
0x57: {  	_ =	shalt  }
0x58: {  	_ =	shalt  }
0x59: {  	_ =	shalt  }
0x5a: {  	_ =	shalt  }
0x5b: {  	_ =	shalt  }
0x5c: {  	_ =	shalt  }
0x5d: {  	_ =	shalt  }
0x5e: {  	_ =	shalt  }
0x5f: {  	_ =	shalt  }
0x60: {  	_ =	shalt  }
0x61: {  	_ =	shalt  }
0x62: {  	_ =	shalt  }
0x63: {  	_ =	shalt  }
0x64: {  	_ =	shalt  }
0x65: {  	_ =	shalt  }
0x66: {  	_ =	shalt  }
0x67: {  	_ =	shalt  }
0x68: {  	_ =	shalt  }
0x69: {  	_ =	shalt  }
0x6a: {  	_ =	shalt  }
0x6b: {  	_ =	shalt  }
0x6c: {  	_ =	shalt  }
0x6d: {  	_ =	shalt  }
0x6e: {  	_ =	shalt  }
0x6f: {  	_ =	shalt  }
0x70: {  	_ =	shalt  }
0x71: {  	_ =	shalt  }
0x72: {  	_ =	shalt  }
0x73: {  	_ =	shalt  }
0x74: {  	_ =	shalt  }
0x75: {  	_ =	shalt  }
0x76: {  	_ =	shalt  }
0x77: {  	_ =	shalt  }
0x78: {  	_ =	shalt  }
0x79: {  	_ =	shalt  }
0x7a: {  	_ =	shalt  }
0x7b: {  	_ =	shalt  }
0x7c: {  	_ =	shalt  }
0x7d: {  	_ =	shalt  }
0x7e: {  	_ =	shalt  }
0x7f: {  	_ =	shalt  }
0x80: {  	_ =	shalt  }
0x81: {  	_ =	shalt  }
0x82: {  	_ =	shalt  }
0x83: {  	_ =	shalt  }
0x84: {  	_ =	shalt  }
0x85: {  	_ =	shalt  }
0x86: {  	_ =	shalt  }
0x87: {  	_ =	shalt  }
.Lfunc_end0:
.L_simem_size_0:
called_computation.1_lowered:
.L_overlay_start_0:
0x88: {  	s2 =	sld [smem:$0x3FD9]  }
0x89: {  	s3 =	sld [smem:$0x3FFE];
	_ =	sdelay $0x1  }
0x8a: {  	s1 =	srdreg.scid  }
0x8b: {  	s0 =	sand.u32 $0x1, s1  }
0x8c: {  	s17 =	sshll.u32 s0, $0xA;
	s2 =	sadd.s32 s3, s2  }
0x8d: {  	s2 =	sadd.s32 s2, s17  }
0x8e: {  	[smem:$0x3FBA] =	sst s2  }
0x8f: {  	_ = 	snop  }
0x90: {  	(tm) =	ssettm $0x1  }
0x91: {  	s18 =	sld [smem:$0x3FFB];
	_ =	sdelay $0x3  }
0x92: {  	_ =	strace s18  }
0x93: {  	s2 =	sld [smem:$0x3FFC];
	_ =	sdelay $0x3  }
0x94: {  	_ =	strace s2  }
0x95: {  	s2 =	sld [smem:$0x3FFD];
	_ =	sdelay $0x3  }
0x96: {  	_ =	strace s2  }
0x97: {  	_ =	strace $0x8FFFFFFF  }
0x98: {  	s19 =	sld [smem:$0x3FDB];
	_ =	sdelay $0x1  }
0x99: {  	s20 =	simm.s32 $_scs_section_size  }
0x9a: {  	s4 =	simm.s32 $_size__tile_overlayer_lowered;
	s5 =	simm.s32 $_tile_overlayer_lowered  }
0x9b: {  	s6 =	simm.s32 $0x1BFF;
	s21 =	sshll.u32 s5, $0x1;
	s3 =	sadd.s32 s20, s19  }
0x9c: {  	s22 =	simm.s32 $0x0;
	s4 =	sshll.u32 s4, $0x1;
	s5 =	sadd.s32 s21, s3  }
0x9d: {  	[timem:s22], [sflag:s6] =	dma.local [hbm:s5], s4  }
0x9e: {  	_ =	swait.ge [sflag:s6], s4  }
0x9f: {  	s4 =	ssub.s32 $0x0, s4;
	[sflag:s6] =	ssyncset.done $0x0  }
0xa0: {  	[sflag:s6] =	ssyncadd.s32 s4;
	_ =	sdelay $0x1  }
0xa1: {  	s23 =	simm.s32 $0x1B8B  }
0xa2: {  	_ =	swait.ge [sflag:s23], $0x1  }
0xa3: {  	[sflag:s23] =	ssyncset.done $0x0  }
0xa4: {  	[sflag:s23] =	ssyncadd.s32 $0xFFFFFFFF  }
0xa5: {  	s4 =	sld [smem:$0x0]  }
0xa6: {  	s5 =	sand.u32 $0xFFFFFFFE, s1  }
0xa7: {  	p0 =	sne.s32 s1, s5  }
0xa8: {  	s5 =	sshll.u32 @p0 s5, $0xE  }
0xa9: {  	s5 =	sadd.s32 @p0 $0x11B8D, s5;
	s6 =	sshll.u32 @p0 s4, $0x11  }
0xaa: {  	s5 =	sor.u32 @p0 s6, s5  }
0xab: {  	[sflag:s5] =	ssyncadd.remote.s32 @p0 $0x1;
	_ =	sdelay $0x1  }
0xac: {  	s5 =	simm.s32 @p0 $0x1B8D  }
0xad: {  	_ =	swait.eq @p0 [sflag:s5], $0x1  }
0xae: {  	[sflag:s5] =	ssyncadd.s32 @p0 $0xFFFFFFFF  }
0xaf: {  	s6 =	sshll.u32 @!p0 s1, $0xE  }
0xb0: {  	s6 =	sor.u32 @!p0 $0x4000, s6;
	s5 =	simm.s32 @!p0 $0x1B8D  }
0xb1: {  	s7 =	sshll.u32 @!p0 s4, $0x11;
	s6 =	sadd.s32 @!p0 $0x11B8D, s6;
	_ =	swait.eq @!p0 [sflag:s5], $0x1  }
0xb2: {  	[sflag:s5] =	ssyncadd.s32 @!p0 $0xFFFFFFFF;
	s5 =	sor.u32 @!p0 s7, s6  }
0xb3: {  	s25 =	simm.s32 $0x1B8E;
	s24 =	sld [smem:$0x3FFE];
	[sflag:s5] =	ssyncadd.remote.s32 @!p0 $0x1  }
0xb4: {  	s26 =	simm.s32 $execute0_lowered;
	[smem:$0x3FD2] =	sst s25  }
0xb5: {  	s6 =	sshll.u32 s26, $0x1;
	_ =	strace $0x8000004C;
	[dreg:$0x1] =	wrdreg $0xFFFFFFFF  }
0xb6: {  	s28 =	simm.s32 $_size_execute0_lowered;
	s3 =	sadd.s32 s3, s6;
	[dreg:$0x0] =	wrdreg $0x0  }
0xb7: {  	s6 =	sshll.u32 s28, $0x1;
	[dreg:$0x2] =	wrdreg s3  }
0xb8: {  	[dreg:$0x3] =	wrdreg s6  }
0xb9: {  	[dreg:$0x4] =	wrdreg $0xC0  }
0xba: {  	_ =	task [dreg:s22], $0x5FFFF  }
0xbb: {  	[dreg:$0x1] =	wrdreg $0xFFFFFFFF  }
0xbc: {  	[dreg:$0x0] =	wrdreg $0x60  }
0xbd: {  	[dreg:$0x2] =	wrdreg s24  }
0xbe: {  	[dreg:$0x3] =	wrdreg s1  }
0xbf: {  	[dreg:$0x4] =	wrdreg s4  }
0xc0: {  	[dreg:$0x5] =	wrdreg $0xA  }
0xc1: {  	_ =	task.clear_ibuf [dreg:s22], $0x6FFFF;
	_ =	strace $0x9000004C  }
0xc2: {  	s29 =	simm.s32 $0xA;
	_ =	strace $0x8000004E  }
0xc3: {  	_ =	swait.ge [sflag:s29], $0x1  }
0xc4: {  	[sflag:s29] =	ssyncadd.s32 $0xFFFFFFFF  }
0xc5: {  	_ =	strace $0x9000004E  }
0xc6: {  	_ =	sfence  }
0xc7: {  	s30 =	sld [smem:$0x0];
	_ =	sdelay $0x2  }
0xc8: {  	s31 =	sshll.u32 s1, $0xD;
	s1 =	sshrl.u32 s1, $0x2  }
0xc9: {  	s4 =	sand.u32 $0x4000, s31;
	s1 =	sadd.s32 s1, s30  }
0xca: {  	s0 =	sor.u32 s4, s0;
	s1 =	sshll.u32 s1, $0x11  }
0xcb: {  	s0 =	sor.u32 s1, s0  }
0xcc: {  	s0 =	sadd.s32 $0x8F2B, s0  }
0xcd: {  	[sflag:s0] =	ssyncadd.remote.s32 $0x1  }
0xce: {  	_ =	sfence.sel $0xFFFF  }
0xcf: {  	[dreg:$0x0] =	wrdreg $0xFFFFFFFF;
	(pc) =	sbr.abs _section_cstart, $3  }
0xd0: {  	[dreg:$0x1] =	wrdreg $0xFFFFFFFF  }
0xd1: {  	_ =	task.clear_ibuf [dreg:s22], $0x2FFFF;
	_ =	strace $0x9FFFFFFF  }
0xd2: {  	(tm) =	ssettm $0x7FFFFFFF  }
0xd3: {  	_ =	shalt  }
tec
execute0_lowered:
.L_overlay_start_1:
0x0: {  	(tag) =	ssettag $0x1  }
0x1: {  	s2 =	rddreg [dreg:$0x0]  }
0x2: {  	s3 =	rddreg [dreg:$0x1];
	_ =	strace $0x8000004D;
	s0 =	simm.s32 $0x1  }
0x3: {  	v0 =	vimm.s32 $0x0;
	[sflag:s0] =	ssyncpa.u1 $0x0;
	s0 =	simm.s32 $0x108  }
0x4: {  	[tilespmem:s0+$0x70] =	vst v0  }
0x5: {  	[tilespmem:s0+$0x60] =	vst v0  }
0x6: {  	[tilespmem:s0+$0x50] =	vst v0  }
0x7: {  	[tilespmem:s0+$0x40] =	vst v0  }
0x8: {  	s1 =	sadd.s32 $0x514C00, s2;
	[tilespmem:s0+$0x30] =	vst v0  }
0x9: {  	s15 =	sadd.s32 $0x4ECE00, s2;
	s6 =	sadd.s32 $0xAE00, s2;
	[tilespmem:s0+$0x20] =	vst v0  }
0xa: {  	s14 =	sadd.s32 $0x4F6C00, s2;
	s5 =	sand.u32 $0x1, s3;
	s3 =	simm.s32 $0x40;
	[tilespmem:s0+$0x10] =	vst v0  }
.LBB2_1:
0xb: {  	s3 =	sadd.s32 $0x40, s3;
	[tilespmem:s0+$0x0] =	vst v0;
	s0 =	sadd.s32 $0x80, s0  }
0xc: {  	p0 =	slt.u32 s3, $0x3C40;
	[tilespmem:s0+$0x70] =	vst v0  }
0xd: {  	[tilespmem:s0+$0x60] =	vst v0  }
.Ltmp0:
0xe: {  	[tilespmem:s0+$0x50] =	vst v0;
	(pc) =	sbr.rel @p0 .LBB2_1-.Ltmp0, $4  }
0xf: {  	[tilespmem:s0+$0x40] =	vst v0  }
0x10: {  	[tilespmem:s0+$0x30] =	vst v0  }
0x11: {  	[tilespmem:s0+$0x20] =	vst v0  }
0x12: {  	[tilespmem:s0+$0x10] =	vst v0  }
0x13: {  	s9 =	stileid.u32  }
0x14: {  	s2 =	smul.u32 $0x29, s9  }
0x15: {  	s3 =	smin.u32 s9, $0xB  }
0x16: {  	s2 =	sadd.s32 s3, s2  }
0x17: {  	p0 =	slt.u32 s9, $0xB;
	s7 =	smul.u32 $0xF0, s2;
	s2 =	simm.s32 $0x2760  }
0x18: {  	s2 =	simm.s32 @!p0 $0x2670  }
0x19: {  	s2 =	sadd.s32 s2, s7  }
0x1a: {  	s8 =	smin.u32 s2, $0x27100  }
0x1b: {  	s2 =	ssub.s32 s8, s7  }
0x1c: {  	p0 =	sgt.s32 s2, $0x0  }
0x1d: {  	s29 =	simm.s32 $0x2;
	s10 =	simm.s32 $0x9;
	s2 =	simm.s32 @!p0 $0x0  }
0x1e: {  	s4 =	simm.s32 $0xA;
	s11 =	simm.s32 $0xB;
	s28 =	smulhi.u32 $0x88888889, s2  }
0x1f: {  	[dreg:$0x4] =	wrdreg s5;
	s31 =	smul.u32 $0x4E20, s5;
	s12 =	simm.s32 $0x1  }
0x20: {  	s22 =	simm.s32 $0x0;
	s18 =	simm.s32 $0xC;
	s30 =	sshrl.u32 s28, $0x7  }
0x21: {  	s20 =	simm.s32 $0x0;
	s21 =	simm.s32 $0x0;
	s3 =	smul.u32 $0xF0, s30  }
.Ltmp1:
0x22: {  	[tilespmem:s0+$0x0] =	vst v0;
	v0 =	vimm.s32 $0xFFFFFFFF;
	[sflag:s29] =	ssyncpa.u1 $0x0;
	s16 =	sshll.u32 s9, $0x8;
	(pc) =	sbr.rel .LBB2_3-.Ltmp1, $4  }
0x23: {  	[tilespmem:$0xF208] =	vst v0;
	[sflag:s10] =	ssyncpa.u1 $0x0;
	p0 =	sne.s32 s2, s3;
	s2 =	simm.s32 $0x1  }
0x24: {  	s14 =	sadd.s32 s31, s14;
	[sflag:s4] =	ssyncpa.u1 $0x0;
	s2 =	simm.s32 @!p0 $0x0  }
0x25: {  	s15 =	sadd.s32 s31, s15;
	[sflag:s11] =	ssyncpa.u1 $0x0;
	s13 =	sadd.s32 s2, s30  }
0x26: {  	v0 =	vlaneseq.u32;
	s19 =	smov.u32 s7;
	p0 =	por $0x0, $0x0;
	s17 =	sadd.s32 $0x1, s13  }
.LBB2_18:
0x27: {  	s0 =	sshrl.u32 s31, $0x2  }
.LBB2_20:
0x28: {  	_ =	swait.ge [sflag:s18], s0  }
0x29: {  	s31 =	ssub.s32 $0x0, s0;
	v1 =	vmov s24;
	vm0 =	veq.s32 v0, $0x0;
	[sflag:s18] =	ssyncset.done $0x0  }
0x2a: {  	vm15 =	veq.s32 v0, $0x2;
	v1 =	vsel vm0, s30, v1;
	[sflag:s18] =	ssyncadd.s32 s31  }
0x2b: {  	v1 =	vsel vm15, s22, v1;
	[sflag:s18] =	ssyncpa.u1 $0x1  }
0x2c: {  	[tilespmem:$0xF208] =	vst v1  }
.LBB2_21:
0x2d: {  	s0 =	sadd.s32 $0xF0, s19  }
0x2e: {  	s2 =	smov.u32 s7;
	p1 =	slt.s32 s0, s8  }
0x2f: {  	s2 =	smov.u32 @p1 s0;
	p1 =	sne.s32 s21, s17  }
.Ltmp2:
0x30: {  	_ = 	snop;
	(pc) =	sbr.rel @!p1 .LBB2_22-.Ltmp2, $3  }
0x31: {  	_ =	sdelay $0x1  }
0x32: {  	s22 =	smov.u32 s20;
	s31 =	sadd.s32 $0x1, s21;
	s20 =	smov.u32 s19  }
0x33: {  	p0 =	por !p0, !p0;
	s21 =	smov.u32 s31;
	s19 =	smov.u32 s2  }
.LBB2_3:
0x34: {  	p1 =	sge.u32 s21, s13  }
0x35: {  	s0 =	smulhi.u32 @!p1 $0xAAAAAAAB, s21  }
0x36: {  	s2 =	smov.u32 s19;
	p2 =	sgt.s32 @!p1 s19, $0x27010  }
0x37: {  	s3 =	sshra.s32 @!p1 s19, $0x1F;
	p2 =	por !p2, p1;
	s0 =	sshrl.u32 @!p1 s0, $0x1  }
0x38: {  	s3 =	sand.u32 @!p1 s3, s19;
	s2 =	simm.s32 @p2 $0x27010;
	s0 =	smul.u32 @!p1 $0x3, s0  }
0x39: {  	s2 =	ssub.s32 @!p1 s2, s3  }
0x3a: {  	s2 =	sadd.s32 @!p1 $0xFFFD8FF0, s2;
	s0 =	ssub.s32 @!p1 s21, s0  }
0x3b: {  	s3 =	sshll.u32 @!p1 s2, $0x2;
	p2 =	sgt.s32 @!p1 s2, $0xEF;
	s0 =	smul.u32 @!p1 $0x3C0, s0  }
0x3c: {  	s4 =	sand.u32 @!p1 $0x7, s19;
	s2 =	ssub.s32 @!p1 $0x3C0, s3;
	p2 =	por !p2, p1  }
0x3d: {  	s3 =	sshrl.u32 @!p1 s19, $0x3;
	s2 =	sshrl.u32 @!p1 s2, $0x2;
	s0 =	sshrl.u32 @!p1 s0, $0x2  }
0x3e: {  	s3 =	sadd.s32 @!p1 s3, s14;
	s2 =	simm.s32 @!p2 $0x0;
	s0 =	sadd.s32 @!p1 $0x10248, s0  }
0x3f: {  	[tilespmem:s0], [sflag:$0xA] =	stream.linear.gather @!p1 [hbm4b:s3+s4], s2, $0x38;
	[tilespmem:$0x1F6F8] =	vst v63  }
0x40: {  	s0 =	sadd.s32 $0xFFFFFFFF, s21  }
0x41: {  	p1 =	sge.u32 s0, s13  }
0x42: {  	p2 =	sgt.s32 @!p1 s20, $0x27010  }
0x43: {  	s2 =	smov.u32 s20;
	s3 =	sshra.s32 @!p1 s20, $0x1F;
	p2 =	por !p2, p1  }
0x44: {  	s3 =	sand.u32 @!p1 s3, s20;
	s2 =	simm.s32 @p2 $0x27010  }
0x45: {  	s2 =	ssub.s32 @!p1 s2, s3  }
0x46: {  	s2 =	sadd.s32 @!p1 $0xFFFD8FF0, s2  }
0x47: {  	s4 =	sand.u32 @!p1 $0x1, s0;
	s3 =	sshll.u32 @!p1 s2, $0x2  }
0x48: {  	p2 =	sgt.s32 @!p1 s2, $0xEF;
	s2 =	ssub.s32 @!p1 $0x3C0, s3;
	s3 =	smulhi.u32 @!p1 $0xAAAAAAAB, s0  }
0x49: {  	s23 =	smul.u32 @!p1 $0x3C0, s4;
	p2 =	por !p2, p1;
	s2 =	sshrl.u32 @!p1 s2, $0x2  }
0x4a: {  	s5 =	simm.s32 @!p1 $0xA;
	s2 =	simm.s32 @!p2 $0x0;
	s3 =	sshrl.u32 @!p1 s3, $0x1  }
0x4b: {  	s23 =	sshrl.u32 @!p1 s23, $0x2;
	_ =	swait.ge @!p1 [sflag:s5], s2;
	s3 =	smul.u32 @!p1 $0x3, s3  }
0x4c: {  	s23 =	sadd.s32 @!p1 $0x10518, s23;
	s24 =	ssub.s32 @!p1 $0x0, s2;
	[sflag:s5] =	ssyncset.done @!p1 $0x0  }
0x4d: {  	[sflag:s5] =	ssyncadd.s32 @!p1 s24;
	s5 =	sshrl.u32 @!p1 s20, $0x3;
	s0 =	ssub.s32 @!p1 s0, s3  }
0x4e: {  	s24 =	sand.u32 @!p1 $0x7, s20;
	s5 =	sadd.s32 @!p1 s5, s15;
	s0 =	smul.u32 @!p1 $0x3C0, s0  }
0x4f: {  	[tilespmem:s23], [sflag:$0xB] =	stream.linear.gather @!p1 [hbm4b:s5+s24], s2, $0x38;
	[tilespmem:$0x1F6F8] =	vst v63  }
0x50: {  	s3 =	ssub.s32 @!p1 $0x27100, s20;
	s2 =	smul.u32 @!p1 $0x1E000, s4  }
0x51: {  	p2 =	slt.s32 @!p1 s3, $0xF0  }
0x52: {  	p2 =	por !p2, p1;
	s0 =	sshrl.u32 @!p1 s0, $0x2;
	s2 =	sshrl.u32 @!p1 s2, $0x2  }
0x53: {  	s3 =	simm.s32 @p2 $0xF0;
	s0 =	sadd.s32 @!p1 $0x10248, s0;
	s2 =	sor.u32 @!p1 $0x106F8, s2  }
0x54: {  	[tilespmem:s2], [sflag:$0x9] =	stream.indirect.gather @!p1 [hbm4b:s6+s3], $0x80, s0, s3, $0xb8;
	[tilespmem:$0x1F6F8] =	vst v63  }
0x55: {  	p1 =	slt.u32 s21, $0x2  }
.Ltmp3:
0x56: {  	_ = 	snop;
	(pc) =	sbr.rel @p1 .LBB2_21-.Ltmp3, $1  }
0x57: {  	_ =	sdelay $0x3  }
0x58: {  	p1 =	sgt.s32 s22, $0x27010  }
0x59: {  	s0 =	smov.u32 s22;
	s2 =	sshra.s32 s22, $0x1F;
	s3 =	ssub.s32 $0x27100, s22  }
0x5a: {  	s0 =	simm.s32 @!p1 $0x27010;
	s2 =	sand.u32 s2, s22;
	p1 =	slt.s32 s3, $0xF0  }
0x5b: {  	s0 =	ssub.s32 s0, s2;
	s3 =	simm.s32 @!p1 $0xF0  }
0x5c: {  	s0 =	sadd.s32 $0xFFFD8FF0, s0;
	s25 =	sshll.u32 s3, $0x7  }
0x5d: {  	s26 =	sshll.u32 s0, $0x2;
	s2 =	sand.u32 $0x3FFFFF80, s25  }
0x5e: {  	p1 =	sgt.s32 s0, $0xEF;
	s29 =	ssub.s32 $0x3C0, s26;
	_ =	swait.ge [sflag:s10], s2  }
0x5f: {  	s2 =	ssub.s32 $0x0, s2;
	[sflag:s10] =	ssyncset.done $0x0;
	s0 =	sshrl.u32 s29, $0x2  }
0x60: {  	[sflag:s10] =	ssyncadd.s32 s2;
	s0 =	simm.s32 @p1 $0x0  }
0x61: {  	_ =	swait.ge [sflag:s11], s0  }
0x62: {  	s0 =	ssub.s32 $0x0, s0;
	[sflag:s11] =	ssyncset.done $0x0  }
0x63: {  	[sflag:s11] =	ssyncadd.s32 s0  }
0x64: {  	v1 =	vld [tilespmem:$0xF208];
	_ =	sdelay $0x4  }
0x65: {  	(v2sf) =	vpush v1, $0x0  }
0x66: {  	(v2sf) =	vpush v1, $0x1  }
0x67: {  	(v2sf) =	vpush v1, $0x2;
	_ =	sdelay $0x3  }
0x68: {  	s0 =	sadd.s32 $0xF0, s22  }
0x69: {  	s2 =	ssub.s32 $0x4E200, s22;
	p1 =	slt.s32 s8, s0  }
0x6a: {  	s0 =	smov.u32 @p1 s8;
	p1 =	sgt.s32 s2, $0x0  }
0x6b: {  	s26 =	ssub.s32 s0, s22;
	s2 =	simm.s32 @!p1 $0x0  }
0x6c: {  	p1 =	slt.s32 s2, s26  }
0x6d: {  	s26 =	smov.u32 @p1 s2  }
0x6e: {  	s25 =	simm.s32 $0x1;
	p1 =	slt.s32 s26, $0x1  }
.Ltmp4:
0x6f: {  	s25 =	simm.s32 @!p0 $0x0;
	(pc) =	sbr.rel @p1 .LBB2_8-.Ltmp4, $4  }
0x70: {  	s31 =	smul.u32 $0x3C0, s25  }
0x71: {  	s28 =	spop (v2sf)  }
0x72: {  	s0 =	sshrl.u32 s31, $0x2;
	s30 =	spop (v2sf)  }
0x73: {  	s23 =	sadd.s32 $0x10518, s0;
	s22 =	spop (v2sf)  }
0x74: {  	s0 =	smin.u32 s26, $0x10  }
0x75: {  	v1 =	vmov s0  }
0x76: {  	p2 =	sgt.s32 s26, $0x10;
	vm1 =	vgt.u32 v1, v0  }
.Ltmp5:
0x77: {  	_ = 	snop;
	(pc) =	sbr.rel @!p2 .LBB2_7-.Ltmp5, $2  }
0x78: {  	_ =	sdelay $0x2  }
0x79: {  	s4 =	simm.s32 $0x10;
	s24 =	sadd.s32 $0xFFFFFFF0, s26;
	s0 =	smov.u32 s23;
	vm0 =	vmmov vm1  }
.LBB2_6:
0x7a: {  	s2 =	smin.u32 s24, $0x10;
	s4 =	sadd.s32 $0x10, s4;
	v1 =	vld.msk [tilespmem:s0+$0x0 ss:$0x1], vm1  }
0x7b: {  	v2 =	vmov s2;
	p2 =	slt.s32 s4, s26  }
0x7c: {  	vm1 =	vgt.u32 v2, v0  }
.Ltmp6:
0x7d: {  	(pc) =	sbr.rel @p2 .LBB2_6-.Ltmp6, $3  }
0x7e: {  	_ =	sdelay $0x1  }
0x7f: {  	v1 =	vshll.u32 v1, $0x4  }
0x80: {  	s24 =	sadd.s32 $0xFFFFFFF0, s24;
	[tilespmem:s0+$0x0] =	vst.msk vm0, v1;
	s0 =	sadd.s32 $0x10, s0;
	vm0 =	vmmov vm1  }
.LBB2_7:
0x81: {  	_ =	sdelay $0x4  }
0x82: {  	v1 =	vld.msk [tilespmem:s0+$0x0 ss:$0x1], vm1;
	_ =	sdelay $0x4  }
0x83: {  	v1 =	vshll.u32 v1, $0x4  }
0x84: {  	[tilespmem:s0+$0x0] =	vst.msk vm0, v1  }
.LBB2_8:
0x85: {  	s0 =	sand.u32 $0x1, s21  }
0x86: {  	s0 =	smul.u32 $0xF0, s0  }
0x87: {  	p2 =	sne.s32 s30, $0xFFFFFFFF  }
0x88: {  	v1 =	vld.msk @!p2 [tilespmem:s0+$0x10518], $0x1;
	_ =	sdelay $0x4  }
0x89: {  	(v2sf) =	vpush @!p2 v1, $0x0;
	_ =	sdelay $0xc  }
.Ltmp7:
0x8a: {  	_ = 	snop;
	(pc) =	sbr.rel @p1 .LBB2_19-.Ltmp7, $4  }
0x8b: {  	_ = 	snop  }
0x8c: {  	s29 =	spop @!p2 (v2sf)  }
0x8d: {  	s22 =	simm.s32 @!p2 $0x0;
	s24 =	smov.u32 s29  }
0x8e: {  	[sflag:s18] =	ssyncpa.u1 $0x0;
	s29 =	smov.u32 @p2 s28;
	s24 =	smov.u32 @p2 s30  }
0x8f: {  	v1 =	vld.msk [tilespmem:s23+$0x0], $0x1;
	_ =	sdelay $0x4  }
0x90: {  	(v2sf) =	vpush v1, $0x0;
	_ =	sdelay $0xe  }
0x91: {  	s2 =	smul.u32 $0x1E000, s25;
	s0 =	spop (v2sf)  }
0x92: {  	s26 =	ssub.s32 $0x0, s26;
	p1 =	seq.s32 s29, s0  }
0x93: {  	s30 =	sadd.s32 $0x1, s26;
	s2 =	sshrl.u32 s2, $0x2;
	p2 =	sgt.s32 @!p1 s29, $0x0  }
0x94: {  	s25 =	sor.u32 $0x10738, s2;
	s2 =	smov.u32 s29;
	p2 =	por !p2, p1  }
0x95: {  	s2 =	simm.s32 @p2 $0x0;
	p2 =	seq.s32 s30, $0x0  }
.Ltmp8:
0x96: {  	_ = 	snop;
	(pc) =	sbr.rel @p2 .LBB2_11-.Ltmp8, $4  }
0x97: {  	_ = 	snop  }
0x98: {  	s28 =	simm.s32 $0x0;
	s31 =	sadd.s32 $0x1, s23;
	s2 =	smin.u32 @!p1 s2, $0x270F0  }
0x99: {  	s4 =	simm.s32 @!p1 $0x1;
	s5 =	simm.s32 @!p1 $0x7988;
	s3 =	sand.u32 @!p1 $0x3FFF8, s2  }
0x9a: {  	s4 =	smov.u32 @p1 s28;
	s2 =	sand.u32 @!p1 $0x7, s2;
	s3 =	sadd.s32 @!p1 s1, s3  }
.LBB2_10:
0x9b: {  	s9 =	smov.u32 s4  }
0x9c: {  	[tilespmem:s5], [sflag:$0x2] =	stream.linear.gather @!p1 [hbm4b:s3+s2], $0x80, $0x38;
	[tilespmem:$0x1F6F8] =	vst v63  }
0x9d: {  	s30 =	sadd.s32 $0x1, s30;
	s2 =	smov.u32 s0;
	v1 =	vld.msk [tilespmem:s31+$0x0], $0x1  }
0x9e: {  	p2 =	seq.s32 s30, $0x0;
	_ =	sdelay $0x3  }
0x9f: {  	(v2sf) =	vpush v1, $0x0;
	_ =	sdelay $0xe  }
0xa0: {  	s0 =	spop (v2sf)  }
0xa1: {  	p1 =	seq.s32 s2, s0  }
0xa2: {  	p3 =	sgt.s32 @!p1 s2, $0x0;
	s3 =	sshll.u32 @!p1 s4, $0x9;
	s4 =	sadd.s32 @!p1 $0x1, s4  }
.Ltmp9:
0xa3: {  	p3 =	por !p3, p1;
	s3 =	sshra.s32 @!p1 s3, $0x2;
	(pc) =	sbr.rel @!p2 .LBB2_10-.Ltmp9, $4  }
0xa4: {  	s4 =	smov.u32 @p1 s9;
	s2 =	simm.s32 @p3 $0x0;
	s5 =	sadd.s32 @!p1 $0x7988, s3  }
0xa5: {  	s2 =	smin.u32 @!p1 s2, $0x270F0  }
0xa6: {  	s3 =	sand.u32 @!p1 $0x3FFF8, s2;
	s2 =	sand.u32 @!p1 $0x7, s2  }
0xa7: {  	s31 =	sadd.s32 $0x1, s31;
	s3 =	sadd.s32 @!p1 s1, s3  }
.LBB2_11:
0xa8: {  	[tilespmem:s5], [sflag:$0x2] =	stream.linear.gather @!p1 [hbm4b:s3+s2], $0x80, $0x38;
	[tilespmem:$0x1F6F8] =	vst v63  }
.Ltmp10:
0xa9: {  	s0 =	sshll.u32 s4, $0x7;
	(pc) =	sbr.rel .LBB2_12-.Ltmp10, $4  }
0xaa: {  	s30 =	simm.s32 $0x2;
	s0 =	sand.u32 $0x3FFFFF80, s0  }
0xab: {  	_ =	swait.ge [sflag:s30], s0  }
0xac: {  	s0 =	ssub.s32 $0x0, s0;
	[sflag:s30] =	ssyncset.done $0x0  }
0xad: {  	s31 =	simm.s32 $0x0;
	[sflag:s30] =	ssyncadd.s32 s0  }
.LBB2_13:
0xae: {  	v1 =	vld [tilespmem:s25+$0xFFFFFFC0];
	_ =	sdelay $0x3  }
0xaf: {  	s0 =	sshra.s32 s0, $0x2  }
0xb0: {  	[tilespmem:s0+$0x108] =	vst.add.f32.msk $0xffff, v1  }
0xb1: {  	v1 =	vld [tilespmem:s25+$0xFFFFFFD0];
	_ =	sdelay $0x4  }
0xb2: {  	[tilespmem:s0+$0x118] =	vst.add.f32.msk $0xffff, v1  }
0xb3: {  	v1 =	vld [tilespmem:s25+$0xFFFFFFE0];
	_ =	sdelay $0x4  }
0xb4: {  	[tilespmem:s0+$0x128] =	vst.add.f32.msk $0xffff, v1  }
0xb5: {  	v1 =	vld [tilespmem:s25+$0xFFFFFFF0];
	_ =	sdelay $0x4  }
0xb6: {  	[tilespmem:s0+$0x138] =	vst.add.f32.msk $0xffff, v1  }
0xb7: {  	v1 =	vld [tilespmem:s25+$0x0];
	_ =	sdelay $0x4  }
0xb8: {  	[tilespmem:s0+$0x148] =	vst.add.f32.msk $0xffff, v1  }
0xb9: {  	v1 =	vld [tilespmem:s25+$0x10];
	_ =	sdelay $0x4  }
0xba: {  	[tilespmem:s0+$0x158] =	vst.add.f32.msk $0xffff, v1  }
0xbb: {  	v1 =	vld [tilespmem:s25+$0x20];
	_ =	sdelay $0x4  }
0xbc: {  	[tilespmem:s0+$0x168] =	vst.add.f32.msk $0xffff, v1  }
0xbd: {  	v1 =	vld [tilespmem:s25+$0x30];
	_ =	sdelay $0x4  }
0xbe: {  	[tilespmem:s0+$0x178] =	vst.add.f32.msk $0xffff, v1  }
.LBB2_17:
0xbf: {  	s26 =	sadd.s32 $0x1, s26  }
0xc0: {  	p1 =	seq.s32 s26, $0x0  }
.Ltmp11:
0xc1: {  	_ = 	snop;
	(pc) =	sbr.rel @p1 .LBB2_18-.Ltmp11, $2  }
0xc2: {  	_ =	sdelay $0x2  }
0xc3: {  	s23 =	sadd.s32 $0x1, s23;
	s25 =	sadd.s32 $0x80, s25;
	s29 =	smov.u32 s30  }
.LBB2_12:
0xc4: {  	v1 =	vld.msk [tilespmem:s23+$0x0], $0x1;
	_ =	sdelay $0x4  }
0xc5: {  	(v2sf) =	vpush v1, $0x0;
	_ =	sdelay $0xe  }
0xc6: {  	s30 =	spop (v2sf)  }
0xc7: {  	p1 =	sne.s32 s29, s30  }
.Ltmp12:
0xc8: {  	_ = 	snop;
	(pc) =	sbr.rel @!p1 .LBB2_13-.Ltmp12, $2  }
0xc9: {  	_ =	sdelay $0x2  }
0xca: {  	s0 =	sshll.u32 s22, $0x9  }
0xcb: {  	p1 =	seq.s32 s29, s24  }
.Ltmp13:
0xcc: {  	_ = 	snop;
	(pc) =	sbr.rel @!p1 .LBB2_15-.Ltmp13, $1  }
0xcd: {  	_ =	sdelay $0x3  }
0xce: {  	s0 =	sshra.s32 s0, $0x2  }
.Ltmp14:
0xcf: {  	s0 =	sadd.s32 $0x108, s0;
	(pc) =	sbr.rel .LBB2_16-.Ltmp14, $4  }
0xd0: {  	[spmem:s16] =	stream.linear.scatter [tilespmem:s0], [sflag:$0x1], $0x80, $0x38;
	[tilespmem:$0x1F6F8] =	vst v63  }
0xd1: {  	_ =	swait.ge [sflag:s12], $0x80  }
0xd2: {  	[sflag:s12] =	ssyncset.done $0x0  }
0xd3: {  	[sflag:s12] =	ssyncadd.s32 $0xFFFFFF80  }
.LBB2_15:
0xd4: {  	s2 =	sshll.u32 s28, $0x9  }
0xd5: {  	s2 =	sshra.s32 s2, $0x2  }
0xd6: {  	v1 =	vld [tilespmem:s2+$0x7988];
	_ =	sdelay $0x3  }
0xd7: {  	s0 =	sshra.s32 s0, $0x2  }
0xd8: {  	[tilespmem:s0+$0x108] =	vst.add.f32.msk $0xffff, v1  }
0xd9: {  	v1 =	vld [tilespmem:s2+$0x7998];
	_ =	sdelay $0x4  }
0xda: {  	[tilespmem:s0+$0x118] =	vst.add.f32.msk $0xffff, v1  }
0xdb: {  	v1 =	vld [tilespmem:s2+$0x79A8];
	_ =	sdelay $0x4  }
0xdc: {  	[tilespmem:s0+$0x128] =	vst.add.f32.msk $0xffff, v1  }
0xdd: {  	v1 =	vld [tilespmem:s2+$0x79B8];
	_ =	sdelay $0x4  }
0xde: {  	[tilespmem:s0+$0x138] =	vst.add.f32.msk $0xffff, v1  }
0xdf: {  	v1 =	vld [tilespmem:s2+$0x79C8];
	_ =	sdelay $0x4  }
0xe0: {  	[tilespmem:s0+$0x148] =	vst.add.f32.msk $0xffff, v1  }
0xe1: {  	v1 =	vld [tilespmem:s2+$0x79D8];
	_ =	sdelay $0x4  }
0xe2: {  	[tilespmem:s0+$0x158] =	vst.add.f32.msk $0xffff, v1  }
0xe3: {  	v1 =	vld [tilespmem:s2+$0x79E8];
	_ =	sdelay $0x4  }
0xe4: {  	[tilespmem:s0+$0x168] =	vst.add.f32.msk $0xffff, v1  }
0xe5: {  	v1 =	vld [tilespmem:s2+$0x79F8];
	_ =	sdelay $0x2  }
0xe6: {  	p1 =	sgt.u32 s29, $0x270F0  }
0xe7: {  	s2 =	sand.u32 @!p1 $0x3FFF8, s29  }
0xe8: {  	s3 =	sadd.s32 $0x108, s0;
	[tilespmem:s0+$0x178] =	vst.add.f32.msk $0xffff, v1;
	s0 =	sadd.s32 @!p1 s1, s2;
	s2 =	sand.u32 @!p1 $0x7, s29  }
0xe9: {  	[hbm4b:s0+s2] =	stream.linear.scatter @!p1 [tilespmem:s3], [sflag:$0xC], $0x80, $0x38;
	[tilespmem:$0x1F6F8] =	vst v63  }
0xea: {  	s0 =	simm.s32 $0x0  }
0xeb: {  	s0 =	simm.s32 @!p1 $0x200  }
0xec: {  	s31 =	sadd.s32 s0, s31  }
.LBB2_16:
0xed: {  	s0 =	sadd.s32 $0x1, s22  }
0xee: {  	s2 =	smulhi.u32 $0x88888889, s0;
	_ =	sdelay $0x1  }
0xef: {  	v1 =	vld [tilespmem:s25+$0xFFFFFFC0];
	s2 =	sshrl.u32 s2, $0x7  }
0xf0: {  	s2 =	smul.u32 $0xF0, s2;
	_ =	sdelay $0x1  }
0xf1: {  	s22 =	ssub.s32 s0, s2  }
0xf2: {  	s0 =	sshll.u32 s22, $0x7  }
0xf3: {  	[tilespmem:s0+$0x108] =	vst v1  }
0xf4: {  	v1 =	vld [tilespmem:s25+$0xFFFFFFD0];
	_ =	sdelay $0x4  }
0xf5: {  	[tilespmem:s0+$0x118] =	vst v1  }
0xf6: {  	v1 =	vld [tilespmem:s25+$0xFFFFFFE0];
	_ =	sdelay $0x4  }
0xf7: {  	[tilespmem:s0+$0x128] =	vst v1  }
0xf8: {  	v1 =	vld [tilespmem:s25+$0xFFFFFFF0];
	_ =	sdelay $0x4  }
0xf9: {  	[tilespmem:s0+$0x138] =	vst v1  }
0xfa: {  	v1 =	vld [tilespmem:s25+$0x0];
	_ =	sdelay $0x4  }
0xfb: {  	[tilespmem:s0+$0x148] =	vst v1  }
0xfc: {  	v1 =	vld [tilespmem:s25+$0x10];
	_ =	sdelay $0x4  }
0xfd: {  	[tilespmem:s0+$0x158] =	vst v1  }
0xfe: {  	v1 =	vld [tilespmem:s25+$0x20];
	_ =	sdelay $0x4  }
0xff: {  	[tilespmem:s0+$0x168] =	vst v1  }
0x100: {  	v1 =	vld [tilespmem:s25+$0x30]  }
.Ltmp15:
0x101: {  	_ = 	snop;
	(pc) =	sbr.rel .LBB2_17-.Ltmp15, $2  }
0x102: {  	_ =	sdelay $0x2  }
0x103: {  	s28 =	sadd.s32 $0x1, s28;
	[tilespmem:s0+$0x178] =	vst v1  }
.LBB2_19:
.Ltmp16:
0x104: {  	(pc) =	sbr.rel .LBB2_20-.Ltmp16, $4  }
0x105: {  	_ = 	snop  }
0x106: {  	s0 =	simm.s32 $0x2  }
0x107: {  	_ =	swait.ge [sflag:s0], $0x0  }
0x108: {  	s30 =	smov.u32 s29;
	[sflag:s0] =	ssyncset.done $0x0;
	s0 =	simm.s32 $0x0  }
.LBB2_22:
0x109: {  	_ =	sfence.sel $0x180000  }
0x10a: {  	s0 =	simm.s32 $0x9;
	[bflag:$0x0] =	sbarrier.arrive $0xFFFF  }
0x10b: {  	s24 =	simm.s32 $0xA;
	[sflag:s0] =	ssyncpa.u1 $0x1  }
0x10c: {  	s25 =	simm.s32 $0xB;
	[sflag:s24] =	ssyncpa.u1 $0x1  }
0x10d: {  	s26 =	simm.s32 $0x2;
	[sflag:s25] =	ssyncpa.u1 $0x1  }
0x10e: {  	[sflag:s26] =	ssyncpa.u1 $0x1  }
0x10f: {  	v0 =	vld [tilespmem:$0xF208];
	_ =	sdelay $0x4  }
0x110: {  	(v2sf) =	vpush v0, $0x0  }
0x111: {  	(v2sf) =	vpush v0, $0x1;
	_ =	sdelay $0x1  }
0x112: {  	(v2sf) =	vpush v0, $0x2;
	_ =	sdelay $0xb  }
0x113: {  	s0 =	spop (v2sf)  }
0x114: {  	s2 =	spop (v2sf)  }
0x115: {  	s3 =	smov.u32 s0;
	p0 =	sne.s32 s0, s2  }
0x116: {  	s4 =	spop (v2sf);
	s3 =	simm.s32 @!p0 $0xFFFFFFFF  }
0x117: {  	v2 =	vimm.s32 $0x1;
	v3 =	vlaneseq.u32;
	p0 =	seq.s32 s4, $0xFFFFFFFF;
	v1 =	vmov s3  }
0x118: {  	s16 =	stileid.u32;
	v0 =	vperm.xlane v0, v2;
	p1 =	sne.s32 @!p0 s0, s2;
	v1 =	vperm.xlane v1, v3  }
0x119: {  	vm0 =	vcmask $0x3F04;
	s6 =	simm.s32 $0xF208;
	s0 =	simm.s32 @!p0 $0x1;
	p1 =	por !p1, p0  }
0x11a: {  	s3 =	sshll.u32 s16, $0x1;
	s2 =	sshll.u32 @!p0 s4, $0x9;
	s0 =	simm.s32 @p1 $0x0;
	v0 =	vsel vm0, v1, v0  }
0x11b: {  	s5 =	sor.u32 $0x1000, s3;
	s2 =	sshra.s32 @!p0 s2, $0x2;
	s0 =	sor.u32 @!p0 s0, s3;
	[tilespmem:$0xF208] =	vst v0  }
0x11c: {  	[spmem:s5] =	stream.linear.scatter [tilespmem:s6], [sflag:$0x1], $0x2, $0x38;
	[tilespmem:$0x1F6F8] =	vst v63  }
0x11d: {  	s2 =	sadd.s32 @!p0 $0x108, s2;
	s0 =	sshll.u32 @!p0 s0, $0x7  }
0x11e: {  	[spmem:s0] =	stream.linear.scatter @!p0 [tilespmem:s2], [sflag:$0x1], $0x80, $0x38;
	[tilespmem:$0x1F6F8] =	vst v63  }
0x11f: {  	s0 =	simm.s32 @!p0 $0x82  }
0x120: {  	s28 =	simm.s32 $0x1;
	s0 =	simm.s32 @p0 $0x2  }
0x121: {  	_ =	swait.ge [sflag:s28], s0  }
0x122: {  	s0 =	ssub.s32 $0x0, s0;
	[sflag:s28] =	ssyncset.done $0x0  }
0x123: {  	p0 =	sne.s32 s16, $0x0;
	[sflag:s28] =	ssyncadd.s32 s0  }
.Ltmp17:
0x124: {  	_ =	sfence.stream.spmem;
	(pc) =	sbr.rel @p0 .LBB2_39-.Ltmp17, $4  }
0x125: {  	s29 =	simm.s32 $0x3;
	[bflag:$0x0] =	sbarrier.arrive $0xFFFF  }
0x126: {  	s30 =	simm.s32 $0x4;
	[sflag:s29] =	ssyncpa.u1 $0x1  }
0x127: {  	s31 =	simm.s32 $0x3C;
	[sflag:s30] =	ssyncpa.u1 $0x1  }
0x128: {  	s15 =	rddreg [dreg:$0x4];
	[sflag:s31] =	ssyncpa.u1 $0x1  }
0x129: {  	_ =	sfence.stream.spmem;
	s0 =	simm.s32 $0x5  }
0x12a: {  	s2 =	simm.s32 $0x1000;
	s3 =	simm.s32 $0xF218;
	[sflag:s0] =	ssyncpa.u1 $0x0  }
0x12b: {  	[tilespmem:s3], [sflag:$0x5] =	stream.linear.gather [spmem:s2], $0x20, $0x38;
	[tilespmem:$0x1F6F8] =	vst v63  }
0x12c: {  	s26 =	simm.s32 $0x0;
	s28 =	simm.s32 $0xF238  }
0x12d: {  	[tilespmem:s28], [sflag:$0x5] =	stream.linear.gather [spmem:s26], $0x1000, $0x38;
	[tilespmem:$0x1F6F8] =	vst v63  }
0x12e: {  	_ =	swait.ge [sflag:s0], $0x1020  }
0x12f: {  	[sflag:s0] =	ssyncset.done $0x0  }
0x130: {  	s29 =	simm.s32 $0x0;
	[sflag:s0] =	ssyncadd.s32 $0xFFFFEFE0  }
0x131: {  	v0 =	vld.msk [tilespmem:s29+$0xF218], $0x1;
	_ =	sdelay $0x1  }
0x132: {  	s30 =	simm.s32 $0x1  }
0x133: {  	v1 =	vld.msk [tilespmem:s30+$0xF218], $0x1;
	_ =	sdelay $0x1  }
0x134: {  	(v2sf) =	vpush v0, $0x0;
	_ =	sdelay $0x2  }
0x135: {  	(v2sf) =	vpush v1, $0x0;
	_ =	sdelay $0x2  }
0x136: {  	s31 =	simm.s32 $0x2  }
0x137: {  	v0 =	vld.msk [tilespmem:s31+$0xF218], $0x1;
	_ =	sdelay $0x2  }
0x138: {  	s4 =	simm.s32 $0xFFFFFFFF;
	s5 =	simm.s32 $0xFFFFFFFF;
	s0 =	simm.s32 $0xC  }
.LBB2_24:
0x139: {  	s2 =	smov.u32 s5;
	s3 =	smov.u32 s4  }
0x13a: {  	s4 =	sshra.s32 s0, $0x2;
	p1 =	sne.s32 s0, $0x7C;
	s0 =	sadd.s32 $0x4, s0;
	(v2sf) =	vpush v0, $0x0  }
0x13b: {  	v0 =	vld.msk [tilespmem:s4+$0xF218], $0x1  }
.Ltmp18:
0x13c: {  	(pc) =	sbr.rel @p1 .LBB2_24-.Ltmp18, $4  }
0x13d: {  	s5 =	spop (v2sf)  }
0x13e: {  	p2 =	sne.s32 s3, $0xFFFFFFFF;
	s4 =	smov.u32 s5  }
0x13f: {  	p3 =	seq.s32 s5, $0xFFFFFFFF;
	s4 =	smov.u32 @p2 s3  }
0x140: {  	s5 =	smov.u32 @p3 s2;
	s4 =	smov.u32 @p3 s3  }
0x141: {  	(v2sf) =	vpush v0, $0x0;
	_ =	sdelay $0x8  }
0x142: {  	s0 =	spop (v2sf)  }
0x143: {  	p1 =	sne.s32 s4, $0xFFFFFFFF;
	s2 =	smov.u32 s0  }
0x144: {  	s9 =	simm.s32 $0x6;
	p2 =	seq.s32 s0, $0xFFFFFFFF;
	s2 =	smov.u32 @p1 s4  }
0x145: {  	s6 =	simm.s32 $0x0;
	s2 =	smov.u32 @p2 s4;
	s3 =	spop (v2sf)  }
0x146: {  	s0 =	smov.u32 @p2 s5;
	p1 =	sne.s32 s2, $0xFFFFFFFF;
	s4 =	smov.u32 s3  }
.Ltmp19:
0x147: {  	p2 =	seq.s32 s3, $0xFFFFFFFF;
	s4 =	smov.u32 @p1 s2;
	(pc) =	sbr.rel .LBB2_26-.Ltmp19, $4  }
0x148: {  	s10 =	simm.s32 $0xF188;
	s4 =	smov.u32 @p2 s2;
	s7 =	spop (v2sf)  }
0x149: {  	s11 =	simm.s32 $0x0;
	p1 =	sne.s32 s4, $0xFFFFFFFF;
	s8 =	smov.u32 s7  }
0x14a: {  	s3 =	smov.u32 @p2 s0;
	p2 =	seq.s32 s7, $0xFFFFFFFF;
	s8 =	smov.u32 @p1 s4  }
0x14b: {  	[sflag:s9] =	ssyncpa.u1 $0x0;
	s7 =	smov.u32 @p2 s3;
	s8 =	smov.u32 @p2 s4  }
.LBB2_32:
0x14c: {  	p1 =	sgt.u32 s12, $0x270F0  }
0x14d: {  	p2 =	seq.s32 @!p1 s12, s8  }
0x14e: {  	p1 =	por p1, p2  }
0x14f: {  	p2 =	sne.s32 @!p1 s12, s7  }
0x150: {  	p1 =	por p1, !p2  }
0x151: {  	s0 =	sshll.u32 @p1 s11, $0x9  }
0x152: {  	s0 =	sand.u32 @!p1 $0x3FFF8, s12  }
0x153: {  	s2 =	sand.u32 @!p1 $0x7, s12;
	s0 =	sadd.s32 @!p1 s1, s0  }
0x154: {  	[tilespmem:s10], [sflag:$0x6] =	stream.linear.gather @!p1 [hbm4b:s0+s2], $0x80, $0x38;
	[tilespmem:$0x1F6F8] =	vst v63  }
0x155: {  	_ =	swait.ge @!p1 [sflag:s9], $0x80  }
0x156: {  	[sflag:s9] =	ssyncset.done @!p1 $0x0  }
0x157: {  	[sflag:s9] =	ssyncadd.s32 @!p1 $0xFFFFFF80  }
0x158: {  	v1 =	vld @!p1 [tilespmem:$0xF188];
	_ =	sdelay $0x2  }
0x159: {  	s0 =	sshll.u32 @!p1 s11, $0x9  }
0x15a: {  	s2 =	sshrl.u32 @!p1 s0, $0x2  }
0x15b: {  	[tilespmem:s2+$0xF238] =	vst.add.f32.msk @!p1 $0xffff, v1  }
0x15c: {  	v1 =	vld @!p1 [tilespmem:$0xF198];
	_ =	sdelay $0x4  }
0x15d: {  	[tilespmem:s2+$0xF248] =	vst.add.f32.msk @!p1 $0xffff, v1  }
0x15e: {  	v1 =	vld @!p1 [tilespmem:$0xF1A8];
	_ =	sdelay $0x4  }
0x15f: {  	[tilespmem:s2+$0xF258] =	vst.add.f32.msk @!p1 $0xffff, v1  }
0x160: {  	v1 =	vld @!p1 [tilespmem:$0xF1B8];
	_ =	sdelay $0x4  }
0x161: {  	[tilespmem:s2+$0xF268] =	vst.add.f32.msk @!p1 $0xffff, v1  }
0x162: {  	v1 =	vld @!p1 [tilespmem:$0xF1C8];
	_ =	sdelay $0x4  }
0x163: {  	[tilespmem:s2+$0xF278] =	vst.add.f32.msk @!p1 $0xffff, v1  }
0x164: {  	v1 =	vld @!p1 [tilespmem:$0xF1D8];
	_ =	sdelay $0x4  }
0x165: {  	[tilespmem:s2+$0xF288] =	vst.add.f32.msk @!p1 $0xffff, v1  }
0x166: {  	v1 =	vld @!p1 [tilespmem:$0xF1E8];
	_ =	sdelay $0x4  }
0x167: {  	[tilespmem:s2+$0xF298] =	vst.add.f32.msk @!p1 $0xffff, v1  }
0x168: {  	v1 =	vld @!p1 [tilespmem:$0xF1F8];
	_ =	sdelay $0x4  }
0x169: {  	[tilespmem:s2+$0xF2A8] =	vst.add.f32.msk @!p1 $0xffff, v1  }
0x16a: {  	s0 =	sshrl.u32 s0, $0x2;
	[tilespmem:s6+$0xF218] =	vst.msk $0x1, v0  }
0x16b: {  	v0 =	vld [tilespmem:s0+$0xF238];
	_ =	sdelay $0x2  }
0x16c: {  	s31 =	sshll.u32 s6, $0x9  }
0x16d: {  	s2 =	sshra.s32 s31, $0x2  }
0x16e: {  	[tilespmem:s2+$0xF238] =	vst v0  }
0x16f: {  	v0 =	vld [tilespmem:s0+$0xF248];
	_ =	sdelay $0x4  }
0x170: {  	[tilespmem:s2+$0xF248] =	vst v0  }
0x171: {  	v0 =	vld [tilespmem:s0+$0xF258];
	_ =	sdelay $0x4  }
0x172: {  	[tilespmem:s2+$0xF258] =	vst v0  }
0x173: {  	v0 =	vld [tilespmem:s0+$0xF268];
	_ =	sdelay $0x4  }
0x174: {  	[tilespmem:s2+$0xF268] =	vst v0  }
0x175: {  	v0 =	vld [tilespmem:s0+$0xF278];
	_ =	sdelay $0x4  }
0x176: {  	[tilespmem:s2+$0xF278] =	vst v0  }
0x177: {  	v0 =	vld [tilespmem:s0+$0xF288];
	_ =	sdelay $0x4  }
0x178: {  	[tilespmem:s2+$0xF288] =	vst v0  }
0x179: {  	v0 =	vld [tilespmem:s0+$0xF298];
	_ =	sdelay $0x4  }
0x17a: {  	[tilespmem:s2+$0xF298] =	vst v0  }
0x17b: {  	v0 =	vld [tilespmem:s0+$0xF2A8];
	_ =	sdelay $0x4  }
0x17c: {  	s6 =	sadd.s32 $0x1, s6;
	[tilespmem:s2+$0xF2A8] =	vst v0  }
.LBB2_33:
0x17d: {  	s11 =	sadd.s32 $0x1, s11  }
0x17e: {  	p1 =	sne.s32 s11, $0x20  }
.Ltmp20:
0x17f: {  	_ = 	snop;
	(pc) =	sbr.rel @!p1 .LBB2_34-.Ltmp20, $1  }
0x180: {  	_ =	sdelay $0x3  }
.LBB2_26:
0x181: {  	v0 =	vld.msk [tilespmem:s11+$0xF218], $0x1;
	_ =	sdelay $0x4  }
0x182: {  	(v2sf) =	vpush v0, $0x0;
	_ =	sdelay $0xe  }
0x183: {  	s12 =	spop (v2sf)  }
0x184: {  	p1 =	seq.s32 s12, $0xFFFFFFFF  }
.Ltmp21:
0x185: {  	_ = 	snop;
	(pc) =	sbr.rel @p1 .LBB2_33-.Ltmp21, $1  }
0x186: {  	_ =	sdelay $0x3  }
0x187: {  	p1 =	slt.s32 s6, $0x1  }
.Ltmp22:
0x188: {  	_ = 	snop;
	(pc) =	sbr.rel @p1 .LBB2_32-.Ltmp22, $1  }
0x189: {  	_ =	sdelay $0x3  }
0x18a: {  	s13 =	simm.s32 $0xF218;
	p1 =	por $0x0, $0x0  }
0x18b: {  	v1 =	vld.msk @!p1 [tilespmem:s13+$0x0], $0x1;
	_ =	sdelay $0x4  }
0x18c: {  	(v2sf) =	vpush @!p1 v1, $0x0;
	_ =	sdelay $0xd  }
0x18d: {  	p3 =	sne.s32 s6, $0x1  }
.Ltmp23:
0x18e: {  	s0 =	spop @!p1 (v2sf);
	(pc) =	sbr.rel @!p3 .LBB2_30-.Ltmp23, $4  }
0x18f: {  	p2 =	seq.s32 @!p1 s12, s0  }
0x190: {  	s14 =	simm.s32 $0x0;
	p2 =	por !p2, p1  }
0x191: {  	s2 =	simm.s32 $0xFFFFFFFF;
	s14 =	simm.s32 @p2 $0xFFFFFFFF  }
0x192: {  	s0 =	simm.s32 $0x1;
	s14 =	smov.u32 @p1 s2  }
.LBB2_29:
0x193: {  	s2 =	smov.u32 s14;
	p1 =	sne.s32 s14, $0xFFFFFFFF  }
0x194: {  	s13 =	sadd.s32 $0x1, s13;
	s14 =	smov.u32 s0;
	s0 =	sadd.s32 $0x1, s0  }
0x195: {  	p2 =	sne.s32 s6, s0;
	v1 =	vld.msk @!p1 [tilespmem:s13+$0x0], $0x1;
	_ =	sdelay $0x4  }
0x196: {  	(v2sf) =	vpush @!p1 v1, $0x0;
	_ =	sdelay $0xe  }
.Ltmp24:
0x197: {  	s3 =	spop @!p1 (v2sf);
	(pc) =	sbr.rel @p2 .LBB2_29-.Ltmp24, $4  }
0x198: {  	p3 =	seq.s32 @!p1 s12, s3  }
0x199: {  	p3 =	por !p3, p1  }
0x19a: {  	s14 =	simm.s32 @p3 $0xFFFFFFFF  }
0x19b: {  	s14 =	smov.u32 @p1 s2  }
.LBB2_30:
0x19c: {  	p1 =	seq.s32 s14, $0xFFFFFFFF  }
.Ltmp25:
0x19d: {  	_ = 	snop;
	(pc) =	sbr.rel @p1 .LBB2_32-.Ltmp25, $1  }
0x19e: {  	_ =	sdelay $0x3  }
0x19f: {  	s0 =	sshll.u32 s11, $0x7  }
0x1a0: {  	s0 =	sand.u32 $0x3FFFFF80, s0  }
0x1a1: {  	v0 =	vld [tilespmem:s0+$0xF238];
	_ =	sdelay $0x2  }
0x1a2: {  	s2 =	sshll.u32 s14, $0x9  }
0x1a3: {  	s2 =	sshra.s32 s2, $0x2  }
0x1a4: {  	[tilespmem:s2+$0xF238] =	vst.add.f32.msk $0xffff, v0  }
0x1a5: {  	v0 =	vld [tilespmem:s0+$0xF248];
	_ =	sdelay $0x4  }
0x1a6: {  	[tilespmem:s2+$0xF248] =	vst.add.f32.msk $0xffff, v0  }
0x1a7: {  	v0 =	vld [tilespmem:s0+$0xF258];
	_ =	sdelay $0x4  }
0x1a8: {  	[tilespmem:s2+$0xF258] =	vst.add.f32.msk $0xffff, v0  }
0x1a9: {  	v0 =	vld [tilespmem:s0+$0xF268];
	_ =	sdelay $0x4  }
0x1aa: {  	[tilespmem:s2+$0xF268] =	vst.add.f32.msk $0xffff, v0  }
0x1ab: {  	v0 =	vld [tilespmem:s0+$0xF278];
	_ =	sdelay $0x4  }
0x1ac: {  	[tilespmem:s2+$0xF278] =	vst.add.f32.msk $0xffff, v0  }
0x1ad: {  	v0 =	vld [tilespmem:s0+$0xF288];
	_ =	sdelay $0x4  }
0x1ae: {  	[tilespmem:s2+$0xF288] =	vst.add.f32.msk $0xffff, v0  }
0x1af: {  	v0 =	vld [tilespmem:s0+$0xF298];
	_ =	sdelay $0x4  }
0x1b0: {  	[tilespmem:s2+$0xF298] =	vst.add.f32.msk $0xffff, v0  }
0x1b1: {  	v0 =	vld [tilespmem:s0+$0xF2A8]  }
.Ltmp26:
0x1b2: {  	_ = 	snop;
	(pc) =	sbr.rel .LBB2_33-.Ltmp26, $2  }
0x1b3: {  	_ =	sdelay $0x2  }
0x1b4: {  	[tilespmem:s2+$0xF2A8] =	vst.add.f32.msk $0xffff, v0  }
.LBB2_34:
0x1b5: {  	s0 =	simm.s32 $0x6;
	p1 =	seq.s32 s6, $0x0  }
0x1b6: {  	[sflag:s0] =	ssyncpa.u1 $0x1;
	v0 =	vimm.s32 @p1 $0xFFFFFFFF  }
0x1b7: {  	s9 =	sadd.s32 $0xFFFFFFFF, s6;
	[tilespmem:$0x10238] =	vst @p1 v0  }
0x1b8: {  	v0 =	vld.msk @!p1 [tilespmem:s9+$0xF218], $0x1;
	_ =	sdelay $0x1  }
0x1b9: {  	v1 =	vld.msk @!p1 [tilespmem:$0xF218], $0x1;
	_ =	sdelay $0x2  }
0x1ba: {  	p2 =	seq.s32 @!p1 s9, $0x0;
	v0 =	vbroadcast @!p1 v0, $0x0  }
0x1bb: {  	vm0 =	vmmov @!p1 $0x1;
	p2 =	por !p2, p1  }
0x1bc: {  	v1 =	vnsel @!p1 vm0, $0xFFFFFFFF, v1;
	vm0 =	vcmask @!p1 $0x308;
	v0 =	vpsel !p2, $0xFFFFFFFF, v0  }
0x1bd: {  	p2 =	sne.s32 @!p1 s8, s7;
	v0 =	vsel @!p1 vm0, v1, v0  }
0x1be: {  	s0 =	simm.s32 @!p1 $0xF238;
	s2 =	simm.s32 @!p1 $0x0;
	p3 =	por !p2, p1;
	[tilespmem:$0x10238] =	vst @!p1 v0  }
0x1bf: {  	[spmem:s2] =	stream.linear.scatter @!p1 [tilespmem:s0], [sflag:$0x1], $0x80, $0x38;
	[tilespmem:$0x1F6F8] =	vst v63  }
0x1c0: {  	s0 =	sshll.u32 @!p3 s9, $0x9  }
0x1c1: {  	s0 =	sshra.s32 @!p3 s0, $0x2  }
0x1c2: {  	s2 =	simm.s32 @!p3 $0x80;
	s0 =	sadd.s32 @!p3 $0xF238, s0  }
0x1c3: {  	[spmem:s2] =	stream.linear.scatter @!p3 [tilespmem:s0], [sflag:$0x1], $0x80, $0x38;
	[tilespmem:$0x1F6F8] =	vst v63  }
0x1c4: {  	s0 =	simm.s32 @!p3 $0x1  }
0x1c5: {  	_ =	swait.ge @!p3 [sflag:s0], $0x100  }
0x1c6: {  	p1 =	por p2, p1;
	[sflag:s0] =	ssyncset.done @!p3 $0x0  }
0x1c7: {  	[sflag:s0] =	ssyncadd.s32 @!p3 $0xFFFFFF00;
	s0 =	simm.s32 @!p1 $0x1  }
0x1c8: {  	_ =	swait.ge @!p1 [sflag:s0], $0x80  }
0x1c9: {  	s29 =	simm.s32 $0x10238;
	[sflag:s0] =	ssyncset.done @!p1 $0x0  }
0x1ca: {  	s30 =	simm.s32 $0x1000;
	s31 =	simm.s32 $0x1;
	[sflag:s0] =	ssyncadd.s32 @!p1 $0xFFFFFF80  }
0x1cb: {  	[spmem:s30] =	stream.linear.scatter [tilespmem:s29], [sflag:$0x1], $0x10, $0x38;
	[tilespmem:$0x1F6F8] =	vst v63  }
0x1cc: {  	_ =	swait.ge [sflag:s31], $0x10  }
0x1cd: {  	[sflag:s31] =	ssyncset.done $0x0  }
0x1ce: {  	p1 =	seq.s32 s15, $0x0;
	s8 =	rddreg [dreg:$0x1];
	[sflag:s31] =	ssyncadd.s32 $0xFFFFFFF0  }
0x1cf: {  	s2 =	sshll.u32 @p1 s8, $0xE;
	s7 =	rddreg [dreg:$0x2]  }
0x1d0: {  	s0 =	sadd.s32 @p1 $0x15C3C, s2;
	s2 =	sshll.u32 @p1 s7, $0x11  }
0x1d1: {  	_ =	sfence.stream.spmem;
	s0 =	sor.u32 @p1 s2, s0  }
0x1d2: {  	[sflag:s0] =	ssyncadd.remote.s32 @p1 $0x1;
	s0 =	simm.s32 @p1 $0x4  }
0x1d3: {  	s3 =	simm.s32 @!p1 $0x3C;
	s2 =	sand.u32 $0xFFFFFFFE, s8;
	_ =	swait.ge @p1 [sflag:s0], $0x22  }
0x1d4: {  	s4 =	simm.s32 @!p1 $0x0;
	s2 =	sadd.s32 @!p1 $0x4, s2;
	[sflag:s0] =	ssyncset.done @p1 $0x0  }
0x1d5: {  	s5 =	simm.s32 @!p1 $0x100;
	[sflag:s0] =	ssyncadd.s32 @p1 $0xFFFFFFDE;
	s0 =	sshll.u32 @!p1 s2, $0x1A  }
0x1d6: {  	s2 =	sshll.u32 @!p1 s2, $0xD;
	s0 =	sor.u32 @!p1 s0, s7;
	_ =	swait.eq @!p1 [sflag:s3], $0x1  }
0x1d7: {  	s2 =	sor.u32 @!p1 $0x1C04, s2;
	s3 =	simm.s32 @!p1 $0x1C03;
	s0 =	sor.u32 @!p1 $0x80004000, s0  }
0x1d8: {  	[spmem:s5], [sflag:s2] =	dma.general @!p1 [spmem:s4], [sflag:s3], length:$0x20, [dreg:$0x0], stride_count:$0x0, ici_dest:s0, dma_misc:DstOpCode:WRITE  }
0x1d9: {  	p2 =	slt.s32 s9, $0x2;
	s4 =	simm.s32 @!p1 $0x200;
	s5 =	simm.s32 @!p1 $0x202  }
0x1da: {  	[spmem:s5], [sflag:s2] =	dma.general @!p1 [spmem:s4], [sflag:s3], length:$0x2, [dreg:$0x0], stride_count:$0x0, ici_dest:s0, dma_misc:DstOpCode:WRITE  }
.Ltmp27:
0x1db: {  	s0 =	simm.s32 @!p1 $0x3;
	(pc) =	sbr.rel @p2 .LBB2_38-.Ltmp27, $4  }
0x1dc: {  	s2 =	sshll.u32 @!p1 s8, $0xE;
	_ =	swait.ge @!p1 [sflag:s0], $0x22  }
0x1dd: {  	s3 =	sshll.u32 @!p1 s7, $0x11;
	s2 =	sadd.s32 @!p1 $0x11C3C, s2;
	[sflag:s0] =	ssyncset.done @!p1 $0x0  }
0x1de: {  	[sflag:s0] =	ssyncadd.s32 @!p1 $0xFFFFFFDE;
	s0 =	sor.u32 @!p1 s3, s2  }
0x1df: {  	[sflag:s0] =	ssyncadd.remote.s32 @!p1 $0xFFFFFFFF;
	s0 =	simm.s32 $0x0  }
0x1e0: {  	s0 =	simm.s32 $0xF219  }
0x1e1: {  	v0 =	vld.msk [tilespmem:s0+$0x0], $0x1;
	_ =	sdelay $0x4  }
0x1e2: {  	(v2sf) =	vpush v0, $0x0;
	_ =	sdelay $0xb  }
0x1e3: {  	s31 =	sadd.s32 $0xFFFFFFFE, s6  }
0x1e4: {  	s0 =	sadd.s32 $0xFFFFFFFF, s31  }
0x1e5: {  	p2 =	sne.s32 s0, $0x0  }
.Ltmp28:
0x1e6: {  	s2 =	spop (v2sf);
	(pc) =	sbr.rel @!p2 .LBB2_37-.Ltmp28, $4  }
0x1e7: {  	s4 =	simm.s32 $0xF2B8;
	s7 =	simm.s32 $0x0;
	p1 =	sgt.u32 s2, $0x270F0  }
0x1e8: {  	s5 =	simm.s32 $0x0;
	s6 =	simm.s32 $0xF21A;
	s3 =	sand.u32 @!p1 $0x3FFF8, s2  }
0x1e9: {  	s2 =	sand.u32 @!p1 $0x7, s2;
	s7 =	simm.s32 @!p1 $0x200;
	s3 =	sadd.s32 @!p1 s1, s3  }
0x1ea: {  	[hbm4b:s3+s2] =	stream.linear.scatter @!p1 [tilespmem:s4], [sflag:$0x5], $0x80, $0x38;
	[tilespmem:$0x1F6F8] =	vst v63  }
.LBB2_36:
0x1eb: {  	v0 =	vld.msk [tilespmem:s6+$0x0], $0x1;
	s0 =	sadd.s32 $0xFFFFFFFF, s0;
	s5 =	sadd.s32 s5, s7  }
0x1ec: {  	p1 =	sne.s32 s0, $0x0;
	_ =	sdelay $0x3  }
0x1ed: {  	(v2sf) =	vpush v0, $0x0;
	_ =	sdelay $0xe  }
.Ltmp29:
0x1ee: {  	s2 =	spop (v2sf);
	(pc) =	sbr.rel @p1 .LBB2_36-.Ltmp29, $4  }
0x1ef: {  	s7 =	simm.s32 $0x0;
	p2 =	sgt.u32 s2, $0x270F0  }
0x1f0: {  	s4 =	sadd.s32 $0x80, s4;
	s7 =	simm.s32 @!p2 $0x200;
	s3 =	sand.u32 @!p2 $0x3FFF8, s2  }
0x1f1: {  	s6 =	sadd.s32 $0x1, s6;
	s2 =	sand.u32 @!p2 $0x7, s2;
	s3 =	sadd.s32 @!p2 s1, s3  }
0x1f2: {  	[hbm4b:s3+s2] =	stream.linear.scatter @!p2 [tilespmem:s4], [sflag:$0x5], $0x80, $0x38;
	[tilespmem:$0x1F6F8] =	vst v63  }
.LBB2_37:
0x1f3: {  	s0 =	sadd.s32 s5, s7  }
0x1f4: {  	s0 =	sshrl.u32 s0, $0x2  }
.LBB2_38:
0x1f5: {  	s2 =	simm.s32 $0x5  }
0x1f6: {  	_ =	swait.ge [sflag:s2], s0  }
0x1f7: {  	s31 =	ssub.s32 $0x0, s0;
	[sflag:s2] =	ssyncset.done $0x0  }
0x1f8: {  	[sflag:s2] =	ssyncadd.s32 s31  }
0x1f9: {  	[sflag:s2] =	ssyncpa.u1 $0x1  }
.LBB2_39:
0x1fa: {  	s0 =	sor.u32 s15, s16  }
0x1fb: {  	p1 =	sne.s32 s0, $0x0  }
.Ltmp30:
0x1fc: {  	_ = 	snop;
	(pc) =	sbr.rel @p1 .LBB2_54-.Ltmp30, $3  }
0x1fd: {  	_ =	sdelay $0x1  }
0x1fe: {  	[bflag:$0x0] =	sbarrier.arrive $0xFFFF  }
0x1ff: {  	_ =	sfence  }
0x200: {  	s0 =	simm.s32 $0x7  }
0x201: {  	s2 =	simm.s32 $0x1000;
	s3 =	simm.s32 $0xF218;
	[sflag:s0] =	ssyncpa.u1 $0x0  }
0x202: {  	[tilespmem:s3], [sflag:$0x7] =	stream.linear.gather [spmem:s2], $0x20, $0x38;
	[tilespmem:$0x1F6F8] =	vst v63  }
0x203: {  	s30 =	simm.s32 $0xF238;
	s2 =	simm.s32 $0x0  }
0x204: {  	[tilespmem:s30], [sflag:$0x7] =	stream.linear.gather [spmem:s2], $0x1000, $0x38;
	[tilespmem:$0x1F6F8] =	vst v63  }
.Ltmp31:
0x205: {  	_ = 	snop;
	(pc) =	sbr.rel .LBB2_41-.Ltmp31, $4  }
0x206: {  	_ =	swait.ge [sflag:s0], $0x1020  }
0x207: {  	[sflag:s0] =	ssyncset.done $0x0  }
0x208: {  	s31 =	simm.s32 $0x8;
	[sflag:s0] =	ssyncadd.s32 $0xFFFFEFE0  }
0x209: {  	s3 =	simm.s32 $0x0;
	[sflag:s31] =	ssyncpa.u1 $0x0  }
.LBB2_47:
0x20a: {  	p1 =	slt.u32 s4, $0x270F1  }
0x20b: {  	s0 =	sand.u32 @p1 $0x3FFF8, s4  }
0x20c: {  	s4 =	sand.u32 @p1 $0x7, s4;
	s5 =	simm.s32 @p1 $0xF188;
	s0 =	sadd.s32 @p1 s1, s0  }
0x20d: {  	[tilespmem:s5], [sflag:$0x8] =	stream.linear.gather @p1 [hbm4b:s0+s4], $0x80, $0x38;
	[tilespmem:$0x1F6F8] =	vst v63  }
0x20e: {  	s0 =	simm.s32 @p1 $0x8  }
0x20f: {  	_ =	swait.ge @p1 [sflag:s0], $0x80  }
0x210: {  	[sflag:s0] =	ssyncset.done @p1 $0x0  }
0x211: {  	[sflag:s0] =	ssyncadd.s32 @p1 $0xFFFFFF80  }
0x212: {  	v1 =	vld @p1 [tilespmem:$0xF188];
	_ =	sdelay $0x2  }
0x213: {  	s0 =	sshll.u32 @p1 s3, $0x9  }
0x214: {  	s4 =	sshrl.u32 @p1 s0, $0x2  }
0x215: {  	[tilespmem:s4+$0xF238] =	vst.add.f32.msk @p1 $0xffff, v1  }
0x216: {  	v1 =	vld @p1 [tilespmem:$0xF198];
	_ =	sdelay $0x4  }
0x217: {  	[tilespmem:s4+$0xF248] =	vst.add.f32.msk @p1 $0xffff, v1  }
0x218: {  	v1 =	vld @p1 [tilespmem:$0xF1A8];
	_ =	sdelay $0x4  }
0x219: {  	[tilespmem:s4+$0xF258] =	vst.add.f32.msk @p1 $0xffff, v1  }
0x21a: {  	v1 =	vld @p1 [tilespmem:$0xF1B8];
	_ =	sdelay $0x4  }
0x21b: {  	[tilespmem:s4+$0xF268] =	vst.add.f32.msk @p1 $0xffff, v1  }
0x21c: {  	v1 =	vld @p1 [tilespmem:$0xF1C8];
	_ =	sdelay $0x4  }
0x21d: {  	[tilespmem:s4+$0xF278] =	vst.add.f32.msk @p1 $0xffff, v1  }
0x21e: {  	v1 =	vld @p1 [tilespmem:$0xF1D8];
	_ =	sdelay $0x4  }
0x21f: {  	[tilespmem:s4+$0xF288] =	vst.add.f32.msk @p1 $0xffff, v1  }
0x220: {  	v1 =	vld @p1 [tilespmem:$0xF1E8];
	_ =	sdelay $0x4  }
0x221: {  	[tilespmem:s4+$0xF298] =	vst.add.f32.msk @p1 $0xffff, v1  }
0x222: {  	v1 =	vld @p1 [tilespmem:$0xF1F8];
	_ =	sdelay $0x3  }
0x223: {  	s5 =	sshll.u32 @!p1 s3, $0x9  }
0x224: {  	s5 =	smov.u32 @p1 s0;
	[tilespmem:s4+$0xF2A8] =	vst.add.f32.msk @p1 $0xffff, v1  }
0x225: {  	s0 =	sshrl.u32 s5, $0x2;
	[tilespmem:s2+$0xF218] =	vst.msk $0x1, v0  }
0x226: {  	v0 =	vld [tilespmem:s0+$0xF238];
	_ =	sdelay $0x2  }
0x227: {  	s31 =	sshll.u32 s2, $0x9  }
0x228: {  	s4 =	sshra.s32 s31, $0x2  }
0x229: {  	[tilespmem:s4+$0xF238] =	vst v0  }
0x22a: {  	v0 =	vld [tilespmem:s0+$0xF248];
	_ =	sdelay $0x4  }
0x22b: {  	[tilespmem:s4+$0xF248] =	vst v0  }
0x22c: {  	v0 =	vld [tilespmem:s0+$0xF258];
	_ =	sdelay $0x4  }
0x22d: {  	[tilespmem:s4+$0xF258] =	vst v0  }
0x22e: {  	v0 =	vld [tilespmem:s0+$0xF268];
	_ =	sdelay $0x4  }
0x22f: {  	[tilespmem:s4+$0xF268] =	vst v0  }
0x230: {  	v0 =	vld [tilespmem:s0+$0xF278];
	_ =	sdelay $0x4  }
0x231: {  	[tilespmem:s4+$0xF278] =	vst v0  }
0x232: {  	v0 =	vld [tilespmem:s0+$0xF288];
	_ =	sdelay $0x4  }
0x233: {  	[tilespmem:s4+$0xF288] =	vst v0  }
0x234: {  	v0 =	vld [tilespmem:s0+$0xF298];
	_ =	sdelay $0x4  }
0x235: {  	[tilespmem:s4+$0xF298] =	vst v0  }
0x236: {  	v0 =	vld [tilespmem:s0+$0xF2A8];
	_ =	sdelay $0x4  }
0x237: {  	s2 =	sadd.s32 $0x1, s2;
	[tilespmem:s4+$0xF2A8] =	vst v0  }
.LBB2_48:
0x238: {  	s3 =	sadd.s32 $0x1, s3  }
0x239: {  	p1 =	sne.s32 s3, $0x20  }
.Ltmp32:
0x23a: {  	_ = 	snop;
	(pc) =	sbr.rel @!p1 .LBB2_49-.Ltmp32, $1  }
0x23b: {  	_ =	sdelay $0x3  }
.LBB2_41:
0x23c: {  	v0 =	vld.msk [tilespmem:s3+$0xF218], $0x1;
	_ =	sdelay $0x4  }
0x23d: {  	(v2sf) =	vpush v0, $0x0;
	_ =	sdelay $0xe  }
0x23e: {  	s4 =	spop (v2sf)  }
0x23f: {  	p1 =	seq.s32 s4, $0xFFFFFFFF  }
.Ltmp33:
0x240: {  	_ = 	snop;
	(pc) =	sbr.rel @p1 .LBB2_48-.Ltmp33, $1  }
0x241: {  	_ =	sdelay $0x3  }
0x242: {  	p1 =	slt.s32 s2, $0x1  }
.Ltmp34:
0x243: {  	_ = 	snop;
	(pc) =	sbr.rel @p1 .LBB2_47-.Ltmp34, $1  }
0x244: {  	_ =	sdelay $0x3  }
0x245: {  	s5 =	simm.s32 $0xF218;
	p1 =	por $0x0, $0x0  }
0x246: {  	v1 =	vld.msk @!p1 [tilespmem:s5+$0x0], $0x1;
	_ =	sdelay $0x4  }
0x247: {  	(v2sf) =	vpush @!p1 v1, $0x0;
	_ =	sdelay $0xd  }
0x248: {  	p3 =	sne.s32 s2, $0x1  }
.Ltmp35:
0x249: {  	s0 =	spop @!p1 (v2sf);
	(pc) =	sbr.rel @!p3 .LBB2_45-.Ltmp35, $4  }
0x24a: {  	p2 =	seq.s32 @!p1 s4, s0  }
0x24b: {  	s6 =	simm.s32 $0x0;
	p2 =	por !p2, p1  }
0x24c: {  	s7 =	simm.s32 $0xFFFFFFFF;
	s6 =	simm.s32 @p2 $0xFFFFFFFF  }
0x24d: {  	s0 =	simm.s32 $0x1;
	s6 =	smov.u32 @p1 s7  }
.LBB2_44:
0x24e: {  	s7 =	smov.u32 s6;
	p1 =	sne.s32 s6, $0xFFFFFFFF  }
0x24f: {  	s5 =	sadd.s32 $0x1, s5;
	s6 =	smov.u32 s0;
	s0 =	sadd.s32 $0x1, s0  }
0x250: {  	p2 =	sne.s32 s2, s0;
	v1 =	vld.msk @!p1 [tilespmem:s5+$0x0], $0x1;
	_ =	sdelay $0x4  }
0x251: {  	(v2sf) =	vpush @!p1 v1, $0x0;
	_ =	sdelay $0xe  }
.Ltmp36:
0x252: {  	s8 =	spop @!p1 (v2sf);
	(pc) =	sbr.rel @p2 .LBB2_44-.Ltmp36, $4  }
0x253: {  	p3 =	seq.s32 @!p1 s4, s8  }
0x254: {  	p3 =	por !p3, p1  }
0x255: {  	s6 =	simm.s32 @p3 $0xFFFFFFFF  }
0x256: {  	s6 =	smov.u32 @p1 s7  }
.LBB2_45:
0x257: {  	p1 =	seq.s32 s6, $0xFFFFFFFF  }
.Ltmp37:
0x258: {  	_ = 	snop;
	(pc) =	sbr.rel @p1 .LBB2_47-.Ltmp37, $1  }
0x259: {  	_ =	sdelay $0x3  }
0x25a: {  	s0 =	sshll.u32 s3, $0x7  }
0x25b: {  	s0 =	sand.u32 $0x3FFFFF80, s0  }
0x25c: {  	v0 =	vld [tilespmem:s0+$0xF238];
	_ =	sdelay $0x2  }
0x25d: {  	s4 =	sshll.u32 s6, $0x9  }
0x25e: {  	s4 =	sshra.s32 s4, $0x2  }
0x25f: {  	[tilespmem:s4+$0xF238] =	vst.add.f32.msk $0xffff, v0  }
0x260: {  	v0 =	vld [tilespmem:s0+$0xF248];
	_ =	sdelay $0x4  }
0x261: {  	[tilespmem:s4+$0xF248] =	vst.add.f32.msk $0xffff, v0  }
0x262: {  	v0 =	vld [tilespmem:s0+$0xF258];
	_ =	sdelay $0x4  }
0x263: {  	[tilespmem:s4+$0xF258] =	vst.add.f32.msk $0xffff, v0  }
0x264: {  	v0 =	vld [tilespmem:s0+$0xF268];
	_ =	sdelay $0x4  }
0x265: {  	[tilespmem:s4+$0xF268] =	vst.add.f32.msk $0xffff, v0  }
0x266: {  	v0 =	vld [tilespmem:s0+$0xF278];
	_ =	sdelay $0x4  }
0x267: {  	[tilespmem:s4+$0xF278] =	vst.add.f32.msk $0xffff, v0  }
0x268: {  	v0 =	vld [tilespmem:s0+$0xF288];
	_ =	sdelay $0x4  }
0x269: {  	[tilespmem:s4+$0xF288] =	vst.add.f32.msk $0xffff, v0  }
0x26a: {  	v0 =	vld [tilespmem:s0+$0xF298];
	_ =	sdelay $0x4  }
0x26b: {  	[tilespmem:s4+$0xF298] =	vst.add.f32.msk $0xffff, v0  }
0x26c: {  	v0 =	vld [tilespmem:s0+$0xF2A8]  }
.Ltmp38:
0x26d: {  	_ = 	snop;
	(pc) =	sbr.rel .LBB2_48-.Ltmp38, $2  }
0x26e: {  	_ =	sdelay $0x2  }
0x26f: {  	[tilespmem:s4+$0xF2A8] =	vst.add.f32.msk $0xffff, v0  }
.LBB2_49:
0x270: {  	p1 =	slt.s32 s2, $0x1  }
.Ltmp39:
0x271: {  	_ = 	snop;
	(pc) =	sbr.rel @p1 .LBB2_53-.Ltmp39, $3  }
0x272: {  	_ =	sdelay $0x1  }
0x273: {  	s0 =	simm.s32 $0x8  }
0x274: {  	s3 =	simm.s32 $0x0;
	[sflag:s0] =	ssyncpa.u1 $0x1  }
0x275: {  	s0 =	simm.s32 $0xF218  }
0x276: {  	v0 =	vld.msk [tilespmem:s0+$0x0], $0x1;
	_ =	sdelay $0x4  }
0x277: {  	(v2sf) =	vpush v0, $0x0;
	_ =	sdelay $0xe  }
0x278: {  	s0 =	sadd.s32 $0xFFFFFFFF, s2;
	s5 =	spop (v2sf)  }
0x279: {  	p2 =	sne.s32 s0, $0x0;
	p1 =	sgt.u32 s5, $0x270F0  }
.Ltmp40:
0x27a: {  	s6 =	sand.u32 @!p1 $0x3FFF8, s5;
	(pc) =	sbr.rel @!p2 .LBB2_52-.Ltmp40, $4  }
0x27b: {  	s4 =	simm.s32 $0xF238;
	s5 =	sand.u32 @!p1 $0x7, s5;
	s2 =	sadd.s32 @!p1 s1, s6  }
0x27c: {  	[hbm4b:s2+s5] =	stream.linear.scatter @!p1 [tilespmem:s4], [sflag:$0x7], $0x80, $0x38;
	[tilespmem:$0x1F6F8] =	vst v63  }
0x27d: {  	s5 =	simm.s32 $0x0  }
0x27e: {  	s2 =	simm.s32 $0xF219;
	s5 =	simm.s32 @!p1 $0x200  }
.LBB2_51:
0x27f: {  	v0 =	vld.msk [tilespmem:s2+$0x0], $0x1;
	s0 =	sadd.s32 $0xFFFFFFFF, s0;
	s3 =	sadd.s32 s3, s5  }
0x280: {  	p1 =	sne.s32 s0, $0x0;
	_ =	sdelay $0x3  }
0x281: {  	(v2sf) =	vpush v0, $0x0;
	_ =	sdelay $0xe  }
.Ltmp41:
0x282: {  	s6 =	spop (v2sf);
	(pc) =	sbr.rel @p1 .LBB2_51-.Ltmp41, $4  }
0x283: {  	s5 =	simm.s32 $0x0;
	p2 =	sgt.u32 s6, $0x270F0  }
0x284: {  	s4 =	sadd.s32 $0x80, s4;
	s5 =	simm.s32 @!p2 $0x200;
	s7 =	sand.u32 @!p2 $0x3FFF8, s6  }
0x285: {  	s2 =	sadd.s32 $0x1, s2;
	s6 =	sand.u32 @!p2 $0x7, s6;
	s7 =	sadd.s32 @!p2 s1, s7  }
0x286: {  	[hbm4b:s7+s6] =	stream.linear.scatter @!p2 [tilespmem:s4], [sflag:$0x7], $0x80, $0x38;
	[tilespmem:$0x1F6F8] =	vst v63  }
.LBB2_52:
0x287: {  	s0 =	sadd.s32 s3, s5  }
0x288: {  	s3 =	sshrl.u32 s0, $0x2  }
.LBB2_53:
0x289: {  	s0 =	simm.s32 $0x7  }
0x28a: {  	_ =	swait.ge [sflag:s0], s3  }
0x28b: {  	s1 =	ssub.s32 $0x0, s3;
	[sflag:s0] =	ssyncset.done $0x0  }
0x28c: {  	[sflag:s0] =	ssyncadd.s32 s1  }
0x28d: {  	[sflag:s0] =	ssyncpa.u1 $0x1  }
.LBB2_54:
0x28e: {  	_ =	sfence;
	s0 =	simm.s32 $0x1  }
0x28f: {  	[sflag:s0] =	ssyncpa.u1 $0x1  }
0x290: {  	_ =	strace $0x9000004D  }
0x291: {  	[bflag:$0x2] =	sbarrier.arrive $0xFFFF  }
0x292: {  	s0 =	rddreg [dreg:$0x3]  }
0x293: {  	s0 =	sadd.s32 @!p0 $0x100000, s0  }
0x294: {  	[sflag:s0] =	ssyncadd.tile.s32 @!p0 $0x1;
	_ =	shalt  }
.Lfunc_end2:
_tile_overlayer_lowered:
.L_overlay_start_2:
0x295: {  	(tag) =	ssettag $0x2  }
0x296: {  	s0 =	rddreg [dreg:$0x0];
	s2 =	stileid.u32  }
0x297: {  	s1 =	rddreg [dreg:$0x1];
	p0 =	sne.s32 s2, $0x0  }
0x298: {  	s3 =	rddreg [dreg:$0x2];
	[bflag:$0x3] =	sbarrier.arrive $0xFFFF;
	s2 =	simm.s32 @!p0 $0x1C01  }
0x299: {  	[timem:s3], [sflag:s2] =	dma.local @!p0 [hbm:s0], s1  }
0x29a: {  	s0 =	simm.s32 @!p0 $0x1  }
0x29b: {  	_ =	swait.ge @!p0 [sflag:s0], s1  }
0x29c: {  	s1 =	ssub.s32 @!p0 $0x0, s1;
	[sflag:s0] =	ssyncset.done @!p0 $0x0  }
0x29d: {  	[sflag:s0] =	ssyncadd.s32 @!p0 s1  }
0x29e: {  	[bflag:$0x3] =	sbarrier.arrive $0xFFFF  }
0x29f: {  	_ =	shalt  }

// kernel: scatter_offload_async_start.2
scs
__scs_entry_jumppad:
0x0: {  	(pc) =	sbr.rel $0x88, $3  }
0x1: {  	(tag) =	ssettag $0x0;
	lr =	simm.s32 $0x1  }
0x2: {  	[smem:$0x3F93] =	sst lr;
	_ =	strace $0xD0000000  }
0x3: {  	_ = 	snop  }
0x4: {  	_ = 	snop  }
0x5: {  	_ = 	snop  }
0x6: {  	_ = 	snop  }
0x7: {  	_ = 	snop  }
__scs_overlays_trampoline_lowered:
0x8: {  	[smem:$0x3FA2] =	sst s0  }
0x9: {  	[smem:$0x3FA3] =	sst s1  }
0xa: {  	[smem:$0x3FA4] =	sst s2  }
0xb: {  	[smem:$0x3FA5] =	sst s3  }
0xc: {  	[smem:$0x3FA6] =	sst s4  }
0xd: {  	[smem:$0x3FA7] =	sst s5  }
0xe: {  	[smem:$0x3FA8] =	sst s6  }
0xf: {  	[smem:$0x3FA9] =	sst s7  }
0x10: {  	[smem:$0x3FAA] =	sst s8  }
0x11: {  	[smem:$0x3FAB] =	sst s9;
	s0 =	simm.s32 @!p0 $0x0  }
0x12: {  	s1 =	sld [smem:$0x3F91];
	s0 =	simm.s32 @p0 $0x1  }
0x13: {  	[smem:$0x3FAC] =	sst s0;
	s0 =	simm.s32 @!p1 $0x0  }
0x14: {  	s2 =	sld [smem:$0x3F90];
	s0 =	simm.s32 @p1 $0x1  }
0x15: {  	[smem:$0x3FAD] =	sst s0;
	s0 =	simm.s32 @!p2 $0x0  }
0x16: {  	s3 =	sld [smem:$0x3FDB];
	s0 =	simm.s32 @p2 $0x1  }
0x17: {  	s4 =	simm.s32 $0x1BF5;
	[smem:$0x3FAF] =	sst s0  }
0x18: {  	s0 =	sld [smem:$0x3F92];
	_ =	swait.ge [sflag:s4], $0x0  }
0x19: {  	s7 =	sld [smem:$0x3F93]  }
0x1a: {  	s8 =	sadd.s32 $0xFFFFE003, lr  }
0x1b: {  	s9 =	sadd.s32 $0xFFFFFEF7, lr;
	s5 =	simm.s32 $0xFFFFFFFF;
	p2 =	slt.u32 s8, $0xFFFFF086  }
0x1c: {  	p1 =	slt.u32 s9, $0xF7A;
	s5 =	simm.s32 @!p2 $0x0  }
0x1d: {  	s5 =	simm.s32 @p1 $0x1;
	p0 =	seq.s32 s7, s2  }
0x1e: {  	s7 =	smul.u32 @!p0 $0xF7A, s2;
	p2 =	seq.s32 @!p0 s5, $0x0  }
0x1f: {  	s9 =	smul.u32 $0xF7A, s1;
	s8 =	simm.s32 @!p0 $0x1BF5;
	p2 =	por !p2, p0  }
0x20: {  	[sflag:s8] =	ssyncset.s32 @!p0 $0xFFFFF086;
	s6 =	sadd.s32 @!p0 s3, s7;
	s7 =	simm.s32 @!p0 $0x108  }
0x21: {  	s3 =	sadd.s32 s3, s9;
	s6 =	sadd.s32 @!p0 $0x88, s6;
	s7 =	simm.s32 @p2 $0x1082  }
0x22: {  	[simem:s7], [sflag:s8] =	dma.local @!p0 [hbm:s6], $0xF7A  }
0x23: {  	s9 =	sor.u32 $0xD0000000, s2;
	s6 =	simm.s32 $0x108;
	_ =	swait.ge @!p0 [sflag:s8], $0x0  }
0x24: {  	s3 =	sadd.s32 $0x88, s3;
	s6 =	simm.s32 @!p1 $0x1082;
	[sflag:s4] =	ssyncset.s32 $0xFFFFF086  }
0x25: {  	[simem:s6], [sflag:s4] =	dma.local [hbm:s3], $0xF7A  }
0x26: {  	[smem:$0x3F93] =	sst s1;
	(tag) =	ssettag s2;
	_ =	strace s9  }
0x27: {  	s1 =	sld [smem:$0x3FA3]  }
0x28: {  	s2 =	sld [smem:$0x3FA4]  }
0x29: {  	s4 =	sld [smem:$0x3FA6]  }
0x2a: {  	p0 =	seq.s32 s5, $0x0;
	s5 =	sld [smem:$0x3FA7]  }
0x2b: {  	s6 =	sld [smem:$0x3FA8]  }
0x2c: {  	s7 =	sld [smem:$0x3FA9]  }
0x2d: {  	s3 =	simm.s32 $0x108;
	s8 =	sld [smem:$0x3FAA]  }
0x2e: {  	s3 =	simm.s32 @!p0 $0x1082;
	s9 =	sld [smem:$0x3FAB]  }
0x2f: {  	lr =	sadd.s32 s0, s3;
	s0 =	sld [smem:$0x3FA2]  }
0x30: {  	s3 =	sld [smem:$0x3FA5]  }
0x31: {  	[smem:$0x3FAE] =	sst s10  }
0x32: {  	s10 =	sld [smem:$0x3FAC];
	_ =	sdelay $0x3  }
0x33: {  	p0 =	seq.s32 s10, $0x1;
	s10 =	sld [smem:$0x3FAE];
	_ =	sdelay $0x3  }
0x34: {  	[smem:$0x3FAE] =	sst s10  }
0x35: {  	s10 =	sld [smem:$0x3FAD];
	_ =	sdelay $0x3  }
0x36: {  	p1 =	seq.s32 s10, $0x1;
	s10 =	sld [smem:$0x3FAE];
	_ =	sdelay $0x3  }
0x37: {  	[smem:$0x3FAE] =	sst s10  }
0x38: {  	s10 =	sld [smem:$0x3FAF]  }
0x39: {  	_ = 	snop;
	(pc) =	sbr.ind lr, $3  }
0x3a: {  	_ = 	snop  }
0x3b: {  	_ = 	snop  }
0x3c: {  	p2 =	seq.s32 s10, $0x1;
	s10 =	sld [smem:$0x3FAE]  }
0x3d: {  	_ =	shalt  }
0x3e: {  	_ =	shalt  }
0x3f: {  	_ =	shalt  }
0x40: {  	_ =	shalt  }
0x41: {  	_ =	shalt  }
0x42: {  	_ =	shalt  }
0x43: {  	_ =	shalt  }
0x44: {  	_ =	shalt  }
0x45: {  	_ =	shalt  }
0x46: {  	_ =	shalt  }
0x47: {  	_ =	shalt  }
0x48: {  	_ =	shalt  }
0x49: {  	_ =	shalt  }
0x4a: {  	_ =	shalt  }
0x4b: {  	_ =	shalt  }
0x4c: {  	_ =	shalt  }
0x4d: {  	_ =	shalt  }
0x4e: {  	_ =	shalt  }
0x4f: {  	_ =	shalt  }
0x50: {  	_ =	shalt  }
0x51: {  	_ =	shalt  }
0x52: {  	_ =	shalt  }
0x53: {  	_ =	shalt  }
0x54: {  	_ =	shalt  }
0x55: {  	_ =	shalt  }
0x56: {  	_ =	shalt  }
0x57: {  	_ =	shalt  }
0x58: {  	_ =	shalt  }
0x59: {  	_ =	shalt  }
0x5a: {  	_ =	shalt  }
0x5b: {  	_ =	shalt  }
0x5c: {  	_ =	shalt  }
0x5d: {  	_ =	shalt  }
0x5e: {  	_ =	shalt  }
0x5f: {  	_ =	shalt  }
0x60: {  	_ =	shalt  }
0x61: {  	_ =	shalt  }
0x62: {  	_ =	shalt  }
0x63: {  	_ =	shalt  }
0x64: {  	_ =	shalt  }
0x65: {  	_ =	shalt  }
0x66: {  	_ =	shalt  }
0x67: {  	_ =	shalt  }
0x68: {  	_ =	shalt  }
0x69: {  	_ =	shalt  }
0x6a: {  	_ =	shalt  }
0x6b: {  	_ =	shalt  }
0x6c: {  	_ =	shalt  }
0x6d: {  	_ =	shalt  }
0x6e: {  	_ =	shalt  }
0x6f: {  	_ =	shalt  }
0x70: {  	_ =	shalt  }
0x71: {  	_ =	shalt  }
0x72: {  	_ =	shalt  }
0x73: {  	_ =	shalt  }
0x74: {  	_ =	shalt  }
0x75: {  	_ =	shalt  }
0x76: {  	_ =	shalt  }
0x77: {  	_ =	shalt  }
0x78: {  	_ =	shalt  }
0x79: {  	_ =	shalt  }
0x7a: {  	_ =	shalt  }
0x7b: {  	_ =	shalt  }
0x7c: {  	_ =	shalt  }
0x7d: {  	_ =	shalt  }
0x7e: {  	_ =	shalt  }
0x7f: {  	_ =	shalt  }
0x80: {  	_ =	shalt  }
0x81: {  	_ =	shalt  }
0x82: {  	_ =	shalt  }
0x83: {  	_ =	shalt  }
0x84: {  	_ =	shalt  }
0x85: {  	_ =	shalt  }
0x86: {  	_ =	shalt  }
0x87: {  	_ =	shalt  }
.Lfunc_end0:
.L_simem_size_0:
called_computation.2_lowered:
.L_overlay_start_0:
0x88: {  	s2 =	sld [smem:$0x3FD9]  }
0x89: {  	s3 =	sld [smem:$0x3FFE];
	_ =	sdelay $0x1  }
0x8a: {  	s1 =	srdreg.scid  }
0x8b: {  	s0 =	sand.u32 $0x1, s1  }
0x8c: {  	s15 =	sshll.u32 s0, $0xA;
	s2 =	sadd.s32 s3, s2  }
0x8d: {  	s2 =	sadd.s32 s2, s15  }
0x8e: {  	[smem:$0x3FBA] =	sst s2  }
0x8f: {  	_ = 	snop  }
0x90: {  	(tm) =	ssettm $0x1  }
0x91: {  	s16 =	sld [smem:$0x3FFB];
	_ =	sdelay $0x3  }
0x92: {  	_ =	strace s16  }
0x93: {  	s2 =	sld [smem:$0x3FFC];
	_ =	sdelay $0x3  }
0x94: {  	_ =	strace s2  }
0x95: {  	s2 =	sld [smem:$0x3FFD];
	_ =	sdelay $0x3  }
0x96: {  	_ =	strace s2  }
0x97: {  	_ =	strace $0x8FFFFFFF  }
0x98: {  	s17 =	sld [smem:$0x3FDB];
	_ =	sdelay $0x1  }
0x99: {  	s18 =	simm.s32 $_scs_section_size  }
0x9a: {  	s4 =	simm.s32 $_size__tile_overlayer_lowered;
	s5 =	simm.s32 $_tile_overlayer_lowered  }
0x9b: {  	s21 =	simm.s32 $0x1BFF;
	s20 =	sshll.u32 s5, $0x1;
	s2 =	sadd.s32 s18, s17  }
0x9c: {  	s6 =	simm.s32 $0x0;
	s19 =	sshll.u32 s4, $0x1;
	s4 =	sadd.s32 s20, s2  }
0x9d: {  	[timem:s6], [sflag:s21] =	dma.local [hbm:s4], s19  }
0x9e: {  	_ =	swait.ge [sflag:s21], s19  }
0x9f: {  	s3 =	ssub.s32 $0x0, s19;
	[sflag:s21] =	ssyncset.done $0x0  }
0xa0: {  	[sflag:s21] =	ssyncadd.s32 s3;
	_ =	sdelay $0x1  }
0xa1: {  	s22 =	simm.s32 $0x1B8B  }
0xa2: {  	_ =	swait.ge [sflag:s22], $0x1  }
0xa3: {  	[sflag:s22] =	ssyncset.done $0x0  }
0xa4: {  	s23 =	sld [smem:$0x3FFE];
	[sflag:s22] =	ssyncadd.s32 $0xFFFFFFFF  }
0xa5: {  	s25 =	simm.s32 $0x1B8E;
	s24 =	sld [smem:$0x0]  }
0xa6: {  	s26 =	simm.s32 $execute0_lowered;
	[smem:$0x3FD2] =	sst s25  }
0xa7: {  	s5 =	sshll.u32 s26, $0x1;
	_ =	strace $0x80000052;
	[dreg:$0x1] =	wrdreg $0xFFFFFFFF  }
0xa8: {  	s28 =	simm.s32 $_size_execute0_lowered;
	s2 =	sadd.s32 s2, s5;
	[dreg:$0x0] =	wrdreg $0x0  }
0xa9: {  	s5 =	sshll.u32 s28, $0x1;
	[dreg:$0x2] =	wrdreg s2  }
0xaa: {  	[dreg:$0x3] =	wrdreg s5  }
0xab: {  	[dreg:$0x4] =	wrdreg $0xC0  }
0xac: {  	_ =	task [dreg:s6], $0x5FFFF  }
0xad: {  	[dreg:$0x1] =	wrdreg $0xFFFFFFFF  }
0xae: {  	[dreg:$0x0] =	wrdreg $0x60  }
0xaf: {  	[dreg:$0x2] =	wrdreg s23  }
0xb0: {  	[dreg:$0x3] =	wrdreg s1  }
0xb1: {  	[dreg:$0x4] =	wrdreg s24  }
0xb2: {  	[dreg:$0x5] =	wrdreg $0x9  }
0xb3: {  	_ =	task.clear_ibuf [dreg:s6], $0x6FFFF;
	_ =	strace $0x90000052  }
0xb4: {  	s29 =	simm.s32 $0x9;
	_ =	strace $0x80000054  }
0xb5: {  	_ =	swait.ge [sflag:s29], $0x1  }
0xb6: {  	[sflag:s29] =	ssyncadd.s32 $0xFFFFFFFF  }
0xb7: {  	_ =	strace $0x90000054  }
0xb8: {  	_ =	sfence  }
0xb9: {  	s30 =	sld [smem:$0x0];
	_ =	sdelay $0x2  }
0xba: {  	s31 =	sshll.u32 s1, $0xD;
	s1 =	sshrl.u32 s1, $0x2  }
0xbb: {  	s3 =	sand.u32 $0x4000, s31;
	s1 =	sadd.s32 s1, s30  }
0xbc: {  	s0 =	sor.u32 s3, s0;
	s1 =	sshll.u32 s1, $0x11  }
0xbd: {  	s0 =	sor.u32 s1, s0  }
0xbe: {  	s0 =	sadd.s32 $0x8F2B, s0  }
0xbf: {  	[sflag:s0] =	ssyncadd.remote.s32 $0x1  }
0xc0: {  	_ =	sfence.sel $0xFFFF  }
0xc1: {  	[dreg:$0x0] =	wrdreg $0xFFFFFFFF;
	(pc) =	sbr.abs _section_cstart, $3  }
0xc2: {  	[dreg:$0x1] =	wrdreg $0xFFFFFFFF  }
0xc3: {  	_ =	task.clear_ibuf [dreg:s6], $0x2FFFF;
	_ =	strace $0x9FFFFFFF  }
0xc4: {  	(tm) =	ssettm $0x7FFFFFFF  }
0xc5: {  	_ =	shalt  }
tec
execute0_lowered:
.L_overlay_start_1:
0x0: {  	(tag) =	ssettag $0x1  }
0x1: {  	s2 =	rddreg [dreg:$0x0]  }
0x2: {  	s3 =	rddreg [dreg:$0x1];
	_ =	strace $0x80000053;
	s0 =	simm.s32 $0x1  }
0x3: {  	s5 =	simm.s32 $0x208;
	v0 =	vimm.s32 $0x0;
	[sflag:s0] =	ssyncpa.u1 $0x0  }
0x4: {  	[tilespmem:s5+$0x70] =	vst v0  }
0x5: {  	[tilespmem:s5+$0x60] =	vst v0  }
0x6: {  	[tilespmem:s5+$0x50] =	vst v0  }
0x7: {  	[tilespmem:s5+$0x40] =	vst v0  }
0x8: {  	[tilespmem:s5+$0x30] =	vst v0  }
0x9: {  	s1 =	sadd.s32 $0x59000, s2;
	s0 =	sadd.s32 $0x4ECE00, s2;
	s6 =	sadd.s32 $0x501000, s2;
	[tilespmem:s5+$0x20] =	vst v0  }
0xa: {  	s4 =	sadd.s32 $0x4F6C00, s2;
	s10 =	sand.u32 $0x1, s3;
	s2 =	simm.s32 $0x40;
	[tilespmem:s5+$0x10] =	vst v0  }
.LBB2_1:
0xb: {  	s2 =	sadd.s32 $0x40, s2;
	[tilespmem:s5+$0x0] =	vst v0;
	s5 =	sadd.s32 $0x80, s5  }
0xc: {  	p0 =	slt.u32 s2, $0x3880;
	[tilespmem:s5+$0x70] =	vst v0  }
0xd: {  	[tilespmem:s5+$0x60] =	vst v0  }
.Ltmp0:
0xe: {  	[tilespmem:s5+$0x50] =	vst v0;
	(pc) =	sbr.rel @p0 .LBB2_1-.Ltmp0, $4  }
0xf: {  	[tilespmem:s5+$0x40] =	vst v0  }
0x10: {  	[tilespmem:s5+$0x30] =	vst v0  }
0x11: {  	[tilespmem:s5+$0x20] =	vst v0  }
0x12: {  	[tilespmem:s5+$0x10] =	vst v0  }
0x13: {  	s11 =	stileid.u32  }
0x14: {  	s2 =	smul.u32 $0x59, s11  }
0x15: {  	s3 =	smin.u32 s11, $0x5  }
0x16: {  	s2 =	sadd.s32 s3, s2  }
0x17: {  	p0 =	slt.u32 s11, $0x5;
	s20 =	smul.u32 $0x70, s2;
	s2 =	simm.s32 $0x2760  }
0x18: {  	s2 =	simm.s32 @!p0 $0x26F0  }
0x19: {  	s2 =	sadd.s32 s2, s20  }
0x1a: {  	s8 =	smin.u32 s2, $0x27100  }
0x1b: {  	s26 =	simm.s32 $0x2;
	s2 =	ssub.s32 s8, s20  }
0x1c: {  	s9 =	simm.s32 $0x9;
	s29 =	simm.s32 $0xA;
	p0 =	sgt.s32 s2, $0x0  }
0x1d: {  	s30 =	simm.s32 $0xB;
	s31 =	smul.u32 $0x4E20, s10;
	s2 =	simm.s32 @!p0 $0x0  }
0x1e: {  	[dreg:$0x4] =	wrdreg s10;
	s12 =	simm.s32 $0x1;
	s25 =	smulhi.u32 $0x92492493, s2  }
0x1f: {  	s24 =	simm.s32 $0x0;
	p1 =	por $0x0, $0x0;
	s18 =	simm.s32 $0x80  }
0x20: {  	s19 =	simm.s32 $0x400;
	s17 =	simm.s32 $0xC;
	s3 =	sshrl.u32 s25, $0x6  }
0x21: {  	s21 =	simm.s32 $0x0;
	s23 =	simm.s32 $0x0;
	s28 =	smul.u32 $0x70, s3  }
.Ltmp1:
0x22: {  	[tilespmem:s5+$0x0] =	vst v0;
	v0 =	vimm.s32 $0xFFFFFFFF;
	[sflag:s26] =	ssyncpa.u1 $0x0;
	s16 =	sshll.u32 s11, $0x9;
	(pc) =	sbr.rel .LBB2_3-.Ltmp1, $4  }
0x23: {  	[tilespmem:$0xE408] =	vst v0;
	[sflag:s9] =	ssyncpa.u1 $0x0;
	p0 =	sne.s32 s2, s28;
	s2 =	simm.s32 $0x1  }
0x24: {  	s14 =	sadd.s32 s31, s4;
	[sflag:s29] =	ssyncpa.u1 $0x0;
	s2 =	simm.s32 @!p0 $0x0  }
0x25: {  	s15 =	sadd.s32 s31, s0;
	[sflag:s30] =	ssyncpa.u1 $0x0;
	s13 =	sadd.s32 s2, s3  }
0x26: {  	v0 =	vlaneseq.u32;
	s22 =	smov.u32 s20;
	p0 =	por $0x1, $0x1;
	s11 =	sadd.s32 $0x1, s13  }
.LBB2_24:
0x27: {  	s2 =	sshrl.u32 s4, $0x2  }
.LBB2_26:
0x28: {  	_ =	swait.ge [sflag:s17], s2  }
0x29: {  	s31 =	ssub.s32 $0x0, s2;
	v1 =	vmov s26;
	vm0 =	veq.s32 v0, $0x0;
	[sflag:s17] =	ssyncset.done $0x0  }
0x2a: {  	vm15 =	veq.s32 v0, $0x2;
	v1 =	vsel vm0, s0, v1;
	[sflag:s17] =	ssyncadd.s32 s31  }
0x2b: {  	v1 =	vsel vm15, s24, v1;
	[sflag:s17] =	ssyncpa.u1 $0x1  }
0x2c: {  	[tilespmem:$0xE408] =	vst v1  }
.LBB2_27:
0x2d: {  	s0 =	sadd.s32 $0x70, s22  }
0x2e: {  	s2 =	smov.u32 s20;
	p2 =	slt.s32 s0, s8  }
0x2f: {  	s2 =	smov.u32 @p2 s0;
	p2 =	sne.s32 s23, s11  }
.Ltmp2:
0x30: {  	_ = 	snop;
	(pc) =	sbr.rel @!p2 .LBB2_28-.Ltmp2, $4  }
0x31: {  	_ = 	snop  }
0x32: {  	s24 =	smov.u32 s21  }
0x33: {  	s31 =	sadd.s32 $0x1, s23;
	s21 =	smov.u32 s22;
	p0 =	por !p0, !p0  }
0x34: {  	p1 =	por !p1, !p1;
	s23 =	smov.u32 s31;
	s22 =	smov.u32 s2  }
.LBB2_3:
0x35: {  	p2 =	sge.u32 s23, s13  }
0x36: {  	s0 =	smulhi.u32 @!p2 $0xAAAAAAAB, s23  }
0x37: {  	s2 =	smov.u32 s22;
	p3 =	sgt.s32 @!p2 s22, $0x27090  }
0x38: {  	s3 =	sshra.s32 @!p2 s22, $0x1F;
	p3 =	por !p3, p2;
	s0 =	sshrl.u32 @!p2 s0, $0x1  }
0x39: {  	s3 =	sand.u32 @!p2 s3, s22;
	s2 =	simm.s32 @p3 $0x27090;
	s0 =	smul.u32 @!p2 $0x3, s0  }
0x3a: {  	s2 =	ssub.s32 @!p2 s2, s3  }
0x3b: {  	s2 =	sadd.s32 @!p2 $0xFFFD8F70, s2;
	s0 =	ssub.s32 @!p2 s23, s0  }
0x3c: {  	s3 =	sshll.u32 @!p2 s2, $0x2;
	p3 =	sgt.s32 @!p2 s2, $0x6F;
	s0 =	smul.u32 @!p2 $0x1C0, s0  }
0x3d: {  	s4 =	sand.u32 @!p2 $0x7, s22;
	s2 =	ssub.s32 @!p2 $0x1C0, s3;
	p3 =	por !p3, p2  }
0x3e: {  	s3 =	sshrl.u32 @!p2 s22, $0x3;
	s2 =	sshrl.u32 @!p2 s2, $0x2;
	s0 =	sshrl.u32 @!p2 s0, $0x2  }
0x3f: {  	s3 =	sadd.s32 @!p2 s3, s14;
	s2 =	simm.s32 @!p3 $0x0;
	s0 =	sadd.s32 @!p2 $0x10448, s0  }
0x40: {  	[tilespmem:s0], [sflag:$0xA] =	stream.linear.gather @!p2 [hbm4b:s3+s4], s2, $0x38;
	[tilespmem:$0x1E678] =	vst v63  }
0x41: {  	s2 =	sadd.s32 $0xFFFFFFFF, s23  }
0x42: {  	p2 =	sge.u32 s2, s13  }
0x43: {  	p3 =	sgt.s32 @!p2 s21, $0x27090  }
0x44: {  	s0 =	smov.u32 s21;
	s3 =	sshra.s32 @!p2 s21, $0x1F;
	p3 =	por !p3, p2  }
0x45: {  	s3 =	sand.u32 @!p2 s3, s21;
	s0 =	simm.s32 @p3 $0x27090  }
0x46: {  	s0 =	ssub.s32 @!p2 s0, s3  }
0x47: {  	s0 =	sadd.s32 @!p2 $0xFFFD8F70, s0  }
0x48: {  	s3 =	sshll.u32 @!p2 s0, $0x2  }
0x49: {  	p3 =	sgt.s32 @!p2 s0, $0x6F;
	s0 =	ssub.s32 @!p2 $0x1C0, s3  }
0x4a: {  	p3 =	por !p3, p2;
	s0 =	sshrl.u32 @!p2 s0, $0x2  }
0x4b: {  	s4 =	simm.s32 @!p2 $0xA;
	s3 =	sand.u32 @!p2 $0x1, s2;
	s0 =	simm.s32 @!p3 $0x0  }
0x4c: {  	s3 =	smul.u32 @!p2 $0x1C0, s3;
	_ =	swait.ge @!p2 [sflag:s4], s0  }
0x4d: {  	s5 =	ssub.s32 @!p2 $0x0, s0;
	[sflag:s4] =	ssyncset.done @!p2 $0x0  }
0x4e: {  	s3 =	sshrl.u32 @!p2 s3, $0x2;
	[sflag:s4] =	ssyncadd.s32 @!p2 s5;
	s4 =	sshrl.u32 @!p2 s21, $0x3  }
0x4f: {  	s3 =	sadd.s32 @!p2 $0x10598, s3;
	s5 =	sand.u32 @!p2 $0x7, s21;
	s4 =	sadd.s32 @!p2 s4, s15  }
0x50: {  	[tilespmem:s3], [sflag:$0xB] =	stream.linear.gather @!p2 [hbm4b:s4+s5], s0, $0x38;
	[tilespmem:$0x1E678] =	vst v63  }
0x51: {  	s0 =	ssub.s32 @!p2 $0x27100, s21  }
0x52: {  	p3 =	slt.s32 @!p2 s0, $0x1  }
0x53: {  	p3 =	por p2, p3  }
.Ltmp3:
0x54: {  	_ = 	snop;
	(pc) =	sbr.rel @p3 .LBB2_9-.Ltmp3, $1  }
0x55: {  	_ =	sdelay $0x3  }
0x56: {  	s3 =	smulhi.u32 $0xAAAAAAAB, s2;
	_ =	sdelay $0x1  }
0x57: {  	s3 =	sshrl.u32 s3, $0x1  }
0x58: {  	s3 =	smul.u32 $0x3, s3;
	_ =	sdelay $0x1  }
0x59: {  	s30 =	ssub.s32 s2, s3  }
0x5a: {  	s4 =	simm.s32 $0x1;
	s2 =	smul.u32 $0x1C0, s30  }
.Ltmp4:
0x5b: {  	s4 =	simm.s32 @!p0 $0x0;
	(pc) =	sbr.rel .LBB2_6-.Ltmp4, $4  }
0x5c: {  	s31 =	smul.u32 $0x1C000, s4  }
0x5d: {  	p3 =	slt.s32 @!p2 s0, $0x70;
	s2 =	sshrl.u32 s2, $0x2  }
0x5e: {  	p2 =	por !p3, p2;
	s3 =	sshrl.u32 s31, $0x2;
	s5 =	sadd.s32 $0x10448, s2  }
0x5f: {  	s0 =	simm.s32 @p2 $0x70;
	s4 =	sor.u32 $0x10678, s3;
	s2 =	simm.s32 $0x0;
	v1 =	vmov s5  }
.LBB2_5:
0x60: {  	p2 =	sge.s32 s2, s0  }
.Ltmp5:
0x61: {  	_ = 	snop;
	(pc) =	sbr.rel @p2 .LBB2_9-.Ltmp5, $2  }
0x62: {  	_ =	sdelay $0x2  }
0x63: {  	s4 =	sadd.s32 $0x1000, s4  }
.LBB2_6:
0x64: {  	p2 =	sle.s32 s0, s2  }
.Ltmp6:
0x65: {  	_ = 	snop;
	(pc) =	sbr.rel @p2 .LBB2_5-.Ltmp6, $2  }
0x66: {  	_ =	sdelay $0x2  }
0x67: {  	s5 =	smov.u32 s2;
	s2 =	sadd.s32 $0x10, s2  }
0x68: {  	s3 =	ssub.s32 s0, s5  }
0x69: {  	p2 =	slt.s32 s3, $0x10  }
0x6a: {  	s3 =	simm.s32 @!p2 $0x10  }
0x6b: {  	v2 =	vmov s3  }
0x6c: {  	vm0 =	vgt.s32 v2, v0;
	_ =	sdelay $0x5  }
0x6d: {  	v2 =	vld.idx.msk [tilespmem:v1+s5+$0x0 ss:$0x1], vm0;
	_ =	sdelay $0x2  }
0x6e: {  	p2 =	slt.s32 s2, s0;
	s3 =	smov.u32 s0  }
0x6f: {  	s9 =	smov.u32 s4;
	s25 =	simm.s32 $0x0;
	s3 =	smov.u32 @p2 s2  }
.LBB2_8:
0x70: {  	(v2sf) =	vpush v2, s25;
	_ =	sdelay $0xe  }
0x71: {  	s25 =	sadd.s32 $0x1, s25;
	s10 =	spop (v2sf)  }
0x72: {  	s31 =	sadd.s32 s25, s5;
	s26 =	sshll.u32 s10, $0x8;
	s10 =	sshll.u32 s10, $0x7  }
0x73: {  	p2 =	slt.s32 s31, s3;
	s26 =	sand.u32 $0xFFFFF800, s26;
	s10 =	sand.u32 $0x380, s10  }
.Ltmp7:
0x74: {  	s10 =	sor.u32 s10, s26;
	(pc) =	sbr.rel @p2 .LBB2_8-.Ltmp7, $4  }
0x75: {  	s10 =	sshrl.u32 s10, $0x3  }
0x76: {  	s10 =	sadd.s32 s6, s10  }
0x77: {  	[tilespmem:s9], [sflag:$0x9] =	stream.strided.gather [hbm4b:s10+s18], $0x100, s19, s18, $0x38;
	[tilespmem:$0x1E678] =	vst v63  }
0x78: {  	s9 =	sadd.s32 $0x100, s9  }
.Ltmp8:
0x79: {  	_ = 	snop;
	(pc) =	sbr.rel .LBB2_5-.Ltmp8, $1  }
0x7a: {  	_ =	sdelay $0x3  }
.LBB2_9:
0x7b: {  	p2 =	slt.u32 s23, $0x2  }
.Ltmp9:
0x7c: {  	_ = 	snop;
	(pc) =	sbr.rel @p2 .LBB2_27-.Ltmp9, $1  }
0x7d: {  	_ =	sdelay $0x3  }
0x7e: {  	p2 =	sgt.s32 s24, $0x27090  }
0x7f: {  	s0 =	smov.u32 s24;
	s2 =	sshra.s32 s24, $0x1F;
	s3 =	ssub.s32 $0x27100, s24  }
0x80: {  	s0 =	simm.s32 @!p2 $0x27090;
	s2 =	sand.u32 s2, s24;
	p2 =	slt.s32 s3, $0x70  }
0x81: {  	s0 =	ssub.s32 s0, s2;
	s3 =	simm.s32 @!p2 $0x70  }
0x82: {  	s0 =	sadd.s32 $0xFFFD8F70, s0;
	s9 =	sshll.u32 s3, $0x8  }
0x83: {  	s26 =	simm.s32 $0x9;
	s10 =	sshll.u32 s0, $0x2;
	s2 =	sand.u32 $0x3FFFFF00, s9  }
0x84: {  	p2 =	sgt.s32 s0, $0x6F;
	s25 =	ssub.s32 $0x1C0, s10;
	_ =	swait.ge [sflag:s26], s2  }
0x85: {  	s2 =	ssub.s32 $0x0, s2;
	[sflag:s26] =	ssyncset.done $0x0;
	s0 =	sshrl.u32 s25, $0x2  }
0x86: {  	s29 =	simm.s32 $0xB;
	[sflag:s26] =	ssyncadd.s32 s2;
	s0 =	simm.s32 @p2 $0x0  }
0x87: {  	_ =	swait.ge [sflag:s29], s0  }
0x88: {  	s0 =	ssub.s32 $0x0, s0;
	[sflag:s29] =	ssyncset.done $0x0  }
0x89: {  	[sflag:s29] =	ssyncadd.s32 s0  }
0x8a: {  	v1 =	vld [tilespmem:$0xE408];
	_ =	sdelay $0x4  }
0x8b: {  	(v2sf) =	vpush v1, $0x0  }
0x8c: {  	(v2sf) =	vpush v1, $0x1  }
0x8d: {  	(v2sf) =	vpush v1, $0x2;
	_ =	sdelay $0x3  }
0x8e: {  	s0 =	sadd.s32 $0x70, s24  }
0x8f: {  	s2 =	ssub.s32 $0x4E200, s24;
	p2 =	slt.s32 s8, s0  }
0x90: {  	s0 =	smov.u32 @p2 s8;
	p2 =	sgt.s32 s2, $0x0  }
0x91: {  	s0 =	ssub.s32 s0, s24;
	s2 =	simm.s32 @!p2 $0x0  }
0x92: {  	p2 =	slt.s32 s2, s0  }
0x93: {  	s0 =	smov.u32 @p2 s2  }
0x94: {  	s4 =	simm.s32 $0x1;
	p2 =	slt.s32 s0, $0x1  }
.Ltmp10:
0x95: {  	s4 =	simm.s32 @!p1 $0x0;
	(pc) =	sbr.rel @p2 .LBB2_14-.Ltmp10, $4  }
0x96: {  	s30 =	smul.u32 $0x1C0, s4  }
0x97: {  	s5 =	spop (v2sf)  }
0x98: {  	s31 =	sshrl.u32 s30, $0x2;
	s28 =	spop (v2sf)  }
0x99: {  	s25 =	sadd.s32 $0x10598, s31;
	s24 =	spop (v2sf)  }
0x9a: {  	s2 =	smin.u32 s0, $0x10  }
0x9b: {  	v1 =	vmov s2  }
0x9c: {  	vm1 =	vgt.u32 v1, v0  }
0x9d: {  	p3 =	sgt.s32 s0, $0x10  }
.Ltmp11:
0x9e: {  	_ = 	snop;
	(pc) =	sbr.rel @!p3 .LBB2_13-.Ltmp11, $2  }
0x9f: {  	_ =	sdelay $0x2  }
0xa0: {  	s26 =	simm.s32 $0x10;
	s29 =	sadd.s32 $0xFFFFFFF0, s0;
	s2 =	smov.u32 s25;
	vm0 =	vmmov vm1;
	v1 =	vld.msk [tilespmem:s25+$0x0 ss:$0x1], vm1  }
.LBB2_12:
0xa1: {  	s3 =	smin.u32 s29, $0x10;
	s26 =	sadd.s32 $0x10, s26  }
0xa2: {  	v2 =	vmov s3;
	p3 =	slt.s32 s26, s0  }
0xa3: {  	vm1 =	vgt.u32 v2, v0;
	_ =	sdelay $0x1  }
0xa4: {  	v2 =	vshll.u32 v1, $0x5;
	v1 =	vshll.u32 v1, $0x4  }
.Ltmp12:
0xa5: {  	v2 =	vand.u32 $0xFFFFFF00, v2;
	v1 =	vand.u32 $0x70, v1;
	(pc) =	sbr.rel @p3 .LBB2_12-.Ltmp12, $4  }
0xa6: {  	v1 =	vor.u32 v1, v2  }
0xa7: {  	[tilespmem:s2+$0x0] =	vst.msk vm0, v1;
	s2 =	sadd.s32 $0x10, s2;
	vm0 =	vmmov vm1  }
0xa8: {  	v1 =	vld.msk [tilespmem:s2+$0x0 ss:$0x1], vm1  }
0xa9: {  	s29 =	sadd.s32 $0xFFFFFFF0, s29  }
.LBB2_13:
0xaa: {  	_ =	sdelay $0x3  }
0xab: {  	v2 =	vshll.u32 v1, $0x5;
	v1 =	vshll.u32 v1, $0x4  }
0xac: {  	v2 =	vand.u32 $0xFFFFFF00, v2;
	v1 =	vand.u32 $0x70, v1  }
0xad: {  	v1 =	vor.u32 v1, v2  }
0xae: {  	[tilespmem:s2+$0x0] =	vst.msk vm0, v1  }
.LBB2_14:
0xaf: {  	s2 =	sand.u32 $0x1, s23  }
0xb0: {  	s2 =	smul.u32 $0x70, s2  }
0xb1: {  	p3 =	sne.s32 s28, $0xFFFFFFFF  }
0xb2: {  	v1 =	vld.msk @!p3 [tilespmem:s2+$0x10598], $0x1;
	_ =	sdelay $0x4  }
0xb3: {  	(v2sf) =	vpush @!p3 v1, $0x0;
	_ =	sdelay $0xc  }
.Ltmp13:
0xb4: {  	_ = 	snop;
	(pc) =	sbr.rel @p2 .LBB2_25-.Ltmp13, $4  }
0xb5: {  	_ = 	snop  }
0xb6: {  	s31 =	spop @!p3 (v2sf)  }
0xb7: {  	s24 =	simm.s32 @!p3 $0x0;
	s26 =	smov.u32 s31  }
0xb8: {  	[sflag:s17] =	ssyncpa.u1 $0x0;
	s31 =	smov.u32 @p3 s5;
	s26 =	smov.u32 @p3 s28  }
0xb9: {  	v1 =	vld.msk [tilespmem:s25+$0x0], $0x1;
	_ =	sdelay $0x4  }
0xba: {  	(v2sf) =	vpush v1, $0x0;
	_ =	sdelay $0xe  }
0xbb: {  	s7 =	smov.u32 s11;
	s5 =	spop (v2sf)  }
0xbc: {  	s17 =	smov.u32 s15;
	s2 =	smul.u32 $0x1C000, s4;
	p2 =	seq.s32 s31, s5  }
0xbd: {  	s3 =	smov.u32 s31;
	s29 =	ssub.s32 $0x0, s0;
	p3 =	sgt.s32 @!p2 s31, $0x0  }
0xbe: {  	s30 =	simm.s32 $0x0;
	s2 =	sshrl.u32 s2, $0x2;
	p3 =	por !p3, p2  }
0xbf: {  	s0 =	sadd.s32 $0x1, s29;
	s28 =	sor.u32 $0x106F8, s2;
	s3 =	simm.s32 @p3 $0x0  }
0xc0: {  	s2 =	simm.s32 @!p2 $0x1;
	p3 =	seq.s32 s0, $0x0;
	s3 =	smin.u32 @!p2 s3, $0x4E170  }
.Ltmp14:
0xc1: {  	s4 =	simm.s32 @!p2 $0x7308;
	s9 =	sand.u32 @!p2 $0x7FFF8, s3;
	(pc) =	sbr.rel @p3 .LBB2_17-.Ltmp14, $4  }
0xc2: {  	s10 =	sadd.s32 @!p2 $0x80, s3;
	s11 =	sadd.s32 @!p2 s1, s9;
	s9 =	sand.u32 @!p2 $0x7, s3  }
0xc3: {  	[tilespmem:s4], [sflag:$0x2] =	stream.linear.gather @!p2 [hbm4b:s11+s9], $0x80, $0x38;
	[tilespmem:$0x1E678] =	vst v63  }
0xc4: {  	s15 =	smov.u32 s14;
	s2 =	smov.u32 @p2 s30;
	s4 =	sand.u32 @!p2 $0xFFFF8, s10  }
0xc5: {  	s3 =	simm.s32 @!p2 $0x7388;
	s10 =	sadd.s32 @!p2 s1, s4;
	s4 =	sadd.s32 $0x1, s25  }
.LBB2_16:
0xc6: {  	s11 =	smov.u32 s2  }
0xc7: {  	[tilespmem:s3], [sflag:$0x2] =	stream.linear.gather @!p2 [hbm4b:s10+s9], $0x80, $0x38;
	[tilespmem:$0x1E678] =	vst v63  }
0xc8: {  	s0 =	sadd.s32 $0x1, s0;
	s9 =	smov.u32 s5;
	v1 =	vld.msk [tilespmem:s4+$0x0], $0x1  }
0xc9: {  	p3 =	seq.s32 s0, $0x0;
	_ =	sdelay $0x3  }
0xca: {  	(v2sf) =	vpush v1, $0x0;
	_ =	sdelay $0xe  }
0xcb: {  	s5 =	spop (v2sf)  }
0xcc: {  	p2 =	seq.s32 s9, s5  }
0xcd: {  	p4 =	sgt.s32 @!p2 s9, $0x0;
	s3 =	sshll.u32 @!p2 s2, $0xA;
	s2 =	sadd.s32 @!p2 $0x1, s2  }
0xce: {  	p4 =	por !p4, p2;
	s3 =	sshra.s32 @!p2 s3, $0x2;
	s2 =	smov.u32 @p2 s11  }
0xcf: {  	s9 =	simm.s32 @p4 $0x0;
	s10 =	sadd.s32 @!p2 $0x7308, s3;
	s3 =	sadd.s32 @!p2 $0x7388, s3  }
.Ltmp15:
0xd0: {  	s9 =	smin.u32 @!p2 s9, $0x4E170;
	(pc) =	sbr.rel @!p3 .LBB2_16-.Ltmp15, $4  }
0xd1: {  	s11 =	sand.u32 @!p2 $0x7FFF8, s9;
	s14 =	sadd.s32 @!p2 $0x80, s9  }
0xd2: {  	s9 =	sand.u32 @!p2 $0x7, s9;
	s11 =	sadd.s32 @!p2 s1, s11;
	s14 =	sand.u32 @!p2 $0xFFFF8, s14  }
0xd3: {  	[tilespmem:s10], [sflag:$0x2] =	stream.linear.gather @!p2 [hbm4b:s11+s9], $0x80, $0x38;
	[tilespmem:$0x1E678] =	vst v63  }
0xd4: {  	s4 =	sadd.s32 $0x1, s4;
	s10 =	sadd.s32 @!p2 s1, s14  }
.LBB2_17:
0xd5: {  	[tilespmem:s3], [sflag:$0x2] =	stream.linear.gather @!p2 [hbm4b:s10+s9], $0x80, $0x38;
	[tilespmem:$0x1E678] =	vst v63  }
0xd6: {  	s0 =	sshll.u32 s2, $0x8  }
.Ltmp16:
0xd7: {  	s14 =	simm.s32 $0x2;
	s0 =	sand.u32 $0x3FFFFF00, s0;
	(pc) =	sbr.rel .LBB2_18-.Ltmp16, $4  }
0xd8: {  	_ =	swait.ge [sflag:s14], s0  }
0xd9: {  	s0 =	ssub.s32 $0x0, s0;
	[sflag:s14] =	ssyncset.done $0x0  }
0xda: {  	s4 =	simm.s32 $0x0;
	s11 =	smov.u32 s7;
	[sflag:s14] =	ssyncadd.s32 s0  }
0xdb: {  	s14 =	smov.u32 s15;
	s15 =	smov.u32 s17;
	s17 =	simm.s32 $0xC  }
.LBB2_19:
0xdc: {  	v1 =	vld [tilespmem:s28+$0xFFFFFF80];
	_ =	sdelay $0x4  }
0xdd: {  	[tilespmem:s5+$0x208] =	vst.add.f32.msk $0xffff, v1  }
0xde: {  	v1 =	vld [tilespmem:s28+$0xFFFFFF90];
	_ =	sdelay $0x4  }
0xdf: {  	[tilespmem:s5+$0x218] =	vst.add.f32.msk $0xffff, v1  }
0xe0: {  	v1 =	vld [tilespmem:s28+$0xFFFFFFA0];
	_ =	sdelay $0x4  }
0xe1: {  	[tilespmem:s5+$0x228] =	vst.add.f32.msk $0xffff, v1  }
0xe2: {  	v1 =	vld [tilespmem:s28+$0xFFFFFFB0];
	_ =	sdelay $0x4  }
0xe3: {  	[tilespmem:s5+$0x238] =	vst.add.f32.msk $0xffff, v1  }
0xe4: {  	v1 =	vld [tilespmem:s28+$0xFFFFFFC0];
	_ =	sdelay $0x4  }
0xe5: {  	[tilespmem:s5+$0x248] =	vst.add.f32.msk $0xffff, v1  }
0xe6: {  	v1 =	vld [tilespmem:s28+$0xFFFFFFD0];
	_ =	sdelay $0x4  }
0xe7: {  	[tilespmem:s5+$0x258] =	vst.add.f32.msk $0xffff, v1  }
0xe8: {  	v1 =	vld [tilespmem:s28+$0xFFFFFFE0];
	_ =	sdelay $0x4  }
0xe9: {  	[tilespmem:s5+$0x268] =	vst.add.f32.msk $0xffff, v1  }
0xea: {  	v1 =	vld [tilespmem:s28+$0xFFFFFFF0];
	_ =	sdelay $0x4  }
0xeb: {  	[tilespmem:s5+$0x278] =	vst.add.f32.msk $0xffff, v1  }
0xec: {  	v1 =	vld [tilespmem:s28+$0x0];
	_ =	sdelay $0x4  }
0xed: {  	[tilespmem:s5+$0x288] =	vst.add.f32.msk $0xffff, v1  }
0xee: {  	v1 =	vld [tilespmem:s28+$0x10];
	_ =	sdelay $0x4  }
0xef: {  	[tilespmem:s5+$0x298] =	vst.add.f32.msk $0xffff, v1  }
0xf0: {  	v1 =	vld [tilespmem:s28+$0x20];
	_ =	sdelay $0x4  }
0xf1: {  	[tilespmem:s5+$0x2A8] =	vst.add.f32.msk $0xffff, v1  }
0xf2: {  	v1 =	vld [tilespmem:s28+$0x30];
	_ =	sdelay $0x4  }
0xf3: {  	[tilespmem:s5+$0x2B8] =	vst.add.f32.msk $0xffff, v1  }
0xf4: {  	v1 =	vld [tilespmem:s28+$0x40];
	_ =	sdelay $0x4  }
0xf5: {  	[tilespmem:s5+$0x2C8] =	vst.add.f32.msk $0xffff, v1  }
0xf6: {  	v1 =	vld [tilespmem:s28+$0x50];
	_ =	sdelay $0x4  }
0xf7: {  	[tilespmem:s5+$0x2D8] =	vst.add.f32.msk $0xffff, v1  }
0xf8: {  	v1 =	vld [tilespmem:s28+$0x60];
	_ =	sdelay $0x4  }
0xf9: {  	[tilespmem:s5+$0x2E8] =	vst.add.f32.msk $0xffff, v1  }
0xfa: {  	v1 =	vld [tilespmem:s28+$0x70];
	_ =	sdelay $0x4  }
0xfb: {  	[tilespmem:s5+$0x2F8] =	vst.add.f32.msk $0xffff, v1  }
.LBB2_23:
0xfc: {  	s29 =	sadd.s32 $0x1, s29  }
0xfd: {  	p2 =	seq.s32 s29, $0x0  }
.Ltmp17:
0xfe: {  	_ = 	snop;
	(pc) =	sbr.rel @p2 .LBB2_24-.Ltmp17, $2  }
0xff: {  	_ =	sdelay $0x2  }
0x100: {  	s25 =	sadd.s32 $0x1, s25;
	s28 =	sadd.s32 $0x100, s28;
	s31 =	smov.u32 s0  }
.LBB2_18:
0x101: {  	v1 =	vld.msk [tilespmem:s25+$0x0], $0x1;
	_ =	sdelay $0x4  }
0x102: {  	(v2sf) =	vpush v1, $0x0;
	_ =	sdelay $0xe  }
0x103: {  	s0 =	spop (v2sf)  }
0x104: {  	p2 =	sne.s32 s31, s0  }
.Ltmp18:
0x105: {  	_ = 	snop;
	(pc) =	sbr.rel @!p2 .LBB2_19-.Ltmp18, $3  }
0x106: {  	_ =	sdelay $0x1  }
0x107: {  	s2 =	sshll.u32 s24, $0xA  }
0x108: {  	s5 =	sshra.s32 s2, $0x2  }
0x109: {  	p2 =	seq.s32 s31, s26  }
.Ltmp19:
0x10a: {  	_ = 	snop;
	(pc) =	sbr.rel @!p2 .LBB2_21-.Ltmp19, $1  }
0x10b: {  	_ =	sdelay $0x3  }
.Ltmp20:
0x10c: {  	s2 =	sadd.s32 $0x208, s5;
	(pc) =	sbr.rel .LBB2_22-.Ltmp20, $4  }
0x10d: {  	[spmem:s16] =	stream.linear.scatter [tilespmem:s2], [sflag:$0x1], $0x100, $0x38;
	[tilespmem:$0x1E678] =	vst v63  }
0x10e: {  	_ =	swait.ge [sflag:s12], $0x100  }
0x10f: {  	[sflag:s12] =	ssyncset.done $0x0  }
0x110: {  	[sflag:s12] =	ssyncadd.s32 $0xFFFFFF00  }
.LBB2_21:
0x111: {  	s2 =	sshll.u32 s30, $0xA  }
0x112: {  	s2 =	sshra.s32 s2, $0x2  }
0x113: {  	v1 =	vld [tilespmem:s2+$0x7308];
	_ =	sdelay $0x4  }
0x114: {  	[tilespmem:s5+$0x208] =	vst.add.f32.msk $0xffff, v1  }
0x115: {  	v1 =	vld [tilespmem:s2+$0x7318];
	_ =	sdelay $0x4  }
0x116: {  	[tilespmem:s5+$0x218] =	vst.add.f32.msk $0xffff, v1  }
0x117: {  	v1 =	vld [tilespmem:s2+$0x7328];
	_ =	sdelay $0x4  }
0x118: {  	[tilespmem:s5+$0x228] =	vst.add.f32.msk $0xffff, v1  }
0x119: {  	v1 =	vld [tilespmem:s2+$0x7338];
	_ =	sdelay $0x4  }
0x11a: {  	[tilespmem:s5+$0x238] =	vst.add.f32.msk $0xffff, v1  }
0x11b: {  	v1 =	vld [tilespmem:s2+$0x7348];
	_ =	sdelay $0x4  }
0x11c: {  	[tilespmem:s5+$0x248] =	vst.add.f32.msk $0xffff, v1  }
0x11d: {  	v1 =	vld [tilespmem:s2+$0x7358];
	_ =	sdelay $0x4  }
0x11e: {  	[tilespmem:s5+$0x258] =	vst.add.f32.msk $0xffff, v1  }
0x11f: {  	v1 =	vld [tilespmem:s2+$0x7368];
	_ =	sdelay $0x4  }
0x120: {  	[tilespmem:s5+$0x268] =	vst.add.f32.msk $0xffff, v1  }
0x121: {  	v1 =	vld [tilespmem:s2+$0x7378];
	_ =	sdelay $0x4  }
0x122: {  	[tilespmem:s5+$0x278] =	vst.add.f32.msk $0xffff, v1  }
0x123: {  	v1 =	vld [tilespmem:s2+$0x7388];
	_ =	sdelay $0x4  }
0x124: {  	[tilespmem:s5+$0x288] =	vst.add.f32.msk $0xffff, v1  }
0x125: {  	v1 =	vld [tilespmem:s2+$0x7398];
	_ =	sdelay $0x4  }
0x126: {  	[tilespmem:s5+$0x298] =	vst.add.f32.msk $0xffff, v1  }
0x127: {  	v1 =	vld [tilespmem:s2+$0x73A8];
	_ =	sdelay $0x4  }
0x128: {  	[tilespmem:s5+$0x2A8] =	vst.add.f32.msk $0xffff, v1  }
0x129: {  	v1 =	vld [tilespmem:s2+$0x73B8];
	_ =	sdelay $0x4  }
0x12a: {  	[tilespmem:s5+$0x2B8] =	vst.add.f32.msk $0xffff, v1  }
0x12b: {  	v1 =	vld [tilespmem:s2+$0x73C8];
	_ =	sdelay $0x4  }
0x12c: {  	[tilespmem:s5+$0x2C8] =	vst.add.f32.msk $0xffff, v1  }
0x12d: {  	v1 =	vld [tilespmem:s2+$0x73D8];
	_ =	sdelay $0x4  }
0x12e: {  	[tilespmem:s5+$0x2D8] =	vst.add.f32.msk $0xffff, v1  }
0x12f: {  	v1 =	vld [tilespmem:s2+$0x73E8];
	_ =	sdelay $0x4  }
0x130: {  	[tilespmem:s5+$0x2E8] =	vst.add.f32.msk $0xffff, v1  }
0x131: {  	v1 =	vld [tilespmem:s2+$0x73F8];
	_ =	sdelay $0x2  }
0x132: {  	p2 =	sgt.u32 s31, $0x4E170  }
0x133: {  	s2 =	sand.u32 @!p2 $0x7FFF8, s31  }
0x134: {  	s3 =	sadd.s32 $0x208, s5;
	s9 =	sand.u32 @!p2 $0x7, s31;
	s2 =	sadd.s32 @!p2 s1, s2;
	[tilespmem:s5+$0x2F8] =	vst.add.f32.msk $0xffff, v1  }
0x135: {  	[hbm4b:s2+s9] =	stream.linear.scatter @!p2 [tilespmem:s3], [sflag:$0xC], $0x80, $0x38;
	[tilespmem:$0x1E678] =	vst v63  }
0x136: {  	s2 =	sadd.s32 @!p2 $0x80, s31  }
0x137: {  	s2 =	sand.u32 @!p2 $0xFFFF8, s2  }
0x138: {  	s3 =	sadd.s32 $0x288, s5;
	s2 =	sadd.s32 @!p2 s1, s2  }
0x139: {  	[hbm4b:s2+s9] =	stream.linear.scatter @!p2 [tilespmem:s3], [sflag:$0xC], $0x80, $0x38;
	[tilespmem:$0x1E678] =	vst v63  }
0x13a: {  	s2 =	simm.s32 $0x0  }
0x13b: {  	s2 =	simm.s32 @!p2 $0x400  }
0x13c: {  	s4 =	sadd.s32 s2, s4  }
.LBB2_22:
0x13d: {  	s2 =	sadd.s32 $0x1, s24  }
0x13e: {  	s3 =	sshrl.u32 s2, $0x4  }
0x13f: {  	s3 =	smulhi.u32 $0x24924925, s3  }
0x140: {  	v1 =	vld [tilespmem:s28+$0xFFFFFF80]  }
0x141: {  	s3 =	smul.u32 $0x70, s3;
	_ =	sdelay $0x1  }
0x142: {  	s24 =	ssub.s32 s2, s3  }
0x143: {  	s2 =	sshll.u32 s24, $0x8  }
0x144: {  	[tilespmem:s2+$0x208] =	vst v1  }
0x145: {  	v1 =	vld [tilespmem:s28+$0xFFFFFF90];
	_ =	sdelay $0x4  }
0x146: {  	[tilespmem:s2+$0x218] =	vst v1  }
0x147: {  	v1 =	vld [tilespmem:s28+$0xFFFFFFA0];
	_ =	sdelay $0x4  }
0x148: {  	[tilespmem:s2+$0x228] =	vst v1  }
0x149: {  	v1 =	vld [tilespmem:s28+$0xFFFFFFB0];
	_ =	sdelay $0x4  }
0x14a: {  	[tilespmem:s2+$0x238] =	vst v1  }
0x14b: {  	v1 =	vld [tilespmem:s28+$0xFFFFFFC0];
	_ =	sdelay $0x4  }
0x14c: {  	[tilespmem:s2+$0x248] =	vst v1  }
0x14d: {  	v1 =	vld [tilespmem:s28+$0xFFFFFFD0];
	_ =	sdelay $0x4  }
0x14e: {  	[tilespmem:s2+$0x258] =	vst v1  }
0x14f: {  	v1 =	vld [tilespmem:s28+$0xFFFFFFE0];
	_ =	sdelay $0x4  }
0x150: {  	[tilespmem:s2+$0x268] =	vst v1  }
0x151: {  	v1 =	vld [tilespmem:s28+$0xFFFFFFF0];
	_ =	sdelay $0x4  }
0x152: {  	[tilespmem:s2+$0x278] =	vst v1  }
0x153: {  	v1 =	vld [tilespmem:s28+$0x0];
	_ =	sdelay $0x4  }
0x154: {  	[tilespmem:s2+$0x288] =	vst v1  }
0x155: {  	v1 =	vld [tilespmem:s28+$0x10];
	_ =	sdelay $0x4  }
0x156: {  	[tilespmem:s2+$0x298] =	vst v1  }
0x157: {  	v1 =	vld [tilespmem:s28+$0x20];
	_ =	sdelay $0x4  }
0x158: {  	[tilespmem:s2+$0x2A8] =	vst v1  }
0x159: {  	v1 =	vld [tilespmem:s28+$0x30];
	_ =	sdelay $0x4  }
0x15a: {  	[tilespmem:s2+$0x2B8] =	vst v1  }
0x15b: {  	v1 =	vld [tilespmem:s28+$0x40];
	_ =	sdelay $0x4  }
0x15c: {  	[tilespmem:s2+$0x2C8] =	vst v1  }
0x15d: {  	v1 =	vld [tilespmem:s28+$0x50];
	_ =	sdelay $0x4  }
0x15e: {  	[tilespmem:s2+$0x2D8] =	vst v1  }
0x15f: {  	v1 =	vld [tilespmem:s28+$0x60];
	_ =	sdelay $0x4  }
0x160: {  	[tilespmem:s2+$0x2E8] =	vst v1  }
0x161: {  	v1 =	vld [tilespmem:s28+$0x70]  }
.Ltmp21:
0x162: {  	_ = 	snop;
	(pc) =	sbr.rel .LBB2_23-.Ltmp21, $2  }
0x163: {  	_ =	sdelay $0x2  }
0x164: {  	s30 =	sadd.s32 $0x1, s30;
	[tilespmem:s2+$0x2F8] =	vst v1  }
.LBB2_25:
.Ltmp22:
0x165: {  	(pc) =	sbr.rel .LBB2_26-.Ltmp22, $4  }
0x166: {  	_ = 	snop  }
0x167: {  	s0 =	simm.s32 $0x2  }
0x168: {  	_ =	swait.ge [sflag:s0], $0x0  }
0x169: {  	s2 =	simm.s32 $0x0;
	[sflag:s0] =	ssyncset.done $0x0;
	s0 =	smov.u32 s31  }
.LBB2_28:
0x16a: {  	_ =	sfence.sel $0x180000  }
0x16b: {  	s0 =	simm.s32 $0x9;
	[bflag:$0x0] =	sbarrier.arrive $0xFFFF  }
0x16c: {  	s24 =	simm.s32 $0xA;
	[sflag:s0] =	ssyncpa.u1 $0x1  }
0x16d: {  	s25 =	simm.s32 $0xB;
	[sflag:s24] =	ssyncpa.u1 $0x1  }
0x16e: {  	s26 =	simm.s32 $0x2;
	[sflag:s25] =	ssyncpa.u1 $0x1  }
0x16f: {  	[sflag:s26] =	ssyncpa.u1 $0x1  }
0x170: {  	v0 =	vld [tilespmem:$0xE408];
	_ =	sdelay $0x4  }
0x171: {  	(v2sf) =	vpush v0, $0x0  }
0x172: {  	(v2sf) =	vpush v0, $0x1;
	_ =	sdelay $0x1  }
0x173: {  	(v2sf) =	vpush v0, $0x2;
	_ =	sdelay $0xb  }
0x174: {  	s0 =	spop (v2sf)  }
0x175: {  	s2 =	spop (v2sf)  }
0x176: {  	s3 =	smov.u32 s0;
	p0 =	sne.s32 s0, s2  }
0x177: {  	s4 =	spop (v2sf);
	s3 =	simm.s32 @!p0 $0xFFFFFFFF  }
0x178: {  	v2 =	vimm.s32 $0x1;
	v3 =	vlaneseq.u32;
	p0 =	seq.s32 s4, $0xFFFFFFFF;
	v1 =	vmov s3  }
0x179: {  	s15 =	stileid.u32;
	v0 =	vperm.xlane v0, v2;
	p1 =	sne.s32 @!p0 s0, s2;
	v1 =	vperm.xlane v1, v3  }
0x17a: {  	vm0 =	vcmask $0x3F04;
	s6 =	simm.s32 $0xE408;
	s0 =	simm.s32 @!p0 $0x1;
	p1 =	por !p1, p0  }
0x17b: {  	s3 =	sshll.u32 s15, $0x1;
	s2 =	sshll.u32 @!p0 s4, $0xA;
	s0 =	simm.s32 @p1 $0x0;
	v0 =	vsel vm0, v1, v0  }
0x17c: {  	s5 =	sor.u32 $0x2000, s3;
	s2 =	sshra.s32 @!p0 s2, $0x2;
	s0 =	sor.u32 @!p0 s0, s3;
	[tilespmem:$0xE408] =	vst v0  }
0x17d: {  	[spmem:s5] =	stream.linear.scatter [tilespmem:s6], [sflag:$0x1], $0x2, $0x38;
	[tilespmem:$0x1E678] =	vst v63  }
0x17e: {  	s2 =	sadd.s32 @!p0 $0x208, s2;
	s0 =	sshll.u32 @!p0 s0, $0x8  }
0x17f: {  	[spmem:s0] =	stream.linear.scatter @!p0 [tilespmem:s2], [sflag:$0x1], $0x100, $0x38;
	[tilespmem:$0x1E678] =	vst v63  }
0x180: {  	s0 =	simm.s32 @!p0 $0x102  }
0x181: {  	s28 =	simm.s32 $0x1;
	s0 =	simm.s32 @p0 $0x2  }
0x182: {  	_ =	swait.ge [sflag:s28], s0  }
0x183: {  	s0 =	ssub.s32 $0x0, s0;
	[sflag:s28] =	ssyncset.done $0x0  }
0x184: {  	p0 =	sne.s32 s15, $0x0;
	[sflag:s28] =	ssyncadd.s32 s0  }
.Ltmp23:
0x185: {  	_ =	sfence.stream.spmem;
	(pc) =	sbr.rel @p0 .LBB2_45-.Ltmp23, $4  }
0x186: {  	s29 =	simm.s32 $0x3;
	[bflag:$0x0] =	sbarrier.arrive $0xFFFF  }
0x187: {  	s30 =	simm.s32 $0x4;
	[sflag:s29] =	ssyncpa.u1 $0x1  }
0x188: {  	s31 =	simm.s32 $0x3C;
	[sflag:s30] =	ssyncpa.u1 $0x1  }
0x189: {  	s14 =	rddreg [dreg:$0x4];
	[sflag:s31] =	ssyncpa.u1 $0x1  }
0x18a: {  	_ =	sfence.stream.spmem;
	s0 =	simm.s32 $0x5  }
0x18b: {  	s2 =	simm.s32 $0x2000;
	s3 =	simm.s32 $0xE418;
	[sflag:s0] =	ssyncpa.u1 $0x0  }
0x18c: {  	[tilespmem:s3], [sflag:$0x5] =	stream.linear.gather [spmem:s2], $0x20, $0x38;
	[tilespmem:$0x1E678] =	vst v63  }
0x18d: {  	s26 =	simm.s32 $0x0;
	s28 =	simm.s32 $0xE438  }
0x18e: {  	[tilespmem:s28], [sflag:$0x5] =	stream.linear.gather [spmem:s26], $0x2000, $0x38;
	[tilespmem:$0x1E678] =	vst v63  }
0x18f: {  	_ =	swait.ge [sflag:s0], $0x2020  }
0x190: {  	[sflag:s0] =	ssyncset.done $0x0  }
0x191: {  	s29 =	simm.s32 $0x0;
	[sflag:s0] =	ssyncadd.s32 $0xFFFFDFE0  }
0x192: {  	v0 =	vld.msk [tilespmem:s29+$0xE418], $0x1;
	_ =	sdelay $0x1  }
0x193: {  	s30 =	simm.s32 $0x1  }
0x194: {  	v1 =	vld.msk [tilespmem:s30+$0xE418], $0x1;
	_ =	sdelay $0x1  }
0x195: {  	(v2sf) =	vpush v0, $0x0;
	_ =	sdelay $0x2  }
0x196: {  	(v2sf) =	vpush v1, $0x0;
	_ =	sdelay $0x2  }
0x197: {  	s31 =	simm.s32 $0x2  }
0x198: {  	v0 =	vld.msk [tilespmem:s31+$0xE418], $0x1;
	_ =	sdelay $0x2  }
0x199: {  	s2 =	simm.s32 $0xFFFFFFFF;
	s3 =	simm.s32 $0xFFFFFFFF;
	s0 =	simm.s32 $0xC  }
.LBB2_30:
0x19a: {  	s4 =	smov.u32 s3;
	s5 =	smov.u32 s2  }
0x19b: {  	s2 =	sshra.s32 s0, $0x2;
	p1 =	sne.s32 s0, $0x7C;
	s0 =	sadd.s32 $0x4, s0;
	(v2sf) =	vpush v0, $0x0  }
0x19c: {  	v0 =	vld.msk [tilespmem:s2+$0xE418], $0x1  }
.Ltmp24:
0x19d: {  	(pc) =	sbr.rel @p1 .LBB2_30-.Ltmp24, $4  }
0x19e: {  	s3 =	spop (v2sf)  }
0x19f: {  	p2 =	sne.s32 s5, $0xFFFFFFFF;
	s2 =	smov.u32 s3  }
0x1a0: {  	p3 =	seq.s32 s3, $0xFFFFFFFF;
	s2 =	smov.u32 @p2 s5  }
0x1a1: {  	s3 =	smov.u32 @p3 s4;
	s2 =	smov.u32 @p3 s5  }
0x1a2: {  	(v2sf) =	vpush v0, $0x0;
	_ =	sdelay $0x8  }
0x1a3: {  	s0 =	spop (v2sf)  }
0x1a4: {  	p1 =	sne.s32 s2, $0xFFFFFFFF;
	s9 =	simm.s32 $0x6;
	s4 =	smov.u32 s0  }
0x1a5: {  	s6 =	simm.s32 $0x0;
	p2 =	seq.s32 s0, $0xFFFFFFFF;
	s4 =	smov.u32 @p1 s2  }
0x1a6: {  	s10 =	simm.s32 $0xE308;
	s4 =	smov.u32 @p2 s2;
	s2 =	spop (v2sf)  }
0x1a7: {  	s0 =	smov.u32 @p2 s3;
	p1 =	sne.s32 s4, $0xFFFFFFFF;
	s5 =	smov.u32 s2  }
.Ltmp25:
0x1a8: {  	p2 =	seq.s32 s2, $0xFFFFFFFF;
	s5 =	smov.u32 @p1 s4;
	(pc) =	sbr.rel .LBB2_32-.Ltmp25, $4  }
0x1a9: {  	s11 =	simm.s32 $0xE388;
	s5 =	smov.u32 @p2 s4;
	s7 =	spop (v2sf)  }
0x1aa: {  	s12 =	simm.s32 $0x0;
	p1 =	sne.s32 s5, $0xFFFFFFFF;
	s8 =	smov.u32 s7  }
0x1ab: {  	s2 =	smov.u32 @p2 s0;
	p2 =	seq.s32 s7, $0xFFFFFFFF;
	s8 =	smov.u32 @p1 s5  }
0x1ac: {  	[sflag:s9] =	ssyncpa.u1 $0x0;
	s7 =	smov.u32 @p2 s2;
	s8 =	smov.u32 @p2 s5  }
.LBB2_38:
0x1ad: {  	p1 =	sgt.u32 s0, $0x4E170  }
0x1ae: {  	p2 =	seq.s32 @!p1 s0, s8  }
0x1af: {  	p1 =	por p1, p2  }
0x1b0: {  	p2 =	sne.s32 @!p1 s0, s7  }
0x1b1: {  	p1 =	por p1, !p2  }
0x1b2: {  	s0 =	sshll.u32 @p1 s12, $0xA  }
0x1b3: {  	s2 =	sand.u32 @!p1 $0x7FFF8, s0;
	s3 =	sand.u32 @!p1 $0x7, s0;
	s0 =	sadd.s32 @!p1 $0x80, s0  }
0x1b4: {  	s2 =	sadd.s32 @!p1 s1, s2;
	s0 =	sand.u32 @!p1 $0xFFFF8, s0  }
0x1b5: {  	[tilespmem:s10], [sflag:$0x6] =	stream.linear.gather @!p1 [hbm4b:s2+s3], $0x80, $0x38;
	[tilespmem:$0x1E678] =	vst v63  }
0x1b6: {  	s0 =	sadd.s32 @!p1 s1, s0  }
0x1b7: {  	[tilespmem:s11], [sflag:$0x6] =	stream.linear.gather @!p1 [hbm4b:s0+s3], $0x80, $0x38;
	[tilespmem:$0x1E678] =	vst v63  }
0x1b8: {  	_ =	swait.ge @!p1 [sflag:s9], $0x100  }
0x1b9: {  	[sflag:s9] =	ssyncset.done @!p1 $0x0  }
0x1ba: {  	[sflag:s9] =	ssyncadd.s32 @!p1 $0xFFFFFF00  }
0x1bb: {  	v1 =	vld @!p1 [tilespmem:$0xE308];
	_ =	sdelay $0x2  }
0x1bc: {  	s0 =	sshll.u32 @!p1 s12, $0xA  }
0x1bd: {  	s2 =	sshrl.u32 @!p1 s0, $0x2  }
0x1be: {  	[tilespmem:s2+$0xE438] =	vst.add.f32.msk @!p1 $0xffff, v1  }
0x1bf: {  	v1 =	vld @!p1 [tilespmem:$0xE318];
	_ =	sdelay $0x4  }
0x1c0: {  	[tilespmem:s2+$0xE448] =	vst.add.f32.msk @!p1 $0xffff, v1  }
0x1c1: {  	v1 =	vld @!p1 [tilespmem:$0xE328];
	_ =	sdelay $0x4  }
0x1c2: {  	[tilespmem:s2+$0xE458] =	vst.add.f32.msk @!p1 $0xffff, v1  }
0x1c3: {  	v1 =	vld @!p1 [tilespmem:$0xE338];
	_ =	sdelay $0x4  }
0x1c4: {  	[tilespmem:s2+$0xE468] =	vst.add.f32.msk @!p1 $0xffff, v1  }
0x1c5: {  	v1 =	vld @!p1 [tilespmem:$0xE348];
	_ =	sdelay $0x4  }
0x1c6: {  	[tilespmem:s2+$0xE478] =	vst.add.f32.msk @!p1 $0xffff, v1  }
0x1c7: {  	v1 =	vld @!p1 [tilespmem:$0xE358];
	_ =	sdelay $0x4  }
0x1c8: {  	[tilespmem:s2+$0xE488] =	vst.add.f32.msk @!p1 $0xffff, v1  }
0x1c9: {  	v1 =	vld @!p1 [tilespmem:$0xE368];
	_ =	sdelay $0x4  }
0x1ca: {  	[tilespmem:s2+$0xE498] =	vst.add.f32.msk @!p1 $0xffff, v1  }
0x1cb: {  	v1 =	vld @!p1 [tilespmem:$0xE378];
	_ =	sdelay $0x4  }
0x1cc: {  	[tilespmem:s2+$0xE4A8] =	vst.add.f32.msk @!p1 $0xffff, v1  }
0x1cd: {  	v1 =	vld @!p1 [tilespmem:$0xE388];
	_ =	sdelay $0x4  }
0x1ce: {  	[tilespmem:s2+$0xE4B8] =	vst.add.f32.msk @!p1 $0xffff, v1  }
0x1cf: {  	v1 =	vld @!p1 [tilespmem:$0xE398];
	_ =	sdelay $0x4  }
0x1d0: {  	[tilespmem:s2+$0xE4C8] =	vst.add.f32.msk @!p1 $0xffff, v1  }
0x1d1: {  	v1 =	vld @!p1 [tilespmem:$0xE3A8];
	_ =	sdelay $0x4  }
0x1d2: {  	[tilespmem:s2+$0xE4D8] =	vst.add.f32.msk @!p1 $0xffff, v1  }
0x1d3: {  	v1 =	vld @!p1 [tilespmem:$0xE3B8];
	_ =	sdelay $0x4  }
0x1d4: {  	[tilespmem:s2+$0xE4E8] =	vst.add.f32.msk @!p1 $0xffff, v1  }
0x1d5: {  	v1 =	vld @!p1 [tilespmem:$0xE3C8];
	_ =	sdelay $0x4  }
0x1d6: {  	[tilespmem:s2+$0xE4F8] =	vst.add.f32.msk @!p1 $0xffff, v1  }
0x1d7: {  	v1 =	vld @!p1 [tilespmem:$0xE3D8];
	_ =	sdelay $0x4  }
0x1d8: {  	[tilespmem:s2+$0xE508] =	vst.add.f32.msk @!p1 $0xffff, v1  }
0x1d9: {  	v1 =	vld @!p1 [tilespmem:$0xE3E8];
	_ =	sdelay $0x4  }
0x1da: {  	[tilespmem:s2+$0xE518] =	vst.add.f32.msk @!p1 $0xffff, v1  }
0x1db: {  	v1 =	vld @!p1 [tilespmem:$0xE3F8];
	_ =	sdelay $0x4  }
0x1dc: {  	[tilespmem:s2+$0xE528] =	vst.add.f32.msk @!p1 $0xffff, v1  }
0x1dd: {  	s0 =	sshrl.u32 s0, $0x2;
	[tilespmem:s6+$0xE418] =	vst.msk $0x1, v0  }
0x1de: {  	v0 =	vld [tilespmem:s0+$0xE438];
	_ =	sdelay $0x2  }
0x1df: {  	s31 =	sshll.u32 s6, $0xA  }
0x1e0: {  	s2 =	sshra.s32 s31, $0x2  }
0x1e1: {  	[tilespmem:s2+$0xE438] =	vst v0  }
0x1e2: {  	v0 =	vld [tilespmem:s0+$0xE448];
	_ =	sdelay $0x4  }
0x1e3: {  	[tilespmem:s2+$0xE448] =	vst v0  }
0x1e4: {  	v0 =	vld [tilespmem:s0+$0xE458];
	_ =	sdelay $0x4  }
0x1e5: {  	[tilespmem:s2+$0xE458] =	vst v0  }
0x1e6: {  	v0 =	vld [tilespmem:s0+$0xE468];
	_ =	sdelay $0x4  }
0x1e7: {  	[tilespmem:s2+$0xE468] =	vst v0  }
0x1e8: {  	v0 =	vld [tilespmem:s0+$0xE478];
	_ =	sdelay $0x4  }
0x1e9: {  	[tilespmem:s2+$0xE478] =	vst v0  }
0x1ea: {  	v0 =	vld [tilespmem:s0+$0xE488];
	_ =	sdelay $0x4  }
0x1eb: {  	[tilespmem:s2+$0xE488] =	vst v0  }
0x1ec: {  	v0 =	vld [tilespmem:s0+$0xE498];
	_ =	sdelay $0x4  }
0x1ed: {  	[tilespmem:s2+$0xE498] =	vst v0  }
0x1ee: {  	v0 =	vld [tilespmem:s0+$0xE4A8];
	_ =	sdelay $0x4  }
0x1ef: {  	[tilespmem:s2+$0xE4A8] =	vst v0  }
0x1f0: {  	v0 =	vld [tilespmem:s0+$0xE4B8];
	_ =	sdelay $0x4  }
0x1f1: {  	[tilespmem:s2+$0xE4B8] =	vst v0  }
0x1f2: {  	v0 =	vld [tilespmem:s0+$0xE4C8];
	_ =	sdelay $0x4  }
0x1f3: {  	[tilespmem:s2+$0xE4C8] =	vst v0  }
0x1f4: {  	v0 =	vld [tilespmem:s0+$0xE4D8];
	_ =	sdelay $0x4  }
0x1f5: {  	[tilespmem:s2+$0xE4D8] =	vst v0  }
0x1f6: {  	v0 =	vld [tilespmem:s0+$0xE4E8];
	_ =	sdelay $0x4  }
0x1f7: {  	[tilespmem:s2+$0xE4E8] =	vst v0  }
0x1f8: {  	v0 =	vld [tilespmem:s0+$0xE4F8];
	_ =	sdelay $0x4  }
0x1f9: {  	[tilespmem:s2+$0xE4F8] =	vst v0  }
0x1fa: {  	v0 =	vld [tilespmem:s0+$0xE508];
	_ =	sdelay $0x4  }
0x1fb: {  	[tilespmem:s2+$0xE508] =	vst v0  }
0x1fc: {  	v0 =	vld [tilespmem:s0+$0xE518];
	_ =	sdelay $0x4  }
0x1fd: {  	[tilespmem:s2+$0xE518] =	vst v0  }
0x1fe: {  	v0 =	vld [tilespmem:s0+$0xE528];
	_ =	sdelay $0x4  }
0x1ff: {  	s6 =	sadd.s32 $0x1, s6;
	[tilespmem:s2+$0xE528] =	vst v0  }
.LBB2_39:
0x200: {  	s12 =	sadd.s32 $0x1, s12  }
0x201: {  	p1 =	sne.s32 s12, $0x20  }
.Ltmp26:
0x202: {  	_ = 	snop;
	(pc) =	sbr.rel @!p1 .LBB2_40-.Ltmp26, $1  }
0x203: {  	_ =	sdelay $0x3  }
.LBB2_32:
0x204: {  	v0 =	vld.msk [tilespmem:s12+$0xE418], $0x1;
	_ =	sdelay $0x4  }
0x205: {  	(v2sf) =	vpush v0, $0x0;
	_ =	sdelay $0xe  }
0x206: {  	s0 =	spop (v2sf)  }
0x207: {  	p1 =	seq.s32 s0, $0xFFFFFFFF  }
.Ltmp27:
0x208: {  	_ = 	snop;
	(pc) =	sbr.rel @p1 .LBB2_39-.Ltmp27, $1  }
0x209: {  	_ =	sdelay $0x3  }
0x20a: {  	p1 =	slt.s32 s6, $0x1  }
.Ltmp28:
0x20b: {  	_ = 	snop;
	(pc) =	sbr.rel @p1 .LBB2_38-.Ltmp28, $1  }
0x20c: {  	_ =	sdelay $0x3  }
0x20d: {  	s4 =	simm.s32 $0xE418;
	p1 =	por $0x0, $0x0  }
0x20e: {  	v1 =	vld.msk @!p1 [tilespmem:s4+$0x0], $0x1;
	_ =	sdelay $0x4  }
0x20f: {  	(v2sf) =	vpush @!p1 v1, $0x0;
	_ =	sdelay $0xd  }
0x210: {  	p3 =	sne.s32 s6, $0x1  }
.Ltmp29:
0x211: {  	s2 =	spop @!p1 (v2sf);
	(pc) =	sbr.rel @!p3 .LBB2_36-.Ltmp29, $4  }
0x212: {  	p2 =	seq.s32 @!p1 s0, s2  }
0x213: {  	s5 =	simm.s32 $0x0;
	p2 =	por !p2, p1  }
0x214: {  	s2 =	simm.s32 $0xFFFFFFFF;
	s5 =	simm.s32 @p2 $0xFFFFFFFF  }
0x215: {  	s13 =	simm.s32 $0x1;
	s5 =	smov.u32 @p1 s2  }
.LBB2_35:
0x216: {  	s2 =	smov.u32 s5;
	p1 =	sne.s32 s5, $0xFFFFFFFF  }
0x217: {  	s4 =	sadd.s32 $0x1, s4;
	s5 =	smov.u32 s13;
	s13 =	sadd.s32 $0x1, s13  }
0x218: {  	p2 =	sne.s32 s6, s13;
	v1 =	vld.msk @!p1 [tilespmem:s4+$0x0], $0x1;
	_ =	sdelay $0x4  }
0x219: {  	(v2sf) =	vpush @!p1 v1, $0x0;
	_ =	sdelay $0xe  }
.Ltmp30:
0x21a: {  	s3 =	spop @!p1 (v2sf);
	(pc) =	sbr.rel @p2 .LBB2_35-.Ltmp30, $4  }
0x21b: {  	p3 =	seq.s32 @!p1 s0, s3  }
0x21c: {  	p3 =	por !p3, p1  }
0x21d: {  	s5 =	simm.s32 @p3 $0xFFFFFFFF  }
0x21e: {  	s5 =	smov.u32 @p1 s2  }
.LBB2_36:
0x21f: {  	p1 =	seq.s32 s5, $0xFFFFFFFF  }
.Ltmp31:
0x220: {  	_ = 	snop;
	(pc) =	sbr.rel @p1 .LBB2_38-.Ltmp31, $1  }
0x221: {  	_ =	sdelay $0x3  }
0x222: {  	s0 =	sshll.u32 s12, $0x8  }
0x223: {  	s0 =	sand.u32 $0x3FFFFF00, s0  }
0x224: {  	v0 =	vld [tilespmem:s0+$0xE438];
	_ =	sdelay $0x2  }
0x225: {  	s2 =	sshll.u32 s5, $0xA  }
0x226: {  	s2 =	sshra.s32 s2, $0x2  }
0x227: {  	[tilespmem:s2+$0xE438] =	vst.add.f32.msk $0xffff, v0  }
0x228: {  	v0 =	vld [tilespmem:s0+$0xE448];
	_ =	sdelay $0x4  }
0x229: {  	[tilespmem:s2+$0xE448] =	vst.add.f32.msk $0xffff, v0  }
0x22a: {  	v0 =	vld [tilespmem:s0+$0xE458];
	_ =	sdelay $0x4  }
0x22b: {  	[tilespmem:s2+$0xE458] =	vst.add.f32.msk $0xffff, v0  }
0x22c: {  	v0 =	vld [tilespmem:s0+$0xE468];
	_ =	sdelay $0x4  }
0x22d: {  	[tilespmem:s2+$0xE468] =	vst.add.f32.msk $0xffff, v0  }
0x22e: {  	v0 =	vld [tilespmem:s0+$0xE478];
	_ =	sdelay $0x4  }
0x22f: {  	[tilespmem:s2+$0xE478] =	vst.add.f32.msk $0xffff, v0  }
0x230: {  	v0 =	vld [tilespmem:s0+$0xE488];
	_ =	sdelay $0x4  }
0x231: {  	[tilespmem:s2+$0xE488] =	vst.add.f32.msk $0xffff, v0  }
0x232: {  	v0 =	vld [tilespmem:s0+$0xE498];
	_ =	sdelay $0x4  }
0x233: {  	[tilespmem:s2+$0xE498] =	vst.add.f32.msk $0xffff, v0  }
0x234: {  	v0 =	vld [tilespmem:s0+$0xE4A8];
	_ =	sdelay $0x4  }
0x235: {  	[tilespmem:s2+$0xE4A8] =	vst.add.f32.msk $0xffff, v0  }
0x236: {  	v0 =	vld [tilespmem:s0+$0xE4B8];
	_ =	sdelay $0x4  }
0x237: {  	[tilespmem:s2+$0xE4B8] =	vst.add.f32.msk $0xffff, v0  }
0x238: {  	v0 =	vld [tilespmem:s0+$0xE4C8];
	_ =	sdelay $0x4  }
0x239: {  	[tilespmem:s2+$0xE4C8] =	vst.add.f32.msk $0xffff, v0  }
0x23a: {  	v0 =	vld [tilespmem:s0+$0xE4D8];
	_ =	sdelay $0x4  }
0x23b: {  	[tilespmem:s2+$0xE4D8] =	vst.add.f32.msk $0xffff, v0  }
0x23c: {  	v0 =	vld [tilespmem:s0+$0xE4E8];
	_ =	sdelay $0x4  }
0x23d: {  	[tilespmem:s2+$0xE4E8] =	vst.add.f32.msk $0xffff, v0  }
0x23e: {  	v0 =	vld [tilespmem:s0+$0xE4F8];
	_ =	sdelay $0x4  }
0x23f: {  	[tilespmem:s2+$0xE4F8] =	vst.add.f32.msk $0xffff, v0  }
0x240: {  	v0 =	vld [tilespmem:s0+$0xE508];
	_ =	sdelay $0x4  }
0x241: {  	[tilespmem:s2+$0xE508] =	vst.add.f32.msk $0xffff, v0  }
0x242: {  	v0 =	vld [tilespmem:s0+$0xE518];
	_ =	sdelay $0x4  }
0x243: {  	[tilespmem:s2+$0xE518] =	vst.add.f32.msk $0xffff, v0  }
0x244: {  	v0 =	vld [tilespmem:s0+$0xE528]  }
.Ltmp32:
0x245: {  	_ = 	snop;
	(pc) =	sbr.rel .LBB2_39-.Ltmp32, $2  }
0x246: {  	_ =	sdelay $0x2  }
0x247: {  	[tilespmem:s2+$0xE528] =	vst.add.f32.msk $0xffff, v0  }
.LBB2_40:
0x248: {  	s0 =	simm.s32 $0x6;
	p1 =	seq.s32 s6, $0x0  }
0x249: {  	[sflag:s0] =	ssyncpa.u1 $0x1;
	v0 =	vimm.s32 @p1 $0xFFFFFFFF  }
0x24a: {  	s0 =	sadd.s32 $0xFFFFFFFF, s6;
	[tilespmem:$0x10438] =	vst @p1 v0  }
0x24b: {  	v0 =	vld.msk @!p1 [tilespmem:s0+$0xE418], $0x1;
	_ =	sdelay $0x1  }
0x24c: {  	v1 =	vld.msk @!p1 [tilespmem:$0xE418], $0x1;
	_ =	sdelay $0x2  }
0x24d: {  	p2 =	seq.s32 @!p1 s0, $0x0;
	v0 =	vbroadcast @!p1 v0, $0x0  }
0x24e: {  	vm0 =	vmmov @!p1 $0x1;
	p2 =	por !p2, p1  }
0x24f: {  	v1 =	vnsel @!p1 vm0, $0xFFFFFFFF, v1;
	vm0 =	vcmask @!p1 $0x308;
	v0 =	vpsel !p2, $0xFFFFFFFF, v0  }
0x250: {  	p2 =	sne.s32 @!p1 s8, s7;
	v0 =	vsel @!p1 vm0, v1, v0  }
0x251: {  	s2 =	simm.s32 @!p1 $0xE438;
	s3 =	simm.s32 @!p1 $0x0;
	p3 =	por !p2, p1;
	[tilespmem:$0x10438] =	vst @!p1 v0  }
0x252: {  	[spmem:s3] =	stream.linear.scatter @!p1 [tilespmem:s2], [sflag:$0x1], $0x100, $0x38;
	[tilespmem:$0x1E678] =	vst v63  }
0x253: {  	s2 =	sshll.u32 @!p3 s0, $0xA  }
0x254: {  	s2 =	sshra.s32 @!p3 s2, $0x2  }
0x255: {  	s3 =	simm.s32 @!p3 $0x100;
	s2 =	sadd.s32 @!p3 $0xE438, s2  }
0x256: {  	[spmem:s3] =	stream.linear.scatter @!p3 [tilespmem:s2], [sflag:$0x1], $0x100, $0x38;
	[tilespmem:$0x1E678] =	vst v63  }
0x257: {  	s2 =	simm.s32 @!p3 $0x1  }
0x258: {  	_ =	swait.ge @!p3 [sflag:s2], $0x200  }
0x259: {  	p1 =	por p2, p1;
	[sflag:s2] =	ssyncset.done @!p3 $0x0  }
0x25a: {  	[sflag:s2] =	ssyncadd.s32 @!p3 $0xFFFFFE00;
	s2 =	simm.s32 @!p1 $0x1  }
0x25b: {  	_ =	swait.ge @!p1 [sflag:s2], $0x100  }
0x25c: {  	s29 =	simm.s32 $0x10438;
	[sflag:s2] =	ssyncset.done @!p1 $0x0  }
0x25d: {  	s30 =	simm.s32 $0x2000;
	s31 =	simm.s32 $0x1;
	[sflag:s2] =	ssyncadd.s32 @!p1 $0xFFFFFF00  }
0x25e: {  	[spmem:s30] =	stream.linear.scatter [tilespmem:s29], [sflag:$0x1], $0x10, $0x38;
	[tilespmem:$0x1E678] =	vst v63  }
0x25f: {  	_ =	swait.ge [sflag:s31], $0x10  }
0x260: {  	[sflag:s31] =	ssyncset.done $0x0  }
0x261: {  	p1 =	seq.s32 s14, $0x0;
	s9 =	rddreg [dreg:$0x1];
	[sflag:s31] =	ssyncadd.s32 $0xFFFFFFF0  }
0x262: {  	s3 =	sshll.u32 @p1 s9, $0xE;
	s8 =	rddreg [dreg:$0x2]  }
0x263: {  	s2 =	sadd.s32 @p1 $0x15C3C, s3;
	s3 =	sshll.u32 @p1 s8, $0x11  }
0x264: {  	_ =	sfence.stream.spmem;
	s2 =	sor.u32 @p1 s3, s2  }
0x265: {  	[sflag:s2] =	ssyncadd.remote.s32 @p1 $0x1;
	s2 =	simm.s32 @p1 $0x4  }
0x266: {  	s4 =	simm.s32 @!p1 $0x3C;
	s3 =	sand.u32 $0xFFFFFFFE, s9;
	_ =	swait.ge @p1 [sflag:s2], $0x42  }
0x267: {  	s5 =	simm.s32 @!p1 $0x0;
	s3 =	sadd.s32 @!p1 $0x4, s3;
	[sflag:s2] =	ssyncset.done @p1 $0x0  }
0x268: {  	s7 =	simm.s32 @!p1 $0x200;
	[sflag:s2] =	ssyncadd.s32 @p1 $0xFFFFFFBE;
	s2 =	sshll.u32 @!p1 s3, $0x1A  }
0x269: {  	s3 =	sshll.u32 @!p1 s3, $0xD;
	s2 =	sor.u32 @!p1 s2, s8;
	_ =	swait.eq @!p1 [sflag:s4], $0x1  }
0x26a: {  	s3 =	sor.u32 @!p1 $0x1C04, s3;
	s4 =	simm.s32 @!p1 $0x1C03;
	s2 =	sor.u32 @!p1 $0x80004000, s2  }
0x26b: {  	[spmem:s7], [sflag:s3] =	dma.general @!p1 [spmem:s5], [sflag:s4], length:$0x40, [dreg:$0x0], stride_count:$0x0, ici_dest:s2, dma_misc:DstOpCode:WRITE  }
0x26c: {  	p2 =	slt.s32 s0, $0x2;
	s5 =	simm.s32 @!p1 $0x400;
	s7 =	simm.s32 @!p1 $0x402  }
0x26d: {  	[spmem:s7], [sflag:s3] =	dma.general @!p1 [spmem:s5], [sflag:s4], length:$0x2, [dreg:$0x0], stride_count:$0x0, ici_dest:s2, dma_misc:DstOpCode:WRITE  }
.Ltmp33:
0x26e: {  	s2 =	simm.s32 @!p1 $0x3;
	(pc) =	sbr.rel @p2 .LBB2_44-.Ltmp33, $4  }
0x26f: {  	s3 =	sshll.u32 @!p1 s9, $0xE;
	_ =	swait.ge @!p1 [sflag:s2], $0x42  }
0x270: {  	s4 =	sshll.u32 @!p1 s8, $0x11;
	s3 =	sadd.s32 @!p1 $0x11C3C, s3;
	[sflag:s2] =	ssyncset.done @!p1 $0x0  }
0x271: {  	[sflag:s2] =	ssyncadd.s32 @!p1 $0xFFFFFFBE;
	s2 =	sor.u32 @!p1 s4, s3  }
0x272: {  	s0 =	simm.s32 $0x0;
	[sflag:s2] =	ssyncadd.remote.s32 @!p1 $0xFFFFFFFF  }
0x273: {  	s0 =	simm.s32 $0xE419  }
0x274: {  	v0 =	vld.msk [tilespmem:s0+$0x0], $0x1;
	_ =	sdelay $0x4  }
0x275: {  	(v2sf) =	vpush v0, $0x0;
	_ =	sdelay $0xd  }
0x276: {  	s31 =	sadd.s32 $0xFFFFFFFE, s6  }
0x277: {  	s6 =	simm.s32 $0x0;
	s0 =	sadd.s32 $0xFFFFFFFF, s31;
	s2 =	spop (v2sf)  }
0x278: {  	s3 =	simm.s32 $0xE538;
	p1 =	sne.s32 s0, $0x0;
	p2 =	sgt.u32 s2, $0x4E170  }
.Ltmp34:
0x279: {  	s4 =	simm.s32 $0xE638;
	s5 =	sand.u32 @!p2 $0x7FFF8, s2;
	(pc) =	sbr.rel @!p1 .LBB2_43-.Ltmp34, $4  }
0x27a: {  	s7 =	sadd.s32 @!p2 $0x80, s2;
	s2 =	sand.u32 @!p2 $0x7, s2;
	s6 =	simm.s32 @!p2 $0x400  }
0x27b: {  	s5 =	sadd.s32 @!p2 s1, s5;
	s7 =	sand.u32 @!p2 $0xFFFF8, s7;
	s6 =	sadd.s32 $0x0, s6  }
0x27c: {  	[hbm4b:s5+s2] =	stream.linear.scatter @!p2 [tilespmem:s3], [sflag:$0x5], $0x80, $0x38;
	[tilespmem:$0x1E678] =	vst v63  }
0x27d: {  	s5 =	simm.s32 $0xE41A;
	s3 =	simm.s32 @!p2 $0xE5B8;
	s7 =	sadd.s32 @!p2 s1, s7  }
.LBB2_42:
0x27e: {  	[hbm4b:s7+s2] =	stream.linear.scatter @!p2 [tilespmem:s3], [sflag:$0x5], $0x80, $0x38;
	[tilespmem:$0x1E678] =	vst v63  }
0x27f: {  	s0 =	sadd.s32 $0xFFFFFFFF, s0;
	s3 =	smov.u32 s4;
	v0 =	vld.msk [tilespmem:s5+$0x0], $0x1  }
0x280: {  	p1 =	sne.s32 s0, $0x0;
	_ =	sdelay $0x3  }
0x281: {  	(v2sf) =	vpush v0, $0x0;
	_ =	sdelay $0xe  }
0x282: {  	s4 =	sadd.s32 $0x100, s4;
	s8 =	simm.s32 $0x0;
	s2 =	spop (v2sf)  }
.Ltmp35:
0x283: {  	s5 =	sadd.s32 $0x1, s5;
	p2 =	sgt.u32 s2, $0x4E170;
	(pc) =	sbr.rel @p1 .LBB2_42-.Ltmp35, $4  }
0x284: {  	s8 =	simm.s32 @!p2 $0x400;
	s7 =	sand.u32 @!p2 $0x7FFF8, s2;
	s9 =	sadd.s32 @!p2 $0x80, s2  }
0x285: {  	s2 =	sand.u32 @!p2 $0x7, s2;
	s7 =	sadd.s32 @!p2 s1, s7;
	s9 =	sand.u32 @!p2 $0xFFFF8, s9  }
0x286: {  	[hbm4b:s7+s2] =	stream.linear.scatter @!p2 [tilespmem:s3], [sflag:$0x5], $0x80, $0x38;
	[tilespmem:$0x1E678] =	vst v63  }
0x287: {  	s6 =	sadd.s32 s6, s8;
	s3 =	sadd.s32 @!p2 $0x80, s3;
	s7 =	sadd.s32 @!p2 s1, s9  }
.LBB2_43:
0x288: {  	[hbm4b:s7+s2] =	stream.linear.scatter @!p2 [tilespmem:s3], [sflag:$0x5], $0x80, $0x38;
	[tilespmem:$0x1E678] =	vst v63  }
0x289: {  	s0 =	sshrl.u32 s6, $0x2  }
.LBB2_44:
0x28a: {  	s2 =	simm.s32 $0x5  }
0x28b: {  	_ =	swait.ge [sflag:s2], s0  }
0x28c: {  	s31 =	ssub.s32 $0x0, s0;
	[sflag:s2] =	ssyncset.done $0x0  }
0x28d: {  	[sflag:s2] =	ssyncadd.s32 s31  }
0x28e: {  	[sflag:s2] =	ssyncpa.u1 $0x1  }
.LBB2_45:
0x28f: {  	s0 =	sor.u32 s14, s15  }
0x290: {  	p1 =	sne.s32 s0, $0x0  }
.Ltmp36:
0x291: {  	_ = 	snop;
	(pc) =	sbr.rel @p1 .LBB2_60-.Ltmp36, $3  }
0x292: {  	_ =	sdelay $0x1  }
0x293: {  	[bflag:$0x0] =	sbarrier.arrive $0xFFFF  }
0x294: {  	_ =	sfence  }
0x295: {  	s0 =	simm.s32 $0x7  }
0x296: {  	s2 =	simm.s32 $0x2000;
	s3 =	simm.s32 $0xE418;
	[sflag:s0] =	ssyncpa.u1 $0x0  }
0x297: {  	[tilespmem:s3], [sflag:$0x7] =	stream.linear.gather [spmem:s2], $0x20, $0x38;
	[tilespmem:$0x1E678] =	vst v63  }
0x298: {  	s30 =	simm.s32 $0xE438;
	s2 =	simm.s32 $0x0  }
0x299: {  	[tilespmem:s30], [sflag:$0x7] =	stream.linear.gather [spmem:s2], $0x2000, $0x38;
	[tilespmem:$0x1E678] =	vst v63  }
.Ltmp37:
0x29a: {  	_ = 	snop;
	(pc) =	sbr.rel .LBB2_47-.Ltmp37, $4  }
0x29b: {  	_ =	swait.ge [sflag:s0], $0x2020  }
0x29c: {  	[sflag:s0] =	ssyncset.done $0x0  }
0x29d: {  	s31 =	simm.s32 $0x8;
	[sflag:s0] =	ssyncadd.s32 $0xFFFFDFE0  }
0x29e: {  	s3 =	simm.s32 $0x0;
	[sflag:s31] =	ssyncpa.u1 $0x0  }
.LBB2_53:
0x29f: {  	p1 =	slt.u32 s0, $0x4E171  }
0x2a0: {  	s4 =	sand.u32 @p1 $0x7FFF8, s0;
	s5 =	sand.u32 @p1 $0x7, s0;
	s0 =	sadd.s32 @p1 $0x80, s0  }
0x2a1: {  	s6 =	simm.s32 @p1 $0xE308;
	s4 =	sadd.s32 @p1 s1, s4;
	s0 =	sand.u32 @p1 $0xFFFF8, s0  }
0x2a2: {  	[tilespmem:s6], [sflag:$0x8] =	stream.linear.gather @p1 [hbm4b:s4+s5], $0x80, $0x38;
	[tilespmem:$0x1E678] =	vst v63  }
0x2a3: {  	s0 =	sadd.s32 @p1 s1, s0;
	s4 =	simm.s32 @p1 $0xE388  }
0x2a4: {  	[tilespmem:s4], [sflag:$0x8] =	stream.linear.gather @p1 [hbm4b:s0+s5], $0x80, $0x38;
	[tilespmem:$0x1E678] =	vst v63  }
0x2a5: {  	s0 =	simm.s32 @p1 $0x8  }
0x2a6: {  	_ =	swait.ge @p1 [sflag:s0], $0x100  }
0x2a7: {  	[sflag:s0] =	ssyncset.done @p1 $0x0  }
0x2a8: {  	[sflag:s0] =	ssyncadd.s32 @p1 $0xFFFFFF00  }
0x2a9: {  	v1 =	vld @p1 [tilespmem:$0xE308];
	_ =	sdelay $0x2  }
0x2aa: {  	s0 =	sshll.u32 @p1 s3, $0xA  }
0x2ab: {  	s4 =	sshrl.u32 @p1 s0, $0x2  }
0x2ac: {  	[tilespmem:s4+$0xE438] =	vst.add.f32.msk @p1 $0xffff, v1  }
0x2ad: {  	v1 =	vld @p1 [tilespmem:$0xE318];
	_ =	sdelay $0x4  }
0x2ae: {  	[tilespmem:s4+$0xE448] =	vst.add.f32.msk @p1 $0xffff, v1  }
0x2af: {  	v1 =	vld @p1 [tilespmem:$0xE328];
	_ =	sdelay $0x4  }
0x2b0: {  	[tilespmem:s4+$0xE458] =	vst.add.f32.msk @p1 $0xffff, v1  }
0x2b1: {  	v1 =	vld @p1 [tilespmem:$0xE338];
	_ =	sdelay $0x4  }
0x2b2: {  	[tilespmem:s4+$0xE468] =	vst.add.f32.msk @p1 $0xffff, v1  }
0x2b3: {  	v1 =	vld @p1 [tilespmem:$0xE348];
	_ =	sdelay $0x4  }
0x2b4: {  	[tilespmem:s4+$0xE478] =	vst.add.f32.msk @p1 $0xffff, v1  }
0x2b5: {  	v1 =	vld @p1 [tilespmem:$0xE358];
	_ =	sdelay $0x4  }
0x2b6: {  	[tilespmem:s4+$0xE488] =	vst.add.f32.msk @p1 $0xffff, v1  }
0x2b7: {  	v1 =	vld @p1 [tilespmem:$0xE368];
	_ =	sdelay $0x4  }
0x2b8: {  	[tilespmem:s4+$0xE498] =	vst.add.f32.msk @p1 $0xffff, v1  }
0x2b9: {  	v1 =	vld @p1 [tilespmem:$0xE378];
	_ =	sdelay $0x4  }
0x2ba: {  	[tilespmem:s4+$0xE4A8] =	vst.add.f32.msk @p1 $0xffff, v1  }
0x2bb: {  	v1 =	vld @p1 [tilespmem:$0xE388];
	_ =	sdelay $0x4  }
0x2bc: {  	[tilespmem:s4+$0xE4B8] =	vst.add.f32.msk @p1 $0xffff, v1  }
0x2bd: {  	v1 =	vld @p1 [tilespmem:$0xE398];
	_ =	sdelay $0x4  }
0x2be: {  	[tilespmem:s4+$0xE4C8] =	vst.add.f32.msk @p1 $0xffff, v1  }
0x2bf: {  	v1 =	vld @p1 [tilespmem:$0xE3A8];
	_ =	sdelay $0x4  }
0x2c0: {  	[tilespmem:s4+$0xE4D8] =	vst.add.f32.msk @p1 $0xffff, v1  }
0x2c1: {  	v1 =	vld @p1 [tilespmem:$0xE3B8];
	_ =	sdelay $0x4  }
0x2c2: {  	[tilespmem:s4+$0xE4E8] =	vst.add.f32.msk @p1 $0xffff, v1  }
0x2c3: {  	v1 =	vld @p1 [tilespmem:$0xE3C8];
	_ =	sdelay $0x4  }
0x2c4: {  	[tilespmem:s4+$0xE4F8] =	vst.add.f32.msk @p1 $0xffff, v1  }
0x2c5: {  	v1 =	vld @p1 [tilespmem:$0xE3D8];
	_ =	sdelay $0x4  }
0x2c6: {  	[tilespmem:s4+$0xE508] =	vst.add.f32.msk @p1 $0xffff, v1  }
0x2c7: {  	v1 =	vld @p1 [tilespmem:$0xE3E8];
	_ =	sdelay $0x4  }
0x2c8: {  	[tilespmem:s4+$0xE518] =	vst.add.f32.msk @p1 $0xffff, v1  }
0x2c9: {  	v1 =	vld @p1 [tilespmem:$0xE3F8];
	_ =	sdelay $0x3  }
0x2ca: {  	s5 =	sshll.u32 @!p1 s3, $0xA  }
0x2cb: {  	s5 =	smov.u32 @p1 s0;
	[tilespmem:s4+$0xE528] =	vst.add.f32.msk @p1 $0xffff, v1  }
0x2cc: {  	s0 =	sshrl.u32 s5, $0x2;
	[tilespmem:s2+$0xE418] =	vst.msk $0x1, v0  }
0x2cd: {  	v0 =	vld [tilespmem:s0+$0xE438];
	_ =	sdelay $0x2  }
0x2ce: {  	s31 =	sshll.u32 s2, $0xA  }
0x2cf: {  	s4 =	sshra.s32 s31, $0x2  }
0x2d0: {  	[tilespmem:s4+$0xE438] =	vst v0  }
0x2d1: {  	v0 =	vld [tilespmem:s0+$0xE448];
	_ =	sdelay $0x4  }
0x2d2: {  	[tilespmem:s4+$0xE448] =	vst v0  }
0x2d3: {  	v0 =	vld [tilespmem:s0+$0xE458];
	_ =	sdelay $0x4  }
0x2d4: {  	[tilespmem:s4+$0xE458] =	vst v0  }
0x2d5: {  	v0 =	vld [tilespmem:s0+$0xE468];
	_ =	sdelay $0x4  }
0x2d6: {  	[tilespmem:s4+$0xE468] =	vst v0  }
0x2d7: {  	v0 =	vld [tilespmem:s0+$0xE478];
	_ =	sdelay $0x4  }
0x2d8: {  	[tilespmem:s4+$0xE478] =	vst v0  }
0x2d9: {  	v0 =	vld [tilespmem:s0+$0xE488];
	_ =	sdelay $0x4  }
0x2da: {  	[tilespmem:s4+$0xE488] =	vst v0  }
0x2db: {  	v0 =	vld [tilespmem:s0+$0xE498];
	_ =	sdelay $0x4  }
0x2dc: {  	[tilespmem:s4+$0xE498] =	vst v0  }
0x2dd: {  	v0 =	vld [tilespmem:s0+$0xE4A8];
	_ =	sdelay $0x4  }
0x2de: {  	[tilespmem:s4+$0xE4A8] =	vst v0  }
0x2df: {  	v0 =	vld [tilespmem:s0+$0xE4B8];
	_ =	sdelay $0x4  }
0x2e0: {  	[tilespmem:s4+$0xE4B8] =	vst v0  }
0x2e1: {  	v0 =	vld [tilespmem:s0+$0xE4C8];
	_ =	sdelay $0x4  }
0x2e2: {  	[tilespmem:s4+$0xE4C8] =	vst v0  }
0x2e3: {  	v0 =	vld [tilespmem:s0+$0xE4D8];
	_ =	sdelay $0x4  }
0x2e4: {  	[tilespmem:s4+$0xE4D8] =	vst v0  }
0x2e5: {  	v0 =	vld [tilespmem:s0+$0xE4E8];
	_ =	sdelay $0x4  }
0x2e6: {  	[tilespmem:s4+$0xE4E8] =	vst v0  }
0x2e7: {  	v0 =	vld [tilespmem:s0+$0xE4F8];
	_ =	sdelay $0x4  }
0x2e8: {  	[tilespmem:s4+$0xE4F8] =	vst v0  }
0x2e9: {  	v0 =	vld [tilespmem:s0+$0xE508];
	_ =	sdelay $0x4  }
0x2ea: {  	[tilespmem:s4+$0xE508] =	vst v0  }
0x2eb: {  	v0 =	vld [tilespmem:s0+$0xE518];
	_ =	sdelay $0x4  }
0x2ec: {  	[tilespmem:s4+$0xE518] =	vst v0  }
0x2ed: {  	v0 =	vld [tilespmem:s0+$0xE528];
	_ =	sdelay $0x4  }
0x2ee: {  	s2 =	sadd.s32 $0x1, s2;
	[tilespmem:s4+$0xE528] =	vst v0  }
.LBB2_54:
0x2ef: {  	s3 =	sadd.s32 $0x1, s3  }
0x2f0: {  	p1 =	sne.s32 s3, $0x20  }
.Ltmp38:
0x2f1: {  	_ = 	snop;
	(pc) =	sbr.rel @!p1 .LBB2_55-.Ltmp38, $1  }
0x2f2: {  	_ =	sdelay $0x3  }
.LBB2_47:
0x2f3: {  	v0 =	vld.msk [tilespmem:s3+$0xE418], $0x1;
	_ =	sdelay $0x4  }
0x2f4: {  	(v2sf) =	vpush v0, $0x0;
	_ =	sdelay $0xe  }
0x2f5: {  	s0 =	spop (v2sf)  }
0x2f6: {  	p1 =	seq.s32 s0, $0xFFFFFFFF  }
.Ltmp39:
0x2f7: {  	_ = 	snop;
	(pc) =	sbr.rel @p1 .LBB2_54-.Ltmp39, $1  }
0x2f8: {  	_ =	sdelay $0x3  }
0x2f9: {  	p1 =	slt.s32 s2, $0x1  }
.Ltmp40:
0x2fa: {  	_ = 	snop;
	(pc) =	sbr.rel @p1 .LBB2_53-.Ltmp40, $1  }
0x2fb: {  	_ =	sdelay $0x3  }
0x2fc: {  	s4 =	simm.s32 $0xE418;
	p1 =	por $0x0, $0x0  }
0x2fd: {  	v1 =	vld.msk @!p1 [tilespmem:s4+$0x0], $0x1;
	_ =	sdelay $0x4  }
0x2fe: {  	(v2sf) =	vpush @!p1 v1, $0x0;
	_ =	sdelay $0xd  }
0x2ff: {  	p3 =	sne.s32 s2, $0x1  }
.Ltmp41:
0x300: {  	s5 =	spop @!p1 (v2sf);
	(pc) =	sbr.rel @!p3 .LBB2_51-.Ltmp41, $4  }
0x301: {  	p2 =	seq.s32 @!p1 s0, s5  }
0x302: {  	s5 =	simm.s32 $0x0;
	p2 =	por !p2, p1  }
0x303: {  	s7 =	simm.s32 $0xFFFFFFFF;
	s5 =	simm.s32 @p2 $0xFFFFFFFF  }
0x304: {  	s6 =	simm.s32 $0x1;
	s5 =	smov.u32 @p1 s7  }
.LBB2_50:
0x305: {  	s7 =	smov.u32 s5;
	p1 =	sne.s32 s5, $0xFFFFFFFF  }
0x306: {  	s4 =	sadd.s32 $0x1, s4;
	s5 =	smov.u32 s6;
	s6 =	sadd.s32 $0x1, s6  }
0x307: {  	p2 =	sne.s32 s2, s6;
	v1 =	vld.msk @!p1 [tilespmem:s4+$0x0], $0x1;
	_ =	sdelay $0x4  }
0x308: {  	(v2sf) =	vpush @!p1 v1, $0x0;
	_ =	sdelay $0xe  }
.Ltmp42:
0x309: {  	s8 =	spop @!p1 (v2sf);
	(pc) =	sbr.rel @p2 .LBB2_50-.Ltmp42, $4  }
0x30a: {  	p3 =	seq.s32 @!p1 s0, s8  }
0x30b: {  	p3 =	por !p3, p1  }
0x30c: {  	s5 =	simm.s32 @p3 $0xFFFFFFFF  }
0x30d: {  	s5 =	smov.u32 @p1 s7  }
.LBB2_51:
0x30e: {  	p1 =	seq.s32 s5, $0xFFFFFFFF  }
.Ltmp43:
0x30f: {  	_ = 	snop;
	(pc) =	sbr.rel @p1 .LBB2_53-.Ltmp43, $1  }
0x310: {  	_ =	sdelay $0x3  }
0x311: {  	s0 =	sshll.u32 s3, $0x8  }
0x312: {  	s0 =	sand.u32 $0x3FFFFF00, s0  }
0x313: {  	v0 =	vld [tilespmem:s0+$0xE438];
	_ =	sdelay $0x2  }
0x314: {  	s4 =	sshll.u32 s5, $0xA  }
0x315: {  	s4 =	sshra.s32 s4, $0x2  }
0x316: {  	[tilespmem:s4+$0xE438] =	vst.add.f32.msk $0xffff, v0  }
0x317: {  	v0 =	vld [tilespmem:s0+$0xE448];
	_ =	sdelay $0x4  }
0x318: {  	[tilespmem:s4+$0xE448] =	vst.add.f32.msk $0xffff, v0  }
0x319: {  	v0 =	vld [tilespmem:s0+$0xE458];
	_ =	sdelay $0x4  }
0x31a: {  	[tilespmem:s4+$0xE458] =	vst.add.f32.msk $0xffff, v0  }
0x31b: {  	v0 =	vld [tilespmem:s0+$0xE468];
	_ =	sdelay $0x4  }
0x31c: {  	[tilespmem:s4+$0xE468] =	vst.add.f32.msk $0xffff, v0  }
0x31d: {  	v0 =	vld [tilespmem:s0+$0xE478];
	_ =	sdelay $0x4  }
0x31e: {  	[tilespmem:s4+$0xE478] =	vst.add.f32.msk $0xffff, v0  }
0x31f: {  	v0 =	vld [tilespmem:s0+$0xE488];
	_ =	sdelay $0x4  }
0x320: {  	[tilespmem:s4+$0xE488] =	vst.add.f32.msk $0xffff, v0  }
0x321: {  	v0 =	vld [tilespmem:s0+$0xE498];
	_ =	sdelay $0x4  }
0x322: {  	[tilespmem:s4+$0xE498] =	vst.add.f32.msk $0xffff, v0  }
0x323: {  	v0 =	vld [tilespmem:s0+$0xE4A8];
	_ =	sdelay $0x4  }
0x324: {  	[tilespmem:s4+$0xE4A8] =	vst.add.f32.msk $0xffff, v0  }
0x325: {  	v0 =	vld [tilespmem:s0+$0xE4B8];
	_ =	sdelay $0x4  }
0x326: {  	[tilespmem:s4+$0xE4B8] =	vst.add.f32.msk $0xffff, v0  }
0x327: {  	v0 =	vld [tilespmem:s0+$0xE4C8];
	_ =	sdelay $0x4  }
0x328: {  	[tilespmem:s4+$0xE4C8] =	vst.add.f32.msk $0xffff, v0  }
0x329: {  	v0 =	vld [tilespmem:s0+$0xE4D8];
	_ =	sdelay $0x4  }
0x32a: {  	[tilespmem:s4+$0xE4D8] =	vst.add.f32.msk $0xffff, v0  }
0x32b: {  	v0 =	vld [tilespmem:s0+$0xE4E8];
	_ =	sdelay $0x4  }
0x32c: {  	[tilespmem:s4+$0xE4E8] =	vst.add.f32.msk $0xffff, v0  }
0x32d: {  	v0 =	vld [tilespmem:s0+$0xE4F8];
	_ =	sdelay $0x4  }
0x32e: {  	[tilespmem:s4+$0xE4F8] =	vst.add.f32.msk $0xffff, v0  }
0x32f: {  	v0 =	vld [tilespmem:s0+$0xE508];
	_ =	sdelay $0x4  }
0x330: {  	[tilespmem:s4+$0xE508] =	vst.add.f32.msk $0xffff, v0  }
0x331: {  	v0 =	vld [tilespmem:s0+$0xE518];
	_ =	sdelay $0x4  }
0x332: {  	[tilespmem:s4+$0xE518] =	vst.add.f32.msk $0xffff, v0  }
0x333: {  	v0 =	vld [tilespmem:s0+$0xE528]  }
.Ltmp44:
0x334: {  	_ = 	snop;
	(pc) =	sbr.rel .LBB2_54-.Ltmp44, $2  }
0x335: {  	_ =	sdelay $0x2  }
0x336: {  	[tilespmem:s4+$0xE528] =	vst.add.f32.msk $0xffff, v0  }
.LBB2_55:
0x337: {  	p1 =	slt.s32 s2, $0x1  }
.Ltmp45:
0x338: {  	_ = 	snop;
	(pc) =	sbr.rel @p1 .LBB2_59-.Ltmp45, $3  }
0x339: {  	_ =	sdelay $0x1  }
0x33a: {  	s0 =	simm.s32 $0x8  }
0x33b: {  	s4 =	simm.s32 $0x0;
	[sflag:s0] =	ssyncpa.u1 $0x1  }
0x33c: {  	s0 =	simm.s32 $0xE418  }
0x33d: {  	v0 =	vld.msk [tilespmem:s0+$0x0], $0x1;
	_ =	sdelay $0x4  }
0x33e: {  	(v2sf) =	vpush v0, $0x0;
	_ =	sdelay $0xe  }
0x33f: {  	s0 =	sadd.s32 $0xFFFFFFFF, s2;
	s3 =	spop (v2sf)  }
0x340: {  	s6 =	simm.s32 $0xE438;
	p1 =	sne.s32 s0, $0x0;
	p2 =	sgt.u32 s3, $0x4E170  }
.Ltmp46:
0x341: {  	s2 =	simm.s32 $0xE538;
	s5 =	sand.u32 @!p2 $0x7FFF8, s3;
	(pc) =	sbr.rel @!p1 .LBB2_58-.Ltmp46, $4  }
0x342: {  	s7 =	sadd.s32 @!p2 $0x80, s3;
	s4 =	simm.s32 @!p2 $0x400;
	s8 =	sadd.s32 @!p2 s1, s5  }
0x343: {  	s5 =	sand.u32 @!p2 $0x7, s3;
	s3 =	simm.s32 $0xE419;
	s7 =	sand.u32 @!p2 $0xFFFF8, s7  }
0x344: {  	[hbm4b:s8+s5] =	stream.linear.scatter @!p2 [tilespmem:s6], [sflag:$0x7], $0x80, $0x38;
	[tilespmem:$0x1E678] =	vst v63  }
0x345: {  	s4 =	sadd.s32 $0x0, s4;
	s6 =	simm.s32 @!p2 $0xE4B8;
	s7 =	sadd.s32 @!p2 s1, s7  }
.LBB2_57:
0x346: {  	[hbm4b:s7+s5] =	stream.linear.scatter @!p2 [tilespmem:s6], [sflag:$0x7], $0x80, $0x38;
	[tilespmem:$0x1E678] =	vst v63  }
0x347: {  	s0 =	sadd.s32 $0xFFFFFFFF, s0;
	s6 =	smov.u32 s2;
	v0 =	vld.msk [tilespmem:s3+$0x0], $0x1  }
0x348: {  	p1 =	sne.s32 s0, $0x0;
	_ =	sdelay $0x3  }
0x349: {  	(v2sf) =	vpush v0, $0x0;
	_ =	sdelay $0xe  }
0x34a: {  	s2 =	sadd.s32 $0x100, s2;
	s8 =	simm.s32 $0x0;
	s5 =	spop (v2sf)  }
.Ltmp47:
0x34b: {  	s3 =	sadd.s32 $0x1, s3;
	p2 =	sgt.u32 s5, $0x4E170;
	(pc) =	sbr.rel @p1 .LBB2_57-.Ltmp47, $4  }
0x34c: {  	s8 =	simm.s32 @!p2 $0x400;
	s7 =	sand.u32 @!p2 $0x7FFF8, s5;
	s9 =	sadd.s32 @!p2 $0x80, s5  }
0x34d: {  	s5 =	sand.u32 @!p2 $0x7, s5;
	s7 =	sadd.s32 @!p2 s1, s7;
	s9 =	sand.u32 @!p2 $0xFFFF8, s9  }
0x34e: {  	[hbm4b:s7+s5] =	stream.linear.scatter @!p2 [tilespmem:s6], [sflag:$0x7], $0x80, $0x38;
	[tilespmem:$0x1E678] =	vst v63  }
0x34f: {  	s4 =	sadd.s32 s4, s8;
	s6 =	sadd.s32 @!p2 $0x80, s6;
	s7 =	sadd.s32 @!p2 s1, s9  }
.LBB2_58:
0x350: {  	[hbm4b:s7+s5] =	stream.linear.scatter @!p2 [tilespmem:s6], [sflag:$0x7], $0x80, $0x38;
	[tilespmem:$0x1E678] =	vst v63  }
0x351: {  	s4 =	sshrl.u32 s4, $0x2  }
.LBB2_59:
0x352: {  	s0 =	simm.s32 $0x7  }
0x353: {  	_ =	swait.ge [sflag:s0], s4  }
0x354: {  	s1 =	ssub.s32 $0x0, s4;
	[sflag:s0] =	ssyncset.done $0x0  }
0x355: {  	[sflag:s0] =	ssyncadd.s32 s1  }
0x356: {  	[sflag:s0] =	ssyncpa.u1 $0x1  }
.LBB2_60:
0x357: {  	_ =	sfence;
	s0 =	simm.s32 $0x1  }
0x358: {  	[sflag:s0] =	ssyncpa.u1 $0x1  }
0x359: {  	_ =	strace $0x90000053  }
0x35a: {  	[bflag:$0x2] =	sbarrier.arrive $0xFFFF  }
0x35b: {  	s0 =	rddreg [dreg:$0x3]  }
0x35c: {  	s0 =	sadd.s32 @!p0 $0x100000, s0  }
0x35d: {  	[sflag:s0] =	ssyncadd.tile.s32 @!p0 $0x1;
	_ =	shalt  }
.Lfunc_end2:
_tile_overlayer_lowered:
.L_overlay_start_2:
0x35e: {  	(tag) =	ssettag $0x2  }
0x35f: {  	s0 =	rddreg [dreg:$0x0];
	s2 =	stileid.u32  }
0x360: {  	s1 =	rddreg [dreg:$0x1];
	p0 =	sne.s32 s2, $0x0  }
0x361: {  	s3 =	rddreg [dreg:$0x2];
	[bflag:$0x3] =	sbarrier.arrive $0xFFFF;
	s2 =	simm.s32 @!p0 $0x1C01  }
0x362: {  	[timem:s3], [sflag:s2] =	dma.local @!p0 [hbm:s0], s1  }
0x363: {  	s0 =	simm.s32 @!p0 $0x1  }
0x364: {  	_ =	swait.ge @!p0 [sflag:s0], s1  }
0x365: {  	s1 =	ssub.s32 @!p0 $0x0, s1;
	[sflag:s0] =	ssyncset.done @!p0 $0x0  }
0x366: {  	[sflag:s0] =	ssyncadd.s32 @!p0 s1  }
0x367: {  	[bflag:$0x3] =	sbarrier.arrive $0xFFFF  }
0x368: {  	_ =	shalt  }

// kernel: scatter_offload_async_start.3
scs
__scs_entry_jumppad:
0x0: {  	(pc) =	sbr.rel $0x88, $3  }
0x1: {  	(tag) =	ssettag $0x0;
	lr =	simm.s32 $0x1  }
0x2: {  	[smem:$0x3F93] =	sst lr;
	_ =	strace $0xD0000000  }
0x3: {  	_ = 	snop  }
0x4: {  	_ = 	snop  }
0x5: {  	_ = 	snop  }
0x6: {  	_ = 	snop  }
0x7: {  	_ = 	snop  }
__scs_overlays_trampoline_lowered:
0x8: {  	[smem:$0x3FA2] =	sst s0  }
0x9: {  	[smem:$0x3FA3] =	sst s1  }
0xa: {  	[smem:$0x3FA4] =	sst s2  }
0xb: {  	[smem:$0x3FA5] =	sst s3  }
0xc: {  	[smem:$0x3FA6] =	sst s4  }
0xd: {  	[smem:$0x3FA7] =	sst s5  }
0xe: {  	[smem:$0x3FA8] =	sst s6  }
0xf: {  	[smem:$0x3FA9] =	sst s7  }
0x10: {  	[smem:$0x3FAA] =	sst s8  }
0x11: {  	[smem:$0x3FAB] =	sst s9;
	s0 =	simm.s32 @!p0 $0x0  }
0x12: {  	s1 =	sld [smem:$0x3F91];
	s0 =	simm.s32 @p0 $0x1  }
0x13: {  	[smem:$0x3FAC] =	sst s0;
	s0 =	simm.s32 @!p1 $0x0  }
0x14: {  	s2 =	sld [smem:$0x3F90];
	s0 =	simm.s32 @p1 $0x1  }
0x15: {  	[smem:$0x3FAD] =	sst s0;
	s0 =	simm.s32 @!p2 $0x0  }
0x16: {  	s3 =	sld [smem:$0x3FDB];
	s0 =	simm.s32 @p2 $0x1  }
0x17: {  	s4 =	simm.s32 $0x1BF5;
	[smem:$0x3FAF] =	sst s0  }
0x18: {  	s0 =	sld [smem:$0x3F92];
	_ =	swait.ge [sflag:s4], $0x0  }
0x19: {  	s7 =	sld [smem:$0x3F93]  }
0x1a: {  	s8 =	sadd.s32 $0xFFFFE003, lr  }
0x1b: {  	s9 =	sadd.s32 $0xFFFFFEF7, lr;
	s5 =	simm.s32 $0xFFFFFFFF;
	p2 =	slt.u32 s8, $0xFFFFF086  }
0x1c: {  	p1 =	slt.u32 s9, $0xF7A;
	s5 =	simm.s32 @!p2 $0x0  }
0x1d: {  	s5 =	simm.s32 @p1 $0x1;
	p0 =	seq.s32 s7, s2  }
0x1e: {  	s7 =	smul.u32 @!p0 $0xF7A, s2;
	p2 =	seq.s32 @!p0 s5, $0x0  }
0x1f: {  	s9 =	smul.u32 $0xF7A, s1;
	s8 =	simm.s32 @!p0 $0x1BF5;
	p2 =	por !p2, p0  }
0x20: {  	[sflag:s8] =	ssyncset.s32 @!p0 $0xFFFFF086;
	s6 =	sadd.s32 @!p0 s3, s7;
	s7 =	simm.s32 @!p0 $0x108  }
0x21: {  	s3 =	sadd.s32 s3, s9;
	s6 =	sadd.s32 @!p0 $0x88, s6;
	s7 =	simm.s32 @p2 $0x1082  }
0x22: {  	[simem:s7], [sflag:s8] =	dma.local @!p0 [hbm:s6], $0xF7A  }
0x23: {  	s9 =	sor.u32 $0xD0000000, s2;
	s6 =	simm.s32 $0x108;
	_ =	swait.ge @!p0 [sflag:s8], $0x0  }
0x24: {  	s3 =	sadd.s32 $0x88, s3;
	s6 =	simm.s32 @!p1 $0x1082;
	[sflag:s4] =	ssyncset.s32 $0xFFFFF086  }
0x25: {  	[simem:s6], [sflag:s4] =	dma.local [hbm:s3], $0xF7A  }
0x26: {  	[smem:$0x3F93] =	sst s1;
	(tag) =	ssettag s2;
	_ =	strace s9  }
0x27: {  	s1 =	sld [smem:$0x3FA3]  }
0x28: {  	s2 =	sld [smem:$0x3FA4]  }
0x29: {  	s4 =	sld [smem:$0x3FA6]  }
0x2a: {  	p0 =	seq.s32 s5, $0x0;
	s5 =	sld [smem:$0x3FA7]  }
0x2b: {  	s6 =	sld [smem:$0x3FA8]  }
0x2c: {  	s7 =	sld [smem:$0x3FA9]  }
0x2d: {  	s3 =	simm.s32 $0x108;
	s8 =	sld [smem:$0x3FAA]  }
0x2e: {  	s3 =	simm.s32 @!p0 $0x1082;
	s9 =	sld [smem:$0x3FAB]  }
0x2f: {  	lr =	sadd.s32 s0, s3;
	s0 =	sld [smem:$0x3FA2]  }
0x30: {  	s3 =	sld [smem:$0x3FA5]  }
0x31: {  	[smem:$0x3FAE] =	sst s10  }
0x32: {  	s10 =	sld [smem:$0x3FAC];
	_ =	sdelay $0x3  }
0x33: {  	p0 =	seq.s32 s10, $0x1;
	s10 =	sld [smem:$0x3FAE];
	_ =	sdelay $0x3  }
0x34: {  	[smem:$0x3FAE] =	sst s10  }
0x35: {  	s10 =	sld [smem:$0x3FAD];
	_ =	sdelay $0x3  }
0x36: {  	p1 =	seq.s32 s10, $0x1;
	s10 =	sld [smem:$0x3FAE];
	_ =	sdelay $0x3  }
0x37: {  	[smem:$0x3FAE] =	sst s10  }
0x38: {  	s10 =	sld [smem:$0x3FAF]  }
0x39: {  	_ = 	snop;
	(pc) =	sbr.ind lr, $3  }
0x3a: {  	_ = 	snop  }
0x3b: {  	_ = 	snop  }
0x3c: {  	p2 =	seq.s32 s10, $0x1;
	s10 =	sld [smem:$0x3FAE]  }
0x3d: {  	_ =	shalt  }
0x3e: {  	_ =	shalt  }
0x3f: {  	_ =	shalt  }
0x40: {  	_ =	shalt  }
0x41: {  	_ =	shalt  }
0x42: {  	_ =	shalt  }
0x43: {  	_ =	shalt  }
0x44: {  	_ =	shalt  }
0x45: {  	_ =	shalt  }
0x46: {  	_ =	shalt  }
0x47: {  	_ =	shalt  }
0x48: {  	_ =	shalt  }
0x49: {  	_ =	shalt  }
0x4a: {  	_ =	shalt  }
0x4b: {  	_ =	shalt  }
0x4c: {  	_ =	shalt  }
0x4d: {  	_ =	shalt  }
0x4e: {  	_ =	shalt  }
0x4f: {  	_ =	shalt  }
0x50: {  	_ =	shalt  }
0x51: {  	_ =	shalt  }
0x52: {  	_ =	shalt  }
0x53: {  	_ =	shalt  }
0x54: {  	_ =	shalt  }
0x55: {  	_ =	shalt  }
0x56: {  	_ =	shalt  }
0x57: {  	_ =	shalt  }
0x58: {  	_ =	shalt  }
0x59: {  	_ =	shalt  }
0x5a: {  	_ =	shalt  }
0x5b: {  	_ =	shalt  }
0x5c: {  	_ =	shalt  }
0x5d: {  	_ =	shalt  }
0x5e: {  	_ =	shalt  }
0x5f: {  	_ =	shalt  }
0x60: {  	_ =	shalt  }
0x61: {  	_ =	shalt  }
0x62: {  	_ =	shalt  }
0x63: {  	_ =	shalt  }
0x64: {  	_ =	shalt  }
0x65: {  	_ =	shalt  }
0x66: {  	_ =	shalt  }
0x67: {  	_ =	shalt  }
0x68: {  	_ =	shalt  }
0x69: {  	_ =	shalt  }
0x6a: {  	_ =	shalt  }
0x6b: {  	_ =	shalt  }
0x6c: {  	_ =	shalt  }
0x6d: {  	_ =	shalt  }
0x6e: {  	_ =	shalt  }
0x6f: {  	_ =	shalt  }
0x70: {  	_ =	shalt  }
0x71: {  	_ =	shalt  }
0x72: {  	_ =	shalt  }
0x73: {  	_ =	shalt  }
0x74: {  	_ =	shalt  }
0x75: {  	_ =	shalt  }
0x76: {  	_ =	shalt  }
0x77: {  	_ =	shalt  }
0x78: {  	_ =	shalt  }
0x79: {  	_ =	shalt  }
0x7a: {  	_ =	shalt  }
0x7b: {  	_ =	shalt  }
0x7c: {  	_ =	shalt  }
0x7d: {  	_ =	shalt  }
0x7e: {  	_ =	shalt  }
0x7f: {  	_ =	shalt  }
0x80: {  	_ =	shalt  }
0x81: {  	_ =	shalt  }
0x82: {  	_ =	shalt  }
0x83: {  	_ =	shalt  }
0x84: {  	_ =	shalt  }
0x85: {  	_ =	shalt  }
0x86: {  	_ =	shalt  }
0x87: {  	_ =	shalt  }
.Lfunc_end0:
.L_simem_size_0:
called_computation.3_lowered:
.L_overlay_start_0:
0x88: {  	s2 =	sld [smem:$0x3FD9]  }
0x89: {  	s3 =	sld [smem:$0x3FFE];
	_ =	sdelay $0x1  }
0x8a: {  	s1 =	srdreg.scid  }
0x8b: {  	s0 =	sand.u32 $0x1, s1  }
0x8c: {  	s17 =	sshll.u32 s0, $0xA;
	s2 =	sadd.s32 s3, s2  }
0x8d: {  	s2 =	sadd.s32 s2, s17  }
0x8e: {  	[smem:$0x3FBA] =	sst s2  }
0x8f: {  	_ = 	snop  }
0x90: {  	(tm) =	ssettm $0x1  }
0x91: {  	s18 =	sld [smem:$0x3FFB];
	_ =	sdelay $0x3  }
0x92: {  	_ =	strace s18  }
0x93: {  	s2 =	sld [smem:$0x3FFC];
	_ =	sdelay $0x3  }
0x94: {  	_ =	strace s2  }
0x95: {  	s2 =	sld [smem:$0x3FFD];
	_ =	sdelay $0x3  }
0x96: {  	_ =	strace s2  }
0x97: {  	_ =	strace $0x8FFFFFFF  }
0x98: {  	s19 =	sld [smem:$0x3FDB];
	_ =	sdelay $0x1  }
0x99: {  	s20 =	simm.s32 $_scs_section_size  }
0x9a: {  	s4 =	simm.s32 $_size__tile_overlayer_lowered;
	s5 =	simm.s32 $_tile_overlayer_lowered  }
0x9b: {  	s6 =	simm.s32 $0x1BFF;
	s21 =	sshll.u32 s5, $0x1;
	s3 =	sadd.s32 s20, s19  }
0x9c: {  	s22 =	simm.s32 $0x0;
	s4 =	sshll.u32 s4, $0x1;
	s5 =	sadd.s32 s21, s3  }
0x9d: {  	[timem:s22], [sflag:s6] =	dma.local [hbm:s5], s4  }
0x9e: {  	_ =	swait.ge [sflag:s6], s4  }
0x9f: {  	s4 =	ssub.s32 $0x0, s4;
	[sflag:s6] =	ssyncset.done $0x0  }
0xa0: {  	[sflag:s6] =	ssyncadd.s32 s4;
	_ =	sdelay $0x1  }
0xa1: {  	s23 =	simm.s32 $0x1B8B  }
0xa2: {  	_ =	swait.ge [sflag:s23], $0x1  }
0xa3: {  	[sflag:s23] =	ssyncset.done $0x0  }
0xa4: {  	[sflag:s23] =	ssyncadd.s32 $0xFFFFFFFF  }
0xa5: {  	s4 =	sld [smem:$0x0]  }
0xa6: {  	s5 =	sand.u32 $0xFFFFFFFE, s1  }
0xa7: {  	p0 =	sne.s32 s1, s5  }
0xa8: {  	s5 =	sshll.u32 @p0 s5, $0xE  }
0xa9: {  	s5 =	sadd.s32 @p0 $0x11B8D, s5;
	s6 =	sshll.u32 @p0 s4, $0x11  }
0xaa: {  	s5 =	sor.u32 @p0 s6, s5  }
0xab: {  	[sflag:s5] =	ssyncadd.remote.s32 @p0 $0x1;
	_ =	sdelay $0x1  }
0xac: {  	s5 =	simm.s32 @p0 $0x1B8D  }
0xad: {  	_ =	swait.eq @p0 [sflag:s5], $0x1  }
0xae: {  	[sflag:s5] =	ssyncadd.s32 @p0 $0xFFFFFFFF  }
0xaf: {  	s6 =	sshll.u32 @!p0 s1, $0xE  }
0xb0: {  	s6 =	sor.u32 @!p0 $0x4000, s6;
	s5 =	simm.s32 @!p0 $0x1B8D  }
0xb1: {  	s7 =	sshll.u32 @!p0 s4, $0x11;
	s6 =	sadd.s32 @!p0 $0x11B8D, s6;
	_ =	swait.eq @!p0 [sflag:s5], $0x1  }
0xb2: {  	[sflag:s5] =	ssyncadd.s32 @!p0 $0xFFFFFFFF;
	s5 =	sor.u32 @!p0 s7, s6  }
0xb3: {  	s25 =	simm.s32 $0x1B8E;
	s24 =	sld [smem:$0x3FFE];
	[sflag:s5] =	ssyncadd.remote.s32 @!p0 $0x1  }
0xb4: {  	s26 =	simm.s32 $execute0_lowered;
	[smem:$0x3FD2] =	sst s25  }
0xb5: {  	s6 =	sshll.u32 s26, $0x1;
	_ =	strace $0x8000005B;
	[dreg:$0x1] =	wrdreg $0xFFFFFFFF  }
0xb6: {  	s28 =	simm.s32 $_size_execute0_lowered;
	s3 =	sadd.s32 s3, s6;
	[dreg:$0x0] =	wrdreg $0x0  }
0xb7: {  	s6 =	sshll.u32 s28, $0x1;
	[dreg:$0x2] =	wrdreg s3  }
0xb8: {  	[dreg:$0x3] =	wrdreg s6  }
0xb9: {  	[dreg:$0x4] =	wrdreg $0xC0  }
0xba: {  	_ =	task [dreg:s22], $0x5FFFF  }
0xbb: {  	[dreg:$0x1] =	wrdreg $0xFFFFFFFF  }
0xbc: {  	[dreg:$0x0] =	wrdreg $0x60  }
0xbd: {  	[dreg:$0x2] =	wrdreg s24  }
0xbe: {  	[dreg:$0x3] =	wrdreg s1  }
0xbf: {  	[dreg:$0x4] =	wrdreg s4  }
0xc0: {  	[dreg:$0x5] =	wrdreg $0x9  }
0xc1: {  	_ =	task.clear_ibuf [dreg:s22], $0x6FFFF;
	_ =	strace $0x9000005B  }
0xc2: {  	s29 =	simm.s32 $0x9;
	_ =	strace $0x8000005D  }
0xc3: {  	_ =	swait.ge [sflag:s29], $0x1  }
0xc4: {  	[sflag:s29] =	ssyncadd.s32 $0xFFFFFFFF  }
0xc5: {  	_ =	strace $0x9000005D  }
0xc6: {  	_ =	sfence  }
0xc7: {  	s30 =	sld [smem:$0x0];
	_ =	sdelay $0x2  }
0xc8: {  	s31 =	sshll.u32 s1, $0xD;
	s1 =	sshrl.u32 s1, $0x2  }
0xc9: {  	s4 =	sand.u32 $0x4000, s31;
	s1 =	sadd.s32 s1, s30  }
0xca: {  	s0 =	sor.u32 s4, s0;
	s1 =	sshll.u32 s1, $0x11  }
0xcb: {  	s0 =	sor.u32 s1, s0  }
0xcc: {  	s0 =	sadd.s32 $0x8F2B, s0  }
0xcd: {  	[sflag:s0] =	ssyncadd.remote.s32 $0x1  }
0xce: {  	_ =	sfence.sel $0xFFFF  }
0xcf: {  	[dreg:$0x0] =	wrdreg $0xFFFFFFFF;
	(pc) =	sbr.abs _section_cstart, $3  }
0xd0: {  	[dreg:$0x1] =	wrdreg $0xFFFFFFFF  }
0xd1: {  	_ =	task.clear_ibuf [dreg:s22], $0x2FFFF;
	_ =	strace $0x9FFFFFFF  }
0xd2: {  	(tm) =	ssettm $0x7FFFFFFF  }
0xd3: {  	_ =	shalt  }
tec
execute0_lowered:
.L_overlay_start_1:
0x0: {  	(tag) =	ssettag $0x1  }
0x1: {  	s11 =	rddreg [dreg:$0x0]  }
0x2: {  	s2 =	rddreg [dreg:$0x1];
	_ =	strace $0x8000005C;
	s12 =	simm.s32 $0x1  }
0x3: {  	v0 =	vimm.s32 $0x0;
	[sflag:s12] =	ssyncpa.u1 $0x0  }
0x4: {  	[tilespmem:$0x28] =	vst v0  }
0x5: {  	[tilespmem:$0x38] =	vst v0  }
0x6: {  	[tilespmem:$0x48] =	vst v0  }
0x7: {  	[tilespmem:$0x58] =	vst v0  }
0x8: {  	[tilespmem:$0x68] =	vst v0  }
0x9: {  	[tilespmem:$0x78] =	vst v0  }
0xa: {  	[tilespmem:$0x88] =	vst v0  }
0xb: {  	[tilespmem:$0x98] =	vst v0  }
0xc: {  	[tilespmem:$0xA8] =	vst v0  }
0xd: {  	[tilespmem:$0xB8] =	vst v0  }
0xe: {  	[tilespmem:$0xC8] =	vst v0  }
0xf: {  	[tilespmem:$0xD8] =	vst v0  }
0x10: {  	[tilespmem:$0xE8] =	vst v0  }
0x11: {  	[tilespmem:$0xF8] =	vst v0  }
0x12: {  	[tilespmem:$0x108] =	vst v0  }
0x13: {  	[tilespmem:$0x118] =	vst v0  }
0x14: {  	[tilespmem:$0x128] =	vst v0  }
0x15: {  	[tilespmem:$0x138] =	vst v0  }
0x16: {  	[tilespmem:$0x148] =	vst v0  }
0x17: {  	[tilespmem:$0x158] =	vst v0  }
0x18: {  	[tilespmem:$0x168] =	vst v0  }
0x19: {  	[tilespmem:$0x178] =	vst v0  }
0x1a: {  	[tilespmem:$0x188] =	vst v0  }
0x1b: {  	[tilespmem:$0x198] =	vst v0  }
0x1c: {  	[tilespmem:$0x1A8] =	vst v0  }
0x1d: {  	[tilespmem:$0x1B8] =	vst v0  }
0x1e: {  	[tilespmem:$0x1C8] =	vst v0  }
0x1f: {  	[tilespmem:$0x1D8] =	vst v0  }
0x20: {  	[tilespmem:$0x1E8] =	vst v0  }
0x21: {  	[tilespmem:$0x1F8] =	vst v0  }
0x22: {  	[tilespmem:$0x208] =	vst v0  }
0x23: {  	[tilespmem:$0x218] =	vst v0  }
0x24: {  	[tilespmem:$0x228] =	vst v0  }
0x25: {  	[tilespmem:$0x238] =	vst v0  }
0x26: {  	[tilespmem:$0x248] =	vst v0  }
0x27: {  	[tilespmem:$0x258] =	vst v0  }
0x28: {  	[tilespmem:$0x268] =	vst v0  }
0x29: {  	[tilespmem:$0x278] =	vst v0  }
0x2a: {  	[tilespmem:$0x288] =	vst v0  }
0x2b: {  	[tilespmem:$0x298] =	vst v0  }
0x2c: {  	[tilespmem:$0x2A8] =	vst v0  }
0x2d: {  	[tilespmem:$0x2B8] =	vst v0  }
0x2e: {  	[tilespmem:$0x2C8] =	vst v0  }
0x2f: {  	[tilespmem:$0x2D8] =	vst v0  }
0x30: {  	[tilespmem:$0x2E8] =	vst v0  }
0x31: {  	[tilespmem:$0x2F8] =	vst v0  }
0x32: {  	[tilespmem:$0x308] =	vst v0  }
0x33: {  	[tilespmem:$0x318] =	vst v0  }
0x34: {  	[tilespmem:$0x328] =	vst v0  }
0x35: {  	[tilespmem:$0x338] =	vst v0  }
0x36: {  	[tilespmem:$0x348] =	vst v0  }
0x37: {  	[tilespmem:$0x358] =	vst v0  }
0x38: {  	[tilespmem:$0x368] =	vst v0  }
0x39: {  	[tilespmem:$0x378] =	vst v0  }
0x3a: {  	[tilespmem:$0x388] =	vst v0  }
0x3b: {  	[tilespmem:$0x398] =	vst v0  }
0x3c: {  	[tilespmem:$0x3A8] =	vst v0  }
0x3d: {  	[tilespmem:$0x3B8] =	vst v0  }
0x3e: {  	[tilespmem:$0x3C8] =	vst v0  }
0x3f: {  	[tilespmem:$0x3D8] =	vst v0  }
0x40: {  	[tilespmem:$0x3E8] =	vst v0  }
0x41: {  	[tilespmem:$0x3F8] =	vst v0  }
0x42: {  	[tilespmem:$0x408] =	vst v0  }
0x43: {  	[tilespmem:$0x418] =	vst v0  }
0x44: {  	[tilespmem:$0x428] =	vst v0  }
0x45: {  	[tilespmem:$0x438] =	vst v0  }
0x46: {  	[tilespmem:$0x448] =	vst v0  }
0x47: {  	[tilespmem:$0x458] =	vst v0  }
0x48: {  	[tilespmem:$0x468] =	vst v0  }
0x49: {  	[tilespmem:$0x478] =	vst v0  }
0x4a: {  	[tilespmem:$0x488] =	vst v0  }
0x4b: {  	[tilespmem:$0x498] =	vst v0  }
0x4c: {  	[tilespmem:$0x4A8] =	vst v0  }
0x4d: {  	[tilespmem:$0x4B8] =	vst v0  }
0x4e: {  	[tilespmem:$0x4C8] =	vst v0  }
0x4f: {  	[tilespmem:$0x4D8] =	vst v0  }
0x50: {  	[tilespmem:$0x4E8] =	vst v0  }
0x51: {  	[tilespmem:$0x4F8] =	vst v0  }
0x52: {  	[tilespmem:$0x508] =	vst v0  }
0x53: {  	[tilespmem:$0x518] =	vst v0  }
0x54: {  	[tilespmem:$0x528] =	vst v0  }
0x55: {  	[tilespmem:$0x538] =	vst v0  }
0x56: {  	[tilespmem:$0x548] =	vst v0  }
0x57: {  	[tilespmem:$0x558] =	vst v0  }
0x58: {  	[tilespmem:$0x568] =	vst v0  }
0x59: {  	[tilespmem:$0x578] =	vst v0  }
0x5a: {  	[tilespmem:$0x588] =	vst v0  }
0x5b: {  	[tilespmem:$0x598] =	vst v0  }
0x5c: {  	[tilespmem:$0x5A8] =	vst v0  }
0x5d: {  	[tilespmem:$0x5B8] =	vst v0  }
0x5e: {  	[tilespmem:$0x5C8] =	vst v0  }
0x5f: {  	[tilespmem:$0x5D8] =	vst v0  }
0x60: {  	[tilespmem:$0x5E8] =	vst v0  }
0x61: {  	[tilespmem:$0x5F8] =	vst v0  }
0x62: {  	[tilespmem:$0x608] =	vst v0  }
0x63: {  	[tilespmem:$0x618] =	vst v0  }
0x64: {  	[tilespmem:$0x628] =	vst v0  }
0x65: {  	[tilespmem:$0x638] =	vst v0  }
0x66: {  	[tilespmem:$0x648] =	vst v0  }
0x67: {  	[tilespmem:$0x658] =	vst v0  }
0x68: {  	[tilespmem:$0x668] =	vst v0  }
0x69: {  	[tilespmem:$0x678] =	vst v0  }
0x6a: {  	[tilespmem:$0x688] =	vst v0  }
0x6b: {  	[tilespmem:$0x698] =	vst v0  }
0x6c: {  	[tilespmem:$0x6A8] =	vst v0  }
0x6d: {  	[tilespmem:$0x6B8] =	vst v0  }
0x6e: {  	[tilespmem:$0x6C8] =	vst v0  }
0x6f: {  	[tilespmem:$0x6D8] =	vst v0  }
0x70: {  	[tilespmem:$0x6E8] =	vst v0  }
0x71: {  	[tilespmem:$0x6F8] =	vst v0  }
0x72: {  	[tilespmem:$0x708] =	vst v0  }
0x73: {  	[tilespmem:$0x718] =	vst v0  }
0x74: {  	[tilespmem:$0x728] =	vst v0  }
0x75: {  	[tilespmem:$0x738] =	vst v0  }
0x76: {  	[tilespmem:$0x748] =	vst v0  }
0x77: {  	[tilespmem:$0x758] =	vst v0  }
0x78: {  	[tilespmem:$0x768] =	vst v0  }
0x79: {  	[tilespmem:$0x778] =	vst v0  }
0x7a: {  	[tilespmem:$0x788] =	vst v0  }
0x7b: {  	[tilespmem:$0x798] =	vst v0  }
0x7c: {  	[tilespmem:$0x7A8] =	vst v0  }
0x7d: {  	[tilespmem:$0x7B8] =	vst v0  }
0x7e: {  	[tilespmem:$0x7C8] =	vst v0  }
0x7f: {  	[tilespmem:$0x7D8] =	vst v0  }
0x80: {  	[tilespmem:$0x7E8] =	vst v0  }
0x81: {  	[tilespmem:$0x7F8] =	vst v0  }
0x82: {  	[tilespmem:$0x808] =	vst v0  }
0x83: {  	[tilespmem:$0x818] =	vst v0  }
0x84: {  	[tilespmem:$0x828] =	vst v0  }
0x85: {  	[tilespmem:$0x838] =	vst v0  }
0x86: {  	[tilespmem:$0x848] =	vst v0  }
0x87: {  	[tilespmem:$0x858] =	vst v0  }
0x88: {  	[tilespmem:$0x868] =	vst v0  }
0x89: {  	[tilespmem:$0x878] =	vst v0  }
0x8a: {  	[tilespmem:$0x888] =	vst v0  }
0x8b: {  	[tilespmem:$0x898] =	vst v0  }
0x8c: {  	[tilespmem:$0x8A8] =	vst v0  }
0x8d: {  	[tilespmem:$0x8B8] =	vst v0  }
0x8e: {  	[tilespmem:$0x8C8] =	vst v0  }
0x8f: {  	[tilespmem:$0x8D8] =	vst v0  }
0x90: {  	[tilespmem:$0x8E8] =	vst v0  }
0x91: {  	[tilespmem:$0x8F8] =	vst v0  }
0x92: {  	[tilespmem:$0x908] =	vst v0  }
0x93: {  	[tilespmem:$0x918] =	vst v0  }
0x94: {  	[tilespmem:$0x928] =	vst v0  }
0x95: {  	[tilespmem:$0x938] =	vst v0  }
0x96: {  	[tilespmem:$0x948] =	vst v0  }
0x97: {  	[tilespmem:$0x958] =	vst v0  }
0x98: {  	[tilespmem:$0x968] =	vst v0  }
0x99: {  	[tilespmem:$0x978] =	vst v0  }
0x9a: {  	[tilespmem:$0x988] =	vst v0  }
0x9b: {  	[tilespmem:$0x998] =	vst v0  }
0x9c: {  	[tilespmem:$0x9A8] =	vst v0  }
0x9d: {  	[tilespmem:$0x9B8] =	vst v0  }
0x9e: {  	[tilespmem:$0x9C8] =	vst v0  }
0x9f: {  	[tilespmem:$0x9D8] =	vst v0  }
0xa0: {  	[tilespmem:$0x9E8] =	vst v0  }
0xa1: {  	[tilespmem:$0x9F8] =	vst v0  }
0xa2: {  	[tilespmem:$0xA08] =	vst v0  }
0xa3: {  	[tilespmem:$0xA18] =	vst v0  }
0xa4: {  	[tilespmem:$0xA28] =	vst v0  }
0xa5: {  	[tilespmem:$0xA38] =	vst v0  }
0xa6: {  	[tilespmem:$0xA48] =	vst v0  }
0xa7: {  	[tilespmem:$0xA58] =	vst v0  }
0xa8: {  	[tilespmem:$0xA68] =	vst v0  }
0xa9: {  	[tilespmem:$0xA78] =	vst v0  }
0xaa: {  	[tilespmem:$0xA88] =	vst v0  }
0xab: {  	[tilespmem:$0xA98] =	vst v0  }
0xac: {  	[tilespmem:$0xAA8] =	vst v0  }
0xad: {  	[tilespmem:$0xAB8] =	vst v0  }
0xae: {  	[tilespmem:$0xAC8] =	vst v0  }
0xaf: {  	[tilespmem:$0xAD8] =	vst v0  }
0xb0: {  	[tilespmem:$0xAE8] =	vst v0  }
0xb1: {  	[tilespmem:$0xAF8] =	vst v0  }
0xb2: {  	[tilespmem:$0xB08] =	vst v0  }
0xb3: {  	[tilespmem:$0xB18] =	vst v0  }
0xb4: {  	[tilespmem:$0xB28] =	vst v0  }
0xb5: {  	[tilespmem:$0xB38] =	vst v0  }
0xb6: {  	[tilespmem:$0xB48] =	vst v0  }
0xb7: {  	[tilespmem:$0xB58] =	vst v0  }
0xb8: {  	[tilespmem:$0xB68] =	vst v0  }
0xb9: {  	[tilespmem:$0xB78] =	vst v0  }
0xba: {  	[tilespmem:$0xB88] =	vst v0  }
0xbb: {  	[tilespmem:$0xB98] =	vst v0  }
0xbc: {  	[tilespmem:$0xBA8] =	vst v0  }
0xbd: {  	[tilespmem:$0xBB8] =	vst v0  }
0xbe: {  	[tilespmem:$0xBC8] =	vst v0  }
0xbf: {  	[tilespmem:$0xBD8] =	vst v0  }
0xc0: {  	[tilespmem:$0xBE8] =	vst v0  }
0xc1: {  	[tilespmem:$0xBF8] =	vst v0  }
0xc2: {  	[tilespmem:$0xC08] =	vst v0  }
0xc3: {  	[tilespmem:$0xC18] =	vst v0  }
0xc4: {  	[tilespmem:$0xC28] =	vst v0  }
0xc5: {  	[tilespmem:$0xC38] =	vst v0  }
0xc6: {  	[tilespmem:$0xC48] =	vst v0  }
0xc7: {  	[tilespmem:$0xC58] =	vst v0  }
0xc8: {  	[tilespmem:$0xC68] =	vst v0  }
0xc9: {  	[tilespmem:$0xC78] =	vst v0  }
0xca: {  	[tilespmem:$0xC88] =	vst v0  }
0xcb: {  	[tilespmem:$0xC98] =	vst v0  }
0xcc: {  	[tilespmem:$0xCA8] =	vst v0  }
0xcd: {  	[tilespmem:$0xCB8] =	vst v0  }
0xce: {  	[tilespmem:$0xCC8] =	vst v0  }
0xcf: {  	[tilespmem:$0xCD8] =	vst v0  }
0xd0: {  	[tilespmem:$0xCE8] =	vst v0  }
0xd1: {  	[tilespmem:$0xCF8] =	vst v0  }
0xd2: {  	[tilespmem:$0xD08] =	vst v0  }
0xd3: {  	[tilespmem:$0xD18] =	vst v0  }
0xd4: {  	[tilespmem:$0xD28] =	vst v0  }
0xd5: {  	[tilespmem:$0xD38] =	vst v0  }
0xd6: {  	[tilespmem:$0xD48] =	vst v0  }
0xd7: {  	[tilespmem:$0xD58] =	vst v0  }
0xd8: {  	[tilespmem:$0xD68] =	vst v0  }
0xd9: {  	[tilespmem:$0xD78] =	vst v0  }
0xda: {  	[tilespmem:$0xD88] =	vst v0  }
0xdb: {  	[tilespmem:$0xD98] =	vst v0  }
0xdc: {  	[tilespmem:$0xDA8] =	vst v0  }
0xdd: {  	[tilespmem:$0xDB8] =	vst v0  }
0xde: {  	[tilespmem:$0xDC8] =	vst v0  }
0xdf: {  	[tilespmem:$0xDD8] =	vst v0  }
0xe0: {  	[tilespmem:$0xDE8] =	vst v0  }
0xe1: {  	[tilespmem:$0xDF8] =	vst v0  }
0xe2: {  	[tilespmem:$0xE08] =	vst v0  }
0xe3: {  	[tilespmem:$0xE18] =	vst v0  }
0xe4: {  	[tilespmem:$0xE28] =	vst v0  }
0xe5: {  	[tilespmem:$0xE38] =	vst v0  }
0xe6: {  	[tilespmem:$0xE48] =	vst v0  }
0xe7: {  	[tilespmem:$0xE58] =	vst v0  }
0xe8: {  	[tilespmem:$0xE68] =	vst v0  }
0xe9: {  	[tilespmem:$0xE78] =	vst v0  }
0xea: {  	[tilespmem:$0xE88] =	vst v0  }
0xeb: {  	[tilespmem:$0xE98] =	vst v0  }
0xec: {  	[tilespmem:$0xEA8] =	vst v0  }
0xed: {  	[tilespmem:$0xEB8] =	vst v0  }
0xee: {  	[tilespmem:$0xEC8] =	vst v0  }
0xef: {  	[tilespmem:$0xED8] =	vst v0  }
0xf0: {  	[tilespmem:$0xEE8] =	vst v0  }
0xf1: {  	[tilespmem:$0xEF8] =	vst v0  }
0xf2: {  	[tilespmem:$0xF08] =	vst v0  }
0xf3: {  	[tilespmem:$0xF18] =	vst v0  }
0xf4: {  	[tilespmem:$0xF28] =	vst v0  }
0xf5: {  	[tilespmem:$0xF38] =	vst v0  }
0xf6: {  	[tilespmem:$0xF48] =	vst v0  }
0xf7: {  	[tilespmem:$0xF58] =	vst v0  }
0xf8: {  	[tilespmem:$0xF68] =	vst v0  }
0xf9: {  	[tilespmem:$0xF78] =	vst v0  }
0xfa: {  	[tilespmem:$0xF88] =	vst v0  }
0xfb: {  	[tilespmem:$0xF98] =	vst v0  }
0xfc: {  	[tilespmem:$0xFA8] =	vst v0  }
0xfd: {  	[tilespmem:$0xFB8] =	vst v0  }
0xfe: {  	[tilespmem:$0xFC8] =	vst v0  }
0xff: {  	[tilespmem:$0xFD8] =	vst v0  }
0x100: {  	[tilespmem:$0xFE8] =	vst v0  }
0x101: {  	[tilespmem:$0xFF8] =	vst v0  }
0x102: {  	[tilespmem:$0x1028] =	vst v0  }
0x103: {  	[tilespmem:$0x10E8] =	vst v0  }
0x104: {  	[tilespmem:$0x1068] =	vst v0  }
0x105: {  	[tilespmem:$0x1B28] =	vst v0  }
0x106: {  	[tilespmem:$0x1B18] =	vst v0  }
0x107: {  	[tilespmem:$0x1B08] =	vst v0  }
0x108: {  	[tilespmem:$0x1AF8] =	vst v0  }
0x109: {  	[tilespmem:$0x1AE8] =	vst v0  }
0x10a: {  	[tilespmem:$0x1AD8] =	vst v0  }
0x10b: {  	[tilespmem:$0x1AC8] =	vst v0  }
0x10c: {  	[tilespmem:$0x1AB8] =	vst v0  }
0x10d: {  	[tilespmem:$0x1AA8] =	vst v0  }
0x10e: {  	[tilespmem:$0x1A98] =	vst v0  }
0x10f: {  	[tilespmem:$0x1A88] =	vst v0  }
0x110: {  	[tilespmem:$0x1A78] =	vst v0  }
0x111: {  	[tilespmem:$0x1A68] =	vst v0  }
0x112: {  	[tilespmem:$0x1A58] =	vst v0  }
0x113: {  	[tilespmem:$0x1A48] =	vst v0  }
0x114: {  	[tilespmem:$0x1A38] =	vst v0  }
0x115: {  	[tilespmem:$0x1A28] =	vst v0  }
0x116: {  	[tilespmem:$0x1A18] =	vst v0  }
0x117: {  	[tilespmem:$0x1A08] =	vst v0  }
0x118: {  	[tilespmem:$0x19F8] =	vst v0  }
0x119: {  	[tilespmem:$0x19E8] =	vst v0  }
0x11a: {  	[tilespmem:$0x19D8] =	vst v0  }
0x11b: {  	[tilespmem:$0x19C8] =	vst v0  }
0x11c: {  	[tilespmem:$0x19B8] =	vst v0  }
0x11d: {  	[tilespmem:$0x19A8] =	vst v0  }
0x11e: {  	[tilespmem:$0x1998] =	vst v0  }
0x11f: {  	[tilespmem:$0x1988] =	vst v0  }
0x120: {  	[tilespmem:$0x1978] =	vst v0  }
0x121: {  	[tilespmem:$0x1968] =	vst v0  }
0x122: {  	[tilespmem:$0x1958] =	vst v0  }
0x123: {  	[tilespmem:$0x1948] =	vst v0  }
0x124: {  	[tilespmem:$0x1938] =	vst v0  }
0x125: {  	[tilespmem:$0x1928] =	vst v0  }
0x126: {  	[tilespmem:$0x1918] =	vst v0  }
0x127: {  	[tilespmem:$0x1908] =	vst v0  }
0x128: {  	[tilespmem:$0x18F8] =	vst v0  }
0x129: {  	[tilespmem:$0x18E8] =	vst v0  }
0x12a: {  	[tilespmem:$0x18D8] =	vst v0  }
0x12b: {  	[tilespmem:$0x18C8] =	vst v0  }
0x12c: {  	[tilespmem:$0x18B8] =	vst v0  }
0x12d: {  	[tilespmem:$0x18A8] =	vst v0  }
0x12e: {  	[tilespmem:$0x1898] =	vst v0  }
0x12f: {  	[tilespmem:$0x1888] =	vst v0  }
0x130: {  	[tilespmem:$0x1878] =	vst v0  }
0x131: {  	[tilespmem:$0x1868] =	vst v0  }
0x132: {  	[tilespmem:$0x1858] =	vst v0  }
0x133: {  	[tilespmem:$0x1848] =	vst v0  }
0x134: {  	[tilespmem:$0x1838] =	vst v0  }
0x135: {  	[tilespmem:$0x1828] =	vst v0  }
0x136: {  	[tilespmem:$0x1818] =	vst v0  }
0x137: {  	[tilespmem:$0x1808] =	vst v0  }
0x138: {  	[tilespmem:$0x17F8] =	vst v0  }
0x139: {  	[tilespmem:$0x17E8] =	vst v0  }
0x13a: {  	[tilespmem:$0x17D8] =	vst v0  }
0x13b: {  	[tilespmem:$0x17C8] =	vst v0  }
0x13c: {  	[tilespmem:$0x17B8] =	vst v0  }
0x13d: {  	[tilespmem:$0x17A8] =	vst v0  }
0x13e: {  	[tilespmem:$0x1798] =	vst v0  }
0x13f: {  	[tilespmem:$0x1788] =	vst v0  }
0x140: {  	[tilespmem:$0x1778] =	vst v0  }
0x141: {  	[tilespmem:$0x1768] =	vst v0  }
0x142: {  	[tilespmem:$0x1758] =	vst v0  }
0x143: {  	[tilespmem:$0x1748] =	vst v0  }
0x144: {  	[tilespmem:$0x1738] =	vst v0  }
0x145: {  	[tilespmem:$0x1728] =	vst v0  }
0x146: {  	[tilespmem:$0x1718] =	vst v0  }
0x147: {  	[tilespmem:$0x1708] =	vst v0  }
0x148: {  	[tilespmem:$0x16F8] =	vst v0  }
0x149: {  	[tilespmem:$0x16E8] =	vst v0  }
0x14a: {  	[tilespmem:$0x16D8] =	vst v0  }
0x14b: {  	[tilespmem:$0x16C8] =	vst v0  }
0x14c: {  	[tilespmem:$0x16B8] =	vst v0  }
0x14d: {  	[tilespmem:$0x16A8] =	vst v0  }
0x14e: {  	[tilespmem:$0x1698] =	vst v0  }
0x14f: {  	[tilespmem:$0x1688] =	vst v0  }
0x150: {  	[tilespmem:$0x1678] =	vst v0  }
0x151: {  	[tilespmem:$0x1668] =	vst v0  }
0x152: {  	[tilespmem:$0x1658] =	vst v0  }
0x153: {  	[tilespmem:$0x1648] =	vst v0  }
0x154: {  	[tilespmem:$0x1638] =	vst v0  }
0x155: {  	[tilespmem:$0x1628] =	vst v0  }
0x156: {  	[tilespmem:$0x1618] =	vst v0  }
0x157: {  	[tilespmem:$0x1608] =	vst v0  }
0x158: {  	[tilespmem:$0x15F8] =	vst v0  }
0x159: {  	[tilespmem:$0x15E8] =	vst v0  }
0x15a: {  	[tilespmem:$0x15D8] =	vst v0  }
0x15b: {  	[tilespmem:$0x15C8] =	vst v0  }
0x15c: {  	[tilespmem:$0x15B8] =	vst v0  }
0x15d: {  	[tilespmem:$0x15A8] =	vst v0  }
0x15e: {  	[tilespmem:$0x1598] =	vst v0  }
0x15f: {  	[tilespmem:$0x1588] =	vst v0  }
0x160: {  	[tilespmem:$0x1578] =	vst v0  }
0x161: {  	[tilespmem:$0x1568] =	vst v0  }
0x162: {  	[tilespmem:$0x1558] =	vst v0  }
0x163: {  	[tilespmem:$0x1548] =	vst v0  }
0x164: {  	[tilespmem:$0x1538] =	vst v0  }
0x165: {  	[tilespmem:$0x1528] =	vst v0  }
0x166: {  	[tilespmem:$0x1518] =	vst v0  }
0x167: {  	[tilespmem:$0x1508] =	vst v0  }
0x168: {  	[tilespmem:$0x14F8] =	vst v0  }
0x169: {  	[tilespmem:$0x14E8] =	vst v0  }
0x16a: {  	[tilespmem:$0x14D8] =	vst v0  }
0x16b: {  	[tilespmem:$0x14C8] =	vst v0  }
0x16c: {  	[tilespmem:$0x14B8] =	vst v0  }
0x16d: {  	[tilespmem:$0x14A8] =	vst v0  }
0x16e: {  	[tilespmem:$0x1498] =	vst v0  }
0x16f: {  	[tilespmem:$0x1488] =	vst v0  }
0x170: {  	[tilespmem:$0x1478] =	vst v0  }
0x171: {  	[tilespmem:$0x1468] =	vst v0  }
0x172: {  	[tilespmem:$0x1458] =	vst v0  }
0x173: {  	[tilespmem:$0x1448] =	vst v0  }
0x174: {  	[tilespmem:$0x1438] =	vst v0  }
0x175: {  	[tilespmem:$0x1428] =	vst v0  }
0x176: {  	[tilespmem:$0x1418] =	vst v0  }
0x177: {  	[tilespmem:$0x1408] =	vst v0  }
0x178: {  	[tilespmem:$0x13F8] =	vst v0  }
0x179: {  	[tilespmem:$0x13E8] =	vst v0  }
0x17a: {  	[tilespmem:$0x13D8] =	vst v0  }
0x17b: {  	[tilespmem:$0x13C8] =	vst v0  }
0x17c: {  	[tilespmem:$0x13B8] =	vst v0  }
0x17d: {  	[tilespmem:$0x13A8] =	vst v0  }
0x17e: {  	[tilespmem:$0x1398] =	vst v0  }
0x17f: {  	[tilespmem:$0x1388] =	vst v0  }
0x180: {  	[tilespmem:$0x1378] =	vst v0  }
0x181: {  	[tilespmem:$0x1368] =	vst v0  }
0x182: {  	[tilespmem:$0x1358] =	vst v0  }
0x183: {  	[tilespmem:$0x1348] =	vst v0  }
0x184: {  	[tilespmem:$0x1338] =	vst v0  }
0x185: {  	[tilespmem:$0x1328] =	vst v0  }
0x186: {  	[tilespmem:$0x1318] =	vst v0  }
0x187: {  	[tilespmem:$0x1308] =	vst v0  }
0x188: {  	[tilespmem:$0x12F8] =	vst v0  }
0x189: {  	[tilespmem:$0x12E8] =	vst v0  }
0x18a: {  	[tilespmem:$0x12D8] =	vst v0  }
0x18b: {  	[tilespmem:$0x12C8] =	vst v0  }
0x18c: {  	[tilespmem:$0x12B8] =	vst v0  }
0x18d: {  	[tilespmem:$0x12A8] =	vst v0  }
0x18e: {  	[tilespmem:$0x1298] =	vst v0  }
0x18f: {  	[tilespmem:$0x1288] =	vst v0  }
0x190: {  	[tilespmem:$0x1278] =	vst v0  }
0x191: {  	[tilespmem:$0x1268] =	vst v0  }
0x192: {  	[tilespmem:$0x1258] =	vst v0  }
0x193: {  	[tilespmem:$0x1248] =	vst v0  }
0x194: {  	[tilespmem:$0x1238] =	vst v0  }
0x195: {  	[tilespmem:$0x1228] =	vst v0  }
0x196: {  	[tilespmem:$0x1218] =	vst v0  }
0x197: {  	[tilespmem:$0x1208] =	vst v0  }
0x198: {  	[tilespmem:$0x11F8] =	vst v0  }
0x199: {  	[tilespmem:$0x11E8] =	vst v0  }
0x19a: {  	[tilespmem:$0x11D8] =	vst v0  }
0x19b: {  	[tilespmem:$0x11C8] =	vst v0  }
0x19c: {  	[tilespmem:$0x11B8] =	vst v0  }
0x19d: {  	[tilespmem:$0x11A8] =	vst v0  }
0x19e: {  	[tilespmem:$0x1198] =	vst v0  }
0x19f: {  	[tilespmem:$0x1188] =	vst v0  }
0x1a0: {  	[tilespmem:$0x1178] =	vst v0  }
0x1a1: {  	[tilespmem:$0x1168] =	vst v0  }
0x1a2: {  	[tilespmem:$0x1158] =	vst v0  }
0x1a3: {  	[tilespmem:$0x1148] =	vst v0  }
0x1a4: {  	[tilespmem:$0x1138] =	vst v0  }
0x1a5: {  	[tilespmem:$0x1128] =	vst v0  }
0x1a6: {  	[tilespmem:$0x1118] =	vst v0  }
0x1a7: {  	s4 =	stileid.u32;
	[tilespmem:$0x1108] =	vst v0  }
0x1a8: {  	s0 =	smul.u32 $0x17, s4;
	[tilespmem:$0x10F8] =	vst v0  }
0x1a9: {  	s1 =	smin.u32 s4, $0x3;
	[tilespmem:$0x10C8] =	vst v0  }
0x1aa: {  	[tilespmem:$0x10D8] =	vst v0;
	s0 =	sadd.s32 s1, s0  }
0x1ab: {  	p0 =	slt.u32 s4, $0x3;
	[tilespmem:$0x10B8] =	vst v0;
	s1 =	simm.s32 $0x2880;
	s6 =	smul.u32 $0x1B0, s0  }
0x1ac: {  	s1 =	simm.s32 @!p0 $0x26D0;
	[tilespmem:$0x1038] =	vst v0  }
0x1ad: {  	[tilespmem:$0x10A8] =	vst v0;
	s0 =	sadd.s32 s1, s6  }
0x1ae: {  	s3 =	simm.s32 $0x2;
	s8 =	simm.s32 $0x9;
	[tilespmem:$0x1098] =	vst v0;
	s7 =	smin.u32 s0, $0x27100  }
0x1af: {  	s10 =	simm.s32 $0xA;
	s30 =	simm.s32 $0xB;
	[tilespmem:$0x1088] =	vst v0;
	s0 =	ssub.s32 s7, s6  }
0x1b0: {  	s16 =	simm.s32 $0x0;
	p4 =	por $0x0, $0x0;
	[tilespmem:$0x1078] =	vst v0;
	p0 =	sgt.s32 s0, $0x0  }
0x1b1: {  	s17 =	simm.s32 $0xC;
	s21 =	simm.s32 $0x0;
	[tilespmem:$0x1058] =	vst v0;
	s0 =	simm.s32 @!p0 $0x0  }
0x1b2: {  	s18 =	simm.s32 $0x0;
	s2 =	sand.u32 $0x1, s2;
	[tilespmem:$0x1048] =	vst v0;
	s29 =	smulhi.u32 $0x4BDA12F7, s0  }
0x1b3: {  	s20 =	simm.s32 $0x0;
	s31 =	sshll.u32 s4, $0x5;
	[tilespmem:$0x1018] =	vst v0;
	[dreg:$0x5] =	wrdreg s2  }
0x1b4: {  	s2 =	smul.u32 $0x4E20, s2;
	[tilespmem:$0x1008] =	vst v0;
	[sflag:s3] =	ssyncpa.u1 $0x0;
	s1 =	sshrl.u32 s29, $0x7  }
0x1b5: {  	v0 =	vimm.s32 $0xFFFFFFFF;
	s3 =	sadd.s32 $0x224CA00, s11;
	[dreg:$0x4] =	wrdreg s31;
	s5 =	smul.u32 $0x1B0, s1  }
.Ltmp0:
0x1b6: {  	[tilespmem:$0x3648] =	vst v0;
	[sflag:s8] =	ssyncpa.u1 $0x0;
	s2 =	sadd.s32 s2, s11;
	(pc) =	sbr.rel .LBB2_1-.Ltmp0, $4  }
0x1b7: {  	[sflag:s10] =	ssyncpa.u1 $0x0;
	s11 =	sadd.s32 $0xAE00, s11;
	p0 =	sne.s32 s0, s5  }
0x1b8: {  	[sflag:s30] =	ssyncpa.u1 $0x0;
	s14 =	sadd.s32 $0x4F6C00, s2;
	s12 =	simm.s32 @!p0 $0x0  }
0x1b9: {  	s15 =	sadd.s32 $0x4ECE00, s2;
	s19 =	smov.u32 s6;
	s12 =	sadd.s32 s12, s1  }
0x1ba: {  	v0 =	vlaneseq.u32;
	[dreg:$0x6] =	wrdreg s6;
	p0 =	por $0x1, $0x1;
	s4 =	sadd.s32 $0x1, s12  }
.LBB2_18:
0x1bb: {  	s0 =	simm.s32 $0x2  }
0x1bc: {  	_ =	swait.ge [sflag:s0], $0x0  }
0x1bd: {  	[sflag:s0] =	ssyncset.done $0x0;
	s0 =	simm.s32 $0x0  }
.LBB2_19:
0x1be: {  	_ =	swait.ge [sflag:s17], s0  }
0x1bf: {  	s31 =	ssub.s32 $0x0, s0;
	v1 =	vmov s23;
	vm0 =	veq.s32 v0, $0x0;
	[sflag:s17] =	ssyncset.done $0x0  }
0x1c0: {  	vm15 =	veq.s32 v0, $0x2;
	v1 =	vsel vm0, s28, v1;
	[sflag:s17] =	ssyncadd.s32 s31  }
0x1c1: {  	v1 =	vsel vm15, s21, v1;
	[sflag:s17] =	ssyncpa.u1 $0x1  }
0x1c2: {  	[tilespmem:$0x3648] =	vst v1  }
.LBB2_20:
0x1c3: {  	s0 =	sadd.s32 $0x1B0, s19  }
0x1c4: {  	s1 =	smov.u32 s6;
	p1 =	slt.s32 s0, s7  }
0x1c5: {  	s1 =	smov.u32 @p1 s0;
	p1 =	sne.s32 s20, s4  }
.Ltmp1:
0x1c6: {  	_ = 	snop;
	(pc) =	sbr.rel @!p1 .LBB2_21-.Ltmp1, $4  }
0x1c7: {  	_ = 	snop  }
0x1c8: {  	s21 =	smov.u32 s18  }
0x1c9: {  	s31 =	sadd.s32 $0x1, s20;
	s18 =	smov.u32 s19;
	p0 =	por !p0, !p0  }
0x1ca: {  	p4 =	por !p4, !p4;
	s20 =	smov.u32 s31;
	s19 =	smov.u32 s1  }
.LBB2_1:
0x1cb: {  	p2 =	sge.u32 s20, s12  }
0x1cc: {  	s0 =	smulhi.u32 @!p2 $0xAAAAAAAB, s20  }
0x1cd: {  	s1 =	smov.u32 s19;
	p3 =	sgt.s32 @!p2 s19, $0x26F50  }
0x1ce: {  	s2 =	sshra.s32 @!p2 s19, $0x1F;
	p3 =	por !p3, p2;
	s0 =	sshrl.u32 @!p2 s0, $0x1  }
0x1cf: {  	s2 =	sand.u32 @!p2 s2, s19;
	s1 =	simm.s32 @p3 $0x26F50;
	s0 =	smul.u32 @!p2 $0x3, s0  }
0x1d0: {  	s1 =	ssub.s32 @!p2 s1, s2  }
0x1d1: {  	s23 =	sadd.s32 $0xFFFFFFFF, s20;
	s1 =	sadd.s32 @!p2 $0xFFFD90B0, s1;
	s0 =	ssub.s32 @!p2 s20, s0  }
0x1d2: {  	s2 =	sshll.u32 @!p2 s1, $0x2;
	p3 =	sgt.s32 @!p2 s1, $0x1AF;
	s0 =	smul.u32 @!p2 $0x6C0, s0  }
0x1d3: {  	s5 =	sand.u32 @!p2 $0x7, s19;
	s1 =	ssub.s32 @!p2 $0x6C0, s2;
	p3 =	por !p3, p2  }
0x1d4: {  	s2 =	sshrl.u32 @!p2 s19, $0x3;
	s1 =	sshrl.u32 @!p2 s1, $0x2;
	s0 =	sshrl.u32 @!p2 s0, $0x2  }
0x1d5: {  	s2 =	sadd.s32 @!p2 s2, s14;
	s1 =	simm.s32 @!p3 $0x0;
	s0 =	sadd.s32 @!p2 $0x3888, s0  }
0x1d6: {  	[tilespmem:s0], [sflag:$0xA] =	stream.linear.gather @!p2 [hbm4b:s2+s5], s1, $0x38;
	[tilespmem:$0x1F0F8] =	vst v63  }
0x1d7: {  	p2 =	sge.u32 s23, s12  }
0x1d8: {  	p3 =	sgt.s32 @!p2 s18, $0x26F50  }
0x1d9: {  	s0 =	smov.u32 s18;
	s1 =	sshra.s32 @!p2 s18, $0x1F;
	p3 =	por !p3, p2  }
0x1da: {  	s1 =	sand.u32 @!p2 s1, s18;
	s0 =	simm.s32 @p3 $0x26F50  }
0x1db: {  	s0 =	ssub.s32 @!p2 s0, s1  }
0x1dc: {  	s0 =	sadd.s32 @!p2 $0xFFFD90B0, s0  }
0x1dd: {  	s1 =	sshll.u32 @!p2 s0, $0x2  }
0x1de: {  	p3 =	sgt.s32 @!p2 s0, $0x1AF;
	s0 =	ssub.s32 @!p2 $0x6C0, s1  }
0x1df: {  	s22 =	ssub.s32 @!p2 $0x27100, s18;
	p3 =	por !p3, p2;
	s0 =	sshrl.u32 @!p2 s0, $0x2  }
0x1e0: {  	s1 =	sand.u32 @!p2 $0x1, s23;
	s0 =	simm.s32 @!p3 $0x0;
	p3 =	slt.s32 @!p2 s22, $0x1  }
0x1e1: {  	s2 =	simm.s32 @!p2 $0xA;
	s1 =	smul.u32 @!p2 $0x6C0, s1;
	p3 =	por p2, p3  }
.Ltmp2:
0x1e2: {  	_ =	swait.ge @!p2 [sflag:s2], s0;
	(pc) =	sbr.rel @p3 .LBB2_7-.Ltmp2, $4  }
0x1e3: {  	s5 =	ssub.s32 @!p2 $0x0, s0;
	[sflag:s2] =	ssyncset.done @!p2 $0x0  }
0x1e4: {  	s1 =	sshrl.u32 @!p2 s1, $0x2;
	[sflag:s2] =	ssyncadd.s32 @!p2 s5;
	s2 =	sshrl.u32 @!p2 s18, $0x3  }
0x1e5: {  	s1 =	sadd.s32 @!p2 $0x3D98, s1;
	s5 =	sand.u32 @!p2 $0x7, s18;
	s2 =	sadd.s32 @!p2 s2, s15  }
0x1e6: {  	[tilespmem:s1], [sflag:$0xB] =	stream.linear.gather @!p2 [hbm4b:s2+s5], s0, $0x38;
	[tilespmem:$0x1F0F8] =	vst v63  }
0x1e7: {  	s0 =	smulhi.u32 $0xAAAAAAAB, s23;
	_ =	sdelay $0x1  }
0x1e8: {  	s0 =	sshrl.u32 s0, $0x1  }
0x1e9: {  	s0 =	smul.u32 $0x3, s0;
	_ =	sdelay $0x1  }
0x1ea: {  	s0 =	ssub.s32 s23, s0  }
0x1eb: {  	s1 =	simm.s32 $0x1;
	s0 =	smul.u32 $0x6C0, s0  }
.Ltmp3:
0x1ec: {  	s1 =	simm.s32 @!p0 $0x0;
	(pc) =	sbr.rel .LBB2_4-.Ltmp3, $4  }
0x1ed: {  	s1 =	smul.u32 $0x36000, s1  }
0x1ee: {  	p3 =	slt.s32 @!p2 s22, $0x1B0;
	s0 =	sshrl.u32 s0, $0x2  }
0x1ef: {  	p2 =	por !p3, p2;
	s1 =	sshrl.u32 s1, $0x2;
	s0 =	sadd.s32 $0x3888, s0  }
0x1f0: {  	s24 =	simm.s32 $0x0;
	s22 =	simm.s32 @p2 $0x1B0;
	s23 =	sadd.s32 $0x40F8, s1;
	v1 =	vmov s0  }
.LBB2_3:
0x1f1: {  	p2 =	sge.s32 s24, s22  }
.Ltmp4:
0x1f2: {  	_ = 	snop;
	(pc) =	sbr.rel @p2 .LBB2_7-.Ltmp4, $2  }
0x1f3: {  	_ =	sdelay $0x2  }
0x1f4: {  	s23 =	sadd.s32 $0x800, s23  }
.LBB2_4:
0x1f5: {  	p2 =	sle.s32 s22, s24  }
.Ltmp5:
0x1f6: {  	_ = 	snop;
	(pc) =	sbr.rel @p2 .LBB2_3-.Ltmp5, $2  }
0x1f7: {  	_ =	sdelay $0x2  }
0x1f8: {  	s0 =	smov.u32 s24;
	s24 =	sadd.s32 $0x10, s24  }
0x1f9: {  	s1 =	ssub.s32 s22, s0  }
0x1fa: {  	p2 =	slt.s32 s1, $0x10  }
0x1fb: {  	s1 =	simm.s32 @!p2 $0x10  }
0x1fc: {  	v2 =	vmov s1  }
0x1fd: {  	vm0 =	vgt.s32 v2, v0;
	_ =	sdelay $0x5  }
0x1fe: {  	v2 =	vld.idx.msk [tilespmem:v1+s0+$0x0 ss:$0x1], vm0;
	_ =	sdelay $0x2  }
0x1ff: {  	p2 =	slt.s32 s24, s22;
	s1 =	smov.u32 s22  }
0x200: {  	s2 =	smov.u32 s23;
	s25 =	simm.s32 $0x0;
	s1 =	smov.u32 @p2 s24  }
.LBB2_6:
0x201: {  	(v2sf) =	vpush v2, s25;
	_ =	sdelay $0xc  }
0x202: {  	s25 =	sadd.s32 $0x1, s25  }
0x203: {  	s31 =	sadd.s32 s25, s0  }
0x204: {  	p2 =	slt.s32 s31, s1;
	s5 =	spop (v2sf)  }
.Ltmp6:
0x205: {  	s5 =	sshll.u32 s5, $0x4;
	(pc) =	sbr.rel @p2 .LBB2_6-.Ltmp6, $4  }
0x206: {  	s5 =	sand.u32 $0x1FFFFFF0, s5  }
0x207: {  	s5 =	sadd.s32 s11, s5  }
0x208: {  	[tilespmem:s2], [sflag:$0x9] =	stream.linear.gather [hbm4b:s5+s16], $0x4, $0x38;
	[tilespmem:$0x1F0F8] =	vst v63  }
0x209: {  	s2 =	sadd.s32 $0x80, s2  }
.Ltmp7:
0x20a: {  	_ = 	snop;
	(pc) =	sbr.rel .LBB2_3-.Ltmp7, $1  }
0x20b: {  	_ =	sdelay $0x3  }
.LBB2_7:
0x20c: {  	p2 =	slt.u32 s20, $0x2  }
.Ltmp8:
0x20d: {  	_ = 	snop;
	(pc) =	sbr.rel @p2 .LBB2_20-.Ltmp8, $1  }
0x20e: {  	_ =	sdelay $0x3  }
0x20f: {  	p2 =	sgt.s32 s21, $0x26F50  }
0x210: {  	s0 =	smov.u32 s21;
	s1 =	sshra.s32 s21, $0x1F;
	s2 =	ssub.s32 $0x27100, s21  }
0x211: {  	s0 =	simm.s32 @!p2 $0x26F50;
	s1 =	sand.u32 s1, s21;
	p2 =	slt.s32 s2, $0x1B0  }
0x212: {  	s0 =	ssub.s32 s0, s1;
	s2 =	simm.s32 @!p2 $0x1B0  }
0x213: {  	s0 =	sadd.s32 $0xFFFD90B0, s0;
	s24 =	sshll.u32 s2, $0x2  }
0x214: {  	s28 =	simm.s32 $0x9;
	s25 =	sshll.u32 s0, $0x2;
	s1 =	sand.u32 $0x3FFFFFFC, s24  }
0x215: {  	p2 =	sgt.s32 s0, $0x1AF;
	s26 =	ssub.s32 $0x6C0, s25;
	_ =	swait.ge [sflag:s28], s1  }
0x216: {  	s1 =	ssub.s32 $0x0, s1;
	[sflag:s28] =	ssyncset.done $0x0;
	s0 =	sshrl.u32 s26, $0x2  }
0x217: {  	s30 =	simm.s32 $0xB;
	[sflag:s28] =	ssyncadd.s32 s1;
	s0 =	simm.s32 @p2 $0x0  }
0x218: {  	_ =	swait.ge [sflag:s30], s0  }
0x219: {  	s0 =	ssub.s32 $0x0, s0;
	[sflag:s30] =	ssyncset.done $0x0  }
0x21a: {  	[sflag:s30] =	ssyncadd.s32 s0  }
0x21b: {  	v1 =	vld [tilespmem:$0x3648];
	_ =	sdelay $0x4  }
0x21c: {  	(v2sf) =	vpush v1, $0x0  }
0x21d: {  	(v2sf) =	vpush v1, $0x1  }
0x21e: {  	(v2sf) =	vpush v1, $0x2;
	_ =	sdelay $0x3  }
0x21f: {  	s0 =	sadd.s32 $0x1B0, s21  }
0x220: {  	s1 =	ssub.s32 $0x4E200, s21;
	p2 =	slt.s32 s7, s0  }
0x221: {  	s0 =	smov.u32 @p2 s7;
	p2 =	sgt.s32 s1, $0x0  }
0x222: {  	s25 =	ssub.s32 s0, s21;
	s1 =	simm.s32 @!p2 $0x0  }
0x223: {  	p2 =	slt.s32 s1, s25  }
0x224: {  	s25 =	smov.u32 @p2 s1  }
0x225: {  	s24 =	simm.s32 $0x1;
	p2 =	slt.s32 s25, $0x1  }
.Ltmp9:
0x226: {  	s24 =	simm.s32 @!p4 $0x0;
	(pc) =	sbr.rel @p2 .LBB2_12-.Ltmp9, $4  }
0x227: {  	s31 =	smul.u32 $0x6C0, s24  }
0x228: {  	s26 =	spop (v2sf)  }
0x229: {  	s0 =	sshrl.u32 s31, $0x2;
	s29 =	spop (v2sf)  }
0x22a: {  	s22 =	sadd.s32 $0x3D98, s0;
	s21 =	spop (v2sf)  }
0x22b: {  	s0 =	smin.u32 s25, $0x10  }
0x22c: {  	v1 =	vmov s0  }
0x22d: {  	p3 =	sgt.s32 s25, $0x10;
	vm1 =	vgt.u32 v1, v0  }
.Ltmp10:
0x22e: {  	_ = 	snop;
	(pc) =	sbr.rel @!p3 .LBB2_11-.Ltmp10, $2  }
0x22f: {  	_ =	sdelay $0x2  }
0x230: {  	s23 =	simm.s32 $0x10;
	s28 =	sadd.s32 $0xFFFFFFF0, s25;
	s0 =	smov.u32 s22;
	vm0 =	vmmov vm1  }
.LBB2_10:
0x231: {  	s1 =	smin.u32 s28, $0x10;
	s23 =	sadd.s32 $0x10, s23;
	v1 =	vld.msk [tilespmem:s0+$0x0 ss:$0x1], vm1  }
0x232: {  	v2 =	vmov s1;
	p3 =	slt.s32 s23, s25  }
0x233: {  	vm1 =	vgt.u32 v2, v0  }
.Ltmp11:
0x234: {  	(pc) =	sbr.rel @p3 .LBB2_10-.Ltmp11, $3  }
0x235: {  	_ =	sdelay $0x1  }
0x236: {  	v1 =	vshll.u32 v1, $0x4  }
0x237: {  	s28 =	sadd.s32 $0xFFFFFFF0, s28;
	[tilespmem:s0+$0x0] =	vst.msk vm0, v1;
	s0 =	sadd.s32 $0x10, s0;
	vm0 =	vmmov vm1  }
.LBB2_11:
0x238: {  	_ =	sdelay $0x4  }
0x239: {  	v1 =	vld.msk [tilespmem:s0+$0x0 ss:$0x1], vm1;
	_ =	sdelay $0x4  }
0x23a: {  	v1 =	vshll.u32 v1, $0x4  }
0x23b: {  	[tilespmem:s0+$0x0] =	vst.msk vm0, v1  }
.LBB2_12:
0x23c: {  	s0 =	sand.u32 $0x1, s20  }
0x23d: {  	s0 =	smul.u32 $0x1B0, s0  }
0x23e: {  	p3 =	sne.s32 s29, $0xFFFFFFFF  }
0x23f: {  	v1 =	vld.msk @!p3 [tilespmem:s0+$0x3D98], $0x1;
	_ =	sdelay $0x4  }
0x240: {  	(v2sf) =	vpush @!p3 v1, $0x0;
	_ =	sdelay $0xc  }
.Ltmp12:
0x241: {  	_ = 	snop;
	(pc) =	sbr.rel @p2 .LBB2_18-.Ltmp12, $4  }
0x242: {  	_ = 	snop  }
0x243: {  	s28 =	spop @!p3 (v2sf)  }
0x244: {  	s21 =	simm.s32 @!p3 $0x0;
	s23 =	smov.u32 s28  }
0x245: {  	[sflag:s17] =	ssyncpa.u1 $0x0;
	s28 =	smov.u32 @p3 s26;
	s23 =	smov.u32 @p3 s29  }
0x246: {  	v1 =	vld.msk [tilespmem:s22+$0x0], $0x1;
	_ =	sdelay $0x4  }
0x247: {  	(v2sf) =	vpush v1, $0x0;
	_ =	sdelay $0xe  }
0x248: {  	s0 =	simm.s32 @!p4 $0x0;
	s26 =	smul.u32 $0x36000, s24;
	s31 =	spop (v2sf)  }
0x249: {  	s29 =	ssub.s32 $0x0, s25;
	s0 =	simm.s32 @p4 $0x1;
	p2 =	seq.s32 s28, s31  }
0x24a: {  	s1 =	smov.u32 s28;
	[smem:$0x7FD] =	sst s0;
	p3 =	sgt.s32 @!p2 s28, $0x0  }
0x24b: {  	s0 =	sshrl.u32 s26, $0x2;
	s26 =	sadd.s32 $0x1, s29;
	p3 =	por !p3, p2  }
0x24c: {  	s1 =	simm.s32 @p3 $0x0;
	p3 =	seq.s32 s26, $0x0  }
.Ltmp13:
0x24d: {  	_ = 	snop;
	(pc) =	sbr.rel @p3 .LBB2_15-.Ltmp13, $4  }
0x24e: {  	s6 =	smov.u32 s4;
	s25 =	simm.s32 $0x0  }
0x24f: {  	s24 =	sadd.s32 $0x40F8, s0;
	s0 =	simm.s32 @!p2 $0x1;
	s2 =	smin.u32 @!p2 s1, $0x270FF  }
0x250: {  	s30 =	sadd.s32 $0x1, s22;
	s0 =	smov.u32 @p2 s25;
	s5 =	sand.u32 @!p2 $0x3FFF8, s2  }
0x251: {  	s1 =	simm.s32 @!p2 $0x1B38;
	s2 =	sand.u32 @!p2 $0x7, s2;
	s5 =	sadd.s32 @!p2 s3, s5  }
.LBB2_14:
0x252: {  	s4 =	smov.u32 s0  }
0x253: {  	[tilespmem:s1], [sflag:$0x2] =	stream.linear.gather @!p2 [hbm4b:s5+s2], $0x4, $0x38;
	[tilespmem:$0x1F0F8] =	vst v63  }
0x254: {  	s26 =	sadd.s32 $0x1, s26;
	s2 =	smov.u32 s31;
	v1 =	vld.msk [tilespmem:s30+$0x0], $0x1  }
0x255: {  	p3 =	seq.s32 s26, $0x0;
	_ =	sdelay $0x3  }
0x256: {  	(v2sf) =	vpush v1, $0x0;
	_ =	sdelay $0xe  }
0x257: {  	s31 =	spop (v2sf)  }
0x258: {  	p2 =	seq.s32 s2, s31  }
0x259: {  	p4 =	sgt.s32 @!p2 s2, $0x0;
	s1 =	sshll.u32 @!p2 s0, $0x6;
	s0 =	sadd.s32 @!p2 $0x1, s0  }
.Ltmp14:
0x25a: {  	p4 =	por !p4, p2;
	s1 =	sshra.s32 @!p2 s1, $0x2;
	(pc) =	sbr.rel @!p3 .LBB2_14-.Ltmp14, $4  }
0x25b: {  	s0 =	smov.u32 @p2 s4;
	s2 =	simm.s32 @p4 $0x0;
	s1 =	sadd.s32 @!p2 $0x1B38, s1  }
0x25c: {  	s2 =	smin.u32 @!p2 s2, $0x270FF  }
0x25d: {  	s4 =	sand.u32 @!p2 $0x3FFF8, s2;
	s2 =	sand.u32 @!p2 $0x7, s2  }
0x25e: {  	s30 =	sadd.s32 $0x1, s30;
	s5 =	sadd.s32 @!p2 s3, s4  }
.LBB2_15:
0x25f: {  	[tilespmem:s1], [sflag:$0x2] =	stream.linear.gather @!p2 [hbm4b:s5+s2], $0x4, $0x38;
	[tilespmem:$0x1F0F8] =	vst v63  }
0x260: {  	s0 =	sshll.u32 s0, $0x2  }
0x261: {  	s31 =	simm.s32 $0x2;
	s0 =	sand.u32 $0x3FFFFFFC, s0  }
0x262: {  	_ =	swait.ge [sflag:s31], s0  }
0x263: {  	s0 =	ssub.s32 $0x0, s0;
	[sflag:s31] =	ssyncset.done $0x0  }
0x264: {  	[sflag:s31] =	ssyncadd.s32 s0  }
0x265: {  	v1 =	vld.msk [tilespmem:s22+$0x0], $0x1;
	_ =	sdelay $0x4  }
0x266: {  	(v2sf) =	vpush v1, $0x0;
	_ =	sdelay $0xe  }
0x267: {  	s26 =	spop (v2sf)  }
0x268: {  	p2 =	sne.s32 s28, s26  }
0x269: {  	p4 =	sne.s32 @p2 s28, s23  }
0x26a: {  	p3 =	por !p4, !p2  }
0x26b: {  	s0 =	simm.s32 @!p3 $0x0  }
0x26c: {  	v1 =	vld.msk @!p3 [tilespmem:s0+$0x1B38], $0xf  }
0x26d: {  	p5 =	sgt.u32 @!p3 s28, $0x270FF  }
0x26e: {  	s1 =	sshll.u32 @!p3 s21, $0x6;
	p6 =	por @p2 p5, !p4  }
0x26f: {  	s1 =	sshra.s32 @!p3 s1, $0x2;
	p1 =	por p6, !p2;
	p6 =	por p4, !p2  }
0x270: {  	s2 =	sadd.s32 @!p3 $0x28, s1;
	s4 =	sand.u32 @!p1 $0x3FFF8, s28;
	s5 =	sshll.u32 @!p6 s21, $0x6  }
0x271: {  	s28 =	sand.u32 @!p1 $0x7, s28;
	[tilespmem:s1+$0x28] =	vst.add.f32.msk @!p3 $0xf, v1;
	s1 =	sadd.s32 @!p1 s3, s4;
	s4 =	sshra.s32 @!p6 s5, $0x2  }
0x272: {  	[hbm4b:s1+s28] =	stream.linear.scatter @!p1 [tilespmem:s2], [sflag:$0xC], $0x4, $0x38;
	[tilespmem:$0x1F0F8] =	vst v63  }
0x273: {  	s0 =	rddreg [dreg:$0x4];
	s1 =	sadd.s32 @!p6 $0x28, s4;
	s2 =	simm.s32 @!p6 $0x1  }
0x274: {  	[spmem:s0] =	stream.linear.scatter @!p6 [tilespmem:s1], [sflag:$0x1], $0x4, $0x38;
	[tilespmem:$0x1F0F8] =	vst v63  }
0x275: {  	s0 =	sadd.s32 @p2 $0x1, s21;
	_ =	swait.ge @!p6 [sflag:s2], $0x4  }
0x276: {  	s1 =	sshrl.u32 @p2 s0, $0x4;
	[sflag:s2] =	ssyncset.done @!p6 $0x0  }
0x277: {  	s1 =	smulhi.u32 @p2 $0x97B425F, s1;
	[sflag:s2] =	ssyncadd.s32 @!p6 $0xFFFFFFFC  }
0x278: {  	s28 =	sadd.s32 $0x1, s29;
	v1 =	vld.msk @p2 [tilespmem:s24+$0x0], $0xf  }
0x279: {  	p1 =	por @p2 !p5, !p4;
	p4 =	seq.s32 s28, $0x0;
	s1 =	smul.u32 @p2 $0x1B0, s1  }
.Ltmp15:
0x27a: {  	p1 =	por !p1, !p2;
	s2 =	simm.s32 @!p3 $0x0;
	(pc) =	sbr.rel @p4 .LBB2_17-.Ltmp15, $4  }
0x27b: {  	s4 =	sshll.u32 @!p2 s21, $0x6;
	s2 =	simm.s32 @!p1 $0x10;
	s0 =	ssub.s32 @p2 s0, s1  }
0x27c: {  	s29 =	simm.s32 $0x0;
	s2 =	sadd.s32 @!p3 $0x0, s2;
	s5 =	sshll.u32 @p2 s0, $0x4  }
0x27d: {  	s30 =	sshra.s32 @!p2 s4, $0x2;
	s1 =	simm.s32 @p2 $0x1;
	s2 =	smov.u32 @p3 s25;
	[tilespmem:s5+$0x28] =	vst.msk @p2 $0xf, v1  }
0x27e: {  	s21 =	smov.u32 @p2 s0;
	s29 =	smov.u32 @p2 s2;
	s25 =	smov.u32 @p2 s1;
	v1 =	vld.msk @!p2 [tilespmem:s24+$0x0], $0xf  }
.LBB2_16:
0x27f: {  	_ =	sdelay $0x3  }
0x280: {  	s22 =	sadd.s32 $0x1, s22;
	[tilespmem:s30+$0x28] =	vst.add.f32.msk @!p2 $0xf, v1  }
0x281: {  	v1 =	vld.msk [tilespmem:s22+$0x0], $0x1;
	_ =	sdelay $0x4  }
0x282: {  	(v2sf) =	vpush v1, $0x0;
	_ =	sdelay $0xe  }
0x283: {  	s0 =	smov.u32 s26;
	s26 =	spop (v2sf)  }
0x284: {  	p2 =	sne.s32 s0, s26  }
0x285: {  	p5 =	sne.s32 @p2 s0, s23  }
0x286: {  	s4 =	sshll.u32 @!p2 s21, $0x6;
	p4 =	por !p5, !p2  }
0x287: {  	s30 =	sshra.s32 @!p2 s4, $0x2;
	s4 =	sshll.u32 @!p4 s25, $0x6  }
0x288: {  	s4 =	sshra.s32 @!p4 s4, $0x2  }
0x289: {  	p1 =	sgt.u32 @!p4 s0, $0x270FF;
	v1 =	vld.msk @!p4 [tilespmem:s4+$0x1B38], $0xf  }
0x28a: {  	s31 =	sshll.u32 @!p4 s21, $0x6;
	p6 =	por @p2 p1, !p5;
	p1 =	por @p2 !p1, !p5  }
0x28b: {  	s8 =	simm.s32 @!p4 $0x0;
	s31 =	sshra.s32 @!p4 s31, $0x2;
	p1 =	por !p1, !p2  }
0x28c: {  	p5 =	por p5, !p2;
	s8 =	simm.s32 @!p1 $0x10;
	p1 =	por p6, !p2  }
0x28d: {  	s4 =	sadd.s32 @!p4 $0x28, s31;
	s13 =	sshll.u32 @!p5 s21, $0x6;
	s10 =	sand.u32 @!p1 $0x3FFF8, s0  }
0x28e: {  	s13 =	sshra.s32 @!p5 s13, $0x2;
	s0 =	sand.u32 @!p1 $0x7, s0;
	s10 =	sadd.s32 @!p1 s3, s10;
	[tilespmem:s31+$0x28] =	vst.add.f32.msk @!p4 $0xf, v1  }
0x28f: {  	[hbm4b:s10+s0] =	stream.linear.scatter @!p1 [tilespmem:s4], [sflag:$0xC], $0x4, $0x38;
	[tilespmem:$0x1F0F8] =	vst v63  }
0x290: {  	s1 =	rddreg [dreg:$0x4];
	s0 =	sadd.s32 @!p5 $0x28, s13;
	s4 =	simm.s32 @!p5 $0x1  }
0x291: {  	[spmem:s1] =	stream.linear.scatter @!p5 [tilespmem:s0], [sflag:$0x1], $0x4, $0x38;
	[tilespmem:$0x1F0F8] =	vst v63  }
0x292: {  	s2 =	sadd.s32 @p2 $0x1, s21;
	_ =	swait.ge @!p5 [sflag:s4], $0x4  }
0x293: {  	s5 =	sshrl.u32 @p2 s2, $0x4;
	[sflag:s4] =	ssyncset.done @!p5 $0x0  }
0x294: {  	s24 =	sadd.s32 $0x80, s24;
	s5 =	smulhi.u32 @p2 $0x97B425F, s5;
	[sflag:s4] =	ssyncadd.s32 @!p5 $0xFFFFFFFC  }
0x295: {  	s28 =	sadd.s32 $0x1, s28;
	v1 =	vld.msk @p2 [tilespmem:s24+$0x0], $0xf  }
0x296: {  	p3 =	seq.s32 s28, $0x0;
	s5 =	smul.u32 @p2 $0x1B0, s5  }
.Ltmp16:
0x297: {  	_ = 	snop;
	(pc) =	sbr.rel @!p3 .LBB2_16-.Ltmp16, $4  }
0x298: {  	s2 =	ssub.s32 @p2 s2, s5  }
0x299: {  	s8 =	sadd.s32 @!p4 s8, s29;
	s5 =	sshll.u32 @p2 s2, $0x4  }
0x29a: {  	s9 =	sadd.s32 @p2 $0x1, s25;
	s8 =	smov.u32 @p4 s29;
	[tilespmem:s5+$0x28] =	vst.msk @p2 $0xf, v1  }
0x29b: {  	s25 =	smov.u32 @p2 s9;
	s21 =	smov.u32 @p2 s2;
	s29 =	smov.u32 @p2 s8;
	v1 =	vld.msk @!p2 [tilespmem:s24+$0x0], $0xf  }
.LBB2_17:
.Ltmp17:
0x29c: {  	_ = 	snop;
	(pc) =	sbr.rel .LBB2_19-.Ltmp17, $3  }
0x29d: {  	s1 =	sld [smem:$0x7FD];
	_ =	sdelay $0x1  }
0x29e: {  	s0 =	sshrl.u32 s29, $0x2;
	s28 =	smov.u32 s26  }
0x29f: {  	s4 =	smov.u32 s6;
	s6 =	rddreg [dreg:$0x6];
	p4 =	seq.s32 s1, $0x1;
	[tilespmem:s30+$0x28] =	vst.add.f32.msk @!p2 $0xf, v1  }
.LBB2_21:
0x2a0: {  	_ =	sfence.sel $0x180000  }
0x2a1: {  	s0 =	simm.s32 $0x9;
	[bflag:$0x0] =	sbarrier.arrive $0xFFFF  }
0x2a2: {  	s24 =	simm.s32 $0xA;
	[sflag:s0] =	ssyncpa.u1 $0x1  }
0x2a3: {  	s25 =	simm.s32 $0xB;
	[sflag:s24] =	ssyncpa.u1 $0x1  }
0x2a4: {  	s26 =	simm.s32 $0x2;
	[sflag:s25] =	ssyncpa.u1 $0x1  }
0x2a5: {  	[sflag:s26] =	ssyncpa.u1 $0x1  }
0x2a6: {  	v0 =	vld [tilespmem:$0x3648];
	_ =	sdelay $0x4  }
0x2a7: {  	(v2sf) =	vpush v0, $0x0  }
0x2a8: {  	(v2sf) =	vpush v0, $0x1;
	_ =	sdelay $0x1  }
0x2a9: {  	(v2sf) =	vpush v0, $0x2;
	_ =	sdelay $0xb  }
0x2aa: {  	s0 =	spop (v2sf)  }
0x2ab: {  	s1 =	spop (v2sf)  }
0x2ac: {  	s2 =	smov.u32 s0;
	p0 =	sne.s32 s0, s1  }
0x2ad: {  	s4 =	spop (v2sf);
	s2 =	simm.s32 @!p0 $0xFFFFFFFF  }
0x2ae: {  	v2 =	vimm.s32 $0x1;
	v3 =	vlaneseq.u32;
	p0 =	seq.s32 s4, $0xFFFFFFFF;
	v1 =	vmov s2  }
0x2af: {  	s16 =	stileid.u32;
	v0 =	vperm.xlane v0, v2;
	p1 =	sne.s32 @!p0 s0, s1;
	v1 =	vperm.xlane v1, v3  }
0x2b0: {  	vm0 =	vcmask $0x3F04;
	s6 =	simm.s32 $0x3648;
	s0 =	simm.s32 @!p0 $0x1;
	p1 =	por !p1, p0  }
0x2b1: {  	s2 =	sshll.u32 s16, $0x1;
	s1 =	sshll.u32 @!p0 s4, $0x6;
	s0 =	simm.s32 @p1 $0x0;
	v0 =	vsel vm0, v1, v0  }
0x2b2: {  	s5 =	sor.u32 $0x200, s2;
	s1 =	sshra.s32 @!p0 s1, $0x2;
	s0 =	sor.u32 @!p0 s0, s2;
	[tilespmem:$0x3648] =	vst v0  }
0x2b3: {  	[spmem:s5] =	stream.linear.scatter [tilespmem:s6], [sflag:$0x1], $0x2, $0x38;
	[tilespmem:$0x1F0F8] =	vst v63  }
0x2b4: {  	s1 =	sadd.s32 @!p0 $0x28, s1;
	s0 =	sshll.u32 @!p0 s0, $0x4  }
0x2b5: {  	[spmem:s0] =	stream.linear.scatter @!p0 [tilespmem:s1], [sflag:$0x1], $0x10, $0x38;
	[tilespmem:$0x1F0F8] =	vst v63  }
0x2b6: {  	s0 =	simm.s32 @!p0 $0x12  }
0x2b7: {  	s28 =	simm.s32 $0x1;
	s0 =	simm.s32 @p0 $0x2  }
0x2b8: {  	_ =	swait.ge [sflag:s28], s0  }
0x2b9: {  	s0 =	ssub.s32 $0x0, s0;
	[sflag:s28] =	ssyncset.done $0x0  }
0x2ba: {  	p0 =	sne.s32 s16, $0x0;
	[sflag:s28] =	ssyncadd.s32 s0  }
.Ltmp18:
0x2bb: {  	_ =	sfence.stream.spmem;
	(pc) =	sbr.rel @p0 .LBB2_38-.Ltmp18, $4  }
0x2bc: {  	s29 =	simm.s32 $0x3;
	[bflag:$0x0] =	sbarrier.arrive $0xFFFF  }
0x2bd: {  	s30 =	simm.s32 $0x4;
	[sflag:s29] =	ssyncpa.u1 $0x1  }
0x2be: {  	s31 =	simm.s32 $0x3C;
	[sflag:s30] =	ssyncpa.u1 $0x1  }
0x2bf: {  	s17 =	rddreg [dreg:$0x5];
	[sflag:s31] =	ssyncpa.u1 $0x1  }
0x2c0: {  	_ =	sfence.stream.spmem;
	s0 =	simm.s32 $0x5  }
0x2c1: {  	s1 =	simm.s32 $0x200;
	s2 =	simm.s32 $0x3658;
	[sflag:s0] =	ssyncpa.u1 $0x0  }
0x2c2: {  	[tilespmem:s2], [sflag:$0x5] =	stream.linear.gather [spmem:s1], $0x20, $0x38;
	[tilespmem:$0x1F0F8] =	vst v63  }
0x2c3: {  	s26 =	simm.s32 $0x0;
	s28 =	simm.s32 $0x3678  }
0x2c4: {  	[tilespmem:s28], [sflag:$0x5] =	stream.linear.gather [spmem:s26], $0x200, $0x38;
	[tilespmem:$0x1F0F8] =	vst v63  }
0x2c5: {  	_ =	swait.ge [sflag:s0], $0x220  }
0x2c6: {  	[sflag:s0] =	ssyncset.done $0x0  }
0x2c7: {  	s29 =	simm.s32 $0x0;
	[sflag:s0] =	ssyncadd.s32 $0xFFFFFDE0  }
0x2c8: {  	v0 =	vld.msk [tilespmem:s29+$0x3658], $0x1;
	_ =	sdelay $0x1  }
0x2c9: {  	s30 =	simm.s32 $0x1  }
0x2ca: {  	v1 =	vld.msk [tilespmem:s30+$0x3658], $0x1;
	_ =	sdelay $0x1  }
0x2cb: {  	(v2sf) =	vpush v0, $0x0;
	_ =	sdelay $0x2  }
0x2cc: {  	(v2sf) =	vpush v1, $0x0;
	_ =	sdelay $0x2  }
0x2cd: {  	s31 =	simm.s32 $0x2  }
0x2ce: {  	v0 =	vld.msk [tilespmem:s31+$0x3658], $0x1;
	_ =	sdelay $0x2  }
0x2cf: {  	s6 =	simm.s32 $0xFFFFFFFF;
	s1 =	simm.s32 $0xFFFFFFFF;
	s0 =	simm.s32 $0xC  }
.LBB2_23:
0x2d0: {  	s2 =	smov.u32 s6;
	s4 =	smov.u32 s1  }
0x2d1: {  	s1 =	sshra.s32 s0, $0x2;
	p1 =	sne.s32 s0, $0x7C;
	s0 =	sadd.s32 $0x4, s0;
	(v2sf) =	vpush v0, $0x0  }
0x2d2: {  	v0 =	vld.msk [tilespmem:s1+$0x3658], $0x1  }
.Ltmp19:
0x2d3: {  	(pc) =	sbr.rel @p1 .LBB2_23-.Ltmp19, $4  }
0x2d4: {  	s6 =	spop (v2sf)  }
0x2d5: {  	p2 =	sne.s32 s4, $0xFFFFFFFF;
	s1 =	smov.u32 s6  }
0x2d6: {  	p3 =	seq.s32 s6, $0xFFFFFFFF;
	s1 =	smov.u32 @p2 s4  }
0x2d7: {  	s6 =	smov.u32 @p3 s2;
	s1 =	smov.u32 @p3 s4  }
0x2d8: {  	(v2sf) =	vpush v0, $0x0;
	_ =	sdelay $0x8  }
0x2d9: {  	s0 =	spop (v2sf)  }
0x2da: {  	p1 =	sne.s32 s1, $0xFFFFFFFF;
	s2 =	smov.u32 s0  }
0x2db: {  	s9 =	simm.s32 $0x6;
	p2 =	seq.s32 s0, $0xFFFFFFFF;
	s2 =	smov.u32 @p1 s1  }
0x2dc: {  	s10 =	simm.s32 $0x3638;
	s2 =	smov.u32 @p2 s1;
	s1 =	spop (v2sf)  }
0x2dd: {  	s0 =	smov.u32 @p2 s6;
	p1 =	sne.s32 s2, $0xFFFFFFFF;
	s4 =	smov.u32 s1  }
.Ltmp20:
0x2de: {  	p2 =	seq.s32 s1, $0xFFFFFFFF;
	s4 =	smov.u32 @p1 s2;
	(pc) =	sbr.rel .LBB2_25-.Ltmp20, $4  }
0x2df: {  	s11 =	simm.s32 $0x0;
	s4 =	smov.u32 @p2 s2;
	s7 =	spop (v2sf)  }
0x2e0: {  	[sflag:s9] =	ssyncpa.u1 $0x0;
	p1 =	sne.s32 s4, $0xFFFFFFFF;
	s8 =	smov.u32 s7  }
0x2e1: {  	s1 =	smov.u32 @p2 s0;
	p2 =	seq.s32 s7, $0xFFFFFFFF;
	s8 =	smov.u32 @p1 s4  }
0x2e2: {  	s6 =	simm.s32 $0x0;
	s7 =	smov.u32 @p2 s1;
	s8 =	smov.u32 @p2 s4  }
.LBB2_30:
0x2e3: {  	p1 =	sgt.u32 s12, $0x270FF  }
0x2e4: {  	p2 =	seq.s32 @!p1 s12, s8  }
0x2e5: {  	p1 =	por p1, p2  }
0x2e6: {  	p2 =	sne.s32 @!p1 s12, s7  }
0x2e7: {  	p1 =	por p1, !p2  }
0x2e8: {  	s0 =	sshll.u32 @p1 s11, $0x6  }
0x2e9: {  	s0 =	sand.u32 @!p1 $0x3FFF8, s12  }
0x2ea: {  	s1 =	sand.u32 @!p1 $0x7, s12;
	s0 =	sadd.s32 @!p1 s3, s0  }
0x2eb: {  	[tilespmem:s10], [sflag:$0x6] =	stream.linear.gather @!p1 [hbm4b:s0+s1], $0x4, $0x38;
	[tilespmem:$0x1F0F8] =	vst v63  }
0x2ec: {  	_ =	swait.ge @!p1 [sflag:s9], $0x4  }
0x2ed: {  	[sflag:s9] =	ssyncset.done @!p1 $0x0  }
0x2ee: {  	[sflag:s9] =	ssyncadd.s32 @!p1 $0xFFFFFFFC  }
0x2ef: {  	v1 =	vld @!p1 [tilespmem:$0x3638];
	_ =	sdelay $0x2  }
0x2f0: {  	s0 =	sshll.u32 @!p1 s11, $0x6  }
0x2f1: {  	s1 =	sshrl.u32 @!p1 s0, $0x2  }
0x2f2: {  	[tilespmem:s1+$0x3678] =	vst.add.f32.msk @!p1 $0xffff, v1  }
0x2f3: {  	s0 =	sshrl.u32 s0, $0x2;
	[tilespmem:s6+$0x3658] =	vst.msk $0x1, v0  }
0x2f4: {  	v0 =	vld [tilespmem:s0+$0x3678];
	_ =	sdelay $0x2  }
0x2f5: {  	s31 =	sshll.u32 s6, $0x6  }
0x2f6: {  	s0 =	sshra.s32 s31, $0x2  }
0x2f7: {  	s6 =	sadd.s32 $0x1, s6;
	[tilespmem:s0+$0x3678] =	vst v0  }
.LBB2_32:
0x2f8: {  	s11 =	sadd.s32 $0x1, s11  }
0x2f9: {  	p1 =	sne.s32 s11, $0x20  }
.Ltmp21:
0x2fa: {  	_ = 	snop;
	(pc) =	sbr.rel @!p1 .LBB2_33-.Ltmp21, $1  }
0x2fb: {  	_ =	sdelay $0x3  }
.LBB2_25:
0x2fc: {  	v0 =	vld.msk [tilespmem:s11+$0x3658], $0x1;
	_ =	sdelay $0x4  }
0x2fd: {  	(v2sf) =	vpush v0, $0x0;
	_ =	sdelay $0xe  }
0x2fe: {  	s12 =	spop (v2sf)  }
0x2ff: {  	p1 =	seq.s32 s12, $0xFFFFFFFF  }
.Ltmp22:
0x300: {  	_ = 	snop;
	(pc) =	sbr.rel @p1 .LBB2_32-.Ltmp22, $1  }
0x301: {  	_ =	sdelay $0x3  }
0x302: {  	p1 =	slt.s32 s6, $0x1  }
.Ltmp23:
0x303: {  	_ = 	snop;
	(pc) =	sbr.rel @p1 .LBB2_30-.Ltmp23, $1  }
0x304: {  	_ =	sdelay $0x3  }
0x305: {  	s13 =	simm.s32 $0x3658;
	p1 =	por $0x0, $0x0  }
0x306: {  	v1 =	vld.msk @!p1 [tilespmem:s13+$0x0], $0x1;
	_ =	sdelay $0x4  }
0x307: {  	(v2sf) =	vpush @!p1 v1, $0x0;
	_ =	sdelay $0xd  }
0x308: {  	p3 =	sne.s32 s6, $0x1  }
.Ltmp24:
0x309: {  	s0 =	spop @!p1 (v2sf);
	(pc) =	sbr.rel @!p3 .LBB2_29-.Ltmp24, $4  }
0x30a: {  	p2 =	seq.s32 @!p1 s12, s0  }
0x30b: {  	s14 =	simm.s32 $0x0;
	p2 =	por !p2, p1  }
0x30c: {  	s0 =	simm.s32 $0xFFFFFFFF;
	s14 =	simm.s32 @p2 $0xFFFFFFFF  }
0x30d: {  	s15 =	simm.s32 $0x1;
	s14 =	smov.u32 @p1 s0  }
.LBB2_28:
0x30e: {  	s0 =	smov.u32 s14;
	p1 =	sne.s32 s14, $0xFFFFFFFF  }
0x30f: {  	s13 =	sadd.s32 $0x1, s13;
	s14 =	smov.u32 s15;
	s15 =	sadd.s32 $0x1, s15  }
0x310: {  	p2 =	sne.s32 s6, s15;
	v1 =	vld.msk @!p1 [tilespmem:s13+$0x0], $0x1;
	_ =	sdelay $0x4  }
0x311: {  	(v2sf) =	vpush @!p1 v1, $0x0;
	_ =	sdelay $0xe  }
.Ltmp25:
0x312: {  	s1 =	spop @!p1 (v2sf);
	(pc) =	sbr.rel @p2 .LBB2_28-.Ltmp25, $4  }
0x313: {  	p3 =	seq.s32 @!p1 s12, s1  }
0x314: {  	p3 =	por !p3, p1  }
0x315: {  	s14 =	simm.s32 @p3 $0xFFFFFFFF  }
0x316: {  	s14 =	smov.u32 @p1 s0  }
.LBB2_29:
0x317: {  	p1 =	sne.s32 s14, $0xFFFFFFFF  }
.Ltmp26:
0x318: {  	_ = 	snop;
	(pc) =	sbr.rel @!p1 .LBB2_30-.Ltmp26, $1  }
0x319: {  	_ =	sdelay $0x3  }
0x31a: {  	s0 =	sshll.u32 s11, $0x4  }
0x31b: {  	s0 =	sand.u32 $0x3FFFFFF0, s0  }
0x31c: {  	v0 =	vld [tilespmem:s0+$0x3678]  }
.Ltmp27:
0x31d: {  	_ = 	snop;
	(pc) =	sbr.rel .LBB2_32-.Ltmp27, $4  }
0x31e: {  	_ = 	snop  }
0x31f: {  	s31 =	sshll.u32 s14, $0x6  }
0x320: {  	s0 =	sshra.s32 s31, $0x2  }
0x321: {  	[tilespmem:s0+$0x3678] =	vst.add.f32.msk $0xffff, v0  }
.LBB2_33:
0x322: {  	s0 =	simm.s32 $0x6;
	p1 =	seq.s32 s6, $0x0  }
0x323: {  	[sflag:s0] =	ssyncpa.u1 $0x1;
	v0 =	vimm.s32 @p1 $0xFFFFFFFF  }
0x324: {  	s9 =	sadd.s32 $0xFFFFFFFF, s6;
	[tilespmem:$0x3878] =	vst @p1 v0  }
0x325: {  	v0 =	vld.msk @!p1 [tilespmem:s9+$0x3658], $0x1;
	_ =	sdelay $0x1  }
0x326: {  	v1 =	vld.msk @!p1 [tilespmem:$0x3658], $0x1;
	_ =	sdelay $0x2  }
0x327: {  	p2 =	seq.s32 @!p1 s9, $0x0;
	v0 =	vbroadcast @!p1 v0, $0x0  }
0x328: {  	vm0 =	vmmov @!p1 $0x1;
	p2 =	por !p2, p1  }
0x329: {  	v1 =	vnsel @!p1 vm0, $0xFFFFFFFF, v1;
	vm0 =	vcmask @!p1 $0x308;
	v0 =	vpsel !p2, $0xFFFFFFFF, v0  }
0x32a: {  	p2 =	sne.s32 @!p1 s8, s7;
	v0 =	vsel @!p1 vm0, v1, v0  }
0x32b: {  	s0 =	simm.s32 @!p1 $0x3678;
	s1 =	simm.s32 @!p1 $0x0;
	p3 =	por !p2, p1;
	[tilespmem:$0x3878] =	vst @!p1 v0  }
0x32c: {  	[spmem:s1] =	stream.linear.scatter @!p1 [tilespmem:s0], [sflag:$0x1], $0x10, $0x38;
	[tilespmem:$0x1F0F8] =	vst v63  }
0x32d: {  	s0 =	sshll.u32 @!p3 s9, $0x6  }
0x32e: {  	s0 =	sshra.s32 @!p3 s0, $0x2  }
0x32f: {  	s1 =	simm.s32 @!p3 $0x10;
	s0 =	sadd.s32 @!p3 $0x3678, s0  }
0x330: {  	[spmem:s1] =	stream.linear.scatter @!p3 [tilespmem:s0], [sflag:$0x1], $0x10, $0x38;
	[tilespmem:$0x1F0F8] =	vst v63  }
0x331: {  	s0 =	simm.s32 @!p3 $0x1  }
0x332: {  	_ =	swait.ge @!p3 [sflag:s0], $0x20  }
0x333: {  	p1 =	por p2, p1;
	[sflag:s0] =	ssyncset.done @!p3 $0x0  }
0x334: {  	[sflag:s0] =	ssyncadd.s32 @!p3 $0xFFFFFFE0;
	s0 =	simm.s32 @!p1 $0x1  }
0x335: {  	_ =	swait.ge @!p1 [sflag:s0], $0x10  }
0x336: {  	s29 =	simm.s32 $0x3878;
	[sflag:s0] =	ssyncset.done @!p1 $0x0  }
0x337: {  	s30 =	simm.s32 $0x200;
	s31 =	simm.s32 $0x1;
	[sflag:s0] =	ssyncadd.s32 @!p1 $0xFFFFFFF0  }
0x338: {  	[spmem:s30] =	stream.linear.scatter [tilespmem:s29], [sflag:$0x1], $0x10, $0x38;
	[tilespmem:$0x1F0F8] =	vst v63  }
0x339: {  	_ =	swait.ge [sflag:s31], $0x10  }
0x33a: {  	[sflag:s31] =	ssyncset.done $0x0  }
0x33b: {  	p1 =	seq.s32 s17, $0x0;
	s8 =	rddreg [dreg:$0x1];
	[sflag:s31] =	ssyncadd.s32 $0xFFFFFFF0  }
0x33c: {  	s1 =	sshll.u32 @p1 s8, $0xE;
	s7 =	rddreg [dreg:$0x2]  }
0x33d: {  	s0 =	sadd.s32 @p1 $0x15C3C, s1;
	s1 =	sshll.u32 @p1 s7, $0x11  }
0x33e: {  	_ =	sfence.stream.spmem;
	s0 =	sor.u32 @p1 s1, s0  }
0x33f: {  	[sflag:s0] =	ssyncadd.remote.s32 @p1 $0x1;
	s0 =	simm.s32 @p1 $0x4  }
0x340: {  	s2 =	simm.s32 @!p1 $0x3C;
	s1 =	sand.u32 $0xFFFFFFFE, s8;
	_ =	swait.ge @p1 [sflag:s0], $0x6  }
0x341: {  	s4 =	simm.s32 @!p1 $0x0;
	s1 =	sadd.s32 @!p1 $0x4, s1;
	[sflag:s0] =	ssyncset.done @p1 $0x0  }
0x342: {  	s5 =	simm.s32 @!p1 $0x20;
	[sflag:s0] =	ssyncadd.s32 @p1 $0xFFFFFFFA;
	s0 =	sshll.u32 @!p1 s1, $0x1A  }
0x343: {  	s1 =	sshll.u32 @!p1 s1, $0xD;
	s0 =	sor.u32 @!p1 s0, s7;
	_ =	swait.eq @!p1 [sflag:s2], $0x1  }
0x344: {  	s1 =	sor.u32 @!p1 $0x1C04, s1;
	s2 =	simm.s32 @!p1 $0x1C03;
	s0 =	sor.u32 @!p1 $0x80004000, s0  }
0x345: {  	[spmem:s5], [sflag:s1] =	dma.general @!p1 [spmem:s4], [sflag:s2], length:$0x4, [dreg:$0x0], stride_count:$0x0, ici_dest:s0, dma_misc:DstOpCode:WRITE  }
0x346: {  	p2 =	slt.s32 s9, $0x2;
	s4 =	simm.s32 @!p1 $0x40;
	s5 =	simm.s32 @!p1 $0x42  }
0x347: {  	[spmem:s5], [sflag:s1] =	dma.general @!p1 [spmem:s4], [sflag:s2], length:$0x2, [dreg:$0x0], stride_count:$0x0, ici_dest:s0, dma_misc:DstOpCode:WRITE  }
.Ltmp28:
0x348: {  	s0 =	simm.s32 @!p1 $0x3;
	(pc) =	sbr.rel @p2 .LBB2_37-.Ltmp28, $4  }
0x349: {  	s1 =	sshll.u32 @!p1 s8, $0xE;
	_ =	swait.ge @!p1 [sflag:s0], $0x6  }
0x34a: {  	s2 =	sshll.u32 @!p1 s7, $0x11;
	s1 =	sadd.s32 @!p1 $0x11C3C, s1;
	[sflag:s0] =	ssyncset.done @!p1 $0x0  }
0x34b: {  	[sflag:s0] =	ssyncadd.s32 @!p1 $0xFFFFFFFA;
	s0 =	sor.u32 @!p1 s2, s1  }
0x34c: {  	[sflag:s0] =	ssyncadd.remote.s32 @!p1 $0xFFFFFFFF;
	s0 =	simm.s32 $0x0  }
0x34d: {  	s0 =	simm.s32 $0x3659  }
0x34e: {  	v0 =	vld.msk [tilespmem:s0+$0x0], $0x1;
	_ =	sdelay $0x4  }
0x34f: {  	(v2sf) =	vpush v0, $0x0;
	_ =	sdelay $0xd  }
0x350: {  	s2 =	sadd.s32 $0xFFFFFFFE, s6  }
0x351: {  	s2 =	sadd.s32 $0xFFFFFFFF, s2;
	s0 =	spop (v2sf)  }
0x352: {  	p2 =	sne.s32 s2, $0x0;
	p1 =	sgt.u32 s0, $0x270FF  }
.Ltmp29:
0x353: {  	s4 =	sand.u32 @!p1 $0x3FFF8, s0;
	(pc) =	sbr.rel @!p2 .LBB2_36-.Ltmp29, $4  }
0x354: {  	s1 =	simm.s32 $0x3688;
	s0 =	sand.u32 @!p1 $0x7, s0;
	s4 =	sadd.s32 @!p1 s3, s4  }
0x355: {  	[hbm4b:s4+s0] =	stream.linear.scatter @!p1 [tilespmem:s1], [sflag:$0x5], $0x4, $0x38;
	[tilespmem:$0x1F0F8] =	vst v63  }
0x356: {  	s0 =	simm.s32 $0x0  }
0x357: {  	s6 =	simm.s32 $0x0;
	s7 =	simm.s32 $0x365A;
	s0 =	simm.s32 @!p1 $0x10  }
.LBB2_35:
0x358: {  	v0 =	vld.msk [tilespmem:s7+$0x0], $0x1;
	s2 =	sadd.s32 $0xFFFFFFFF, s2;
	s6 =	sadd.s32 s6, s0  }
0x359: {  	p1 =	sne.s32 s2, $0x0;
	_ =	sdelay $0x3  }
0x35a: {  	(v2sf) =	vpush v0, $0x0;
	_ =	sdelay $0xe  }
.Ltmp30:
0x35b: {  	s4 =	spop (v2sf);
	(pc) =	sbr.rel @p1 .LBB2_35-.Ltmp30, $4  }
0x35c: {  	s0 =	simm.s32 $0x0;
	p2 =	sgt.u32 s4, $0x270FF  }
0x35d: {  	s1 =	sadd.s32 $0x10, s1;
	s0 =	simm.s32 @!p2 $0x10;
	s5 =	sand.u32 @!p2 $0x3FFF8, s4  }
0x35e: {  	s7 =	sadd.s32 $0x1, s7;
	s4 =	sand.u32 @!p2 $0x7, s4;
	s5 =	sadd.s32 @!p2 s3, s5  }
0x35f: {  	[hbm4b:s5+s4] =	stream.linear.scatter @!p2 [tilespmem:s1], [sflag:$0x5], $0x4, $0x38;
	[tilespmem:$0x1F0F8] =	vst v63  }
.LBB2_36:
0x360: {  	s0 =	sadd.s32 s6, s0  }
0x361: {  	s0 =	sshrl.u32 s0, $0x2  }
.LBB2_37:
0x362: {  	s1 =	simm.s32 $0x5  }
0x363: {  	_ =	swait.ge [sflag:s1], s0  }
0x364: {  	s31 =	ssub.s32 $0x0, s0;
	[sflag:s1] =	ssyncset.done $0x0  }
0x365: {  	[sflag:s1] =	ssyncadd.s32 s31  }
0x366: {  	[sflag:s1] =	ssyncpa.u1 $0x1  }
.LBB2_38:
0x367: {  	s0 =	sor.u32 s17, s16  }
0x368: {  	p1 =	sne.s32 s0, $0x0  }
.Ltmp31:
0x369: {  	_ = 	snop;
	(pc) =	sbr.rel @p1 .LBB2_53-.Ltmp31, $3  }
0x36a: {  	_ =	sdelay $0x1  }
0x36b: {  	[bflag:$0x0] =	sbarrier.arrive $0xFFFF  }
0x36c: {  	_ =	sfence  }
0x36d: {  	s0 =	simm.s32 $0x7  }
0x36e: {  	s1 =	simm.s32 $0x200;
	s2 =	simm.s32 $0x3658;
	[sflag:s0] =	ssyncpa.u1 $0x0  }
0x36f: {  	[tilespmem:s2], [sflag:$0x7] =	stream.linear.gather [spmem:s1], $0x20, $0x38;
	[tilespmem:$0x1F0F8] =	vst v63  }
0x370: {  	s30 =	simm.s32 $0x3678;
	s1 =	simm.s32 $0x0  }
0x371: {  	[tilespmem:s30], [sflag:$0x7] =	stream.linear.gather [spmem:s1], $0x200, $0x38;
	[tilespmem:$0x1F0F8] =	vst v63  }
.Ltmp32:
0x372: {  	_ = 	snop;
	(pc) =	sbr.rel .LBB2_40-.Ltmp32, $4  }
0x373: {  	_ =	swait.ge [sflag:s0], $0x220  }
0x374: {  	[sflag:s0] =	ssyncset.done $0x0  }
0x375: {  	s31 =	simm.s32 $0x8;
	[sflag:s0] =	ssyncadd.s32 $0xFFFFFDE0  }
0x376: {  	s2 =	simm.s32 $0x0;
	[sflag:s31] =	ssyncpa.u1 $0x0  }
.LBB2_45:
0x377: {  	p1 =	slt.u32 s4, $0x27100  }
0x378: {  	s0 =	sand.u32 @p1 $0x3FFF8, s4  }
0x379: {  	s4 =	sand.u32 @p1 $0x7, s4;
	s5 =	simm.s32 @p1 $0x3638;
	s0 =	sadd.s32 @p1 s3, s0  }
0x37a: {  	[tilespmem:s5], [sflag:$0x8] =	stream.linear.gather @p1 [hbm4b:s0+s4], $0x4, $0x38;
	[tilespmem:$0x1F0F8] =	vst v63  }
0x37b: {  	s0 =	simm.s32 @p1 $0x8  }
0x37c: {  	_ =	swait.ge @p1 [sflag:s0], $0x4  }
0x37d: {  	[sflag:s0] =	ssyncset.done @p1 $0x0  }
0x37e: {  	[sflag:s0] =	ssyncadd.s32 @p1 $0xFFFFFFFC  }
0x37f: {  	v1 =	vld @p1 [tilespmem:$0x3638];
	_ =	sdelay $0x2  }
0x380: {  	s0 =	sshll.u32 @p1 s2, $0x6  }
0x381: {  	s5 =	sshll.u32 @!p1 s2, $0x6;
	s4 =	sshrl.u32 @p1 s0, $0x2  }
0x382: {  	s5 =	smov.u32 @p1 s0;
	[tilespmem:s4+$0x3678] =	vst.add.f32.msk @p1 $0xffff, v1  }
0x383: {  	s0 =	sshrl.u32 s5, $0x2;
	[tilespmem:s1+$0x3658] =	vst.msk $0x1, v0  }
0x384: {  	v0 =	vld [tilespmem:s0+$0x3678];
	_ =	sdelay $0x2  }
0x385: {  	s31 =	sshll.u32 s1, $0x6  }
0x386: {  	s0 =	sshra.s32 s31, $0x2  }
0x387: {  	s1 =	sadd.s32 $0x1, s1;
	[tilespmem:s0+$0x3678] =	vst v0  }
.LBB2_47:
0x388: {  	s2 =	sadd.s32 $0x1, s2  }
0x389: {  	p1 =	sne.s32 s2, $0x20  }
.Ltmp33:
0x38a: {  	_ = 	snop;
	(pc) =	sbr.rel @!p1 .LBB2_48-.Ltmp33, $1  }
0x38b: {  	_ =	sdelay $0x3  }
.LBB2_40:
0x38c: {  	v0 =	vld.msk [tilespmem:s2+$0x3658], $0x1;
	_ =	sdelay $0x4  }
0x38d: {  	(v2sf) =	vpush v0, $0x0;
	_ =	sdelay $0xe  }
0x38e: {  	s4 =	spop (v2sf)  }
0x38f: {  	p1 =	seq.s32 s4, $0xFFFFFFFF  }
.Ltmp34:
0x390: {  	_ = 	snop;
	(pc) =	sbr.rel @p1 .LBB2_47-.Ltmp34, $1  }
0x391: {  	_ =	sdelay $0x3  }
0x392: {  	p1 =	slt.s32 s1, $0x1  }
.Ltmp35:
0x393: {  	_ = 	snop;
	(pc) =	sbr.rel @p1 .LBB2_45-.Ltmp35, $1  }
0x394: {  	_ =	sdelay $0x3  }
0x395: {  	s5 =	simm.s32 $0x3658;
	p1 =	por $0x0, $0x0  }
0x396: {  	v1 =	vld.msk @!p1 [tilespmem:s5+$0x0], $0x1;
	_ =	sdelay $0x4  }
0x397: {  	(v2sf) =	vpush @!p1 v1, $0x0;
	_ =	sdelay $0xd  }
0x398: {  	p3 =	sne.s32 s1, $0x1  }
.Ltmp36:
0x399: {  	s0 =	spop @!p1 (v2sf);
	(pc) =	sbr.rel @!p3 .LBB2_44-.Ltmp36, $4  }
0x39a: {  	p2 =	seq.s32 @!p1 s4, s0  }
0x39b: {  	s6 =	simm.s32 $0x0;
	p2 =	por !p2, p1  }
0x39c: {  	s0 =	simm.s32 $0xFFFFFFFF;
	s6 =	simm.s32 @p2 $0xFFFFFFFF  }
0x39d: {  	s7 =	simm.s32 $0x1;
	s6 =	smov.u32 @p1 s0  }
.LBB2_43:
0x39e: {  	s0 =	smov.u32 s6;
	p1 =	sne.s32 s6, $0xFFFFFFFF  }
0x39f: {  	s5 =	sadd.s32 $0x1, s5;
	s6 =	smov.u32 s7;
	s7 =	sadd.s32 $0x1, s7  }
0x3a0: {  	p2 =	sne.s32 s1, s7;
	v1 =	vld.msk @!p1 [tilespmem:s5+$0x0], $0x1;
	_ =	sdelay $0x4  }
0x3a1: {  	(v2sf) =	vpush @!p1 v1, $0x0;
	_ =	sdelay $0xe  }
.Ltmp37:
0x3a2: {  	s8 =	spop @!p1 (v2sf);
	(pc) =	sbr.rel @p2 .LBB2_43-.Ltmp37, $4  }
0x3a3: {  	p3 =	seq.s32 @!p1 s4, s8  }
0x3a4: {  	p3 =	por !p3, p1  }
0x3a5: {  	s6 =	simm.s32 @p3 $0xFFFFFFFF  }
0x3a6: {  	s6 =	smov.u32 @p1 s0  }
.LBB2_44:
0x3a7: {  	p1 =	sne.s32 s6, $0xFFFFFFFF  }
.Ltmp38:
0x3a8: {  	_ = 	snop;
	(pc) =	sbr.rel @!p1 .LBB2_45-.Ltmp38, $1  }
0x3a9: {  	_ =	sdelay $0x3  }
0x3aa: {  	s0 =	sshll.u32 s2, $0x4  }
0x3ab: {  	s0 =	sand.u32 $0x3FFFFFF0, s0  }
0x3ac: {  	v0 =	vld [tilespmem:s0+$0x3678]  }
.Ltmp39:
0x3ad: {  	_ = 	snop;
	(pc) =	sbr.rel .LBB2_47-.Ltmp39, $4  }
0x3ae: {  	_ = 	snop  }
0x3af: {  	s31 =	sshll.u32 s6, $0x6  }
0x3b0: {  	s0 =	sshra.s32 s31, $0x2  }
0x3b1: {  	[tilespmem:s0+$0x3678] =	vst.add.f32.msk $0xffff, v0  }
.LBB2_48:
0x3b2: {  	p1 =	slt.s32 s1, $0x1  }
.Ltmp40:
0x3b3: {  	_ = 	snop;
	(pc) =	sbr.rel @p1 .LBB2_52-.Ltmp40, $3  }
0x3b4: {  	_ =	sdelay $0x1  }
0x3b5: {  	s0 =	simm.s32 $0x8  }
0x3b6: {  	s2 =	simm.s32 $0x0;
	[sflag:s0] =	ssyncpa.u1 $0x1  }
0x3b7: {  	s0 =	simm.s32 $0x3658  }
0x3b8: {  	v0 =	vld.msk [tilespmem:s0+$0x0], $0x1;
	_ =	sdelay $0x4  }
0x3b9: {  	(v2sf) =	vpush v0, $0x0;
	_ =	sdelay $0xe  }
0x3ba: {  	s1 =	sadd.s32 $0xFFFFFFFF, s1;
	s0 =	spop (v2sf)  }
0x3bb: {  	p2 =	sne.s32 s1, $0x0;
	p1 =	sgt.u32 s0, $0x270FF  }
.Ltmp41:
0x3bc: {  	s5 =	sand.u32 @!p1 $0x3FFF8, s0;
	(pc) =	sbr.rel @!p2 .LBB2_51-.Ltmp41, $4  }
0x3bd: {  	s4 =	simm.s32 $0x3678;
	s0 =	sand.u32 @!p1 $0x7, s0;
	s5 =	sadd.s32 @!p1 s3, s5  }
0x3be: {  	[hbm4b:s5+s0] =	stream.linear.scatter @!p1 [tilespmem:s4], [sflag:$0x7], $0x4, $0x38;
	[tilespmem:$0x1F0F8] =	vst v63  }
0x3bf: {  	s0 =	simm.s32 $0x0  }
0x3c0: {  	s5 =	simm.s32 $0x3659;
	s0 =	simm.s32 @!p1 $0x10  }
.LBB2_50:
0x3c1: {  	v0 =	vld.msk [tilespmem:s5+$0x0], $0x1;
	s1 =	sadd.s32 $0xFFFFFFFF, s1;
	s2 =	sadd.s32 s2, s0  }
0x3c2: {  	p1 =	sne.s32 s1, $0x0;
	_ =	sdelay $0x3  }
0x3c3: {  	(v2sf) =	vpush v0, $0x0;
	_ =	sdelay $0xe  }
.Ltmp42:
0x3c4: {  	s6 =	spop (v2sf);
	(pc) =	sbr.rel @p1 .LBB2_50-.Ltmp42, $4  }
0x3c5: {  	s0 =	simm.s32 $0x0;
	p2 =	sgt.u32 s6, $0x270FF  }
0x3c6: {  	s4 =	sadd.s32 $0x10, s4;
	s0 =	simm.s32 @!p2 $0x10;
	s7 =	sand.u32 @!p2 $0x3FFF8, s6  }
0x3c7: {  	s5 =	sadd.s32 $0x1, s5;
	s6 =	sand.u32 @!p2 $0x7, s6;
	s7 =	sadd.s32 @!p2 s3, s7  }
0x3c8: {  	[hbm4b:s7+s6] =	stream.linear.scatter @!p2 [tilespmem:s4], [sflag:$0x7], $0x4, $0x38;
	[tilespmem:$0x1F0F8] =	vst v63  }
.LBB2_51:
0x3c9: {  	s0 =	sadd.s32 s2, s0  }
0x3ca: {  	s2 =	sshrl.u32 s0, $0x2  }
.LBB2_52:
0x3cb: {  	s0 =	simm.s32 $0x7  }
0x3cc: {  	_ =	swait.ge [sflag:s0], s2  }
0x3cd: {  	s1 =	ssub.s32 $0x0, s2;
	[sflag:s0] =	ssyncset.done $0x0  }
0x3ce: {  	[sflag:s0] =	ssyncadd.s32 s1  }
0x3cf: {  	[sflag:s0] =	ssyncpa.u1 $0x1  }
.LBB2_53:
0x3d0: {  	_ =	sfence;
	s0 =	simm.s32 $0x1  }
0x3d1: {  	[sflag:s0] =	ssyncpa.u1 $0x1  }
0x3d2: {  	_ =	strace $0x9000005C  }
0x3d3: {  	[bflag:$0x2] =	sbarrier.arrive $0xFFFF  }
0x3d4: {  	s0 =	rddreg [dreg:$0x3]  }
0x3d5: {  	s0 =	sadd.s32 @!p0 $0x100000, s0  }
0x3d6: {  	[sflag:s0] =	ssyncadd.tile.s32 @!p0 $0x1;
	_ =	shalt  }
.Lfunc_end2:
_tile_overlayer_lowered:
.L_overlay_start_2:
0x3d7: {  	(tag) =	ssettag $0x2  }
0x3d8: {  	s0 =	rddreg [dreg:$0x0];
	s2 =	stileid.u32  }
0x3d9: {  	s1 =	rddreg [dreg:$0x1];
	p0 =	sne.s32 s2, $0x0  }
0x3da: {  	s3 =	rddreg [dreg:$0x2];
	[bflag:$0x3] =	sbarrier.arrive $0xFFFF;
	s2 =	simm.s32 @!p0 $0x1C01  }
0x3db: {  	[timem:s3], [sflag:s2] =	dma.local @!p0 [hbm:s0], s1  }
0x3dc: {  	s0 =	simm.s32 @!p0 $0x1  }
0x3dd: {  	_ =	swait.ge @!p0 [sflag:s0], s1  }
0x3de: {  	s1 =	ssub.s32 @!p0 $0x0, s1;
	[sflag:s0] =	ssyncset.done @!p0 $0x0  }
0x3df: {  	[sflag:s0] =	ssyncadd.s32 @!p0 s1  }
0x3e0: {  	[bflag:$0x3] =	sbarrier.arrive $0xFFFF  }
0x3e1: {  	_ =	shalt  }

// kernel: scatter_offload_async_start
scs
__scs_entry_jumppad:
0x0: {  	(pc) =	sbr.rel $0x88, $3  }
0x1: {  	(tag) =	ssettag $0x0;
	lr =	simm.s32 $0x1  }
0x2: {  	[smem:$0x3F93] =	sst lr;
	_ =	strace $0xD0000000  }
0x3: {  	_ = 	snop  }
0x4: {  	_ = 	snop  }
0x5: {  	_ = 	snop  }
0x6: {  	_ = 	snop  }
0x7: {  	_ = 	snop  }
__scs_overlays_trampoline_lowered:
0x8: {  	[smem:$0x3FA2] =	sst s0  }
0x9: {  	[smem:$0x3FA3] =	sst s1  }
0xa: {  	[smem:$0x3FA4] =	sst s2  }
0xb: {  	[smem:$0x3FA5] =	sst s3  }
0xc: {  	[smem:$0x3FA6] =	sst s4  }
0xd: {  	[smem:$0x3FA7] =	sst s5  }
0xe: {  	[smem:$0x3FA8] =	sst s6  }
0xf: {  	[smem:$0x3FA9] =	sst s7  }
0x10: {  	[smem:$0x3FAA] =	sst s8  }
0x11: {  	[smem:$0x3FAB] =	sst s9;
	s0 =	simm.s32 @!p0 $0x0  }
0x12: {  	s1 =	sld [smem:$0x3F91];
	s0 =	simm.s32 @p0 $0x1  }
0x13: {  	[smem:$0x3FAC] =	sst s0;
	s0 =	simm.s32 @!p1 $0x0  }
0x14: {  	s2 =	sld [smem:$0x3F90];
	s0 =	simm.s32 @p1 $0x1  }
0x15: {  	[smem:$0x3FAD] =	sst s0;
	s0 =	simm.s32 @!p2 $0x0  }
0x16: {  	s3 =	sld [smem:$0x3FDB];
	s0 =	simm.s32 @p2 $0x1  }
0x17: {  	s4 =	simm.s32 $0x1BF5;
	[smem:$0x3FAF] =	sst s0  }
0x18: {  	s0 =	sld [smem:$0x3F92];
	_ =	swait.ge [sflag:s4], $0x0  }
0x19: {  	s7 =	sld [smem:$0x3F93]  }
0x1a: {  	s8 =	sadd.s32 $0xFFFFE003, lr  }
0x1b: {  	s9 =	sadd.s32 $0xFFFFFEF7, lr;
	s5 =	simm.s32 $0xFFFFFFFF;
	p2 =	slt.u32 s8, $0xFFFFF086  }
0x1c: {  	p1 =	slt.u32 s9, $0xF7A;
	s5 =	simm.s32 @!p2 $0x0  }
0x1d: {  	s5 =	simm.s32 @p1 $0x1;
	p0 =	seq.s32 s7, s2  }
0x1e: {  	s7 =	smul.u32 @!p0 $0xF7A, s2;
	p2 =	seq.s32 @!p0 s5, $0x0  }
0x1f: {  	s9 =	smul.u32 $0xF7A, s1;
	s8 =	simm.s32 @!p0 $0x1BF5;
	p2 =	por !p2, p0  }
0x20: {  	[sflag:s8] =	ssyncset.s32 @!p0 $0xFFFFF086;
	s6 =	sadd.s32 @!p0 s3, s7;
	s7 =	simm.s32 @!p0 $0x108  }
0x21: {  	s3 =	sadd.s32 s3, s9;
	s6 =	sadd.s32 @!p0 $0x88, s6;
	s7 =	simm.s32 @p2 $0x1082  }
0x22: {  	[simem:s7], [sflag:s8] =	dma.local @!p0 [hbm:s6], $0xF7A  }
0x23: {  	s9 =	sor.u32 $0xD0000000, s2;
	s6 =	simm.s32 $0x108;
	_ =	swait.ge @!p0 [sflag:s8], $0x0  }
0x24: {  	s3 =	sadd.s32 $0x88, s3;
	s6 =	simm.s32 @!p1 $0x1082;
	[sflag:s4] =	ssyncset.s32 $0xFFFFF086  }
0x25: {  	[simem:s6], [sflag:s4] =	dma.local [hbm:s3], $0xF7A  }
0x26: {  	[smem:$0x3F93] =	sst s1;
	(tag) =	ssettag s2;
	_ =	strace s9  }
0x27: {  	s1 =	sld [smem:$0x3FA3]  }
0x28: {  	s2 =	sld [smem:$0x3FA4]  }
0x29: {  	s4 =	sld [smem:$0x3FA6]  }
0x2a: {  	p0 =	seq.s32 s5, $0x0;
	s5 =	sld [smem:$0x3FA7]  }
0x2b: {  	s6 =	sld [smem:$0x3FA8]  }
0x2c: {  	s7 =	sld [smem:$0x3FA9]  }
0x2d: {  	s3 =	simm.s32 $0x108;
	s8 =	sld [smem:$0x3FAA]  }
0x2e: {  	s3 =	simm.s32 @!p0 $0x1082;
	s9 =	sld [smem:$0x3FAB]  }
0x2f: {  	lr =	sadd.s32 s0, s3;
	s0 =	sld [smem:$0x3FA2]  }
0x30: {  	s3 =	sld [smem:$0x3FA5]  }
0x31: {  	[smem:$0x3FAE] =	sst s10  }
0x32: {  	s10 =	sld [smem:$0x3FAC];
	_ =	sdelay $0x3  }
0x33: {  	p0 =	seq.s32 s10, $0x1;
	s10 =	sld [smem:$0x3FAE];
	_ =	sdelay $0x3  }
0x34: {  	[smem:$0x3FAE] =	sst s10  }
0x35: {  	s10 =	sld [smem:$0x3FAD];
	_ =	sdelay $0x3  }
0x36: {  	p1 =	seq.s32 s10, $0x1;
	s10 =	sld [smem:$0x3FAE];
	_ =	sdelay $0x3  }
0x37: {  	[smem:$0x3FAE] =	sst s10  }
0x38: {  	s10 =	sld [smem:$0x3FAF]  }
0x39: {  	_ = 	snop;
	(pc) =	sbr.ind lr, $3  }
0x3a: {  	_ = 	snop  }
0x3b: {  	_ = 	snop  }
0x3c: {  	p2 =	seq.s32 s10, $0x1;
	s10 =	sld [smem:$0x3FAE]  }
0x3d: {  	_ =	shalt  }
0x3e: {  	_ =	shalt  }
0x3f: {  	_ =	shalt  }
0x40: {  	_ =	shalt  }
0x41: {  	_ =	shalt  }
0x42: {  	_ =	shalt  }
0x43: {  	_ =	shalt  }
0x44: {  	_ =	shalt  }
0x45: {  	_ =	shalt  }
0x46: {  	_ =	shalt  }
0x47: {  	_ =	shalt  }
0x48: {  	_ =	shalt  }
0x49: {  	_ =	shalt  }
0x4a: {  	_ =	shalt  }
0x4b: {  	_ =	shalt  }
0x4c: {  	_ =	shalt  }
0x4d: {  	_ =	shalt  }
0x4e: {  	_ =	shalt  }
0x4f: {  	_ =	shalt  }
0x50: {  	_ =	shalt  }
0x51: {  	_ =	shalt  }
0x52: {  	_ =	shalt  }
0x53: {  	_ =	shalt  }
0x54: {  	_ =	shalt  }
0x55: {  	_ =	shalt  }
0x56: {  	_ =	shalt  }
0x57: {  	_ =	shalt  }
0x58: {  	_ =	shalt  }
0x59: {  	_ =	shalt  }
0x5a: {  	_ =	shalt  }
0x5b: {  	_ =	shalt  }
0x5c: {  	_ =	shalt  }
0x5d: {  	_ =	shalt  }
0x5e: {  	_ =	shalt  }
0x5f: {  	_ =	shalt  }
0x60: {  	_ =	shalt  }
0x61: {  	_ =	shalt  }
0x62: {  	_ =	shalt  }
0x63: {  	_ =	shalt  }
0x64: {  	_ =	shalt  }
0x65: {  	_ =	shalt  }
0x66: {  	_ =	shalt  }
0x67: {  	_ =	shalt  }
0x68: {  	_ =	shalt  }
0x69: {  	_ =	shalt  }
0x6a: {  	_ =	shalt  }
0x6b: {  	_ =	shalt  }
0x6c: {  	_ =	shalt  }
0x6d: {  	_ =	shalt  }
0x6e: {  	_ =	shalt  }
0x6f: {  	_ =	shalt  }
0x70: {  	_ =	shalt  }
0x71: {  	_ =	shalt  }
0x72: {  	_ =	shalt  }
0x73: {  	_ =	shalt  }
0x74: {  	_ =	shalt  }
0x75: {  	_ =	shalt  }
0x76: {  	_ =	shalt  }
0x77: {  	_ =	shalt  }
0x78: {  	_ =	shalt  }
0x79: {  	_ =	shalt  }
0x7a: {  	_ =	shalt  }
0x7b: {  	_ =	shalt  }
0x7c: {  	_ =	shalt  }
0x7d: {  	_ =	shalt  }
0x7e: {  	_ =	shalt  }
0x7f: {  	_ =	shalt  }
0x80: {  	_ =	shalt  }
0x81: {  	_ =	shalt  }
0x82: {  	_ =	shalt  }
0x83: {  	_ =	shalt  }
0x84: {  	_ =	shalt  }
0x85: {  	_ =	shalt  }
0x86: {  	_ =	shalt  }
0x87: {  	_ =	shalt  }
.Lfunc_end0:
.L_simem_size_0:
called_computation_lowered:
.L_overlay_start_0:
0x88: {  	s0 =	sld [smem:$0x3FD9]  }
0x89: {  	s1 =	sld [smem:$0x3FFE];
	_ =	sdelay $0x3  }
0x8a: {  	s0 =	sadd.s32 s1, s0  }
0x8b: {  	[smem:$0x3FBA] =	sst s0  }
0x8c: {  	_ = 	snop  }
0x8d: {  	(tm) =	ssettm $0x1  }
0x8e: {  	s15 =	sld [smem:$0x3FFB];
	_ =	sdelay $0x3  }
0x8f: {  	_ =	strace s15  }
0x90: {  	s0 =	sld [smem:$0x3FFC];
	_ =	sdelay $0x3  }
0x91: {  	_ =	strace s0  }
0x92: {  	s0 =	sld [smem:$0x3FFD];
	_ =	sdelay $0x3  }
0x93: {  	_ =	strace s0  }
0x94: {  	_ =	strace $0x8FFFFFFF  }
0x95: {  	s16 =	sld [smem:$0x3FDB];
	_ =	sdelay $0x1  }
0x96: {  	s17 =	simm.s32 $_scs_section_size  }
0x97: {  	s2 =	simm.s32 $_size__tile_overlayer_lowered;
	s3 =	simm.s32 $_tile_overlayer_lowered  }
0x98: {  	s20 =	simm.s32 $0x1BFF;
	s19 =	sshll.u32 s3, $0x1;
	s0 =	sadd.s32 s17, s16  }
0x99: {  	s4 =	simm.s32 $0x0;
	s18 =	sshll.u32 s2, $0x1;
	s2 =	sadd.s32 s19, s0  }
0x9a: {  	[timem:s4], [sflag:s20] =	dma.local [hbm:s2], s18  }
0x9b: {  	_ =	swait.ge [sflag:s20], s18  }
0x9c: {  	s1 =	ssub.s32 $0x0, s18;
	[sflag:s20] =	ssyncset.done $0x0  }
0x9d: {  	[sflag:s20] =	ssyncadd.s32 s1;
	_ =	sdelay $0x1  }
0x9e: {  	s21 =	simm.s32 $0x1B8B  }
0x9f: {  	_ =	swait.ge [sflag:s21], $0x1  }
0xa0: {  	[sflag:s21] =	ssyncset.done $0x0  }
0xa1: {  	s23 =	simm.s32 $0x1B8E;
	s22 =	sld [smem:$0x3FFE];
	[sflag:s21] =	ssyncadd.s32 $0xFFFFFFFF  }
0xa2: {  	s24 =	simm.s32 $execute0_lowered;
	[smem:$0x3FD2] =	sst s23  }
0xa3: {  	s2 =	sshll.u32 s24, $0x1;
	_ =	strace $0x80000049;
	[dreg:$0x1] =	wrdreg $0xFFFFFFFF  }
0xa4: {  	s25 =	simm.s32 $_size_execute0_lowered;
	s0 =	sadd.s32 s0, s2;
	[dreg:$0x0] =	wrdreg $0x0  }
0xa5: {  	s2 =	sshll.u32 s25, $0x1;
	[dreg:$0x2] =	wrdreg s0  }
0xa6: {  	[dreg:$0x3] =	wrdreg s2  }
0xa7: {  	[dreg:$0x4] =	wrdreg $0xC0  }
0xa8: {  	_ =	task [dreg:s4], $0x5FFFF  }
0xa9: {  	[dreg:$0x1] =	wrdreg $0xFFFFFFFF  }
0xaa: {  	[dreg:$0x0] =	wrdreg $0x60  }
0xab: {  	[dreg:$0x2] =	wrdreg s22  }
0xac: {  	[dreg:$0x3] =	wrdreg $0x9  }
0xad: {  	_ =	task.clear_ibuf [dreg:s4], $0x4FFFF;
	_ =	strace $0x90000049  }
0xae: {  	s26 =	simm.s32 $0x9;
	_ =	strace $0x8000004B  }
0xaf: {  	_ =	swait.ge [sflag:s26], $0x1  }
0xb0: {  	[sflag:s26] =	ssyncadd.s32 $0xFFFFFFFF  }
0xb1: {  	_ =	strace $0x9000004B  }
0xb2: {  	_ =	sfence  }
0xb3: {  	s28 =	sld [smem:$0x0];
	_ =	sdelay $0x1  }
0xb4: {  	s29 =	srdreg.scid  }
0xb5: {  	s30 =	sshll.u32 s29, $0xD;
	s31 =	sshrl.u32 s29, $0x2  }
0xb6: {  	s1 =	sand.u32 $0x1, s29;
	s2 =	sand.u32 $0x4000, s30;
	s0 =	sadd.s32 s31, s28  }
0xb7: {  	s1 =	sor.u32 s2, s1;
	s0 =	sshll.u32 s0, $0x11  }
0xb8: {  	s0 =	sor.u32 s0, s1  }
0xb9: {  	s0 =	sadd.s32 $0x8F2B, s0  }
0xba: {  	[sflag:s0] =	ssyncadd.remote.s32 $0x1  }
0xbb: {  	_ =	sfence.sel $0xFFFF  }
0xbc: {  	[dreg:$0x0] =	wrdreg $0xFFFFFFFF;
	(pc) =	sbr.abs _section_cstart, $3  }
0xbd: {  	[dreg:$0x1] =	wrdreg $0xFFFFFFFF  }
0xbe: {  	_ =	task.clear_ibuf [dreg:s4], $0x2FFFF;
	_ =	strace $0x9FFFFFFF  }
0xbf: {  	(tm) =	ssettm $0x7FFFFFFF  }
tec
execute0_lowered:
.L_overlay_start_1:
0x0: {  	(tag) =	ssettag $0x1  }
0x1: {  	s0 =	rddreg [dreg:$0x0];
	_ =	strace $0x8000004A;
	s15 =	stileid.u32  }
0x2: {  	s2 =	simm.s32 $0x1;
	s1 =	smin.u32 s15, $0x8;
	s3 =	sshll.u32 s15, $0x1  }
0x3: {  	v1 =	vimm.s32 $0xFFFFFFFF;
	[sflag:s2] =	ssyncpa.u1 $0x0;
	s1 =	sadd.s32 s1, s3  }
0x4: {  	p0 =	slt.u32 s15, $0x8;
	[tilespmem:$0x10] =	vst v1;
	s4 =	smul.u32 $0x1F40, s1;
	s1 =	simm.s32 $0x5DC0  }
0x5: {  	v0 =	vimm.f32 $0.0e+00;
	[tilespmem:$0x20] =	vst v1;
	s1 =	simm.s32 @!p0 $0x3E80  }
0x6: {  	[tilespmem:$0x30] =	vst v0;
	s1 =	sadd.s32 s1, s4  }
0x7: {  	[tilespmem:$0x40] =	vst v0;
	s5 =	smin.u32 s1, $0x4E200  }
0x8: {  	s7 =	simm.s32 $0x2;
	s8 =	simm.s32 $0x8;
	[tilespmem:$0x50] =	vst v0;
	s9 =	ssub.s32 s5, s4  }
0x9: {  	s31 =	simm.s32 $0x9;
	s16 =	simm.s32 $0x0;
	[tilespmem:$0x60] =	vst v1;
	p0 =	sgt.s32 s9, $0x0  }
0xa: {  	s17 =	simm.s32 $0xF0;
	s18 =	simm.s32 $0xFFFFFFFF;
	[tilespmem:$0x70] =	vst v1;
	s9 =	simm.s32 @!p0 $0x0  }
0xb: {  	s19 =	simm.s32 $0xFFFFC280;
	s20 =	simm.s32 $0xFFFFFFFE;
	[tilespmem:$0x80] =	vst v1;
	s30 =	smulhi.u32 $0x10624DD3, s9  }
0xc: {  	s21 =	simm.s32 $0xF;
	s25 =	simm.s32 $0x0;
	s24 =	simm.s32 $0x0;
	v1 =	vimm.s32 $0x0;
	[tilespmem:$0xB0] =	vst v0  }
0xd: {  	s6 =	sadd.s32 $0x500A00, s0;
	s15 =	sshllo.u32 s15, $0x1;
	[tilespmem:$0x90] =	vst v1;
	s10 =	sshrl.u32 s30, $0x9  }
0xe: {  	[tilespmem:$0xA0] =	vst v1;
	[sflag:s7] =	ssyncpa.u1 $0x0;
	s7 =	simm.s32 $0x7;
	s11 =	smul.u32 $0x1F40, s10  }
.Ltmp0:
0xf: {  	s13 =	sor.u32 $0x80, s3;
	[sflag:s7] =	ssyncpa.u1 $0x0;
	(pc) =	sbr.rel .LBB2_1-.Ltmp0, $4  }
0x10: {  	s14 =	sor.u32 $0x81, s3;
	[sflag:s8] =	ssyncpa.u1 $0x0;
	p0 =	sne.s32 s9, s11  }
0x11: {  	s23 =	smov.u32 s4;
	s1 =	sadd.s32 $0x514600, s0;
	s2 =	simm.s32 @!p0 $0x0  }
0x12: {  	vm0 =	vmmov $0xffff;
	v2 =	vlaneseq.u32;
	[sflag:s31] =	ssyncpa.u1 $0x0;
	s9 =	sadd.s32 $0x50A800, s0;
	s10 =	sadd.s32 s2, s10  }
0x13: {  	vm1 =	vmxor vm1, vm1;
	vm2 =	vmmov $0x1;
	vm3 =	vcmask $0x3F3C;
	p0 =	por $0x0, $0x0;
	s11 =	sadd.s32 $0x1, s10;
	s12 =	sadd.s32 $0x2, s10  }
.LBB2_9:
0x14: {  	p1 =	slt.u32 s24, $0x3  }
0x15: {  	s0 =	simm.s32 @!p1 $0x2  }
0x16: {  	_ =	swait.ge @!p1 [sflag:s0], $0x1F40  }
0x17: {  	[sflag:s0] =	ssyncset.done @!p1 $0x0  }
0x18: {  	[sflag:s0] =	ssyncadd.s32 @!p1 $0xFFFFE0C0;
	s0 =	simm.s32 @!p1 $0x9  }
0x19: {  	_ =	swait.ge @!p1 [sflag:s0], $0x10  }
0x1a: {  	[sflag:s0] =	ssyncset.done @!p1 $0x0  }
0x1b: {  	[sflag:s0] =	ssyncadd.s32 @!p1 $0xFFFFFFF0;
	p1 =	sne.s32 s24, s12  }
.Ltmp1:
0x1c: {  	s2 =	sadd.s32 $0x1F40, s23;
	(pc) =	sbr.rel @!p1 .LBB2_10-.Ltmp1, $4  }
0x1d: {  	s22 =	smov.u32 s4;
	s31 =	sadd.s32 $0x1, s24;
	s17 =	sadd.s32 $0x1F40, s17  }
0x1e: {  	s18 =	sadd.s32 $0x1, s18;
	s25 =	smov.u32 s23;
	p2 =	slt.s32 s2, s5  }
0x1f: {  	p0 =	por !p0, !p0;
	s19 =	sadd.s32 $0x1F40, s19;
	s22 =	smov.u32 @p2 s2  }
0x20: {  	s20 =	sadd.s32 $0x1, s20;
	s23 =	smov.u32 s22;
	s24 =	smov.u32 s31  }
.LBB2_1:
0x21: {  	p1 =	sge.u32 s24, s10  }
0x22: {  	s0 =	smulhi.u32 @!p1 $0xAAAAAAAB, s24;
	_ =	sdelay $0x1  }
0x23: {  	s0 =	sshrl.u32 @!p1 s0, $0x1  }
0x24: {  	s0 =	smul.u32 @!p1 $0x3, s0;
	_ =	sdelay $0x1  }
0x25: {  	s0 =	ssub.s32 @!p1 s24, s0  }
0x26: {  	s0 =	smul.u32 @!p1 $0x7D00, s0;
	_ =	sdelay $0x1  }
0x27: {  	s2 =	sshrl.u32 @!p1 s23, $0x3;
	s0 =	sshrl.u32 @!p1 s0, $0x2  }
0x28: {  	s22 =	sand.u32 @!p1 $0x7, s23;
	s2 =	sadd.s32 @!p1 s6, s2;
	s0 =	sadd.s32 @!p1 $0x100, s0  }
0x29: {  	[tilespmem:s0], [sflag:$0x7] =	stream.linear.gather @!p1 [hbm4b:s2+s22], $0x1F40, $0x38;
	[tilespmem:$0x11A60] =	vst v63  }
0x2a: {  	s0 =	sadd.s32 $0xFFFFFFFF, s24  }
0x2b: {  	p1 =	sge.u32 s0, s10  }
.Ltmp2:
0x2c: {  	_ = 	snop;
	(pc) =	sbr.rel @p1 .LBB2_5-.Ltmp2, $1  }
0x2d: {  	_ =	sdelay $0x3  }
0x2e: {  	s2 =	smulhi.u32 $0xAAAAAAAB, s0;
	_ =	sdelay $0x1  }
0x2f: {  	s2 =	sshrl.u32 s2, $0x1  }
0x30: {  	s2 =	smul.u32 $0x3, s2;
	_ =	sdelay $0x1  }
0x31: {  	s2 =	ssub.s32 s0, s2  }
0x32: {  	s2 =	smul.u32 $0x7D00, s2  }
0x33: {  	_ =	swait.ge [sflag:s7], $0x1F40  }
0x34: {  	[sflag:s7] =	ssyncset.done $0x0;
	s2 =	sshrl.u32 s2, $0x2  }
0x35: {  	[sflag:s7] =	ssyncadd.s32 $0xFFFFE0C0;
	(ifvalue) =	ssetifvalue $0xFFFFFFFF;
	v3 =	vld.msk [tilespmem:s2+$0x100 ss:$0x1], $0xffff;
	_ =	sdelay $0x2  }
0x36: {  	s30 =	smulhi.u32 $0xAAAAAAAB, s18;
	p1 =	sne.s32 s24, $0x1  }
0x37: {  	v4 =	vimm.s32 @!p1 $0x0  }
0x38: {  	s2 =	sshrl.u32 s30, $0x1;
	v4 =	vperm.xlane @!p1 v3, v4  }
0x39: {  	s22 =	sshll.u32 s24, $0x4;
	s2 =	smul.u32 $0xFFFE8900, s2;
	vm4 =	vlt.u32 v3, $0x2800  }
0x3a: {  	s22 =	sand.u32 $0x10, s22;
	v3 =	vnsel vm4, $0xFFFFFFFE, v3;
	vm4 =	vlt.u32 @!p1 v4, $0x2800  }
0x3b: {  	s2 =	sshra.s32 s2, $0x2;
	[tilespmem:s22+$0x60] =	vst v3;
	v3 =	vnsel @!p1 vm4, $0xFFFFFFFE, v4  }
0x3c: {  	s28 =	sadd.s32 s2, s17;
	[tilespmem:$0x80] =	vst @!p1 v3  }
0x3d: {  	v3 =	vld.msk [tilespmem:s28+$0x0 ss:$0x1], $0xffff;
	_ =	sdelay $0x4  }
0x3e: {  	(xrf1) =	vunique.msk.u32 $0xffff, v3;
	_ =	sdelay $0xd  }
0x3f: {  	v4 =	vimm.s32 $0xFFFFFFFF;
	v5, _, _ =	vpop (xrf1)  }
0x40: {  	vm5 =	vne.s32 v3, v4;
	vm4 =	veq.s32 v5, v2  }
0x41: {  	vm6 =	vlt.u32 v3, $0x2800;
	vm4 =	vmand vm5, vm4  }
0x42: {  	vm4 =	vmand vm6, vm4  }
0x43: {  	v4 =	vnsel vm4, $0xFFFFFFFF, v3  }
0x44: {  	s31 =	sand.u32 $0x1, s0  }
0x45: {  	s0 =	simm.s32 $0x1F40;
	p1 =	seq.s32 s31, $0x1  }
0x46: {  	s0 =	simm.s32 @!p1 $0x0  }
0x47: {  	s26 =	sadd.s32 $0x7DF0, s0;
	(ifvalue) =	ssetifvalue $0xFFFFFFFF  }
0x48: {  	v3 =	vperm.xlane v3, v1;
	[tilespmem:s26], [sflag:$0x8] =	stream.indirect_vreg.gather [hbm4b:s1+s16], $0x1, v4, vm0, $0x4038;
	v4 =	vnsel vm6, $0xFFFFFFFE, v4;
	[tilespmem:$0x11A60] =	vst v63  }
0x49: {  	s2 =	simm.s32 $0x0;
	s22 =	sadd.s32 $0xFFFFFFF0, s28;
	[tilespmem:s28+$0x0] =	vst v4  }
.LBB2_3:
0x4a: {  	v4 =	vld.msk [tilespmem:s22+$0x0 ss:$0x1], $0xffff;
	s2 =	sadd.s32 $0x10, s2;
	v5 =	vmov v3;
	s28 =	smov.u32 s22  }
0x4b: {  	p1 =	slt.u32 s2, $0x1F30;
	_ =	sdelay $0x4  }
0x4c: {  	v3 =	vperm.xlane v4, v1;
	(xrf1) =	vunique.msk.u32 $0xffff, v4;
	_ =	sdelay $0xd  }
0x4d: {  	v6, _, _ =	vpop (xrf1)  }
0x4e: {  	vm5 =	vne.s32 v4, v5;
	vm4 =	veq.s32 v6, v2  }
0x4f: {  	vm6 =	vlt.u32 v4, $0x2800;
	vm4 =	vmand vm5, vm4  }
0x50: {  	vm4 =	vmand vm6, vm4  }
0x51: {  	v4 =	vnsel vm4, $0xFFFFFFFF, v4  }
.Ltmp3:
0x52: {  	v5 =	vnsel vm6, $0xFFFFFFFE, v4;
	(pc) =	sbr.rel @p1 .LBB2_3-.Ltmp3, $3  }
0x53: {  	_ =	sdelay $0x1  }
0x54: {  	s22 =	sadd.s32 $0xFFFFFFF0, s22;
	s26 =	sadd.s32 $0xFFFFFFF0, s26;
	(ifvalue) =	ssetifvalue $0xFFFFFFFF  }
0x55: {  	[tilespmem:s26], [sflag:$0x8] =	stream.indirect_vreg.gather [hbm4b:s1+s16], $0x1, v4, vm0, $0x4038;
	[tilespmem:s28+$0x0] =	vst v5  }
0x56: {  	s2 =	sshrl.u32 s25, $0x3  }
0x57: {  	s0 =	sadd.s32 $0x9D40, s0;
	s2 =	sadd.s32 s9, s2  }
0x58: {  	[tilespmem:s0], [sflag:$0x8] =	stream.linear.gather [hbm:s2], $0x1F40, $0x38;
	[tilespmem:$0x11A60] =	vst v63  }
.LBB2_5:
0x59: {  	p1 =	slt.u32 s24, $0x2  }
0x5a: {  	p2 =	sge.u32 @!p1 s24, s12  }
0x5b: {  	p1 =	por p1, p2  }
.Ltmp4:
0x5c: {  	_ = 	snop;
	(pc) =	sbr.rel @p1 .LBB2_9-.Ltmp4, $1  }
0x5d: {  	_ =	sdelay $0x3  }
0x5e: {  	s0 =	sadd.s32 $0xFFFFFFFE, s24  }
0x5f: {  	s2 =	smulhi.u32 $0xAAAAAAAB, s0;
	_ =	sdelay $0x1  }
0x60: {  	s2 =	sshrl.u32 s2, $0x1  }
0x61: {  	s2 =	smul.u32 $0x3, s2;
	_ =	sdelay $0x1  }
0x62: {  	s0 =	ssub.s32 s0, s2  }
0x63: {  	_ =	swait.ge [sflag:s8], $0x3E80;
	s0 =	smul.u32 $0x1F40, s0  }
0x64: {  	p1 =	sne.s32 s24, s11;
	[sflag:s8] =	ssyncset.done $0x0  }
0x65: {  	[sflag:s8] =	ssyncadd.s32 $0xFFFFC180;
	s2 =	sadd.s32 @!p1 $0x203F, s0  }
0x66: {  	[spmem:s14] =	stream.linear.scatter @!p1 [tilespmem:s2], [sflag:$0x1], $0x1, $0x38;
	[tilespmem:$0x11A60] =	vst v63  }
0x67: {  	s2 =	simm.s32 @!p1 $0x1  }
0x68: {  	_ =	swait.ge @!p1 [sflag:s2], $0x1  }
0x69: {  	s22 =	sshll.u32 s24, $0x4;
	[sflag:s2] =	ssyncset.done @!p1 $0x0  }
0x6a: {  	s25 =	sand.u32 $0x10, s22;
	[sflag:s2] =	ssyncadd.s32 @!p1 $0xFFFFFFFF  }
0x6b: {  	s2 =	sxor.u32 $0x10, s25;
	v4 =	vld [tilespmem:s25+$0x10]  }
0x6c: {  	v5 =	vld [tilespmem:s2+$0x60]  }
0x6d: {  	v3 =	vld [tilespmem:$0x80];
	_ =	sdelay $0x2  }
0x6e: {  	(v2sf) =	vpush v4, $0x0  }
0x6f: {  	(v2sf) =	vpush v5, $0x0  }
0x70: {  	(v2sf) =	vpush v3, $0x0;
	_ =	sdelay $0xc  }
0x71: {  	s22 =	spop (v2sf)  }
0x72: {  	s26 =	spop (v2sf)  }
0x73: {  	s28 =	spop (v2sf)  }
0x74: {  	p2 =	seq.s32 s22, s26;
	p3 =	seq.s32 s28, s22  }
0x75: {  	p3 =	por p2, p3  }
0x76: {  	s26 =	sand.u32 $0x1, s24;
	v4 =	vpsel p3, $0xFFFFFFFF, v4  }
0x77: {  	s29 =	smul.u32 $0x1F40, s26;
	[tilespmem:s25+$0x10] =	vst.msk $0x1, v4  }
0x78: {  	v4 =	vld [tilespmem:$0x30]  }
0x79: {  	v5 =	vld [tilespmem:s29+$0x9D40]  }
0x7a: {  	v6 =	vld [tilespmem:s25+$0x40];
	_ =	sdelay $0x3  }
0x7b: {  	vm4 =	vmmov vm1;
	v5 =	vadd.f32 v5, v4  }
0x7c: {  	vm5 =	vmmov vm2;
	vm4 =	vmmov @p2 vm2;
	s22 =	sshll.u32 s26, $0x4;
	v4 =	vadd.f32 v6, v4  }
0x7d: {  	s26 =	sor.u32 $0x11A40, s22;
	vm5 =	vmmov @p3 vm1;
	[tilespmem:s29+$0x9D40] =	vst.msk vm4, v5  }
0x7e: {  	[tilespmem:s26+$0x0] =	vst.msk vm5, v4  }
0x7f: {  	v4 =	vld [tilespmem:s29+$0x7DF0];
	_ =	sdelay $0x3  }
0x80: {  	v5 =	vimm.f32 $0.0e+00  }
0x81: {  	v4 =	vshift.insert v4, v5, s21  }
0x82: {  	s22 =	sor.u32 $0x40, s2  }
0x83: {  	[tilespmem:s22+$0x0] =	vst.msk $0x1, v4  }
0x84: {  	[tilespmem:s29+$0x7DFF] =	vst.msk $0x1, v5  }
0x85: {  	v4 =	vld [tilespmem:s0+$0x2030];
	_ =	sdelay $0x1  }
0x86: {  	s22 =	smulhi.u32 $0xAAAAAAAB, s20;
	s0 =	simm.s32 $0x1  }
0x87: {  	s0 =	simm.s32 @!p0 $0x0  }
0x88: {  	s22 =	sshrl.u32 s22, $0x1;
	s0 =	smul.u32 $0x7D00, s0  }
0x89: {  	s22 =	smul.u32 $0xFFFE8900, s22;
	v4 =	vshift.insert v4, v1, s21  }
0x8a: {  	s0 =	sshrl.u32 s0, $0x2  }
0x8b: {  	s22 =	sshra.s32 s22, $0x2;
	s30 =	sadd.s32 $0x9D40, s0;
	[tilespmem:s2+$0x10] =	vst.msk $0x1, v4  }
0x8c: {  	s22 =	sadd.s32 s22, s19;
	v6 =	vld [tilespmem:s30+$0x0]  }
0x8d: {  	v7 =	vld [tilespmem:s22+$0x0];
	_ =	sdelay $0x3  }
0x8e: {  	v5 =	vadd.f32 v6, v5  }
0x8f: {  	vm4 =	vne.s32 v7, $0xFFFFFFFF  }
0x90: {  	(xrf2) =	vadd.seg.scan.f32 vm4, v5;
	_ =	sdelay $0x3  }
0x91: {  	s31 =	sadd.s32 $0x5EC0, s0;
	v5 =	vperm.xlane v4, v1  }
0x92: {  	v6 =	vld [tilespmem:s31+$0x0]  }
0x93: {  	vm5 =	veq.s32 v7, v3;
	vm6 =	veq.s32 v7, v5  }
0x94: {  	vm7 =	vgt.u32 v7, $0xFFFFFFFD;
	vm6 =	vmor vm6, vm5  }
0x95: {  	vm6 =	vmor vm6, vm7  }
0x96: {  	v9 =	vld [tilespmem:$0xA0];
	v7 =	vsel vm6, $0xFFFFFFFF, v7  }
0x97: {  	v10 =	vld [tilespmem:$0x90];
	v6 =	vsel vm5, $0x0, v6;
	v8, _, _ =	vpop (xrf2)  }
0x98: {  	v6 =	vadd.f32 v8, v6  }
0x99: {  	s0 =	sadd.s32 $0xDBC0, s0  }
0x9a: {  	vm4 =	vmand vm4, vm3;
	[tilespmem:s0+$0x0] =	vst v6;
	(ifvalue) =	ssetifvalue $0xFFFFFFFF  }
0x9b: {  	vm6 =	veq.s32 v9, $0x1;
	[hbm4b:s1+s16] =	stream.indirect_vreg.scatter [tilespmem:s0], [sflag:$0x2], $0x1, v7, vm0, $0x4038;
	v7 =	vsel vm4, $0x0, v8;
	[tilespmem:$0x11A60] =	vst v63  }
0x9c: {  	s2 =	simm.s32 $0x0;
	s22 =	sadd.s32 $0x10, s22;
	vm4 =	vmor vm6, vm5;
	v6 =	vsel vm5, v8, v10;
	v7 =	vshift.insert v7, v0, s21  }
.LBB2_7:
0x9d: {  	v8 =	vld [tilespmem:s22+$0x0];
	s30 =	sadd.s32 $0x10, s30  }
0x9e: {  	s31 =	sadd.s32 $0x10, s31;
	v9 =	vld [tilespmem:s30+$0x0]  }
0x9f: {  	s2 =	sadd.s32 $0x10, s2;
	v10 =	vld [tilespmem:s31+$0x0]  }
0xa0: {  	p2 =	slt.u32 s2, $0x1F30;
	_ =	sdelay $0x2  }
0xa1: {  	v7 =	vadd.f32 v9, v7  }
0xa2: {  	vm5 =	vne.s32 v8, $0xFFFFFFFF  }
0xa3: {  	vm6 =	vmand vm5, vm3;
	(xrf2) =	vadd.seg.scan.f32 vm5, v7;
	_ =	sdelay $0x5  }
0xa4: {  	vm7 =	veq.s32 v8, v5;
	vm5 =	veq.s32 v8, v3  }
0xa5: {  	vm8 =	vgt.u32 v8, $0xFFFFFFFD;
	vm4 =	vmor vm4, vm5;
	vm7 =	vmor vm7, vm5  }
0xa6: {  	vm7 =	vmor vm7, vm8  }
0xa7: {  	v8 =	vsel vm7, $0xFFFFFFFF, v8  }
.Ltmp5:
0xa8: {  	v7 =	vsel vm5, $0x0, v10;
	v9, _, _ =	vpop (xrf2);
	(pc) =	sbr.rel @p2 .LBB2_7-.Ltmp5, $4  }
0xa9: {  	v6 =	vsel vm5, v9, v6;
	v10 =	vadd.f32 v9, v7;
	v7 =	vsel vm6, $0x0, v9  }
0xaa: {  	s0 =	sadd.s32 $0x10, s0;
	v7 =	vshift.insert v7, v0, s21  }
0xab: {  	s22 =	sadd.s32 $0x10, s22;
	[tilespmem:s0+$0x0] =	vst v10;
	(ifvalue) =	ssetifvalue $0xFFFFFFFF  }
0xac: {  	[hbm4b:s1+s16] =	stream.indirect_vreg.scatter [tilespmem:s0], [sflag:$0x2], $0x1, v8, vm0, $0x4038;
	[tilespmem:$0x11A60] =	vst v63  }
0xad: {  	v3 =	vld [tilespmem:s29+$0xFAF0];
	_ =	sdelay $0x4  }
0xae: {  	v3 =	vshift.insert v3, v0, s21  }
0xaf: {  	s0 =	simm.s32 $0x30  }
0xb0: {  	[tilespmem:s0+$0x0] =	vst.msk $0x1, v3  }
0xb1: {  	v3 =	vsel vm4, $0x1, v1;
	[tilespmem:$0x90] =	vst v6  }
0xb2: {  	s0 =	sadd.s32 @!p1 $0xFAFF, s29;
	[tilespmem:$0xA0] =	vst v3  }
0xb3: {  	[spmem:s15] =	stream.linear.scatter @!p1 [tilespmem:s0], [sflag:$0x1], $0x1, $0x38;
	[tilespmem:$0x11A60] =	vst v63  }
0xb4: {  	s0 =	simm.s32 @!p1 $0x1  }
0xb5: {  	v3 =	vmctz.xlane @!p1 vm4;
	_ =	swait.ge @!p1 [sflag:s0], $0x1  }
0xb6: {  	(v2sf) =	vpush @!p1 v4, $0x0  }
0xb7: {  	(v2sf) =	vpush @!p1 v3, $0x0;
	_ =	sdelay $0xd  }
0xb8: {  	s2 =	spop @!p1 (v2sf)  }
0xb9: {  	s22 =	spop @!p1 (v2sf)  }
0xba: {  	p2 =	sne.s32 @!p1 s28, s2;
	p3 =	slt.s32 @!p1 s22, $0xF  }
0xbb: {  	[sflag:s0] =	ssyncset.done @!p1 $0x0;
	p2 =	por p2, p1;
	p3 =	por !p3, p1  }
0xbc: {  	[sflag:s0] =	ssyncadd.s32 @!p1 $0xFFFFFFFF;
	v3 =	vimm.s32 @!p2 $0xFFFFFFFF;
	s22 =	simm.s32 @p3 $0xF  }
0xbd: {  	[tilespmem:$0x80] =	vst @!p2 v3;
	s2 =	sadd.s32 @!p1 $0x90, s22  }
0xbe: {  	[spmem:s3] =	stream.linear.scatter @!p1 [tilespmem:s2], [sflag:$0x1], $0x1, $0x38;
	[tilespmem:$0x11A60] =	vst v63  }
0xbf: {  	_ =	swait.ge @!p1 [sflag:s0], $0x1  }
0xc0: {  	[sflag:s0] =	ssyncset.done @!p1 $0x0  }
0xc1: {  	s2 =	simm.s32 @!p1 $0x80;
	[sflag:s0] =	ssyncadd.s32 @!p1 $0xFFFFFFFF  }
0xc2: {  	[spmem:s13] =	stream.linear.scatter @!p1 [tilespmem:s2], [sflag:$0x1], $0x1, $0x38;
	[tilespmem:$0x11A60] =	vst v63  }
0xc3: {  	_ =	swait.ge @!p1 [sflag:s0], $0x1  }
0xc4: {  	[sflag:s0] =	ssyncset.done @!p1 $0x0  }
0xc5: {  	[sflag:s0] =	ssyncadd.s32 @!p1 $0xFFFFFFFF;
	(ifvalue) =	ssetifvalue $0xFFFFFFFF;
	v3 =	vld [tilespmem:s25+$0x10];
	_ =	sdelay $0x3  }
.Ltmp6:
0xc6: {  	_ = 	snop;
	(pc) =	sbr.rel .LBB2_9-.Ltmp6, $3  }
0xc7: {  	_ =	sdelay $0x1  }
0xc8: {  	(ifvalue) =	ssetifvalue $0xFFFFFFFF  }
0xc9: {  	[hbm4b:s1+s16] =	stream.indirect_vreg.scatter [tilespmem:s26], [sflag:$0x9], $0x1, v3, vm0, $0x4038;
	[tilespmem:$0x11A60] =	vst v63  }
.LBB2_10:
0xca: {  	_ =	sfence.sel $0x180000  }
0xcb: {  	s0 =	simm.s32 $0x7;
	[bflag:$0x0] =	sbarrier.arrive $0xFFFF  }
0xcc: {  	s26 =	simm.s32 $0x8;
	[sflag:s0] =	ssyncpa.u1 $0x1  }
0xcd: {  	s28 =	simm.s32 $0x9;
	[sflag:s26] =	ssyncpa.u1 $0x1  }
0xce: {  	[sflag:s28] =	ssyncpa.u1 $0x1  }
0xcf: {  	_ =	sfence.stream.spmem  }
0xd0: {  	s29 =	simm.s32 $0x3;
	[bflag:$0x0] =	sbarrier.arrive $0xFFFF  }
0xd1: {  	s30 =	simm.s32 $0x4;
	[sflag:s29] =	ssyncpa.u1 $0x1  }
0xd2: {  	s31 =	simm.s32 $0x3C;
	s2 =	stileid.u32;
	[sflag:s30] =	ssyncpa.u1 $0x1  }
0xd3: {  	p0 =	sne.s32 s2, $0x0;
	[sflag:s31] =	ssyncpa.u1 $0x1  }
0xd4: {  	s0 =	simm.s32 @p0 $0x1;
	_ =	sfence @p0  }
0xd5: {  	[sflag:s0] =	ssyncpa.u1 @p0 $0x1;
	s0 =	simm.s32 @p0 $0x2  }
0xd6: {  	[sflag:s0] =	ssyncpa.u1 @p0 $0x1  }
0xd7: {  	_ =	strace @p0 $0x9000004A  }
0xd8: {  	[bflag:$0x2] =	sbarrier.arrive @p0 $0xFFFF  }
0xd9: {  	_ =	shalt @p0  }
.LBB2_11:
0xda: {  	_ =	sfence.stream.spmem;
	s0 =	simm.s32 $0x5  }
0xdb: {  	s2 =	simm.s32 $0x80;
	s3 =	simm.s32 $0xC0;
	[sflag:s0] =	ssyncpa.u1 $0x0  }
0xdc: {  	[tilespmem:s3], [sflag:$0x5] =	stream.linear.gather [spmem:s2], $0x20, $0x38;
	[tilespmem:$0x11A60] =	vst v63  }
0xdd: {  	s2 =	simm.s32 $0x0;
	s3 =	simm.s32 $0xE0  }
0xde: {  	[tilespmem:s3], [sflag:$0x5] =	stream.linear.gather [spmem:s2], $0x20, $0x38;
	[tilespmem:$0x11A60] =	vst v63  }
.Ltmp7:
0xdf: {  	_ = 	snop;
	(pc) =	sbr.rel .LBB2_12-.Ltmp7, $4  }
0xe0: {  	_ =	swait.ge [sflag:s0], $0x40  }
0xe1: {  	[sflag:s0] =	ssyncset.done $0x0  }
0xe2: {  	s31 =	simm.s32 $0x6;
	[sflag:s0] =	ssyncadd.s32 $0xFFFFFFC0  }
0xe3: {  	s4 =	simm.s32 $0x0;
	[sflag:s31] =	ssyncpa.u1 $0x0  }
.LBB2_17:
0xe4: {  	p0 =	sgt.u32 s5, $0x27FF  }
0xe5: {  	s0 =	sshrl.u32 @!p0 s5, $0x3  }
0xe6: {  	s5 =	sand.u32 @!p0 $0x7, s5;
	s6 =	simm.s32 @!p0 $0xB0;
	s0 =	sadd.s32 @!p0 s1, s0  }
0xe7: {  	[tilespmem:s6], [sflag:$0x6] =	stream.linear.gather @!p0 [hbm4b:s0+s5], $0x1, $0x38;
	[tilespmem:$0x11A60] =	vst v63  }
0xe8: {  	s0 =	simm.s32 @!p0 $0x6  }
0xe9: {  	_ =	swait.ge @!p0 [sflag:s0], $0x1  }
0xea: {  	[sflag:s0] =	ssyncset.done @!p0 $0x0  }
0xeb: {  	[sflag:s0] =	ssyncadd.s32 @!p0 $0xFFFFFFFF  }
0xec: {  	v2 =	vmov @!p0 s4;
	v1 =	vld.msk @!p0 [tilespmem:$0xB0], $0x1;
	_ =	sdelay $0x3  }
0xed: {  	s0 =	simm.s32 @!p0 $0xE0  }
0xee: {  	[tilespmem:v2+s0+$0x0], v1 =	vst.idx.ret.add.f32.msk @!p0 $0x1, v1  }
0xef: {  	[tilespmem:s2+$0xC0] =	vst.msk $0x1, v0  }
0xf0: {  	v0 =	vld.msk [tilespmem:s4+$0xE0], $0x1;
	_ =	sdelay $0x4  }
0xf1: {  	[tilespmem:s2+$0xE0] =	vst.msk $0x1, v0;
	s2 =	sadd.s32 $0x1, s2  }
.LBB2_19:
0xf2: {  	s4 =	sadd.s32 $0x1, s4  }
0xf3: {  	p0 =	sne.s32 s4, $0x20  }
.Ltmp8:
0xf4: {  	_ = 	snop;
	(pc) =	sbr.rel @!p0 .LBB2_20-.Ltmp8, $1  }
0xf5: {  	_ =	sdelay $0x3  }
.LBB2_12:
0xf6: {  	v0 =	vld.msk [tilespmem:s4+$0xC0], $0x1;
	_ =	sdelay $0x4  }
0xf7: {  	(v2sf) =	vpush v0, $0x0;
	_ =	sdelay $0xe  }
0xf8: {  	s5 =	spop (v2sf)  }
0xf9: {  	p0 =	seq.s32 s5, $0xFFFFFFFF  }
.Ltmp9:
0xfa: {  	_ = 	snop;
	(pc) =	sbr.rel @p0 .LBB2_19-.Ltmp9, $1  }
0xfb: {  	_ =	sdelay $0x3  }
0xfc: {  	p0 =	slt.s32 s2, $0x1  }
.Ltmp10:
0xfd: {  	_ = 	snop;
	(pc) =	sbr.rel @p0 .LBB2_17-.Ltmp10, $1  }
0xfe: {  	_ =	sdelay $0x3  }
0xff: {  	s0 =	simm.s32 $0xC0;
	p0 =	por $0x0, $0x0  }
0x100: {  	v1 =	vld.msk @!p0 [tilespmem:s0+$0x0], $0x1;
	_ =	sdelay $0x4  }
0x101: {  	(v2sf) =	vpush @!p0 v1, $0x0;
	_ =	sdelay $0xd  }
0x102: {  	p2 =	sne.s32 s2, $0x1  }
.Ltmp11:
0x103: {  	s6 =	spop @!p0 (v2sf);
	(pc) =	sbr.rel @!p2 .LBB2_16-.Ltmp11, $4  }
0x104: {  	p1 =	seq.s32 @!p0 s5, s6  }
0x105: {  	s6 =	simm.s32 $0x0;
	p1 =	por !p1, p0  }
0x106: {  	s8 =	simm.s32 $0xFFFFFFFF;
	s6 =	simm.s32 @p1 $0xFFFFFFFF  }
0x107: {  	s7 =	simm.s32 $0x1;
	s6 =	smov.u32 @p0 s8  }
.LBB2_15:
0x108: {  	s8 =	smov.u32 s6;
	p0 =	sne.s32 s6, $0xFFFFFFFF  }
0x109: {  	s0 =	sadd.s32 $0x1, s0;
	s6 =	smov.u32 s7;
	s7 =	sadd.s32 $0x1, s7  }
0x10a: {  	p1 =	sne.s32 s2, s7;
	v1 =	vld.msk @!p0 [tilespmem:s0+$0x0], $0x1;
	_ =	sdelay $0x4  }
0x10b: {  	(v2sf) =	vpush @!p0 v1, $0x0;
	_ =	sdelay $0xe  }
.Ltmp12:
0x10c: {  	s9 =	spop @!p0 (v2sf);
	(pc) =	sbr.rel @p1 .LBB2_15-.Ltmp12, $4  }
0x10d: {  	p2 =	seq.s32 @!p0 s5, s9  }
0x10e: {  	p2 =	por !p2, p0  }
0x10f: {  	s6 =	simm.s32 @p2 $0xFFFFFFFF  }
0x110: {  	s6 =	smov.u32 @p0 s8  }
.LBB2_16:
0x111: {  	p0 =	sne.s32 s6, $0xFFFFFFFF  }
.Ltmp13:
0x112: {  	_ = 	snop;
	(pc) =	sbr.rel @!p0 .LBB2_17-.Ltmp13, $1  }
0x113: {  	_ =	sdelay $0x3  }
0x114: {  	v0 =	vld.msk [tilespmem:s4+$0xE0], $0x1;
	v1 =	vmov s6  }
.Ltmp14:
0x115: {  	_ = 	snop;
	(pc) =	sbr.rel .LBB2_19-.Ltmp14, $2  }
0x116: {  	_ =	sdelay $0x2  }
0x117: {  	[tilespmem:v1+s3+$0x0], v0 =	vst.idx.ret.add.f32.msk $0x1, v0  }
.LBB2_20:
0x118: {  	p0 =	slt.s32 s2, $0x1  }
.Ltmp15:
0x119: {  	_ = 	snop;
	(pc) =	sbr.rel @p0 .LBB2_24-.Ltmp15, $3  }
0x11a: {  	_ =	sdelay $0x1  }
0x11b: {  	s0 =	simm.s32 $0x6  }
0x11c: {  	s3 =	simm.s32 $0x0;
	[sflag:s0] =	ssyncpa.u1 $0x1  }
0x11d: {  	s0 =	simm.s32 $0xC0  }
0x11e: {  	v0 =	vld.msk [tilespmem:s0+$0x0], $0x1;
	_ =	sdelay $0x4  }
0x11f: {  	(v2sf) =	vpush v0, $0x0;
	_ =	sdelay $0xe  }
0x120: {  	s2 =	sadd.s32 $0xFFFFFFFF, s2;
	s4 =	spop (v2sf)  }
0x121: {  	p1 =	sne.s32 s2, $0x0;
	p0 =	sgt.u32 s4, $0x27FF  }
.Ltmp16:
0x122: {  	s5 =	sshrl.u32 @!p0 s4, $0x3;
	(pc) =	sbr.rel @!p1 .LBB2_23-.Ltmp16, $4  }
0x123: {  	s0 =	simm.s32 $0xE0;
	s4 =	sand.u32 @!p0 $0x7, s4;
	s5 =	sadd.s32 @!p0 s1, s5  }
0x124: {  	[hbm4b:s5+s4] =	stream.linear.scatter @!p0 [tilespmem:s0], [sflag:$0x5], $0x1, $0x38;
	[tilespmem:$0x11A60] =	vst v63  }
0x125: {  	s5 =	simm.s32 $0x0  }
0x126: {  	s4 =	simm.s32 $0xC1;
	s5 =	simm.s32 @!p0 $0x4  }
.LBB2_22:
0x127: {  	v0 =	vld.msk [tilespmem:s4+$0x0], $0x1;
	s2 =	sadd.s32 $0xFFFFFFFF, s2;
	s3 =	sadd.s32 s3, s5  }
0x128: {  	p0 =	sne.s32 s2, $0x0;
	_ =	sdelay $0x3  }
0x129: {  	(v2sf) =	vpush v0, $0x0;
	_ =	sdelay $0xe  }
.Ltmp17:
0x12a: {  	s6 =	spop (v2sf);
	(pc) =	sbr.rel @p0 .LBB2_22-.Ltmp17, $4  }
0x12b: {  	s5 =	simm.s32 $0x0;
	p1 =	sgt.u32 s6, $0x27FF  }
0x12c: {  	s0 =	sadd.s32 $0x1, s0;
	s5 =	simm.s32 @!p1 $0x4;
	s7 =	sshrl.u32 @!p1 s6, $0x3  }
0x12d: {  	s4 =	sadd.s32 $0x1, s4;
	s6 =	sand.u32 @!p1 $0x7, s6;
	s7 =	sadd.s32 @!p1 s1, s7  }
0x12e: {  	[hbm4b:s7+s6] =	stream.linear.scatter @!p1 [tilespmem:s0], [sflag:$0x5], $0x1, $0x38;
	[tilespmem:$0x11A60] =	vst v63  }
.LBB2_23:
0x12f: {  	s0 =	sadd.s32 s3, s5  }
0x130: {  	s3 =	sshrl.u32 s0, $0x2  }
.LBB2_24:
0x131: {  	s0 =	simm.s32 $0x5  }
0x132: {  	_ =	swait.ge [sflag:s0], s3  }
0x133: {  	s1 =	ssub.s32 $0x0, s3;
	[sflag:s0] =	ssyncset.done $0x0  }
0x134: {  	[sflag:s0] =	ssyncadd.s32 s1  }
0x135: {  	[sflag:s0] =	ssyncpa.u1 $0x1  }
0x136: {  	s29 =	simm.s32 $0x1;
	_ =	sfence  }
0x137: {  	s30 =	simm.s32 $0x2;
	[sflag:s29] =	ssyncpa.u1 $0x1  }
0x138: {  	[sflag:s30] =	ssyncpa.u1 $0x1  }
0x139: {  	_ =	strace $0x9000004A  }
0x13a: {  	[bflag:$0x2] =	sbarrier.arrive $0xFFFF  }
0x13b: {  	s31 =	rddreg [dreg:$0x1]  }
0x13c: {  	s0 =	sadd.s32 $0x100000, s31  }
0x13d: {  	[sflag:s0] =	ssyncadd.tile.s32 $0x1;
	_ =	shalt  }
.Lfunc_end2:
_tile_overlayer_lowered:
.L_overlay_start_2:
0x13e: {  	(tag) =	ssettag $0x2  }
0x13f: {  	s0 =	rddreg [dreg:$0x0];
	s2 =	stileid.u32  }
0x140: {  	s1 =	rddreg [dreg:$0x1];
	p0 =	sne.s32 s2, $0x0  }
0x141: {  	s3 =	rddreg [dreg:$0x2];
	[bflag:$0x3] =	sbarrier.arrive $0xFFFF;
	s2 =	simm.s32 @!p0 $0x1C01  }
0x142: {  	[timem:s3], [sflag:s2] =	dma.local @!p0 [hbm:s0], s1  }
0x143: {  	s0 =	simm.s32 @!p0 $0x1  }
0x144: {  	_ =	swait.ge @!p0 [sflag:s0], s1  }
0x145: {  	s1 =	ssub.s32 @!p0 $0x0, s1;
	[sflag:s0] =	ssyncset.done @!p0 $0x0  }
0x146: {  	[sflag:s0] =	ssyncadd.s32 @!p0 s1  }
0x147: {  	[bflag:$0x3] =	sbarrier.arrive $0xFFFF  }
0x148: {  	_ =	shalt  }

// kernel: sparse-core-data-format-call.cloned.1.call-start
scs
called_computation.4_lowered:
.L_overlay_start_0:
0x0: {  	s1 =	sld [smem:$0x3FD9]  }
0x1: {  	s2 =	sld [smem:$0x3FFE];
	_ =	sdelay $0x1  }
0x2: {  	s3 =	srdreg.scid  }
0x3: {  	s0 =	sand.u32 $0x1, s3  }
0x4: {  	s17 =	sshll.u32 s0, $0xA;
	s1 =	sadd.s32 s2, s1  }
0x5: {  	s1 =	sadd.s32 s1, s17  }
0x6: {  	[smem:$0x3FBA] =	sst s1  }
0x7: {  	_ = 	snop  }
0x8: {  	(tm) =	ssettm $0x1  }
0x9: {  	s18 =	sld [smem:$0x3FFB];
	_ =	sdelay $0x3  }
0xa: {  	_ =	strace s18  }
0xb: {  	s1 =	sld [smem:$0x3FFC];
	_ =	sdelay $0x3  }
0xc: {  	_ =	strace s1  }
0xd: {  	s1 =	sld [smem:$0x3FFD];
	_ =	sdelay $0x3  }
0xe: {  	_ =	strace s1  }
0xf: {  	_ =	strace $0x8FFFFFFF  }
0x10: {  	s19 =	sld [smem:$0x3FDB];
	_ =	sdelay $0x1  }
0x11: {  	s20 =	simm.s32 $_scs_section_size  }
0x12: {  	s4 =	simm.s32 $_size__tile_overlayer_lowered;
	s5 =	simm.s32 $_tile_overlayer_lowered  }
0x13: {  	s23 =	simm.s32 $0x1BFF;
	s22 =	sshll.u32 s5, $0x1;
	s1 =	sadd.s32 s20, s19  }
0x14: {  	s6 =	simm.s32 $0x0;
	s21 =	sshll.u32 s4, $0x1;
	s4 =	sadd.s32 s22, s1  }
0x15: {  	[timem:s6], [sflag:s23] =	dma.local [hbm:s4], s21  }
0x16: {  	_ =	swait.ge [sflag:s23], s21  }
0x17: {  	s2 =	ssub.s32 $0x0, s21;
	[sflag:s23] =	ssyncset.done $0x0  }
0x18: {  	[sflag:s23] =	ssyncadd.s32 s2;
	_ =	sdelay $0x1  }
0x19: {  	s24 =	simm.s32 $0x1B8B  }
0x1a: {  	_ =	swait.ge [sflag:s24], $0x1  }
0x1b: {  	[sflag:s24] =	ssyncset.done $0x0  }
0x1c: {  	s26 =	simm.s32 $0x1B8E;
	s25 =	sld [smem:$0x3FFE];
	[sflag:s24] =	ssyncadd.s32 $0xFFFFFFFF  }
0x1d: {  	s27 =	simm.s32 $execute0_lowered;
	[smem:$0x3FD2] =	sst s26  }
0x1e: {  	s4 =	sshll.u32 s27, $0x1;
	_ =	strace $0x80000058;
	[dreg:$0x1] =	wrdreg $0xFFFFFFFF  }
0x1f: {  	s28 =	simm.s32 $_size_execute0_lowered;
	s1 =	sadd.s32 s1, s4;
	[dreg:$0x0] =	wrdreg $0x0  }
0x20: {  	s4 =	sshll.u32 s28, $0x1;
	[dreg:$0x2] =	wrdreg s1  }
0x21: {  	[dreg:$0x3] =	wrdreg s4  }
0x22: {  	[dreg:$0x4] =	wrdreg $0xC0  }
0x23: {  	_ =	task [dreg:s6], $0x5FFFF  }
0x24: {  	[dreg:$0x1] =	wrdreg $0xFFFFFFFF  }
0x25: {  	[dreg:$0x0] =	wrdreg $0x60  }
0x26: {  	[dreg:$0x2] =	wrdreg s25  }
0x27: {  	[dreg:$0x3] =	wrdreg $0xA  }
0x28: {  	_ =	task.clear_ibuf [dreg:s6], $0x4FFFF;
	_ =	strace $0x90000058  }
0x29: {  	s29 =	simm.s32 $0xA;
	_ =	strace $0x8000005A  }
0x2a: {  	_ =	swait.ge [sflag:s29], $0x1  }
0x2b: {  	[sflag:s29] =	ssyncadd.s32 $0xFFFFFFFF  }
0x2c: {  	_ =	strace $0x9000005A  }
0x2d: {  	_ =	sfence  }
0x2e: {  	s30 =	sld [smem:$0x0];
	_ =	sdelay $0x2  }
0x2f: {  	s31 =	sshll.u32 s3, $0xD;
	s3 =	sshrl.u32 s3, $0x2  }
0x30: {  	s2 =	sand.u32 $0x4000, s31;
	s1 =	sadd.s32 s3, s30  }
0x31: {  	s0 =	sor.u32 s2, s0;
	s1 =	sshll.u32 s1, $0x11  }
0x32: {  	s0 =	sor.u32 s1, s0  }
0x33: {  	s0 =	sadd.s32 $0x8F2B, s0  }
0x34: {  	[sflag:s0] =	ssyncadd.remote.s32 $0x1  }
0x35: {  	_ =	sfence.sel $0xFFFF  }
0x36: {  	[dreg:$0x0] =	wrdreg $0xFFFFFFFF;
	(pc) =	sbr.abs _section_cstart, $3  }
0x37: {  	[dreg:$0x1] =	wrdreg $0xFFFFFFFF  }
0x38: {  	_ =	task.clear_ibuf [dreg:s6], $0x2FFFF;
	_ =	strace $0x9FFFFFFF  }
0x39: {  	(tm) =	ssettm $0x7FFFFFFF  }
tec
execute0_lowered:
.L_overlay_start_1:
0x0: {  	(tag) =	ssettag $0x1  }
0x1: {  	s0 =	stileid.u32  }
0x2: {  	s1 =	srdreg.scid;
	s4 =	rddreg [dreg:$0x0];
	s8 =	simm.s32 $0x1  }
0x3: {  	s9 =	simm.s32 $0x2;
	s15 =	simm.s32 $0x0;
	s14 =	simm.s32 $0x0  }
0x4: {  	s16 =	simm.s32 $0x0;
	s2 =	sshll.u32 s0, $0x6;
	s3 =	sshll.u32 s1, $0xA  }
0x5: {  	s11 =	simm.s32 $0x0;
	s13 =	simm.s32 $0x0;
	s2 =	sor.u32 s2, s3  }
0x6: {  	s1 =	rddreg [dreg:$0x1];
	_ =	strace $0x80000059;
	s2 =	sand.u32 $0x700, s2  }
0x7: {  	s5 =	sand.u32 $0x3, s0;
	s3 =	sadd.s32 $0x500A00, s4;
	s7 =	ssub.s32 $0x4E200, s2  }
.Ltmp0:
0x8: {  	s4 =	sadd.s32 $0xEC4A00, s4;
	s6 =	sand.u32 $0x700, s7;
	(pc) =	sbr.rel .LBB1_1-.Ltmp0, $4  }
0x9: {  	s12 =	smov.u32 s5;
	s10 =	smov.u32 s2;
	p0 =	sne.s32 s6, $0x0  }
0xa: {  	s7 =	sshrl.u32 s7, $0xB;
	s6 =	simm.s32 $0x1;
	s8 =	simm.s32 @!p0 $0x0  }
0xb: {  	[sflag:s6] =	ssyncpa.u1 $0x0;
	p0 =	por $0x0, $0x0;
	s7 =	sadd.s32 s8, s7  }
0xc: {  	[sflag:s9] =	ssyncpa.u1 $0x0;
	s9 =	simm.s32 $0x200;
	s8 =	sadd.s32 $0x1, s7  }
.LBB1_4:
0xd: {  	_ = 	snop  }
0xe: {  	[tilespmem:s21+$0x1860 ss:$0x41] =	vst.msk $0xffff, v8  }
0xf: {  	[tilespmem:s21+$0x1C70 ss:$0x41] =	vst.msk $0xffff, v7  }
0x10: {  	[tilespmem:s21+$0x2490 ss:$0x41] =	vst.msk $0xffff, v1  }
0x11: {  	s24 =	sor.u32 s27, s26;
	v47 =	vld.idx.msk [tilespmem:v0+s19+$0x470 ss:$0x1], $0xffff;
	[tilespmem:s21+$0x28A0 ss:$0x41] =	vst.msk $0xffff, v2  }
0x12: {  	[tilespmem:s21+$0x2CB0 ss:$0x41] =	vst.msk $0xffff, v3;
	v57 =	vld.idx.msk [tilespmem:v0+s24+$0x410 ss:$0x1], $0xffff  }
0x13: {  	[tilespmem:s21+$0x30C0 ss:$0x41] =	vst.msk $0xffff, v4;
	v58 =	vld.idx.msk [tilespmem:v0+s24+$0x420 ss:$0x1], $0xffff  }
0x14: {  	[tilespmem:s21+$0x34D0 ss:$0x41] =	vst.msk $0xffff, v5;
	v59 =	vld.idx.msk [tilespmem:v0+s24+$0x430 ss:$0x1], $0xffff  }
0x15: {  	s29 =	sshra.s32 s22, $0x2;
	[tilespmem:s21+$0x38E0 ss:$0x41] =	vst.msk $0xffff, v6;
	v60 =	vld.idx.msk [tilespmem:v0+s24+$0x440 ss:$0x1], $0xffff  }
0x16: {  	s25 =	sand.u32 $0x3B00, s24;
	s19 =	sadd.s32 s29, s20;
	v61 =	vld.idx.msk [tilespmem:v0+s24+$0x450 ss:$0x1], $0xffff;
	[tilespmem:s21+$0x3CF0 ss:$0x41] =	vst.msk $0xffff, v47  }
0x17: {  	s23 =	sand.u32 $0x80, s23;
	v62 =	vld.idx.msk [tilespmem:v0+s24+$0x460 ss:$0x1], $0xffff;
	s18 =	sadd.s32 s25, s18;
	[tilespmem:s19+$0x2490 ss:$0x41] =	vst.msk $0xffff, v57  }
0x18: {  	v63 =	vld.idx.msk [tilespmem:v0+s24+$0x470 ss:$0x1], $0xffff;
	s18 =	sadd.s32 s23, s18;
	[tilespmem:s19+$0x28A0 ss:$0x41] =	vst.msk $0xffff, v58  }
0x19: {  	v48 =	vld [tilespmem:s18+$0x400];
	[tilespmem:s19+$0x2CB0 ss:$0x41] =	vst.msk $0xffff, v59  }
0x1a: {  	v49 =	vld [tilespmem:s18+$0x0];
	[tilespmem:s19+$0x30C0 ss:$0x41] =	vst.msk $0xffff, v60  }
0x1b: {  	v50 =	vld [tilespmem:s18+$0x10];
	[tilespmem:s19+$0x34D0 ss:$0x41] =	vst.msk $0xffff, v61  }
0x1c: {  	v51 =	vld [tilespmem:s18+$0x20];
	[tilespmem:s19+$0x38E0 ss:$0x41] =	vst.msk $0xffff, v62  }
0x1d: {  	v52 =	vld [tilespmem:s18+$0x30];
	[tilespmem:s19+$0x3CF0 ss:$0x41] =	vst.msk $0xffff, v63  }
0x1e: {  	v53 =	vld [tilespmem:s18+$0x40];
	[tilespmem:s19+$0x2080 ss:$0x41] =	vst.msk $0xffff, v48  }
0x1f: {  	v54 =	vld [tilespmem:s18+$0x50];
	[tilespmem:s19+$0x0 ss:$0x41] =	vst.msk $0xffff, v49  }
0x20: {  	v55 =	vld [tilespmem:s18+$0x60];
	[tilespmem:s19+$0x410 ss:$0x41] =	vst.msk $0xffff, v50  }
0x21: {  	v56 =	vld [tilespmem:s18+$0x70];
	[tilespmem:s19+$0x820 ss:$0x41] =	vst.msk $0xffff, v51  }
0x22: {  	s16 =	sshll.u32 s16, $0x4;
	[tilespmem:s19+$0xC30 ss:$0x41] =	vst.msk $0xffff, v52  }
0x23: {  	s15 =	sshll.u32 s15, $0x6;
	s16 =	sand.u32 $0x30, s16;
	[tilespmem:s19+$0x1040 ss:$0x41] =	vst.msk $0xffff, v53  }
0x24: {  	s30 =	sshrl.u32 s14, $0x3;
	s31 =	sand.u32 $0x7, s14;
	s16 =	sadd.s32 s4, s16;
	[tilespmem:s19+$0x1450 ss:$0x41] =	vst.msk $0xffff, v54  }
0x25: {  	s14 =	sshll.u32 s31, $0x12;
	s15 =	sadd.s32 s15, s16;
	s18 =	sand.u32 $0xF, s30;
	[tilespmem:s19+$0x1860 ss:$0x41] =	vst.msk $0xffff, v55  }
0x26: {  	s14 =	sor.u32 $0x40, s14;
	s15 =	sadd.s32 s18, s15;
	[tilespmem:s19+$0x1C70 ss:$0x41] =	vst.msk $0xffff, v56  }
0x27: {  	[hbm4b:s15+s14] =	stream.strided.scatter [tilespmem:s17], [sflag:$0x2], $0x4000, s9, s14, $0x18;
	[tilespmem:$0x10200] =	vst v63  }
.LBB1_5:
0x28: {  	s17 =	sadd.s32 $0x800, s10  }
0x29: {  	s14 =	sadd.s32 $0x40, s11;
	s18 =	smov.u32 s11;
	p2 =	sgt.s32 s17, $0x4E1FF  }
0x2a: {  	s18 =	smov.u32 @p2 s14  }
0x2b: {  	s20 =	smov.u32 s12;
	s14 =	sadd.s32 $0x4, s12;
	p3 =	sgt.s32 s18, $0x3F  }
0x2c: {  	s20 =	smov.u32 @p3 s14  }
0x2d: {  	s17 =	smov.u32 @p2 s2;
	p2 =	sgt.s32 s20, $0x3  }
0x2e: {  	p1 =	slt.u32 s13, $0x2;
	s20 =	smov.u32 @p2 s5;
	p2 =	sne.s32 s13, s8  }
.Ltmp1:
0x2f: {  	s19 =	simm.s32 @!p1 $0x2;
	(pc) =	sbr.rel @!p2 .LBB1_6-.Ltmp1, $4  }
0x30: {  	s15 =	smov.u32 s10;
	s16 =	smov.u32 s12;
	_ =	swait.ge @!p1 [sflag:s19], $0x4000  }
0x31: {  	p0 =	por !p0, !p0;
	[sflag:s19] =	ssyncset.done @!p1 $0x0;
	s10 =	smov.u32 s17  }
0x32: {  	s18 =	simm.s32 @p3 $0x0;
	s14 =	smov.u32 s11;
	[sflag:s19] =	ssyncadd.s32 @!p1 $0xFFFFC000  }
0x33: {  	s11 =	smov.u32 s18;
	s13 =	sadd.s32 $0x1, s13;
	s12 =	smov.u32 s20  }
.LBB1_1:
0x34: {  	p1 =	sge.u32 s13, s7  }
0x35: {  	s17 =	sshrl.u32 @!p1 s11, $0x3  }
0x36: {  	s18 =	sshll.u32 @!p1 s10, $0x3;
	s17 =	smul.u32 @!p1 $0x271000, s17  }
0x37: {  	s19 =	sshll.u32 @!p1 s11, $0x7;
	s18 =	sand.u32 @!p1 $0xFFFFFC00, s18  }
0x38: {  	s17 =	sadd.s32 @!p1 s17, s18;
	s18 =	sand.u32 @!p1 $0x380, s19  }
0x39: {  	s19 =	sand.u32 @!p1 $0x7F, s10;
	s17 =	sor.u32 @!p1 s18, s17  }
0x3a: {  	s18 =	sor.u32 @!p1 s19, s17  }
0x3b: {  	s19 =	smulhi.u32 @!p1 $0xD1B71759, s18  }
0x3c: {  	s17 =	smulhi.u32 @!p1 $0xD1B71759, s17  }
0x3d: {  	s19 =	sshrl.u32 @!p1 s19, $0x12  }
0x3e: {  	s31 =	sadd.s32 $0xFFFFFFFF, s13;
	s17 =	sshrl.u32 @!p1 s17, $0x12;
	s19 =	smul.u32 @!p1 $0x4E200, s19  }
0x3f: {  	s20 =	sxor.u32 @!p1 $0xFFFFFFFF, s13;
	s21 =	smul.u32 @!p1 $0x271000, s12;
	s17 =	sand.u32 @!p1 $0x3F, s17  }
0x40: {  	s20 =	sshll.u32 @!p1 s20, $0xE;
	s17 =	smul.u32 @!p1 $0x9C40, s17;
	s18 =	ssub.s32 @!p1 s18, s19  }
0x41: {  	s19 =	sand.u32 @!p1 $0x4000, s20;
	s20 =	sadd.s32 @!p1 s3, s21;
	s21 =	sand.u32 @!p1 $0x7, s18  }
0x42: {  	s18 =	sshrl.u32 @!p1 s18, $0x3;
	s17 =	sadd.s32 @!p1 s17, s20;
	s20 =	sshll.u32 @!p1 s21, $0x12  }
0x43: {  	s17 =	sadd.s32 @!p1 s18, s17;
	s18 =	sor.u32 @!p1 $0x800, s20;
	s20 =	simm.s32 @!p1 $0x271000  }
0x44: {  	[tilespmem:s19], [sflag:$0x1] =	stream.strided.gather @!p1 [hbm4b:s17+s18], $0x4000, s20, s18, $0x38;
	[tilespmem:$0x10200] =	vst v63  }
0x45: {  	p1 =	sge.u32 s31, s7  }
.Ltmp2:
0x46: {  	_ = 	snop;
	(pc) =	sbr.rel @p1 .LBB1_5-.Ltmp2, $1  }
0x47: {  	_ =	sdelay $0x3  }
0x48: {  	s20 =	simm.s32 $0x0  }
0x49: {  	s19 =	sand.u32 $0x3800, s20;
	s21 =	sand.u32 $0x380, s20  }
0x4a: {  	s17 =	sand.u32 $0x1, s13;
	s19 =	sor.u32 s21, s19  }
0x4b: {  	_ =	swait.ge [sflag:s6], $0x4000;
	s18 =	sshll.u32 s17, $0xE;
	s21 =	sand.u32 $0x3B00, s19  }
0x4c: {  	[sflag:s6] =	ssyncset.done $0x0;
	s20 =	sand.u32 $0x80, s20;
	s21 =	sadd.s32 s21, s18  }
0x4d: {  	[sflag:s6] =	ssyncadd.s32 $0xFFFFC000;
	s23 =	sadd.s32 s20, s21  }
0x4e: {  	v4 =	vld [tilespmem:s23+$0x400]  }
0x4f: {  	s22 =	simm.s32 $0x1;
	v5 =	vld [tilespmem:s23+$0x0]  }
0x50: {  	s22 =	simm.s32 @!p0 $0x0;
	v6 =	vld [tilespmem:s23+$0x10]  }
0x51: {  	v0 =	vmov s18;
	s31 =	smul.u32 $0x10400, s22;
	v7 =	vld [tilespmem:s23+$0x20]  }
0x52: {  	v9 =	vld [tilespmem:s23+$0x30]  }
0x53: {  	s20 =	sshrl.u32 s31, $0x2;
	v10 =	vld [tilespmem:s23+$0x40]  }
0x54: {  	s20 =	sor.u32 $0x8000, s20;
	v11 =	vld [tilespmem:s23+$0x50]  }
0x55: {  	v8 =	vld [tilespmem:s23+$0x60];
	s21 =	sadd.s32 $0x0, s20  }
0x56: {  	v1 =	vld.idx.msk [tilespmem:v0+s19+$0x410 ss:$0x1], $0xffff;
	[tilespmem:s21+$0x2080 ss:$0x41] =	vst.msk $0xffff, v4  }
0x57: {  	v2 =	vld.idx.msk [tilespmem:v0+s19+$0x420 ss:$0x1], $0xffff;
	[tilespmem:s21+$0x0 ss:$0x41] =	vst.msk $0xffff, v5  }
0x58: {  	v3 =	vld.idx.msk [tilespmem:v0+s19+$0x430 ss:$0x1], $0xffff;
	[tilespmem:s21+$0x410 ss:$0x41] =	vst.msk $0xffff, v6  }
0x59: {  	s17 =	smul.u32 $0x10400, s17;
	[tilespmem:s21+$0x820 ss:$0x41] =	vst.msk $0xffff, v7;
	v7 =	vld [tilespmem:s23+$0x70]  }
0x5a: {  	s24 =	simm.s32 $0x100;
	s25 =	simm.s32 $0x8;
	[tilespmem:s21+$0xC30 ss:$0x41] =	vst.msk $0xffff, v9;
	v4 =	vld.idx.msk [tilespmem:v0+s19+$0x440 ss:$0x1], $0xffff  }
0x5b: {  	s26 =	sand.u32 $0x3800, s24;
	s17 =	sshrl.u32 s17, $0x2;
	[tilespmem:s21+$0x1040 ss:$0x41] =	vst.msk $0xffff, v10;
	v5 =	vld.idx.msk [tilespmem:v0+s19+$0x450 ss:$0x1], $0xffff;
	s23 =	simm.s32 $0x80  }
0x5c: {  	s22 =	simm.s32 $0x4;
	s17 =	sor.u32 $0x8000, s17;
	[tilespmem:s21+$0x1450 ss:$0x41] =	vst.msk $0xffff, v11;
	v6 =	vld.idx.msk [tilespmem:v0+s19+$0x460 ss:$0x1], $0xffff;
	s27 =	sand.u32 $0x380, s23  }
.LBB1_3:
0x5d: {  	p1 =	sne.s32 s25, $0xFC;
	[tilespmem:s21+$0x1860 ss:$0x41] =	vst.msk $0xffff, v8;
	v8 =	vld.idx.msk [tilespmem:v0+s19+$0x470 ss:$0x1], $0xffff;
	s19 =	sor.u32 s27, s26  }
0x5e: {  	s26 =	sand.u32 $0x3B00, s19;
	v9 =	vld.idx.msk [tilespmem:v0+s19+$0x410 ss:$0x1], $0xffff;
	[tilespmem:s21+$0x1C70 ss:$0x41] =	vst.msk $0xffff, v7  }
0x5f: {  	s27 =	sand.u32 $0x80, s23;
	s26 =	sadd.s32 s26, s18;
	v7 =	vld.idx.msk [tilespmem:v0+s19+$0x420 ss:$0x1], $0xffff;
	[tilespmem:s21+$0x2490 ss:$0x41] =	vst.msk $0xffff, v1  }
0x60: {  	s26 =	sadd.s32 s27, s26;
	v10 =	vld.idx.msk [tilespmem:v0+s19+$0x430 ss:$0x1], $0xffff;
	[tilespmem:s21+$0x28A0 ss:$0x41] =	vst.msk $0xffff, v2  }
0x61: {  	v11 =	vld [tilespmem:s26+$0x400];
	[tilespmem:s21+$0x2CB0 ss:$0x41] =	vst.msk $0xffff, v3  }
0x62: {  	v12 =	vld [tilespmem:s26+$0x0];
	[tilespmem:s21+$0x30C0 ss:$0x41] =	vst.msk $0xffff, v4  }
0x63: {  	v4 =	vld [tilespmem:s26+$0x10];
	[tilespmem:s21+$0x34D0 ss:$0x41] =	vst.msk $0xffff, v5  }
0x64: {  	s27 =	sshra.s32 s22, $0x2;
	s22 =	smov.u32 s25;
	v1 =	vmov v9;
	v5 =	vld [tilespmem:s26+$0x20];
	[tilespmem:s21+$0x38E0 ss:$0x41] =	vst.msk $0xffff, v6  }
0x65: {  	v2 =	vmov v7;
	v6 =	vld [tilespmem:s26+$0x30];
	[tilespmem:s21+$0x3CF0 ss:$0x41] =	vst.msk $0xffff, v8;
	s21 =	sadd.s32 s27, s20  }
0x66: {  	v3 =	vmov v10;
	v9 =	vld [tilespmem:s26+$0x40];
	[tilespmem:s21+$0x2080 ss:$0x41] =	vst.msk $0xffff, v11  }
0x67: {  	[tilespmem:s21+$0x0 ss:$0x41] =	vst.msk $0xffff, v12;
	v10 =	vld [tilespmem:s26+$0x50]  }
.Ltmp3:
0x68: {  	[tilespmem:s21+$0x410 ss:$0x41] =	vst.msk $0xffff, v4;
	v8 =	vld [tilespmem:s26+$0x60];
	(pc) =	sbr.rel @p1 .LBB1_3-.Ltmp3, $4  }
0x69: {  	[tilespmem:s21+$0x820 ss:$0x41] =	vst.msk $0xffff, v5;
	v7 =	vld [tilespmem:s26+$0x70]  }
0x6a: {  	[tilespmem:s21+$0xC30 ss:$0x41] =	vst.msk $0xffff, v6;
	v4 =	vld.idx.msk [tilespmem:v0+s19+$0x440 ss:$0x1], $0xffff  }
0x6b: {  	s23 =	sadd.s32 $0x80, s23;
	s24 =	sadd.s32 $0x100, s24;
	[tilespmem:s21+$0x1040 ss:$0x41] =	vst.msk $0xffff, v9;
	v5 =	vld.idx.msk [tilespmem:v0+s19+$0x450 ss:$0x1], $0xffff  }
0x6c: {  	s25 =	sadd.s32 $0x4, s25;
	s27 =	sand.u32 $0x380, s23;
	s26 =	sand.u32 $0x3800, s24;
	[tilespmem:s21+$0x1450 ss:$0x41] =	vst.msk $0xffff, v10;
	v6 =	vld.idx.msk [tilespmem:v0+s19+$0x460 ss:$0x1], $0xffff  }
.Ltmp4:
0x6d: {  	_ = 	snop;
	(pc) =	sbr.rel .LBB1_4-.Ltmp4, $1  }
0x6e: {  	_ =	sdelay $0x3  }
.LBB1_6:
0x6f: {  	_ =	sfence.sel $0x180000  }
0x70: {  	s2 =	simm.s32 $0x1;
	[bflag:$0x0] =	sbarrier.arrive $0xFFFF  }
0x71: {  	s31 =	simm.s32 $0x2;
	[sflag:s2] =	ssyncpa.u1 $0x1  }
0x72: {  	[sflag:s31] =	ssyncpa.u1 $0x1  }
0x73: {  	p0 =	sne.s32 s0, $0x0;
	_ =	strace $0x90000059  }
0x74: {  	s0 =	sadd.s32 @!p0 $0x100000, s1;
	[bflag:$0x2] =	sbarrier.arrive $0xFFFF  }
0x75: {  	[sflag:s0] =	ssyncadd.tile.s32 @!p0 $0x1;
	_ =	shalt  }
.Lfunc_end1:
_tile_overlayer_lowered:
.L_overlay_start_2:
0x76: {  	(tag) =	ssettag $0x2  }
0x77: {  	s0 =	rddreg [dreg:$0x0];
	s2 =	stileid.u32  }
0x78: {  	s1 =	rddreg [dreg:$0x1];
	p0 =	sne.s32 s2, $0x0  }
0x79: {  	s3 =	rddreg [dreg:$0x2];
	[bflag:$0x3] =	sbarrier.arrive $0xFFFF;
	s2 =	simm.s32 @!p0 $0x1C01  }
0x7a: {  	[timem:s3], [sflag:s2] =	dma.local @!p0 [hbm:s0], s1  }
0x7b: {  	s0 =	simm.s32 @!p0 $0x1  }
0x7c: {  	_ =	swait.ge @!p0 [sflag:s0], s1  }
0x7d: {  	s1 =	ssub.s32 @!p0 $0x0, s1;
	[sflag:s0] =	ssyncset.done @!p0 $0x0  }
0x7e: {  	[sflag:s0] =	ssyncadd.s32 @!p0 s1  }
0x7f: {  	[bflag:$0x3] =	sbarrier.arrive $0xFFFF  }
0x80: {  	_ =	shalt  }

</sc_bundles>
